<compile_context>
chip_gen: v7x
topology: tpu7x:2x2x1
jax: 0.10.2.dev20260603
libtpu: 0.0.44.dev20260713+nightly
codegen_flags: <defaults>
</compile_context>

<pallas_src>
import functools

import jax
import jax.numpy as jnp
from jax import lax
from jax.experimental import pallas as pl
from jax.experimental.pallas import tpu as pltpu
from jax.experimental.pallas import tpu_sc as plsc

N = 10000
E = 320000
D_IN = 128
HIDDEN = 128
CLS = 40

NP = 10240
D2P = 128

NC, NS = 2, 16
NW = NC * NS
CH = 88
ITERS = 116
EPT = ITERS * CH
EP = NW * EPT
RPS = NP // NS
NSL = 4


ONES = 96


@functools.cache
def _get_sc_degree():
    mesh = plsc.VectorSubcoreMesh(core_axis_name="c", subcore_axis_name="s",
                                  num_cores=NC, num_subcores=NS)
    return functools.partial(
        pl.kernel,
        out_type=jax.ShapeDtypeStruct((NC * NP,), jnp.float32),
        mesh=mesh,
        scratch_types=(
            [pltpu.VMEM((CH,), jnp.int32) for _ in range(NSL)]
            + [
                pltpu.VMEM((ONES,), jnp.float32),
                pltpu.VMEM((RPS,), jnp.float32),
                pltpu.VMEM_SHARED((NP,), jnp.float32),
            ]
            + [pltpu.SemaphoreType.DMA] * (2 * NSL)
        ),
    )(_sc_degree_body)


def _sc_degree_body(dst1_hbm, out_hbm, *refs):
    didx = refs[0:NSL]
    ones_v, zbuf_v, acc_sh = refs[NSL:NSL + 3]
    dsem = refs[NSL + 3:NSL + 3 + NSL]
    ssem = refs[NSL + 3 + NSL:]
    c = lax.axis_index("c")
    s = lax.axis_index("s")
    wid = s * NC + c
    ebase = wid * EPT

    def _dst_at(it):
        return dst1_hbm.at[pl.ds(ebase + it * CH, CH)]

    for i in range(RPS // 16):
        zbuf_v[pl.ds(i * 16, 16)] = jnp.zeros((16,), jnp.float32)
    for i in range(ONES // 16):
        ones_v[pl.ds(i * 16, 16)] = jnp.ones((16,), jnp.float32)
    for b in range(NSL - 1):
        pltpu.async_copy(_dst_at(b), didx[b], dsem[b])
    pltpu.sync_copy(zbuf_v, acc_sh.at[pl.ds(s * RPS, RPS)])
    plsc.subcore_barrier()

    def outer(o, carry):
        for b in range(NSL):
            it = o * NSL + b
            p = (b + NSL - 1) % NSL

            pltpu.make_async_copy(_dst_at(it), didx[b],
                                  dsem[b]).wait()
            pltpu.async_copy(ones_v.at[pl.ds(0, CH)], acc_sh.at[didx[b]],
                             ssem[b], add=True)

            @pl.when(it >= 1)
            def _():
                pltpu.make_async_copy(ones_v.at[pl.ds(0, CH)],
                                      acc_sh.at[didx[p]], ssem[p]).wait()

            @pl.when(it + NSL - 1 < ITERS)
            def _():
                pltpu.async_copy(_dst_at(it + NSL - 1), didx[p], dsem[p])
        return carry

    lax.fori_loop(0, ITERS // NSL, outer, 0)
    lastb = (ITERS - 1) % NSL
    pltpu.make_async_copy(ones_v.at[pl.ds(0, CH)], acc_sh.at[didx[lastb]],
                          ssem[lastb]).wait()
    plsc.subcore_barrier()
    pltpu.sync_copy(acc_sh.at[pl.ds(s * RPS, RPS)],
                    out_hbm.at[pl.ds(c * NP + s * RPS, RPS)])


@functools.cache
def _make_sc_agg(D):
    mesh = plsc.VectorSubcoreMesh(core_axis_name="c", subcore_axis_name="s",
                                  num_cores=NC, num_subcores=NS)

    @functools.partial(
        pl.kernel,
        out_type=jax.ShapeDtypeStruct((NC * NP, D), jnp.float32),
        mesh=mesh,
        scratch_types=(
            [pltpu.VMEM((CH,), jnp.int32) for _ in range(NSL)]
            + [pltpu.VMEM((CH,), jnp.int32) for _ in range(NSL)]
            + [
                pltpu.VMEM((NSL, CH, D), jnp.float32),
                pltpu.VMEM_SHARED((NP, D), jnp.float32),
            ]
            + [pltpu.SemaphoreType.DMA] * (4 * NSL)
        ),
    )
    def _agg(y_hbm, src1_hbm, dst1_hbm, out_hbm, *refs):
        sidx = refs[0:NSL]
        didx = refs[NSL:2 * NSL]
        rows_v = refs[2 * NSL]
        acc_sh = refs[2 * NSL + 1]
        sems = refs[2 * NSL + 2:]
        isem = sems[0:NSL]
        dsem = sems[NSL:2 * NSL]
        gsem = sems[2 * NSL:3 * NSL]
        ssem = sems[3 * NSL:4 * NSL]
        c = lax.axis_index("c")
        s = lax.axis_index("s")
        wid = s * NC + c
        ebase = wid * EPT

        def _src_at(it):
            return src1_hbm.at[pl.ds(ebase + it * CH, CH)]

        def _dst_at(it):
            return dst1_hbm.at[pl.ds(ebase + it * CH, CH)]

        def zrow(i, carry):
            for j in range(D // 16):
                rows_v[0, i, pl.ds(j * 16, 16)] = jnp.zeros((16,), jnp.float32)
            return carry

        lax.fori_loop(0, CH, zrow, 0)
        for k in range(RPS // CH):
            pltpu.sync_copy(rows_v.at[0],
                            acc_sh.at[pl.ds(s * RPS + k * CH, CH)])
        pltpu.sync_copy(rows_v.at[0, pl.ds(0, RPS - (RPS // CH) * CH)],
                        acc_sh.at[pl.ds(s * RPS + (RPS // CH) * CH,
                                        RPS - (RPS // CH) * CH)])
        for b in range(NSL - 1):
            pltpu.sync_copy(_src_at(b), sidx[b])
            pltpu.async_copy(y_hbm.at[sidx[b]], rows_v.at[b], gsem[b])
        pltpu.async_copy(_src_at(NSL - 1), sidx[NSL - 1], isem[NSL - 1])
        for b in range(NSL - 1):
            pltpu.async_copy(_dst_at(b), didx[b], dsem[b])
        plsc.subcore_barrier()

        def outer(o, carry):
            for b in range(NSL):
                it = o * NSL + b
                p = (b + NSL - 1) % NSL

                pltpu.make_async_copy(y_hbm.at[sidx[b]], rows_v.at[b],
                                      gsem[b]).wait()

                @pl.when(it + NSL < ITERS)
                def _():
                    pltpu.async_copy(_src_at(it + NSL), sidx[b], isem[b])

                pltpu.make_async_copy(_dst_at(it), didx[b],
                                      dsem[b]).wait()
                pltpu.async_copy(rows_v.at[b], acc_sh.at[didx[b]], ssem[b],
                                 add=True)

                @pl.when(it >= 1)
                def _():
                    pltpu.make_async_copy(rows_v.at[p], acc_sh.at[didx[p]],
                                          ssem[p]).wait()

                @pl.when(it + NSL - 1 < ITERS)
                def _():
                    pltpu.async_copy(_dst_at(it + NSL - 1), didx[p], dsem[p])
                    pltpu.make_async_copy(_src_at(it + NSL - 1), sidx[p],
                                          isem[p]).wait()
                    pltpu.async_copy(y_hbm.at[sidx[p]], rows_v.at[p], gsem[p])
            return carry

        lax.fori_loop(0, ITERS // NSL, outer, 0)
        lastb = (ITERS - 1) % NSL
        pltpu.make_async_copy(rows_v.at[lastb], acc_sh.at[didx[lastb]],
                              ssem[lastb]).wait()
        plsc.subcore_barrier()
        pltpu.sync_copy(acc_sh.at[pl.ds(s * RPS, RPS)],
                        out_hbm.at[pl.ds(c * NP + s * RPS, RPS)])

    return _agg



BR = 1024


def _tc1_body(x_ref, w1_ref, d0_ref, d1_ref, y1_ref, dis_ref):
    xw = jnp.dot(x_ref[...], w1_ref[...], preferred_element_type=jnp.float32)
    deg = d0_ref[...] + d1_ref[...] + 1.0
    dis = lax.rsqrt(deg)
    y1_ref[...] = xw * dis
    dis_ref[...] = dis


_tc1 = pl.pallas_call(
    _tc1_body,
    grid=(NP // BR,),
    in_specs=[
        pl.BlockSpec((BR, D_IN), lambda i: (i, 0)),
        pl.BlockSpec((D_IN, HIDDEN), lambda i: (0, 0)),
        pl.BlockSpec((BR, 1), lambda i: (i, 0)),
        pl.BlockSpec((BR, 1), lambda i: (i, 0)),
    ],
    out_specs=[
        pl.BlockSpec((BR, HIDDEN), lambda i: (i, 0)),
        pl.BlockSpec((BR, 1), lambda i: (i, 0)),
    ],
    out_shape=[
        jax.ShapeDtypeStruct((NP, HIDDEN), jnp.float32),
        jax.ShapeDtypeStruct((NP, 1), jnp.float32),
    ],
)


def _tc2_body(a0_ref, a1_ref, y1_ref, dis_ref, b1_ref, w2_ref, y2_ref):
    dis = dis_ref[...]
    h = (a0_ref[...] + a1_ref[...] + y1_ref[...]) * dis
    h = jnp.maximum(h + b1_ref[...], 0.0)
    hw = jnp.dot(h, w2_ref[...], preferred_element_type=jnp.float32)
    y2_ref[...] = hw * dis


_tc2 = pl.pallas_call(
    _tc2_body,
    grid=(NP // BR,),
    in_specs=[
        pl.BlockSpec((BR, HIDDEN), lambda i: (i, 0)),
        pl.BlockSpec((BR, HIDDEN), lambda i: (i + NP // BR, 0)),
        pl.BlockSpec((BR, HIDDEN), lambda i: (i, 0)),
        pl.BlockSpec((BR, 1), lambda i: (i, 0)),
        pl.BlockSpec((1, HIDDEN), lambda i: (0, 0)),
        pl.BlockSpec((HIDDEN, D2P), lambda i: (0, 0)),
    ],
    out_specs=pl.BlockSpec((BR, D2P), lambda i: (i, 0)),
    out_shape=jax.ShapeDtypeStruct((NP, D2P), jnp.float32),
)


def _tc3_body(a0_ref, a1_ref, y2_ref, dis_ref, b2_ref, o_ref):
    dis = dis_ref[...]
    out = (a0_ref[...] + a1_ref[...] + y2_ref[...]) * dis
    o_ref[...] = out[:, :CLS] + b2_ref[...]


_tc3 = pl.pallas_call(
    _tc3_body,
    grid=(NP // BR,),
    in_specs=[
        pl.BlockSpec((BR, D2P), lambda i: (i, 0)),
        pl.BlockSpec((BR, D2P), lambda i: (i + NP // BR, 0)),
        pl.BlockSpec((BR, D2P), lambda i: (i, 0)),
        pl.BlockSpec((BR, 1), lambda i: (i, 0)),
        pl.BlockSpec((1, CLS), lambda i: (0, 0)),
    ],
    out_specs=pl.BlockSpec((BR, CLS), lambda i: (i, 0)),
    out_shape=jax.ShapeDtypeStruct((N, CLS), jnp.float32),
)



def kernel(x, edge_index, W1, b1, W2, b2):
    pad_a = jnp.arange(EP - E, dtype=edge_index.dtype)
    pad_blk = jnp.stack([pad_a % N, N + pad_a % (NP - N)])
    ei_p = jnp.concatenate([edge_index, pad_blk], axis=1)
    src1 = ei_p[0]
    dst1 = ei_p[1]
    W2_p = jnp.zeros((HIDDEN, D2P), W2.dtype).at[:, :CLS].set(W2)

    degp = _get_sc_degree()(dst1)
    d0 = degp[:NP].reshape(NP, 1)
    d1 = degp[NP:].reshape(NP, 1)

    y1, dis = _tc1(x, W1, d0, d1)
    acc1 = _make_sc_agg(HIDDEN)(y1, src1, dst1)
    y2 = _tc2(acc1, acc1, y1, dis, b1.reshape(1, HIDDEN), W2_p)
    acc2 = _make_sc_agg(D2P)(y2, src1, dst1)
    return _tc3(acc2, acc2, y2, dis, b2.reshape(1, CLS))

# --- scband reference (transcript-rebuilt; emitter-appended) ---
"""Pipeline reference for scband-gcn-498216206706 (READ-ONLY COPY).

The authoritative reference and input builder live on the scoring server;
editing this copy changes nothing except your own understanding.
"""

import jax, jax.numpy as jnp
import numpy as np

N = 10000
E = 320000
D_IN = 128
HIDDEN = 128
NUM_CLASSES = 40


def gcn_conv(x, edge_index, W, b, num_nodes):
    # Linear transform first (as in PyG GCNConv)
    x = x @ W
    # Add self-loops
    loop = jnp.arange(num_nodes, dtype=edge_index.dtype)
    src = jnp.concatenate([edge_index[0], loop])
    dst = jnp.concatenate([edge_index[1], loop])
    # Symmetric normalization D^{-1/2} A_hat D^{-1/2}
    ones = jnp.ones(src.shape[0], dtype=x.dtype)
    deg = jax.ops.segment_sum(ones, dst, num_segments=num_nodes)
    deg_inv_sqrt = jnp.where(deg > 0, 1.0 / jnp.sqrt(deg), 0.0)
    norm = deg_inv_sqrt[src] * deg_inv_sqrt[dst]
    # Gather source features, weight, scatter-add to destination
    msg = x[src] * norm[:, None]
    out = jax.ops.segment_sum(msg, dst, num_segments=num_nodes)
    return out + b


def setup_inputs(seed: int = 0):
    key = jax.random.key(seed)
    k_x, k_e, k_w1, k_w2 = jax.random.split(key, 4)
    x = jax.random.normal(k_x, (N, D_IN), dtype=jnp.float32)
    edge_index = jax.random.randint(k_e, (2, E), 0, N, dtype=jnp.int32)
    W1 = jax.random.normal(k_w1, (D_IN, HIDDEN), dtype=jnp.float32) * (1.0 / np.sqrt(D_IN))
    b1 = jnp.zeros((HIDDEN,), dtype=jnp.float32)
    W2 = jax.random.normal(k_w2, (HIDDEN, NUM_CLASSES), dtype=jnp.float32) * (1.0 / np.sqrt(HIDDEN))
    b2 = jnp.zeros((NUM_CLASSES,), dtype=jnp.float32)
    return {"x": x, "edge_index": edge_index, "W1": W1, "b1": b1, "W2": W2, "b2": b2}


def reference(x, edge_index, W1, b1, W2, b2):
    num_nodes = x.shape[0]
    h = gcn_conv(x, edge_index, W1, b1, num_nodes)
    h = jax.nn.relu(h)
    out = gcn_conv(h, edge_index, W2, b2, num_nodes)
    return out

if __name__ == "__main__":
    import jax
    _d = setup_inputs()
    print(jax.jit(kernel)(*tuple(_d.values())))

</pallas_src>

<mosaic_0001>
#map = affine_map<(d0, d1) -> (0)>
module attributes {stable_mosaic.version = 14 : i64} {
  func.func @_sc_degree_body(%arg0: i32, %arg1: i32, %arg2: memref<326656xi32, #tpu.memory_space<hbm>>, %arg3: memref<20480xf32, #tpu.memory_space<hbm>>, %arg4: memref<88xi32, #tpu.memory_space<vmem>>, %arg5: memref<88xi32, #tpu.memory_space<vmem>>, %arg6: memref<88xi32, #tpu.memory_space<vmem>>, %arg7: memref<88xi32, #tpu.memory_space<vmem>>, %arg8: memref<96xf32, #tpu.memory_space<vmem>>, %arg9: memref<640xf32, #tpu.memory_space<vmem>>, %arg10: memref<10240xf32, #tpu.memory_space<vmem_shared>>, %arg11: memref<!tpu.dma_semaphore, #tpu.memory_space<semaphore_mem>>, %arg12: memref<!tpu.dma_semaphore, #tpu.memory_space<semaphore_mem>>, %arg13: memref<!tpu.dma_semaphore, #tpu.memory_space<semaphore_mem>>, %arg14: memref<!tpu.dma_semaphore, #tpu.memory_space<semaphore_mem>>, %arg15: memref<!tpu.dma_semaphore, #tpu.memory_space<semaphore_mem>>, %arg16: memref<!tpu.dma_semaphore, #tpu.memory_space<semaphore_mem>>, %arg17: memref<!tpu.dma_semaphore, #tpu.memory_space<semaphore_mem>>, %arg18: memref<!tpu.dma_semaphore, #tpu.memory_space<semaphore_mem>>) attributes {dimension_semantics = [#tpu.dimension_semantics<core_parallel>, #tpu.dimension_semantics<subcore_parallel>], iteration_bounds = array<i64: 2, 16>, scalar_prefetch = 0 : i64, scratch_operands = 15 : i64, tpu.core_type = #tpu.core_type<sc_vector_subcore>, window_params = [{transform_indices = #map}, {transform_indices = #map}]} {
    %mul3A = arith.constant 2 : i32
    %mul3A_0 = arith.muli %arg1, %mul3A : i32
    %add3A = arith.addi %mul3A_0, %arg0 : i32
    %mul3A_1 = arith.constant 10208 : i32
    %mul3A_2 = arith.muli %add3A, %mul3A_1 : i32
    %broadcast_in_dim3A = arith.constant 0.000000e+00 : f32
    %broadcast_in_dim3A_3 = vector.broadcast %broadcast_in_dim3A : f32 to vector<16xf32>
    %swap3A = arith.constant 0 : index
    %swap3A_4 = tpu.vector_load %arg9[%swap3A] {strides = array<i32>} : memref<640xf32, #tpu.memory_space<vmem>>, vector<16xf32>,
    %swap3A_5 = vector.shape_cast %swap3A_4 : vector<16xf32> to vector<16xf32>
    %swap3A_6 = vector.shape_cast %broadcast_in_dim3A_3 : vector<16xf32> to vector<16xf32>
    tpu.vector_store %arg9[%swap3A], %swap3A_6 {strides = array<i32>} : memref<640xf32, #tpu.memory_space<vmem>>, vector<16xf32>,
    %broadcast_in_dim3A_7 = arith.constant 0.000000e+00 : f32
    %broadcast_in_dim3A_8 = vector.broadcast %broadcast_in_dim3A_7 : f32 to vector<16xf32>
    %swap3A_9 = arith.constant 16 : index
    %swap3A_10 = tpu.vector_load %arg9[%swap3A_9] {strides = array<i32>} : memref<640xf32, #tpu.memory_space<vmem>>, vector<16xf32>,
    %swap3A_11 = vector.shape_cast %swap3A_10 : vector<16xf32> to vector<16xf32>
    %swap3A_12 = vector.shape_cast %broadcast_in_dim3A_8 : vector<16xf32> to vector<16xf32>
    tpu.vector_store %arg9[%swap3A_9], %swap3A_12 {strides = array<i32>} : memref<640xf32, #tpu.memory_space<vmem>>, vector<16xf32>,
    %broadcast_in_dim3A_13 = arith.constant 0.000000e+00 : f32
    %broadcast_in_dim3A_14 = vector.broadcast %broadcast_in_dim3A_13 : f32 to vector<16xf32>
    %swap3A_15 = arith.constant 32 : index
    %swap3A_16 = tpu.vector_load %arg9[%swap3A_15] {strides = array<i32>} : memref<640xf32, #tpu.memory_space<vmem>>, vector<16xf32>,
    %swap3A_17 = vector.shape_cast %swap3A_16 : vector<16xf32> to vector<16xf32>
    %swap3A_18 = vector.shape_cast %broadcast_in_dim3A_14 : vector<16xf32> to vector<16xf32>
    tpu.vector_store %arg9[%swap3A_15], %swap3A_18 {strides = array<i32>} : memref<640xf32, #tpu.memory_space<vmem>>, vector<16xf32>,
    %broadcast_in_dim3A_19 = arith.constant 0.000000e+00 : f32
    %broadcast_in_dim3A_20 = vector.broadcast %broadcast_in_dim3A_19 : f32 to vector<16xf32>
    %swap3A_21 = arith.constant 48 : index
    %swap3A_22 = tpu.vector_load %arg9[%swap3A_21] {strides = array<i32>} : memref<640xf32, #tpu.memory_space<vmem>>, vector<16xf32>,
    %swap3A_23 = vector.shape_cast %swap3A_22 : vector<16xf32> to vector<16xf32>
    %swap3A_24 = vector.shape_cast %broadcast_in_dim3A_20 : vector<16xf32> to vector<16xf32>
    tpu.vector_store %arg9[%swap3A_21], %swap3A_24 {strides = array<i32>} : memref<640xf32, #tpu.memory_space<vmem>>, vector<16xf32>,
    %broadcast_in_dim3A_25 = arith.constant 0.000000e+00 : f32
    %broadcast_in_dim3A_26 = vector.broadcast %broadcast_in_dim3A_25 : f32 to vector<16xf32>
    %swap3A_27 = arith.constant 64 : index
    %swap3A_28 = tpu.vector_load %arg9[%swap3A_27] {strides = array<i32>} : memref<640xf32, #tpu.memory_space<vmem>>, vector<16xf32>,
    %swap3A_29 = vector.shape_cast %swap3A_28 : vector<16xf32> to vector<16xf32>
    %swap3A_30 = vector.shape_cast %broadcast_in_dim3A_26 : vector<16xf32> to vector<16xf32>
    tpu.vector_store %arg9[%swap3A_27], %swap3A_30 {strides = array<i32>} : memref<640xf32, #tpu.memory_space<vmem>>, vector<16xf32>,
    %broadcast_in_dim3A_31 = arith.constant 0.000000e+00 : f32
    %broadcast_in_dim3A_32 = vector.broadcast %broadcast_in_dim3A_31 : f32 to vector<16xf32>
    %swap3A_33 = arith.constant 80 : index
    %swap3A_34 = tpu.vector_load %arg9[%swap3A_33] {strides = array<i32>} : memref<640xf32, #tpu.memory_space<vmem>>, vector<16xf32>,
    %swap3A_35 = vector.shape_cast %swap3A_34 : vector<16xf32> to vector<16xf32>
    %swap3A_36 = vector.shape_cast %broadcast_in_dim3A_32 : vector<16xf32> to vector<16xf32>
    tpu.vector_store %arg9[%swap3A_33], %swap3A_36 {strides = array<i32>} : memref<640xf32, #tpu.memory_space<vmem>>, vector<16xf32>,
    %broadcast_in_dim3A_37 = arith.constant 0.000000e+00 : f32
    %broadcast_in_dim3A_38 = vector.broadcast %broadcast_in_dim3A_37 : f32 to vector<16xf32>
    %swap3A_39 = arith.constant 96 : index
    %swap3A_40 = tpu.vector_load %arg9[%swap3A_39] {strides = array<i32>} : memref<640xf32, #tpu.memory_space<vmem>>, vector<16xf32>,
    %swap3A_41 = vector.shape_cast %swap3A_40 : vector<16xf32> to vector<16xf32>
    %swap3A_42 = vector.shape_cast %broadcast_in_dim3A_38 : vector<16xf32> to vector<16xf32>
    tpu.vector_store %arg9[%swap3A_39], %swap3A_42 {strides = array<i32>} : memref<640xf32, #tpu.memory_space<vmem>>, vector<16xf32>,
    %broadcast_in_dim3A_43 = arith.constant 0.000000e+00 : f32
    %broadcast_in_dim3A_44 = vector.broadcast %broadcast_in_dim3A_43 : f32 to vector<16xf32>
    %swap3A_45 = arith.constant 112 : index
    %swap3A_46 = tpu.vector_load %arg9[%swap3A_45] {strides = array<i32>} : memref<640xf32, #tpu.memory_space<vmem>>, vector<16xf32>,
    %swap3A_47 = vector.shape_cast %swap3A_46 : vector<16xf32> to vector<16xf32>
    %swap3A_48 = vector.shape_cast %broadcast_in_dim3A_44 : vector<16xf32> to vector<16xf32>
    tpu.vector_store %arg9[%swap3A_45], %swap3A_48 {strides = array<i32>} : memref<640xf32, #tpu.memory_space<vmem>>, vector<16xf32>,
    %broadcast_in_dim3A_49 = arith.constant 0.000000e+00 : f32
    %broadcast_in_dim3A_50 = vector.broadcast %broadcast_in_dim3A_49 : f32 to vector<16xf32>
    %swap3A_51 = arith.constant 128 : index
    %swap3A_52 = tpu.vector_load %arg9[%swap3A_51] {strides = array<i32>} : memref<640xf32, #tpu.memory_space<vmem>>, vector<16xf32>,
    %swap3A_53 = vector.shape_cast %swap3A_52 : vector<16xf32> to vector<16xf32>
    %swap3A_54 = vector.shape_cast %broadcast_in_dim3A_50 : vector<16xf32> to vector<16xf32>
    tpu.vector_store %arg9[%swap3A_51], %swap3A_54 {strides = array<i32>} : memref<640xf32, #tpu.memory_space<vmem>>, vector<16xf32>,
    %broadcast_in_dim3A_55 = arith.constant 0.000000e+00 : f32
    %broadcast_in_dim3A_56 = vector.broadcast %broadcast_in_dim3A_55 : f32 to vector<16xf32>
    %swap3A_57 = arith.constant 144 : index
    %swap3A_58 = tpu.vector_load %arg9[%swap3A_57] {strides = array<i32>} : memref<640xf32, #tpu.memory_space<vmem>>, vector<16xf32>,
    %swap3A_59 = vector.shape_cast %swap3A_58 : vector<16xf32> to vector<16xf32>
    %swap3A_60 = vector.shape_cast %broadcast_in_dim3A_56 : vector<16xf32> to vector<16xf32>
    tpu.vector_store %arg9[%swap3A_57], %swap3A_60 {strides = array<i32>} : memref<640xf32, #tpu.memory_space<vmem>>, vector<16xf32>,
    %broadcast_in_dim3A_61 = arith.constant 0.000000e+00 : f32
    %broadcast_in_dim3A_62 = vector.broadcast %broadcast_in_dim3A_61 : f32 to vector<16xf32>
    %swap3A_63 = arith.constant 160 : index
    %swap3A_64 = tpu.vector_load %arg9[%swap3A_63] {strides = array<i32>} : memref<640xf32, #tpu.memory_space<vmem>>, vector<16xf32>,
    %swap3A_65 = vector.shape_cast %swap3A_64 : vector<16xf32> to vector<16xf32>
    %swap3A_66 = vector.shape_cast %broadcast_in_dim3A_62 : vector<16xf32> to vector<16xf32>
    tpu.vector_store %arg9[%swap3A_63], %swap3A_66 {strides = array<i32>} : memref<640xf32, #tpu.memory_space<vmem>>, vector<16xf32>,
    %broadcast_in_dim3A_67 = arith.constant 0.000000e+00 : f32
    %broadcast_in_dim3A_68 = vector.broadcast %broadcast_in_dim3A_67 : f32 to vector<16xf32>
    %swap3A_69 = arith.constant 176 : index
    %swap3A_70 = tpu.vector_load %arg9[%swap3A_69] {strides = array<i32>} : memref<640xf32, #tpu.memory_space<vmem>>, vector<16xf32>,
    %swap3A_71 = vector.shape_cast %swap3A_70 : vector<16xf32> to vector<16xf32>
    %swap3A_72 = vector.shape_cast %broadcast_in_dim3A_68 : vector<16xf32> to vector<16xf32>
    tpu.vector_store %arg9[%swap3A_69], %swap3A_72 {strides = array<i32>} : memref<640xf32, #tpu.memory_space<vmem>>, vector<16xf32>,
    %broadcast_in_dim3A_73 = arith.constant 0.000000e+00 : f32
    %broadcast_in_dim3A_74 = vector.broadcast %broadcast_in_dim3A_73 : f32 to vector<16xf32>
    %swap3A_75 = arith.constant 192 : index
    %swap3A_76 = tpu.vector_load %arg9[%swap3A_75] {strides = array<i32>} : memref<640xf32, #tpu.memory_space<vmem>>, vector<16xf32>,
    %swap3A_77 = vector.shape_cast %swap3A_76 : vector<16xf32> to vector<16xf32>
    %swap3A_78 = vector.shape_cast %broadcast_in_dim3A_74 : vector<16xf32> to vector<16xf32>
    tpu.vector_store %arg9[%swap3A_75], %swap3A_78 {strides = array<i32>} : memref<640xf32, #tpu.memory_space<vmem>>, vector<16xf32>,
    %broadcast_in_dim3A_79 = arith.constant 0.000000e+00 : f32
    %broadcast_in_dim3A_80 = vector.broadcast %broadcast_in_dim3A_79 : f32 to vector<16xf32>
    %swap3A_81 = arith.constant 208 : index
    %swap3A_82 = tpu.vector_load %arg9[%swap3A_81] {strides = array<i32>} : memref<640xf32, #tpu.memory_space<vmem>>, vector<16xf32>,
    %swap3A_83 = vector.shape_cast %swap3A_82 : vector<16xf32> to vector<16xf32>
    %swap3A_84 = vector.shape_cast %broadcast_in_dim3A_80 : vector<16xf32> to vector<16xf32>
    tpu.vector_store %arg9[%swap3A_81], %swap3A_84 {strides = array<i32>} : memref<640xf32, #tpu.memory_space<vmem>>, vector<16xf32>,
    %broadcast_in_dim3A_85 = arith.constant 0.000000e+00 : f32
    %broadcast_in_dim3A_86 = vector.broadcast %broadcast_in_dim3A_85 : f32 to vector<16xf32>
    %swap3A_87 = arith.constant 224 : index
    %swap3A_88 = tpu.vector_load %arg9[%swap3A_87] {strides = array<i32>} : memref<640xf32, #tpu.memory_space<vmem>>, vector<16xf32>,
    %swap3A_89 = vector.shape_cast %swap3A_88 : vector<16xf32> to vector<16xf32>
    %swap3A_90 = vector.shape_cast %broadcast_in_dim3A_86 : vector<16xf32> to vector<16xf32>
    tpu.vector_store %arg9[%swap3A_87], %swap3A_90 {strides = array<i32>} : memref<640xf32, #tpu.memory_space<vmem>>, vector<16xf32>,
    %broadcast_in_dim3A_91 = arith.constant 0.000000e+00 : f32
    %broadcast_in_dim3A_92 = vector.broadcast %broadcast_in_dim3A_91 : f32 to vector<16xf32>
    %swap3A_93 = arith.constant 240 : index
    %swap3A_94 = tpu.vector_load %arg9[%swap3A_93] {strides = array<i32>} : memref<640xf32, #tpu.memory_space<vmem>>, vector<16xf32>,
    %swap3A_95 = vector.shape_cast %swap3A_94 : vector<16xf32> to vector<16xf32>
    %swap3A_96 = vector.shape_cast %broadcast_in_dim3A_92 : vector<16xf32> to vector<16xf32>
    tpu.vector_store %arg9[%swap3A_93], %swap3A_96 {strides = array<i32>} : memref<640xf32, #tpu.memory_space<vmem>>, vector<16xf32>,
    %broadcast_in_dim3A_97 = arith.constant 0.000000e+00 : f32
    %broadcast_in_dim3A_98 = vector.broadcast %broadcast_in_dim3A_97 : f32 to vector<16xf32>
    %swap3A_99 = arith.constant 256 : index
    %swap3A_100 = tpu.vector_load %arg9[%swap3A_99] {strides = array<i32>} : memref<640xf32, #tpu.memory_space<vmem>>, vector<16xf32>,
    %swap3A_101 = vector.shape_cast %swap3A_100 : vector<16xf32> to vector<16xf32>
    %swap3A_102 = vector.shape_cast %broadcast_in_dim3A_98 : vector<16xf32> to vector<16xf32>
    tpu.vector_store %arg9[%swap3A_99], %swap3A_102 {strides = array<i32>} : memref<640xf32, #tpu.memory_space<vmem>>, vector<16xf32>,
    %broadcast_in_dim3A_103 = arith.constant 0.000000e+00 : f32
    %broadcast_in_dim3A_104 = vector.broadcast %broadcast_in_dim3A_103 : f32 to vector<16xf32>
    %swap3A_105 = arith.constant 272 : index
    %swap3A_106 = tpu.vector_load %arg9[%swap3A_105] {strides = array<i32>} : memref<640xf32, #tpu.memory_space<vmem>>, vector<16xf32>,
    %swap3A_107 = vector.shape_cast %swap3A_106 : vector<16xf32> to vector<16xf32>
    %swap3A_108 = vector.shape_cast %broadcast_in_dim3A_104 : vector<16xf32> to vector<16xf32>
    tpu.vector_store %arg9[%swap3A_105], %swap3A_108 {strides = array<i32>} : memref<640xf32, #tpu.memory_space<vmem>>, vector<16xf32>,
    %broadcast_in_dim3A_109 = arith.constant 0.000000e+00 : f32
    %broadcast_in_dim3A_110 = vector.broadcast %broadcast_in_dim3A_109 : f32 to vector<16xf32>
    %swap3A_111 = arith.constant 288 : index
    %swap3A_112 = tpu.vector_load %arg9[%swap3A_111] {strides = array<i32>} : memref<640xf32, #tpu.memory_space<vmem>>, vector<16xf32>,
    %swap3A_113 = vector.shape_cast %swap3A_112 : vector<16xf32> to vector<16xf32>
    %swap3A_114 = vector.shape_cast %broadcast_in_dim3A_110 : vector<16xf32> to vector<16xf32>
    tpu.vector_store %arg9[%swap3A_111], %swap3A_114 {strides = array<i32>} : memref<640xf32, #tpu.memory_space<vmem>>, vector<16xf32>,
    %broadcast_in_dim3A_115 = arith.constant 0.000000e+00 : f32
    %broadcast_in_dim3A_116 = vector.broadcast %broadcast_in_dim3A_115 : f32 to vector<16xf32>
    %swap3A_117 = arith.constant 304 : index
    %swap3A_118 = tpu.vector_load %arg9[%swap3A_117] {strides = array<i32>} : memref<640xf32, #tpu.memory_space<vmem>>, vector<16xf32>,
    %swap3A_119 = vector.shape_cast %swap3A_118 : vector<16xf32> to vector<16xf32>
    %swap3A_120 = vector.shape_cast %broadcast_in_dim3A_116 : vector<16xf32> to vector<16xf32>
    tpu.vector_store %arg9[%swap3A_117], %swap3A_120 {strides = array<i32>} : memref<640xf32, #tpu.memory_space<vmem>>, vector<16xf32>,
    %broadcast_in_dim3A_121 = arith.constant 0.000000e+00 : f32
    %broadcast_in_dim3A_122 = vector.broadcast %broadcast_in_dim3A_121 : f32 to vector<16xf32>
    %swap3A_123 = arith.constant 320 : index
    %swap3A_124 = tpu.vector_load %arg9[%swap3A_123] {strides = array<i32>} : memref<640xf32, #tpu.memory_space<vmem>>, vector<16xf32>,
    %swap3A_125 = vector.shape_cast %swap3A_124 : vector<16xf32> to vector<16xf32>
    %swap3A_126 = vector.shape_cast %broadcast_in_dim3A_122 : vector<16xf32> to vector<16xf32>
    tpu.vector_store %arg9[%swap3A_123], %swap3A_126 {strides = array<i32>} : memref<640xf32, #tpu.memory_space<vmem>>, vector<16xf32>,
    %broadcast_in_dim3A_127 = arith.constant 0.000000e+00 : f32
    %broadcast_in_dim3A_128 = vector.broadcast %broadcast_in_dim3A_127 : f32 to vector<16xf32>
    %swap3A_129 = arith.constant 336 : index
    %swap3A_130 = tpu.vector_load %arg9[%swap3A_129] {strides = array<i32>} : memref<640xf32, #tpu.memory_space<vmem>>, vector<16xf32>,
    %swap3A_131 = vector.shape_cast %swap3A_130 : vector<16xf32> to vector<16xf32>
    %swap3A_132 = vector.shape_cast %broadcast_in_dim3A_128 : vector<16xf32> to vector<16xf32>
    tpu.vector_store %arg9[%swap3A_129], %swap3A_132 {strides = array<i32>} : memref<640xf32, #tpu.memory_space<vmem>>, vector<16xf32>,
    %broadcast_in_dim3A_133 = arith.constant 0.000000e+00 : f32
    %broadcast_in_dim3A_134 = vector.broadcast %broadcast_in_dim3A_133 : f32 to vector<16xf32>
    %swap3A_135 = arith.constant 352 : index
    %swap3A_136 = tpu.vector_load %arg9[%swap3A_135] {strides = array<i32>} : memref<640xf32, #tpu.memory_space<vmem>>, vector<16xf32>,
    %swap3A_137 = vector.shape_cast %swap3A_136 : vector<16xf32> to vector<16xf32>
    %swap3A_138 = vector.shape_cast %broadcast_in_dim3A_134 : vector<16xf32> to vector<16xf32>
    tpu.vector_store %arg9[%swap3A_135], %swap3A_138 {strides = array<i32>} : memref<640xf32, #tpu.memory_space<vmem>>, vector<16xf32>,
    %broadcast_in_dim3A_139 = arith.constant 0.000000e+00 : f32
    %broadcast_in_dim3A_140 = vector.broadcast %broadcast_in_dim3A_139 : f32 to vector<16xf32>
    %swap3A_141 = arith.constant 368 : index
    %swap3A_142 = tpu.vector_load %arg9[%swap3A_141] {strides = array<i32>} : memref<640xf32, #tpu.memory_space<vmem>>, vector<16xf32>,
    %swap3A_143 = vector.shape_cast %swap3A_142 : vector<16xf32> to vector<16xf32>
    %swap3A_144 = vector.shape_cast %broadcast_in_dim3A_140 : vector<16xf32> to vector<16xf32>
    tpu.vector_store %arg9[%swap3A_141], %swap3A_144 {strides = array<i32>} : memref<640xf32, #tpu.memory_space<vmem>>, vector<16xf32>,
    %broadcast_in_dim3A_145 = arith.constant 0.000000e+00 : f32
    %broadcast_in_dim3A_146 = vector.broadcast %broadcast_in_dim3A_145 : f32 to vector<16xf32>
    %swap3A_147 = arith.constant 384 : index
    %swap3A_148 = tpu.vector_load %arg9[%swap3A_147] {strides = array<i32>} : memref<640xf32, #tpu.memory_space<vmem>>, vector<16xf32>,
    %swap3A_149 = vector.shape_cast %swap3A_148 : vector<16xf32> to vector<16xf32>
    %swap3A_150 = vector.shape_cast %broadcast_in_dim3A_146 : vector<16xf32> to vector<16xf32>
    tpu.vector_store %arg9[%swap3A_147], %swap3A_150 {strides = array<i32>} : memref<640xf32, #tpu.memory_space<vmem>>, vector<16xf32>,
    %broadcast_in_dim3A_151 = arith.constant 0.000000e+00 : f32
    %broadcast_in_dim3A_152 = vector.broadcast %broadcast_in_dim3A_151 : f32 to vector<16xf32>
    %swap3A_153 = arith.constant 400 : index
    %swap3A_154 = tpu.vector_load %arg9[%swap3A_153] {strides = array<i32>} : memref<640xf32, #tpu.memory_space<vmem>>, vector<16xf32>,
    %swap3A_155 = vector.shape_cast %swap3A_154 : vector<16xf32> to vector<16xf32>
    %swap3A_156 = vector.shape_cast %broadcast_in_dim3A_152 : vector<16xf32> to vector<16xf32>
    tpu.vector_store %arg9[%swap3A_153], %swap3A_156 {strides = array<i32>} : memref<640xf32, #tpu.memory_space<vmem>>, vector<16xf32>,
    %broadcast_in_dim3A_157 = arith.constant 0.000000e+00 : f32
    %broadcast_in_dim3A_158 = vector.broadcast %broadcast_in_dim3A_157 : f32 to vector<16xf32>
    %swap3A_159 = arith.constant 416 : index
    %swap3A_160 = tpu.vector_load %arg9[%swap3A_159] {strides = array<i32>} : memref<640xf32, #tpu.memory_space<vmem>>, vector<16xf32>,
    %swap3A_161 = vector.shape_cast %swap3A_160 : vector<16xf32> to vector<16xf32>
    %swap3A_162 = vector.shape_cast %broadcast_in_dim3A_158 : vector<16xf32> to vector<16xf32>
    tpu.vector_store %arg9[%swap3A_159], %swap3A_162 {strides = array<i32>} : memref<640xf32, #tpu.memory_space<vmem>>, vector<16xf32>,
    %broadcast_in_dim3A_163 = arith.constant 0.000000e+00 : f32
    %broadcast_in_dim3A_164 = vector.broadcast %broadcast_in_dim3A_163 : f32 to vector<16xf32>
    %swap3A_165 = arith.constant 432 : index
    %swap3A_166 = tpu.vector_load %arg9[%swap3A_165] {strides = array<i32>} : memref<640xf32, #tpu.memory_space<vmem>>, vector<16xf32>,
    %swap3A_167 = vector.shape_cast %swap3A_166 : vector<16xf32> to vector<16xf32>
    %swap3A_168 = vector.shape_cast %broadcast_in_dim3A_164 : vector<16xf32> to vector<16xf32>
    tpu.vector_store %arg9[%swap3A_165], %swap3A_168 {strides = array<i32>} : memref<640xf32, #tpu.memory_space<vmem>>, vector<16xf32>,
    %broadcast_in_dim3A_169 = arith.constant 0.000000e+00 : f32
    %broadcast_in_dim3A_170 = vector.broadcast %broadcast_in_dim3A_169 : f32 to vector<16xf32>
    %swap3A_171 = arith.constant 448 : index
    %swap3A_172 = tpu.vector_load %arg9[%swap3A_171] {strides = array<i32>} : memref<640xf32, #tpu.memory_space<vmem>>, vector<16xf32>,
    %swap3A_173 = vector.shape_cast %swap3A_172 : vector<16xf32> to vector<16xf32>
    %swap3A_174 = vector.shape_cast %broadcast_in_dim3A_170 : vector<16xf32> to vector<16xf32>
    tpu.vector_store %arg9[%swap3A_171], %swap3A_174 {strides = array<i32>} : memref<640xf32, #tpu.memory_space<vmem>>, vector<16xf32>,
    %broadcast_in_dim3A_175 = arith.constant 0.000000e+00 : f32
    %broadcast_in_dim3A_176 = vector.broadcast %broadcast_in_dim3A_175 : f32 to vector<16xf32>
    %swap3A_177 = arith.constant 464 : index
    %swap3A_178 = tpu.vector_load %arg9[%swap3A_177] {strides = array<i32>} : memref<640xf32, #tpu.memory_space<vmem>>, vector<16xf32>,
    %swap3A_179 = vector.shape_cast %swap3A_178 : vector<16xf32> to vector<16xf32>
    %swap3A_180 = vector.shape_cast %broadcast_in_dim3A_176 : vector<16xf32> to vector<16xf32>
    tpu.vector_store %arg9[%swap3A_177], %swap3A_180 {strides = array<i32>} : memref<640xf32, #tpu.memory_space<vmem>>, vector<16xf32>,
    %broadcast_in_dim3A_181 = arith.constant 0.000000e+00 : f32
    %broadcast_in_dim3A_182 = vector.broadcast %broadcast_in_dim3A_181 : f32 to vector<16xf32>
    %swap3A_183 = arith.constant 480 : index
    %swap3A_184 = tpu.vector_load %arg9[%swap3A_183] {strides = array<i32>} : memref<640xf32, #tpu.memory_space<vmem>>, vector<16xf32>,
    %swap3A_185 = vector.shape_cast %swap3A_184 : vector<16xf32> to vector<16xf32>
    %swap3A_186 = vector.shape_cast %broadcast_in_dim3A_182 : vector<16xf32> to vector<16xf32>
    tpu.vector_store %arg9[%swap3A_183], %swap3A_186 {strides = array<i32>} : memref<640xf32, #tpu.memory_space<vmem>>, vector<16xf32>,
    %broadcast_in_dim3A_187 = arith.constant 0.000000e+00 : f32
    %broadcast_in_dim3A_188 = vector.broadcast %broadcast_in_dim3A_187 : f32 to vector<16xf32>
    %swap3A_189 = arith.constant 496 : index
    %swap3A_190 = tpu.vector_load %arg9[%swap3A_189] {strides = array<i32>} : memref<640xf32, #tpu.memory_space<vmem>>, vector<16xf32>,
    %swap3A_191 = vector.shape_cast %swap3A_190 : vector<16xf32> to vector<16xf32>
    %swap3A_192 = vector.shape_cast %broadcast_in_dim3A_188 : vector<16xf32> to vector<16xf32>
    tpu.vector_store %arg9[%swap3A_189], %swap3A_192 {strides = array<i32>} : memref<640xf32, #tpu.memory_space<vmem>>, vector<16xf32>,
    %broadcast_in_dim3A_193 = arith.constant 0.000000e+00 : f32
    %broadcast_in_dim3A_194 = vector.broadcast %broadcast_in_dim3A_193 : f32 to vector<16xf32>
    %swap3A_195 = arith.constant 512 : index
    %swap3A_196 = tpu.vector_load %arg9[%swap3A_195] {strides = array<i32>} : memref<640xf32, #tpu.memory_space<vmem>>, vector<16xf32>,
    %swap3A_197 = vector.shape_cast %swap3A_196 : vector<16xf32> to vector<16xf32>
    %swap3A_198 = vector.shape_cast %broadcast_in_dim3A_194 : vector<16xf32> to vector<16xf32>
    tpu.vector_store %arg9[%swap3A_195], %swap3A_198 {strides = array<i32>} : memref<640xf32, #tpu.memory_space<vmem>>, vector<16xf32>,
    %broadcast_in_dim3A_199 = arith.constant 0.000000e+00 : f32
    %broadcast_in_dim3A_200 = vector.broadcast %broadcast_in_dim3A_199 : f32 to vector<16xf32>
    %swap3A_201 = arith.constant 528 : index
    %swap3A_202 = tpu.vector_load %arg9[%swap3A_201] {strides = array<i32>} : memref<640xf32, #tpu.memory_space<vmem>>, vector<16xf32>,
    %swap3A_203 = vector.shape_cast %swap3A_202 : vector<16xf32> to vector<16xf32>
    %swap3A_204 = vector.shape_cast %broadcast_in_dim3A_200 : vector<16xf32> to vector<16xf32>
    tpu.vector_store %arg9[%swap3A_201], %swap3A_204 {strides = array<i32>} : memref<640xf32, #tpu.memory_space<vmem>>, vector<16xf32>,
    %broadcast_in_dim3A_205 = arith.constant 0.000000e+00 : f32
    %broadcast_in_dim3A_206 = vector.broadcast %broadcast_in_dim3A_205 : f32 to vector<16xf32>
    %swap3A_207 = arith.constant 544 : index
    %swap3A_208 = tpu.vector_load %arg9[%swap3A_207] {strides = array<i32>} : memref<640xf32, #tpu.memory_space<vmem>>, vector<16xf32>,
    %swap3A_209 = vector.shape_cast %swap3A_208 : vector<16xf32> to vector<16xf32>
    %swap3A_210 = vector.shape_cast %broadcast_in_dim3A_206 : vector<16xf32> to vector<16xf32>
    tpu.vector_store %arg9[%swap3A_207], %swap3A_210 {strides = array<i32>} : memref<640xf32, #tpu.memory_space<vmem>>, vector<16xf32>,
    %broadcast_in_dim3A_211 = arith.constant 0.000000e+00 : f32
    %broadcast_in_dim3A_212 = vector.broadcast %broadcast_in_dim3A_211 : f32 to vector<16xf32>
    %swap3A_213 = arith.constant 560 : index
    %swap3A_214 = tpu.vector_load %arg9[%swap3A_213] {strides = array<i32>} : memref<640xf32, #tpu.memory_space<vmem>>, vector<16xf32>,
    %swap3A_215 = vector.shape_cast %swap3A_214 : vector<16xf32> to vector<16xf32>
    %swap3A_216 = vector.shape_cast %broadcast_in_dim3A_212 : vector<16xf32> to vector<16xf32>
    tpu.vector_store %arg9[%swap3A_213], %swap3A_216 {strides = array<i32>} : memref<640xf32, #tpu.memory_space<vmem>>, vector<16xf32>,
    %broadcast_in_dim3A_217 = arith.constant 0.000000e+00 : f32
    %broadcast_in_dim3A_218 = vector.broadcast %broadcast_in_dim3A_217 : f32 to vector<16xf32>
    %swap3A_219 = arith.constant 576 : index
    %swap3A_220 = tpu.vector_load %arg9[%swap3A_219] {strides = array<i32>} : memref<640xf32, #tpu.memory_space<vmem>>, vector<16xf32>,
    %swap3A_221 = vector.shape_cast %swap3A_220 : vector<16xf32> to vector<16xf32>
    %swap3A_222 = vector.shape_cast %broadcast_in_dim3A_218 : vector<16xf32> to vector<16xf32>
    tpu.vector_store %arg9[%swap3A_219], %swap3A_222 {strides = array<i32>} : memref<640xf32, #tpu.memory_space<vmem>>, vector<16xf32>,
    %broadcast_in_dim3A_223 = arith.constant 0.000000e+00 : f32
    %broadcast_in_dim3A_224 = vector.broadcast %broadcast_in_dim3A_223 : f32 to vector<16xf32>
    %swap3A_225 = arith.constant 592 : index
    %swap3A_226 = tpu.vector_load %arg9[%swap3A_225] {strides = array<i32>} : memref<640xf32, #tpu.memory_space<vmem>>, vector<16xf32>,
    %swap3A_227 = vector.shape_cast %swap3A_226 : vector<16xf32> to vector<16xf32>
    %swap3A_228 = vector.shape_cast %broadcast_in_dim3A_224 : vector<16xf32> to vector<16xf32>
    tpu.vector_store %arg9[%swap3A_225], %swap3A_228 {strides = array<i32>} : memref<640xf32, #tpu.memory_space<vmem>>, vector<16xf32>,
    %broadcast_in_dim3A_229 = arith.constant 0.000000e+00 : f32
    %broadcast_in_dim3A_230 = vector.broadcast %broadcast_in_dim3A_229 : f32 to vector<16xf32>
    %swap3A_231 = arith.constant 608 : index
    %swap3A_232 = tpu.vector_load %arg9[%swap3A_231] {strides = array<i32>} : memref<640xf32, #tpu.memory_space<vmem>>, vector<16xf32>,
    %swap3A_233 = vector.shape_cast %swap3A_232 : vector<16xf32> to vector<16xf32>
    %swap3A_234 = vector.shape_cast %broadcast_in_dim3A_230 : vector<16xf32> to vector<16xf32>
    tpu.vector_store %arg9[%swap3A_231], %swap3A_234 {strides = array<i32>} : memref<640xf32, #tpu.memory_space<vmem>>, vector<16xf32>,
    %broadcast_in_dim3A_235 = arith.constant 0.000000e+00 : f32
    %broadcast_in_dim3A_236 = vector.broadcast %broadcast_in_dim3A_235 : f32 to vector<16xf32>
    %swap3A_237 = arith.constant 624 : index
    %swap3A_238 = tpu.vector_load %arg9[%swap3A_237] {strides = array<i32>} : memref<640xf32, #tpu.memory_space<vmem>>, vector<16xf32>,
    %swap3A_239 = vector.shape_cast %swap3A_238 : vector<16xf32> to vector<16xf32>
    %swap3A_240 = vector.shape_cast %broadcast_in_dim3A_236 : vector<16xf32> to vector<16xf32>
    tpu.vector_store %arg9[%swap3A_237], %swap3A_240 {strides = array<i32>} : memref<640xf32, #tpu.memory_space<vmem>>, vector<16xf32>,
    %broadcast_in_dim3A_241 = arith.constant 1.000000e+00 : f32
    %broadcast_in_dim3A_242 = vector.broadcast %broadcast_in_dim3A_241 : f32 to vector<16xf32>
    %swap3A_243 = arith.constant 0 : index
    %swap3A_244 = tpu.vector_load %arg8[%swap3A_243] {strides = array<i32>} : memref<96xf32, #tpu.memory_space<vmem>>, vector<16xf32>,
    %swap3A_245 = vector.shape_cast %swap3A_244 : vector<16xf32> to vector<16xf32>
    %swap3A_246 = vector.shape_cast %broadcast_in_dim3A_242 : vector<16xf32> to vector<16xf32>
    tpu.vector_store %arg8[%swap3A_243], %swap3A_246 {strides = array<i32>} : memref<96xf32, #tpu.memory_space<vmem>>, vector<16xf32>,
    %broadcast_in_dim3A_247 = arith.constant 1.000000e+00 : f32
    %broadcast_in_dim3A_248 = vector.broadcast %broadcast_in_dim3A_247 : f32 to vector<16xf32>
    %swap3A_249 = arith.constant 16 : index
    %swap3A_250 = tpu.vector_load %arg8[%swap3A_249] {strides = array<i32>} : memref<96xf32, #tpu.memory_space<vmem>>, vector<16xf32>,
    %swap3A_251 = vector.shape_cast %swap3A_250 : vector<16xf32> to vector<16xf32>
    %swap3A_252 = vector.shape_cast %broadcast_in_dim3A_248 : vector<16xf32> to vector<16xf32>
    tpu.vector_store %arg8[%swap3A_249], %swap3A_252 {strides = array<i32>} : memref<96xf32, #tpu.memory_space<vmem>>, vector<16xf32>,
    %broadcast_in_dim3A_253 = arith.constant 1.000000e+00 : f32
    %broadcast_in_dim3A_254 = vector.broadcast %broadcast_in_dim3A_253 : f32 to vector<16xf32>
    %swap3A_255 = arith.constant 32 : index
    %swap3A_256 = tpu.vector_load %arg8[%swap3A_255] {strides = array<i32>} : memref<96xf32, #tpu.memory_space<vmem>>, vector<16xf32>,
    %swap3A_257 = vector.shape_cast %swap3A_256 : vector<16xf32> to vector<16xf32>
    %swap3A_258 = vector.shape_cast %broadcast_in_dim3A_254 : vector<16xf32> to vector<16xf32>
    tpu.vector_store %arg8[%swap3A_255], %swap3A_258 {strides = array<i32>} : memref<96xf32, #tpu.memory_space<vmem>>, vector<16xf32>,
    %broadcast_in_dim3A_259 = arith.constant 1.000000e+00 : f32
    %broadcast_in_dim3A_260 = vector.broadcast %broadcast_in_dim3A_259 : f32 to vector<16xf32>
    %swap3A_261 = arith.constant 48 : index
    %swap3A_262 = tpu.vector_load %arg8[%swap3A_261] {strides = array<i32>} : memref<96xf32, #tpu.memory_space<vmem>>, vector<16xf32>,
    %swap3A_263 = vector.shape_cast %swap3A_262 : vector<16xf32> to vector<16xf32>
    %swap3A_264 = vector.shape_cast %broadcast_in_dim3A_260 : vector<16xf32> to vector<16xf32>
    tpu.vector_store %arg8[%swap3A_261], %swap3A_264 {strides = array<i32>} : memref<96xf32, #tpu.memory_space<vmem>>, vector<16xf32>,
    %broadcast_in_dim3A_265 = arith.constant 1.000000e+00 : f32
    %broadcast_in_dim3A_266 = vector.broadcast %broadcast_in_dim3A_265 : f32 to vector<16xf32>
    %swap3A_267 = arith.constant 64 : index
    %swap3A_268 = tpu.vector_load %arg8[%swap3A_267] {strides = array<i32>} : memref<96xf32, #tpu.memory_space<vmem>>, vector<16xf32>,
    %swap3A_269 = vector.shape_cast %swap3A_268 : vector<16xf32> to vector<16xf32>
    %swap3A_270 = vector.shape_cast %broadcast_in_dim3A_266 : vector<16xf32> to vector<16xf32>
    tpu.vector_store %arg8[%swap3A_267], %swap3A_270 {strides = array<i32>} : memref<96xf32, #tpu.memory_space<vmem>>, vector<16xf32>,
    %broadcast_in_dim3A_271 = arith.constant 1.000000e+00 : f32
    %broadcast_in_dim3A_272 = vector.broadcast %broadcast_in_dim3A_271 : f32 to vector<16xf32>
    %swap3A_273 = arith.constant 80 : index
    %swap3A_274 = tpu.vector_load %arg8[%swap3A_273] {strides = array<i32>} : memref<96xf32, #tpu.memory_space<vmem>>, vector<16xf32>,
    %swap3A_275 = vector.shape_cast %swap3A_274 : vector<16xf32> to vector<16xf32>
    %swap3A_276 = vector.shape_cast %broadcast_in_dim3A_272 : vector<16xf32> to vector<16xf32>
    tpu.vector_store %arg8[%swap3A_273], %swap3A_276 {strides = array<i32>} : memref<96xf32, #tpu.memory_space<vmem>>, vector<16xf32>,
    %add3A_277 = arith.constant 0 : i32
    %add3A_278 = arith.addi %mul3A_2, %add3A_277 : i32
    %dma_start3A = tpu.memref_slice %arg2[%add3A_278] : memref<326656xi32, #tpu.memory_space<hbm>> -> memref<88xi32, #tpu.memory_space<hbm>>
    %dma_start3A_279 = tpu.memref_slice %arg2[%add3A_278] : memref<326656xi32, #tpu.memory_space<hbm>> -> memref<88xi32, #tpu.memory_space<hbm>>
    tpu.enqueue_dma source(%dma_start3A_279 : memref<88xi32, #tpu.memory_space<hbm>>) target(%arg4 : memref<88xi32, #tpu.memory_space<vmem>>) target_semaphore(%arg11 : memref<!tpu.dma_semaphore, #tpu.memory_space<semaphore_mem>>)
    %add3A_280 = arith.constant 88 : i32
    %add3A_281 = arith.addi %mul3A_2, %add3A_280 : i32
    %dma_start3A_282 = tpu.memref_slice %arg2[%add3A_281] : memref<326656xi32, #tpu.memory_space<hbm>> -> memref<88xi32, #tpu.memory_space<hbm>>
    %dma_start3A_283 = tpu.memref_slice %arg2[%add3A_281] : memref<326656xi32, #tpu.memory_space<hbm>> -> memref<88xi32, #tpu.memory_space<hbm>>
    tpu.enqueue_dma source(%dma_start3A_283 : memref<88xi32, #tpu.memory_space<hbm>>) target(%arg5 : memref<88xi32, #tpu.memory_space<vmem>>) target_semaphore(%arg12 : memref<!tpu.dma_semaphore, #tpu.memory_space<semaphore_mem>>)
    %add3A_284 = arith.constant 176 : i32
    %add3A_285 = arith.addi %mul3A_2, %add3A_284 : i32
    %dma_start3A_286 = tpu.memref_slice %arg2[%add3A_285] : memref<326656xi32, #tpu.memory_space<hbm>> -> memref<88xi32, #tpu.memory_space<hbm>>
    %dma_start3A_287 = tpu.memref_slice %arg2[%add3A_285] : memref<326656xi32, #tpu.memory_space<hbm>> -> memref<88xi32, #tpu.memory_space<hbm>>
    tpu.enqueue_dma source(%dma_start3A_287 : memref<88xi32, #tpu.memory_space<hbm>>) target(%arg6 : memref<88xi32, #tpu.memory_space<vmem>>) target_semaphore(%arg13 : memref<!tpu.dma_semaphore, #tpu.memory_space<semaphore_mem>>)
    %mul3A_288 = arith.constant 640 : i32
    %mul3A_289 = arith.muli %arg1, %mul3A_288 : i32
    "tpu.region"() ({
      %run_scoped3A = tpu.sem_alloc : memref<!tpu.dma_semaphore, #tpu.memory_space<semaphore_mem>>
      %dma_start3A_306 = tpu.memref_slice %arg10[%mul3A_289] : memref<10240xf32, #tpu.memory_space<vmem_shared>> -> memref<640xf32, #tpu.memory_space<vmem_shared>>
      %dma_start3A_307 = tpu.memref_slice %arg10[%mul3A_289] : memref<10240xf32, #tpu.memory_space<vmem_shared>> -> memref<640xf32, #tpu.memory_space<vmem_shared>>
      tpu.enqueue_dma source(%arg9 : memref<640xf32, #tpu.memory_space<vmem>>) target(%dma_start3A_307 : memref<640xf32, #tpu.memory_space<vmem_shared>>) target_semaphore(%run_scoped3A : memref<!tpu.dma_semaphore, #tpu.memory_space<semaphore_mem>>)
      %dma_wait3A_308 = tpu.memref_slice %arg10[%mul3A_289] : memref<10240xf32, #tpu.memory_space<vmem_shared>> -> memref<640xf32, #tpu.memory_space<vmem_shared>>
      %dma_wait3A_309 = tpu.memref_slice %arg10[%mul3A_289] : memref<10240xf32, #tpu.memory_space<vmem_shared>> -> memref<640xf32, #tpu.memory_space<vmem_shared>>
      tpu.wait_dma2 semaphore(%run_scoped3A : memref<!tpu.dma_semaphore, #tpu.memory_space<semaphore_mem>>) src(%arg9 : memref<640xf32, #tpu.memory_space<vmem>>) dst(%dma_wait3A_309 : memref<640xf32, #tpu.memory_space<vmem_shared>>)
      tpu.yield
    }) : () -> ()
    %barrier3A = arith.constant 0 : index
    tpu.barrier barrier_id(%barrier3A)
    %scan3A = arith.constant 0 : i32
    %scan3A_290 = arith.constant 0 : i32
    %scan3A_291 = arith.constant 29 : i32
    %scan3A_292 = arith.addi %scan3A_290, %scan3A_291 : i32
    %scan3A_293 = arith.constant 1 : i32
    scf.for %scan3A_306 = %scan3A_290 to %scan3A_292 step %scan3A_293  : i32 {
      %mul3A_307 = arith.constant 4 : i32
      %mul3A_308 = arith.muli %scan3A_306, %mul3A_307 : i32
      %add3A_309 = arith.constant 0 : i32
      %add3A_310 = arith.addi %mul3A_308, %add3A_309 : i32
      %mul3A_311 = arith.constant 88 : i32
      %mul3A_312 = arith.muli %add3A_310, %mul3A_311 : i32
      %add3A_313 = arith.addi %mul3A_2, %mul3A_312 : i32
      %dma_wait3A_314 = tpu.memref_slice %arg2[%add3A_313] : memref<326656xi32, #tpu.memory_space<hbm>> -> memref<88xi32, #tpu.memory_space<hbm>>
      %dma_wait3A_315 = tpu.memref_slice %arg2[%add3A_313] : memref<326656xi32, #tpu.memory_space<hbm>> -> memref<88xi32, #tpu.memory_space<hbm>>
      tpu.wait_dma2 semaphore(%arg11 : memref<!tpu.dma_semaphore, #tpu.memory_space<semaphore_mem>>) src(%dma_wait3A_315 : memref<88xi32, #tpu.memory_space<hbm>>) dst(%arg4 : memref<88xi32, #tpu.memory_space<vmem>>)
      %dma_start3A_316 = arith.constant 0 : i32
      %dma_start3A_317 = tpu.memref_slice %arg8[%dma_start3A_316] : memref<96xf32, #tpu.memory_space<vmem>> -> memref<88xf32, #tpu.memory_space<vmem>>
      %dma_start3A_318 = arith.constant 0 : i32
      %dma_start3A_319 = tpu.memref_slice %arg10[%dma_start3A_318] : memref<10240xf32, #tpu.memory_space<vmem_shared>> -> memref<10240xf32, #tpu.memory_space<vmem_shared>>
      tpu.enqueue_indirect_dma source(%dma_start3A_317 : memref<88xf32, #tpu.memory_space<vmem>>) target(%dma_start3A_319 : memref<10240xf32, #tpu.memory_space<vmem_shared>>) offsets(%arg4 : memref<88xi32, #tpu.memory_space<vmem>>) semaphore(%arg15 : memref<!tpu.dma_semaphore, #tpu.memory_space<semaphore_mem>>) {add = true}
      %ge3A = arith.constant 1 : i32
      %ge3A_320 = arith.cmpi sge, %add3A_310, %ge3A : i32
      %convert_element_type3A = arith.extui %ge3A_320 : i1 to i32
      %cond3A = arith.constant 0 : i32
      %cond3A_321 = arith.cmpi ne, %convert_element_type3A, %cond3A : i32
      scf.if %cond3A_321 {
        %dma_wait3A_410 = arith.constant 0 : i32
        %dma_wait3A_411 = tpu.memref_slice %arg8[%dma_wait3A_410] : memref<96xf32, #tpu.memory_space<vmem>> -> memref<88xf32, #tpu.memory_space<vmem>>
        %dma_wait3A_412 = arith.constant 0 : i32
        %dma_wait3A_413 = tpu.memref_slice %arg10[%dma_wait3A_412] : memref<10240xf32, #tpu.memory_space<vmem_shared>> -> memref<10240xf32, #tpu.memory_space<vmem_shared>>
        tpu.wait_indirect_dma semaphore(%arg18 : memref<!tpu.dma_semaphore, #tpu.memory_space<semaphore_mem>>) src(%dma_wait3A_411 : memref<88xf32, #tpu.memory_space<vmem>>) dst(%dma_wait3A_413 : memref<10240xf32, #tpu.memory_space<vmem_shared>>)
      } else {
      }
      %add3A_322 = arith.constant 4 : i32
      %add3A_323 = arith.addi %add3A_310, %add3A_322 : i32
      %sub3A = arith.constant 1 : i32
      %sub3A_324 = arith.subi %add3A_323, %sub3A : i32
      %lt3A = arith.constant 116 : i32
      %lt3A_325 = arith.cmpi slt, %sub3A_324, %lt3A : i32
      %convert_element_type3A_326 = arith.extui %lt3A_325 : i1 to i32
      %cond3A_327 = arith.constant 0 : i32
      %cond3A_328 = arith.cmpi ne, %convert_element_type3A_326, %cond3A_327 : i32
      scf.if %cond3A_328 {
        %add3A_410 = arith.constant 4 : i32
        %add3A_411 = arith.addi %add3A_310, %add3A_410 : i32
        %sub3A_412 = arith.constant 1 : i32
        %sub3A_413 = arith.subi %add3A_411, %sub3A_412 : i32
        %mul3A_414 = arith.constant 88 : i32
        %mul3A_415 = arith.muli %sub3A_413, %mul3A_414 : i32
        %add3A_416 = arith.addi %mul3A_2, %mul3A_415 : i32
        %dma_start3A_417 = tpu.memref_slice %arg2[%add3A_416] : memref<326656xi32, #tpu.memory_space<hbm>> -> memref<88xi32, #tpu.memory_space<hbm>>
        %dma_start3A_418 = tpu.memref_slice %arg2[%add3A_416] : memref<326656xi32, #tpu.memory_space<hbm>> -> memref<88xi32, #tpu.memory_space<hbm>>
        tpu.enqueue_dma source(%dma_start3A_418 : memref<88xi32, #tpu.memory_space<hbm>>) target(%arg7 : memref<88xi32, #tpu.memory_space<vmem>>) target_semaphore(%arg14 : memref<!tpu.dma_semaphore, #tpu.memory_space<semaphore_mem>>)
      } else {
      }
      %mul3A_329 = arith.constant 4 : i32
      %mul3A_330 = arith.muli %scan3A_306, %mul3A_329 : i32
      %add3A_331 = arith.constant 1 : i32
      %add3A_332 = arith.addi %mul3A_330, %add3A_331 : i32
      %mul3A_333 = arith.constant 88 : i32
      %mul3A_334 = arith.muli %add3A_332, %mul3A_333 : i32
      %add3A_335 = arith.addi %mul3A_2, %mul3A_334 : i32
      %dma_wait3A_336 = tpu.memref_slice %arg2[%add3A_335] : memref<326656xi32, #tpu.memory_space<hbm>> -> memref<88xi32, #tpu.memory_space<hbm>>
      %dma_wait3A_337 = tpu.memref_slice %arg2[%add3A_335] : memref<326656xi32, #tpu.memory_space<hbm>> -> memref<88xi32, #tpu.memory_space<hbm>>
      tpu.wait_dma2 semaphore(%arg12 : memref<!tpu.dma_semaphore, #tpu.memory_space<semaphore_mem>>) src(%dma_wait3A_337 : memref<88xi32, #tpu.memory_space<hbm>>) dst(%arg5 : memref<88xi32, #tpu.memory_space<vmem>>)
      %dma_start3A_338 = arith.constant 0 : i32
      %dma_start3A_339 = tpu.memref_slice %arg8[%dma_start3A_338] : memref<96xf32, #tpu.memory_space<vmem>> -> memref<88xf32, #tpu.memory_space<vmem>>
      %dma_start3A_340 = arith.constant 0 : i32
      %dma_start3A_341 = tpu.memref_slice %arg10[%dma_start3A_340] : memref<10240xf32, #tpu.memory_space<vmem_shared>> -> memref<10240xf32, #tpu.memory_space<vmem_shared>>
      tpu.enqueue_indirect_dma source(%dma_start3A_339 : memref<88xf32, #tpu.memory_space<vmem>>) target(%dma_start3A_341 : memref<10240xf32, #tpu.memory_space<vmem_shared>>) offsets(%arg5 : memref<88xi32, #tpu.memory_space<vmem>>) semaphore(%arg16 : memref<!tpu.dma_semaphore, #tpu.memory_space<semaphore_mem>>) {add = true}
      %ge3A_342 = arith.constant 1 : i32
      %ge3A_343 = arith.cmpi sge, %add3A_332, %ge3A_342 : i32
      %convert_element_type3A_344 = arith.extui %ge3A_343 : i1 to i32
      %cond3A_345 = arith.constant 0 : i32
      %cond3A_346 = arith.cmpi ne, %convert_element_type3A_344, %cond3A_345 : i32
      scf.if %cond3A_346 {
        %dma_wait3A_410 = arith.constant 0 : i32
        %dma_wait3A_411 = tpu.memref_slice %arg8[%dma_wait3A_410] : memref<96xf32, #tpu.memory_space<vmem>> -> memref<88xf32, #tpu.memory_space<vmem>>
        %dma_wait3A_412 = arith.constant 0 : i32
        %dma_wait3A_413 = tpu.memref_slice %arg10[%dma_wait3A_412] : memref<10240xf32, #tpu.memory_space<vmem_shared>> -> memref<10240xf32, #tpu.memory_space<vmem_shared>>
        tpu.wait_indirect_dma semaphore(%arg15 : memref<!tpu.dma_semaphore, #tpu.memory_space<semaphore_mem>>) src(%dma_wait3A_411 : memref<88xf32, #tpu.memory_space<vmem>>) dst(%dma_wait3A_413 : memref<10240xf32, #tpu.memory_space<vmem_shared>>)
      } else {
      }
      %add3A_347 = arith.constant 4 : i32
      %add3A_348 = arith.addi %add3A_332, %add3A_347 : i32
      %sub3A_349 = arith.constant 1 : i32
      %sub3A_350 = arith.subi %add3A_348, %sub3A_349 : i32
      %lt3A_351 = arith.constant 116 : i32
      %lt3A_352 = arith.cmpi slt, %sub3A_350, %lt3A_351 : i32
      %convert_element_type3A_353 = arith.extui %lt3A_352 : i1 to i32
      %cond3A_354 = arith.constant 0 : i32
      %cond3A_355 = arith.cmpi ne, %convert_element_type3A_353, %cond3A_354 : i32
      scf.if %cond3A_355 {
        %add3A_410 = arith.constant 4 : i32
        %add3A_411 = arith.addi %add3A_332, %add3A_410 : i32
        %sub3A_412 = arith.constant 1 : i32
        %sub3A_413 = arith.subi %add3A_411, %sub3A_412 : i32
        %mul3A_414 = arith.constant 88 : i32
        %mul3A_415 = arith.muli %sub3A_413, %mul3A_414 : i32
        %add3A_416 = arith.addi %mul3A_2, %mul3A_415 : i32
        %dma_start3A_417 = tpu.memref_slice %arg2[%add3A_416] : memref<326656xi32, #tpu.memory_space<hbm>> -> memref<88xi32, #tpu.memory_space<hbm>>
        %dma_start3A_418 = tpu.memref_slice %arg2[%add3A_416] : memref<326656xi32, #tpu.memory_space<hbm>> -> memref<88xi32, #tpu.memory_space<hbm>>
        tpu.enqueue_dma source(%dma_start3A_418 : memref<88xi32, #tpu.memory_space<hbm>>) target(%arg4 : memref<88xi32, #tpu.memory_space<vmem>>) target_semaphore(%arg11 : memref<!tpu.dma_semaphore, #tpu.memory_space<semaphore_mem>>)
      } else {
      }
      %mul3A_356 = arith.constant 4 : i32
      %mul3A_357 = arith.muli %scan3A_306, %mul3A_356 : i32
      %add3A_358 = arith.constant 2 : i32
      %add3A_359 = arith.addi %mul3A_357, %add3A_358 : i32
      %mul3A_360 = arith.constant 88 : i32
      %mul3A_361 = arith.muli %add3A_359, %mul3A_360 : i32
      %add3A_362 = arith.addi %mul3A_2, %mul3A_361 : i32
      %dma_wait3A_363 = tpu.memref_slice %arg2[%add3A_362] : memref<326656xi32, #tpu.memory_space<hbm>> -> memref<88xi32, #tpu.memory_space<hbm>>
      %dma_wait3A_364 = tpu.memref_slice %arg2[%add3A_362] : memref<326656xi32, #tpu.memory_space<hbm>> -> memref<88xi32, #tpu.memory_space<hbm>>
      tpu.wait_dma2 semaphore(%arg13 : memref<!tpu.dma_semaphore, #tpu.memory_space<semaphore_mem>>) src(%dma_wait3A_364 : memref<88xi32, #tpu.memory_space<hbm>>) dst(%arg6 : memref<88xi32, #tpu.memory_space<vmem>>)
      %dma_start3A_365 = arith.constant 0 : i32
      %dma_start3A_366 = tpu.memref_slice %arg8[%dma_start3A_365] : memref<96xf32, #tpu.memory_space<vmem>> -> memref<88xf32, #tpu.memory_space<vmem>>
      %dma_start3A_367 = arith.constant 0 : i32
      %dma_start3A_368 = tpu.memref_slice %arg10[%dma_start3A_367] : memref<10240xf32, #tpu.memory_space<vmem_shared>> -> memref<10240xf32, #tpu.memory_space<vmem_shared>>
      tpu.enqueue_indirect_dma source(%dma_start3A_366 : memref<88xf32, #tpu.memory_space<vmem>>) target(%dma_start3A_368 : memref<10240xf32, #tpu.memory_space<vmem_shared>>) offsets(%arg6 : memref<88xi32, #tpu.memory_space<vmem>>) semaphore(%arg17 : memref<!tpu.dma_semaphore, #tpu.memory_space<semaphore_mem>>) {add = true}
      %ge3A_369 = arith.constant 1 : i32
      %ge3A_370 = arith.cmpi sge, %add3A_359, %ge3A_369 : i32
      %convert_element_type3A_371 = arith.extui %ge3A_370 : i1 to i32
      %cond3A_372 = arith.constant 0 : i32
      %cond3A_373 = arith.cmpi ne, %convert_element_type3A_371, %cond3A_372 : i32
      scf.if %cond3A_373 {
        %dma_wait3A_410 = arith.constant 0 : i32
        %dma_wait3A_411 = tpu.memref_slice %arg8[%dma_wait3A_410] : memref<96xf32, #tpu.memory_space<vmem>> -> memref<88xf32, #tpu.memory_space<vmem>>
        %dma_wait3A_412 = arith.constant 0 : i32
        %dma_wait3A_413 = tpu.memref_slice %arg10[%dma_wait3A_412] : memref<10240xf32, #tpu.memory_space<vmem_shared>> -> memref<10240xf32, #tpu.memory_space<vmem_shared>>
        tpu.wait_indirect_dma semaphore(%arg16 : memref<!tpu.dma_semaphore, #tpu.memory_space<semaphore_mem>>) src(%dma_wait3A_411 : memref<88xf32, #tpu.memory_space<vmem>>) dst(%dma_wait3A_413 : memref<10240xf32, #tpu.memory_space<vmem_shared>>)
      } else {
      }
      %add3A_374 = arith.constant 4 : i32
      %add3A_375 = arith.addi %add3A_359, %add3A_374 : i32
      %sub3A_376 = arith.constant 1 : i32
      %sub3A_377 = arith.subi %add3A_375, %sub3A_376 : i32
      %lt3A_378 = arith.constant 116 : i32
      %lt3A_379 = arith.cmpi slt, %sub3A_377, %lt3A_378 : i32
      %convert_element_type3A_380 = arith.extui %lt3A_379 : i1 to i32
      %cond3A_381 = arith.constant 0 : i32
      %cond3A_382 = arith.cmpi ne, %convert_element_type3A_380, %cond3A_381 : i32
      scf.if %cond3A_382 {
        %add3A_410 = arith.constant 4 : i32
        %add3A_411 = arith.addi %add3A_359, %add3A_410 : i32
        %sub3A_412 = arith.constant 1 : i32
        %sub3A_413 = arith.subi %add3A_411, %sub3A_412 : i32
        %mul3A_414 = arith.constant 88 : i32
        %mul3A_415 = arith.muli %sub3A_413, %mul3A_414 : i32
        %add3A_416 = arith.addi %mul3A_2, %mul3A_415 : i32
        %dma_start3A_417 = tpu.memref_slice %arg2[%add3A_416] : memref<326656xi32, #tpu.memory_space<hbm>> -> memref<88xi32, #tpu.memory_space<hbm>>
        %dma_start3A_418 = tpu.memref_slice %arg2[%add3A_416] : memref<326656xi32, #tpu.memory_space<hbm>> -> memref<88xi32, #tpu.memory_space<hbm>>
        tpu.enqueue_dma source(%dma_start3A_418 : memref<88xi32, #tpu.memory_space<hbm>>) target(%arg5 : memref<88xi32, #tpu.memory_space<vmem>>) target_semaphore(%arg12 : memref<!tpu.dma_semaphore, #tpu.memory_space<semaphore_mem>>)
      } else {
      }
      %mul3A_383 = arith.constant 4 : i32
      %mul3A_384 = arith.muli %scan3A_306, %mul3A_383 : i32
      %add3A_385 = arith.constant 3 : i32
      %add3A_386 = arith.addi %mul3A_384, %add3A_385 : i32
      %mul3A_387 = arith.constant 88 : i32
      %mul3A_388 = arith.muli %add3A_386, %mul3A_387 : i32
      %add3A_389 = arith.addi %mul3A_2, %mul3A_388 : i32
      %dma_wait3A_390 = tpu.memref_slice %arg2[%add3A_389] : memref<326656xi32, #tpu.memory_space<hbm>> -> memref<88xi32, #tpu.memory_space<hbm>>
      %dma_wait3A_391 = tpu.memref_slice %arg2[%add3A_389] : memref<326656xi32, #tpu.memory_space<hbm>> -> memref<88xi32, #tpu.memory_space<hbm>>
      tpu.wait_dma2 semaphore(%arg14 : memref<!tpu.dma_semaphore, #tpu.memory_space<semaphore_mem>>) src(%dma_wait3A_391 : memref<88xi32, #tpu.memory_space<hbm>>) dst(%arg7 : memref<88xi32, #tpu.memory_space<vmem>>)
      %dma_start3A_392 = arith.constant 0 : i32
      %dma_start3A_393 = tpu.memref_slice %arg8[%dma_start3A_392] : memref<96xf32, #tpu.memory_space<vmem>> -> memref<88xf32, #tpu.memory_space<vmem>>
      %dma_start3A_394 = arith.constant 0 : i32
      %dma_start3A_395 = tpu.memref_slice %arg10[%dma_start3A_394] : memref<10240xf32, #tpu.memory_space<vmem_shared>> -> memref<10240xf32, #tpu.memory_space<vmem_shared>>
      tpu.enqueue_indirect_dma source(%dma_start3A_393 : memref<88xf32, #tpu.memory_space<vmem>>) target(%dma_start3A_395 : memref<10240xf32, #tpu.memory_space<vmem_shared>>) offsets(%arg7 : memref<88xi32, #tpu.memory_space<vmem>>) semaphore(%arg18 : memref<!tpu.dma_semaphore, #tpu.memory_space<semaphore_mem>>) {add = true}
      %ge3A_396 = arith.constant 1 : i32
      %ge3A_397 = arith.cmpi sge, %add3A_386, %ge3A_396 : i32
      %convert_element_type3A_398 = arith.extui %ge3A_397 : i1 to i32
      %cond3A_399 = arith.constant 0 : i32
      %cond3A_400 = arith.cmpi ne, %convert_element_type3A_398, %cond3A_399 : i32
      scf.if %cond3A_400 {
        %dma_wait3A_410 = arith.constant 0 : i32
        %dma_wait3A_411 = tpu.memref_slice %arg8[%dma_wait3A_410] : memref<96xf32, #tpu.memory_space<vmem>> -> memref<88xf32, #tpu.memory_space<vmem>>
        %dma_wait3A_412 = arith.constant 0 : i32
        %dma_wait3A_413 = tpu.memref_slice %arg10[%dma_wait3A_412] : memref<10240xf32, #tpu.memory_space<vmem_shared>> -> memref<10240xf32, #tpu.memory_space<vmem_shared>>
        tpu.wait_indirect_dma semaphore(%arg17 : memref<!tpu.dma_semaphore, #tpu.memory_space<semaphore_mem>>) src(%dma_wait3A_411 : memref<88xf32, #tpu.memory_space<vmem>>) dst(%dma_wait3A_413 : memref<10240xf32, #tpu.memory_space<vmem_shared>>)
      } else {
      }
      %add3A_401 = arith.constant 4 : i32
      %add3A_402 = arith.addi %add3A_386, %add3A_401 : i32
      %sub3A_403 = arith.constant 1 : i32
      %sub3A_404 = arith.subi %add3A_402, %sub3A_403 : i32
      %lt3A_405 = arith.constant 116 : i32
      %lt3A_406 = arith.cmpi slt, %sub3A_404, %lt3A_405 : i32
      %convert_element_type3A_407 = arith.extui %lt3A_406 : i1 to i32
      %cond3A_408 = arith.constant 0 : i32
      %cond3A_409 = arith.cmpi ne, %convert_element_type3A_407, %cond3A_408 : i32
      scf.if %cond3A_409 {
        %add3A_410 = arith.constant 4 : i32
        %add3A_411 = arith.addi %add3A_386, %add3A_410 : i32
        %sub3A_412 = arith.constant 1 : i32
        %sub3A_413 = arith.subi %add3A_411, %sub3A_412 : i32
        %mul3A_414 = arith.constant 88 : i32
        %mul3A_415 = arith.muli %sub3A_413, %mul3A_414 : i32
        %add3A_416 = arith.addi %mul3A_2, %mul3A_415 : i32
        %dma_start3A_417 = tpu.memref_slice %arg2[%add3A_416] : memref<326656xi32, #tpu.memory_space<hbm>> -> memref<88xi32, #tpu.memory_space<hbm>>
        %dma_start3A_418 = tpu.memref_slice %arg2[%add3A_416] : memref<326656xi32, #tpu.memory_space<hbm>> -> memref<88xi32, #tpu.memory_space<hbm>>
        tpu.enqueue_dma source(%dma_start3A_418 : memref<88xi32, #tpu.memory_space<hbm>>) target(%arg6 : memref<88xi32, #tpu.memory_space<vmem>>) target_semaphore(%arg13 : memref<!tpu.dma_semaphore, #tpu.memory_space<semaphore_mem>>)
      } else {
      }
    }
    %scan3A_294 = arith.constant 29 : i32
    %dma_wait3A = arith.constant 0 : i32
    %dma_wait3A_295 = tpu.memref_slice %arg8[%dma_wait3A] : memref<96xf32, #tpu.memory_space<vmem>> -> memref<88xf32, #tpu.memory_space<vmem>>
    %dma_wait3A_296 = arith.constant 0 : i32
    %dma_wait3A_297 = tpu.memref_slice %arg10[%dma_wait3A_296] : memref<10240xf32, #tpu.memory_space<vmem_shared>> -> memref<10240xf32, #tpu.memory_space<vmem_shared>>
    tpu.wait_indirect_dma semaphore(%arg18 : memref<!tpu.dma_semaphore, #tpu.memory_space<semaphore_mem>>) src(%dma_wait3A_295 : memref<88xf32, #tpu.memory_space<vmem>>) dst(%dma_wait3A_297 : memref<10240xf32, #tpu.memory_space<vmem_shared>>)
    %barrier3A_298 = arith.constant 0 : index
    tpu.barrier barrier_id(%barrier3A_298)
    %mul3A_299 = arith.constant 640 : i32
    %mul3A_300 = arith.muli %arg1, %mul3A_299 : i32
    %mul3A_301 = arith.constant 10240 : i32
    %mul3A_302 = arith.muli %arg0, %mul3A_301 : i32
    %mul3A_303 = arith.constant 640 : i32
    %mul3A_304 = arith.muli %arg1, %mul3A_303 : i32
    %add3A_305 = arith.addi %mul3A_302, %mul3A_304 : i32
    "tpu.region"() ({
      %run_scoped3A = tpu.sem_alloc : memref<!tpu.dma_semaphore, #tpu.memory_space<semaphore_mem>>
      %dma_start3A_306 = tpu.memref_slice %arg3[%add3A_305] : memref<20480xf32, #tpu.memory_space<hbm>> -> memref<640xf32, #tpu.memory_space<hbm>>
      %dma_start3A_307 = tpu.memref_slice %arg10[%mul3A_300] : memref<10240xf32, #tpu.memory_space<vmem_shared>> -> memref<640xf32, #tpu.memory_space<vmem_shared>>
      tpu.enqueue_dma source(%dma_start3A_307 : memref<640xf32, #tpu.memory_space<vmem_shared>>) target(%dma_start3A_306 : memref<640xf32, #tpu.memory_space<hbm>>) target_semaphore(%run_scoped3A : memref<!tpu.dma_semaphore, #tpu.memory_space<semaphore_mem>>)
      %dma_wait3A_308 = tpu.memref_slice %arg3[%add3A_305] : memref<20480xf32, #tpu.memory_space<hbm>> -> memref<640xf32, #tpu.memory_space<hbm>>
      %dma_wait3A_309 = tpu.memref_slice %arg10[%mul3A_300] : memref<10240xf32, #tpu.memory_space<vmem_shared>> -> memref<640xf32, #tpu.memory_space<vmem_shared>>
      tpu.wait_dma2 semaphore(%run_scoped3A : memref<!tpu.dma_semaphore, #tpu.memory_space<semaphore_mem>>) src(%dma_wait3A_309 : memref<640xf32, #tpu.memory_space<vmem_shared>>) dst(%dma_wait3A_308 : memref<640xf32, #tpu.memory_space<hbm>>)
      tpu.yield
    }) : () -> ()
    return
  }
}

#map = affine_map<(d0, d1) -> (0, 0)>
#map1 = affine_map<(d0, d1) -> (0)>
module attributes {stable_mosaic.version = 14 : i64} {
  func.func @_agg(%arg0: i32, %arg1: i32, %arg2: memref<10240x128xf32, #tpu.memory_space<hbm>>, %arg3: memref<326656xi32, #tpu.memory_space<hbm>>, %arg4: memref<326656xi32, #tpu.memory_space<hbm>>, %arg5: memref<20480x128xf32, #tpu.memory_space<hbm>>, %arg6: memref<88xi32, #tpu.memory_space<vmem>>, %arg7: memref<88xi32, #tpu.memory_space<vmem>>, %arg8: memref<88xi32, #tpu.memory_space<vmem>>, %arg9: memref<88xi32, #tpu.memory_space<vmem>>, %arg10: memref<88xi32, #tpu.memory_space<vmem>>, %arg11: memref<88xi32, #tpu.memory_space<vmem>>, %arg12: memref<88xi32, #tpu.memory_space<vmem>>, %arg13: memref<88xi32, #tpu.memory_space<vmem>>, %arg14: memref<4x88x128xf32, #tpu.memory_space<vmem>>, %arg15: memref<10240x128xf32, #tpu.memory_space<vmem_shared>>, %arg16: memref<!tpu.dma_semaphore, #tpu.memory_space<semaphore_mem>>, %arg17: memref<!tpu.dma_semaphore, #tpu.memory_space<semaphore_mem>>, %arg18: memref<!tpu.dma_semaphore, #tpu.memory_space<semaphore_mem>>, %arg19: memref<!tpu.dma_semaphore, #tpu.memory_space<semaphore_mem>>, %arg20: memref<!tpu.dma_semaphore, #tpu.memory_space<semaphore_mem>>, %arg21: memref<!tpu.dma_semaphore, #tpu.memory_space<semaphore_mem>>, %arg22: memref<!tpu.dma_semaphore, #tpu.memory_space<semaphore_mem>>, %arg23: memref<!tpu.dma_semaphore, #tpu.memory_space<semaphore_mem>>, %arg24: memref<!tpu.dma_semaphore, #tpu.memory_space<semaphore_mem>>, %arg25: memref<!tpu.dma_semaphore, #tpu.memory_space<semaphore_mem>>, %arg26: memref<!tpu.dma_semaphore, #tpu.memory_space<semaphore_mem>>, %arg27: memref<!tpu.dma_semaphore, #tpu.memory_space<semaphore_mem>>, %arg28: memref<!tpu.dma_semaphore, #tpu.memory_space<semaphore_mem>>, %arg29: memref<!tpu.dma_semaphore, #tpu.memory_space<semaphore_mem>>, %arg30: memref<!tpu.dma_semaphore, #tpu.memory_space<semaphore_mem>>, %arg31: memref<!tpu.dma_semaphore, #tpu.memory_space<semaphore_mem>>) attributes {dimension_semantics = [#tpu.dimension_semantics<core_parallel>, #tpu.dimension_semantics<subcore_parallel>], iteration_bounds = array<i64: 2, 16>, scalar_prefetch = 0 : i64, scratch_operands = 26 : i64, tpu.core_type = #tpu.core_type<sc_vector_subcore>, window_params = [{transform_indices = #map}, {transform_indices = #map1}, {transform_indices = #map1}, {transform_indices = #map}]} {
    %mul3A = arith.constant 2 : i32
    %mul3A_0 = arith.muli %arg1, %mul3A : i32
    %add3A = arith.addi %mul3A_0, %arg0 : i32
    %mul3A_1 = arith.constant 10208 : i32
    %mul3A_2 = arith.muli %add3A, %mul3A_1 : i32
    %scan3A = arith.constant 0 : i32
    %scan3A_3 = arith.constant 0 : i32
    %scan3A_4 = arith.constant 88 : i32
    %scan3A_5 = arith.addi %scan3A_3, %scan3A_4 : i32
    %scan3A_6 = arith.constant 1 : i32
    scf.for %scan3A_113 = %scan3A_3 to %scan3A_5 step %scan3A_6  : i32 {
      %broadcast_in_dim3A = arith.constant 0.000000e+00 : f32
      %broadcast_in_dim3A_114 = vector.broadcast %broadcast_in_dim3A : f32 to vector<16xf32>
      %swap3A = arith.constant 0 : i32
      %swap3A_115 = arith.index_cast %swap3A : i32 to index
      %swap3A_116 = arith.index_cast %scan3A_113 : i32 to index
      %swap3A_117 = arith.constant 0 : index
      %swap3A_118 = tpu.vector_load %arg14[%swap3A_115, %swap3A_116, %swap3A_117] {strides = array<i32>} : memref<4x88x128xf32, #tpu.memory_space<vmem>>, vector<1x1x16xf32>,
      %swap3A_119 = vector.shape_cast %swap3A_118 : vector<1x1x16xf32> to vector<16xf32>
      %swap3A_120 = vector.shape_cast %broadcast_in_dim3A_114 : vector<16xf32> to vector<1x1x16xf32>
      tpu.vector_store %arg14[%swap3A_115, %swap3A_116, %swap3A_117], %swap3A_120 {strides = array<i32>} : memref<4x88x128xf32, #tpu.memory_space<vmem>>, vector<1x1x16xf32>,
      %broadcast_in_dim3A_121 = arith.constant 0.000000e+00 : f32
      %broadcast_in_dim3A_122 = vector.broadcast %broadcast_in_dim3A_121 : f32 to vector<16xf32>
      %swap3A_123 = arith.constant 0 : i32
      %swap3A_124 = arith.index_cast %swap3A_123 : i32 to index
      %swap3A_125 = arith.index_cast %scan3A_113 : i32 to index
      %swap3A_126 = arith.constant 16 : index
      %swap3A_127 = tpu.vector_load %arg14[%swap3A_124, %swap3A_125, %swap3A_126] {strides = array<i32>} : memref<4x88x128xf32, #tpu.memory_space<vmem>>, vector<1x1x16xf32>,
      %swap3A_128 = vector.shape_cast %swap3A_127 : vector<1x1x16xf32> to vector<16xf32>
      %swap3A_129 = vector.shape_cast %broadcast_in_dim3A_122 : vector<16xf32> to vector<1x1x16xf32>
      tpu.vector_store %arg14[%swap3A_124, %swap3A_125, %swap3A_126], %swap3A_129 {strides = array<i32>} : memref<4x88x128xf32, #tpu.memory_space<vmem>>, vector<1x1x16xf32>,
      %broadcast_in_dim3A_130 = arith.constant 0.000000e+00 : f32
      %broadcast_in_dim3A_131 = vector.broadcast %broadcast_in_dim3A_130 : f32 to vector<16xf32>
      %swap3A_132 = arith.constant 0 : i32
      %swap3A_133 = arith.index_cast %swap3A_132 : i32 to index
      %swap3A_134 = arith.index_cast %scan3A_113 : i32 to index
      %swap3A_135 = arith.constant 32 : index
      %swap3A_136 = tpu.vector_load %arg14[%swap3A_133, %swap3A_134, %swap3A_135] {strides = array<i32>} : memref<4x88x128xf32, #tpu.memory_space<vmem>>, vector<1x1x16xf32>,
      %swap3A_137 = vector.shape_cast %swap3A_136 : vector<1x1x16xf32> to vector<16xf32>
      %swap3A_138 = vector.shape_cast %broadcast_in_dim3A_131 : vector<16xf32> to vector<1x1x16xf32>
      tpu.vector_store %arg14[%swap3A_133, %swap3A_134, %swap3A_135], %swap3A_138 {strides = array<i32>} : memref<4x88x128xf32, #tpu.memory_space<vmem>>, vector<1x1x16xf32>,
      %broadcast_in_dim3A_139 = arith.constant 0.000000e+00 : f32
      %broadcast_in_dim3A_140 = vector.broadcast %broadcast_in_dim3A_139 : f32 to vector<16xf32>
      %swap3A_141 = arith.constant 0 : i32
      %swap3A_142 = arith.index_cast %swap3A_141 : i32 to index
      %swap3A_143 = arith.index_cast %scan3A_113 : i32 to index
      %swap3A_144 = arith.constant 48 : index
      %swap3A_145 = tpu.vector_load %arg14[%swap3A_142, %swap3A_143, %swap3A_144] {strides = array<i32>} : memref<4x88x128xf32, #tpu.memory_space<vmem>>, vector<1x1x16xf32>,
      %swap3A_146 = vector.shape_cast %swap3A_145 : vector<1x1x16xf32> to vector<16xf32>
      %swap3A_147 = vector.shape_cast %broadcast_in_dim3A_140 : vector<16xf32> to vector<1x1x16xf32>
      tpu.vector_store %arg14[%swap3A_142, %swap3A_143, %swap3A_144], %swap3A_147 {strides = array<i32>} : memref<4x88x128xf32, #tpu.memory_space<vmem>>, vector<1x1x16xf32>,
      %broadcast_in_dim3A_148 = arith.constant 0.000000e+00 : f32
      %broadcast_in_dim3A_149 = vector.broadcast %broadcast_in_dim3A_148 : f32 to vector<16xf32>
      %swap3A_150 = arith.constant 0 : i32
      %swap3A_151 = arith.index_cast %swap3A_150 : i32 to index
      %swap3A_152 = arith.index_cast %scan3A_113 : i32 to index
      %swap3A_153 = arith.constant 64 : index
      %swap3A_154 = tpu.vector_load %arg14[%swap3A_151, %swap3A_152, %swap3A_153] {strides = array<i32>} : memref<4x88x128xf32, #tpu.memory_space<vmem>>, vector<1x1x16xf32>,
      %swap3A_155 = vector.shape_cast %swap3A_154 : vector<1x1x16xf32> to vector<16xf32>
      %swap3A_156 = vector.shape_cast %broadcast_in_dim3A_149 : vector<16xf32> to vector<1x1x16xf32>
      tpu.vector_store %arg14[%swap3A_151, %swap3A_152, %swap3A_153], %swap3A_156 {strides = array<i32>} : memref<4x88x128xf32, #tpu.memory_space<vmem>>, vector<1x1x16xf32>,
      %broadcast_in_dim3A_157 = arith.constant 0.000000e+00 : f32
      %broadcast_in_dim3A_158 = vector.broadcast %broadcast_in_dim3A_157 : f32 to vector<16xf32>
      %swap3A_159 = arith.constant 0 : i32
      %swap3A_160 = arith.index_cast %swap3A_159 : i32 to index
      %swap3A_161 = arith.index_cast %scan3A_113 : i32 to index
      %swap3A_162 = arith.constant 80 : index
      %swap3A_163 = tpu.vector_load %arg14[%swap3A_160, %swap3A_161, %swap3A_162] {strides = array<i32>} : memref<4x88x128xf32, #tpu.memory_space<vmem>>, vector<1x1x16xf32>,
      %swap3A_164 = vector.shape_cast %swap3A_163 : vector<1x1x16xf32> to vector<16xf32>
      %swap3A_165 = vector.shape_cast %broadcast_in_dim3A_158 : vector<16xf32> to vector<1x1x16xf32>
      tpu.vector_store %arg14[%swap3A_160, %swap3A_161, %swap3A_162], %swap3A_165 {strides = array<i32>} : memref<4x88x128xf32, #tpu.memory_space<vmem>>, vector<1x1x16xf32>,
      %broadcast_in_dim3A_166 = arith.constant 0.000000e+00 : f32
      %broadcast_in_dim3A_167 = vector.broadcast %broadcast_in_dim3A_166 : f32 to vector<16xf32>
      %swap3A_168 = arith.constant 0 : i32
      %swap3A_169 = arith.index_cast %swap3A_168 : i32 to index
      %swap3A_170 = arith.index_cast %scan3A_113 : i32 to index
      %swap3A_171 = arith.constant 96 : index
      %swap3A_172 = tpu.vector_load %arg14[%swap3A_169, %swap3A_170, %swap3A_171] {strides = array<i32>} : memref<4x88x128xf32, #tpu.memory_space<vmem>>, vector<1x1x16xf32>,
      %swap3A_173 = vector.shape_cast %swap3A_172 : vector<1x1x16xf32> to vector<16xf32>
      %swap3A_174 = vector.shape_cast %broadcast_in_dim3A_167 : vector<16xf32> to vector<1x1x16xf32>
      tpu.vector_store %arg14[%swap3A_169, %swap3A_170, %swap3A_171], %swap3A_174 {strides = array<i32>} : memref<4x88x128xf32, #tpu.memory_space<vmem>>, vector<1x1x16xf32>,
      %broadcast_in_dim3A_175 = arith.constant 0.000000e+00 : f32
      %broadcast_in_dim3A_176 = vector.broadcast %broadcast_in_dim3A_175 : f32 to vector<16xf32>
      %swap3A_177 = arith.constant 0 : i32
      %swap3A_178 = arith.index_cast %swap3A_177 : i32 to index
      %swap3A_179 = arith.index_cast %scan3A_113 : i32 to index
      %swap3A_180 = arith.constant 112 : index
      %swap3A_181 = tpu.vector_load %arg14[%swap3A_178, %swap3A_179, %swap3A_180] {strides = array<i32>} : memref<4x88x128xf32, #tpu.memory_space<vmem>>, vector<1x1x16xf32>,
      %swap3A_182 = vector.shape_cast %swap3A_181 : vector<1x1x16xf32> to vector<16xf32>
      %swap3A_183 = vector.shape_cast %broadcast_in_dim3A_176 : vector<16xf32> to vector<1x1x16xf32>
      tpu.vector_store %arg14[%swap3A_178, %swap3A_179, %swap3A_180], %swap3A_183 {strides = array<i32>} : memref<4x88x128xf32, #tpu.memory_space<vmem>>, vector<1x1x16xf32>,
    }
    %scan3A_7 = arith.constant 88 : i32
    %mul3A_8 = arith.constant 640 : i32
    %mul3A_9 = arith.muli %arg1, %mul3A_8 : i32
    %add3A_10 = arith.constant 0 : i32
    %add3A_11 = arith.addi %mul3A_9, %add3A_10 : i32
    %run_scoped3A = arith.constant 0 : i32
    "tpu.region"() ({
      %run_scoped3A_113 = tpu.sem_alloc : memref<!tpu.dma_semaphore, #tpu.memory_space<semaphore_mem>>
      %dma_start3A_114 = arith.constant 0 : i32
      %dma_start3A_115 = arith.constant 0 : i32
      %dma_start3A_116 = tpu.memref_slice %arg14[%run_scoped3A, %dma_start3A_114, %dma_start3A_115] : memref<4x88x128xf32, #tpu.memory_space<vmem>> -> memref<1x88x128xf32, #tpu.memory_space<vmem>>
      %dma_start3A_117 = tpu.memref_squeeze %dma_start3A_116 : memref<1x88x128xf32, #tpu.memory_space<vmem>> -> memref<88x128xf32, #tpu.memory_space<vmem>>
      %dma_start3A_118 = arith.constant 0 : i32
      %dma_start3A_119 = tpu.memref_slice %arg15[%add3A_11, %dma_start3A_118] : memref<10240x128xf32, #tpu.memory_space<vmem_shared>> -> memref<88x128xf32, #tpu.memory_space<vmem_shared>>
      %dma_start3A_120 = arith.constant 0 : i32
      %dma_start3A_121 = tpu.memref_slice %arg15[%add3A_11, %dma_start3A_120] : memref<10240x128xf32, #tpu.memory_space<vmem_shared>> -> memref<88x128xf32, #tpu.memory_space<vmem_shared>>
      %dma_start3A_122 = arith.constant 0 : i32
      %dma_start3A_123 = arith.constant 0 : i32
      %dma_start3A_124 = tpu.memref_slice %arg14[%run_scoped3A, %dma_start3A_122, %dma_start3A_123] : memref<4x88x128xf32, #tpu.memory_space<vmem>> -> memref<1x88x128xf32, #tpu.memory_space<vmem>>
      %dma_start3A_125 = tpu.memref_squeeze %dma_start3A_124 : memref<1x88x128xf32, #tpu.memory_space<vmem>> -> memref<88x128xf32, #tpu.memory_space<vmem>>
      tpu.enqueue_dma source(%dma_start3A_125 : memref<88x128xf32, #tpu.memory_space<vmem>>) target(%dma_start3A_121 : memref<88x128xf32, #tpu.memory_space<vmem_shared>>) target_semaphore(%run_scoped3A_113 : memref<!tpu.dma_semaphore, #tpu.memory_space<semaphore_mem>>)
      %dma_wait3A_126 = arith.constant 0 : i32
      %dma_wait3A_127 = arith.constant 0 : i32
      %dma_wait3A_128 = tpu.memref_slice %arg14[%run_scoped3A, %dma_wait3A_126, %dma_wait3A_127] : memref<4x88x128xf32, #tpu.memory_space<vmem>> -> memref<1x88x128xf32, #tpu.memory_space<vmem>>
      %dma_wait3A_129 = tpu.memref_squeeze %dma_wait3A_128 : memref<1x88x128xf32, #tpu.memory_space<vmem>> -> memref<88x128xf32, #tpu.memory_space<vmem>>
      %dma_wait3A_130 = arith.constant 0 : i32
      %dma_wait3A_131 = tpu.memref_slice %arg15[%add3A_11, %dma_wait3A_130] : memref<10240x128xf32, #tpu.memory_space<vmem_shared>> -> memref<88x128xf32, #tpu.memory_space<vmem_shared>>
      %dma_wait3A_132 = arith.constant 0 : i32
      %dma_wait3A_133 = tpu.memref_slice %arg15[%add3A_11, %dma_wait3A_132] : memref<10240x128xf32, #tpu.memory_space<vmem_shared>> -> memref<88x128xf32, #tpu.memory_space<vmem_shared>>
      %dma_wait3A_134 = arith.constant 0 : i32
      %dma_wait3A_135 = arith.constant 0 : i32
      %dma_wait3A_136 = tpu.memref_slice %arg14[%run_scoped3A, %dma_wait3A_134, %dma_wait3A_135] : memref<4x88x128xf32, #tpu.memory_space<vmem>> -> memref<1x88x128xf32, #tpu.memory_space<vmem>>
      %dma_wait3A_137 = tpu.memref_squeeze %dma_wait3A_136 : memref<1x88x128xf32, #tpu.memory_space<vmem>> -> memref<88x128xf32, #tpu.memory_space<vmem>>
      tpu.wait_dma2 semaphore(%run_scoped3A_113 : memref<!tpu.dma_semaphore, #tpu.memory_space<semaphore_mem>>) src(%dma_wait3A_137 : memref<88x128xf32, #tpu.memory_space<vmem>>) dst(%dma_wait3A_133 : memref<88x128xf32, #tpu.memory_space<vmem_shared>>)
      tpu.yield
    }) : () -> ()
    %mul3A_12 = arith.constant 640 : i32
    %mul3A_13 = arith.muli %arg1, %mul3A_12 : i32
    %add3A_14 = arith.constant 88 : i32
    %add3A_15 = arith.addi %mul3A_13, %add3A_14 : i32
    %run_scoped3A_16 = arith.constant 0 : i32
    "tpu.region"() ({
      %run_scoped3A_113 = tpu.sem_alloc : memref<!tpu.dma_semaphore, #tpu.memory_space<semaphore_mem>>
      %dma_start3A_114 = arith.constant 0 : i32
      %dma_start3A_115 = arith.constant 0 : i32
      %dma_start3A_116 = tpu.memref_slice %arg14[%run_scoped3A_16, %dma_start3A_114, %dma_start3A_115] : memref<4x88x128xf32, #tpu.memory_space<vmem>> -> memref<1x88x128xf32, #tpu.memory_space<vmem>>
      %dma_start3A_117 = tpu.memref_squeeze %dma_start3A_116 : memref<1x88x128xf32, #tpu.memory_space<vmem>> -> memref<88x128xf32, #tpu.memory_space<vmem>>
      %dma_start3A_118 = arith.constant 0 : i32
      %dma_start3A_119 = tpu.memref_slice %arg15[%add3A_15, %dma_start3A_118] : memref<10240x128xf32, #tpu.memory_space<vmem_shared>> -> memref<88x128xf32, #tpu.memory_space<vmem_shared>>
      %dma_start3A_120 = arith.constant 0 : i32
      %dma_start3A_121 = tpu.memref_slice %arg15[%add3A_15, %dma_start3A_120] : memref<10240x128xf32, #tpu.memory_space<vmem_shared>> -> memref<88x128xf32, #tpu.memory_space<vmem_shared>>
      %dma_start3A_122 = arith.constant 0 : i32
      %dma_start3A_123 = arith.constant 0 : i32
      %dma_start3A_124 = tpu.memref_slice %arg14[%run_scoped3A_16, %dma_start3A_122, %dma_start3A_123] : memref<4x88x128xf32, #tpu.memory_space<vmem>> -> memref<1x88x128xf32, #tpu.memory_space<vmem>>
      %dma_start3A_125 = tpu.memref_squeeze %dma_start3A_124 : memref<1x88x128xf32, #tpu.memory_space<vmem>> -> memref<88x128xf32, #tpu.memory_space<vmem>>
      tpu.enqueue_dma source(%dma_start3A_125 : memref<88x128xf32, #tpu.memory_space<vmem>>) target(%dma_start3A_121 : memref<88x128xf32, #tpu.memory_space<vmem_shared>>) target_semaphore(%run_scoped3A_113 : memref<!tpu.dma_semaphore, #tpu.memory_space<semaphore_mem>>)
      %dma_wait3A_126 = arith.constant 0 : i32
      %dma_wait3A_127 = arith.constant 0 : i32
      %dma_wait3A_128 = tpu.memref_slice %arg14[%run_scoped3A_16, %dma_wait3A_126, %dma_wait3A_127] : memref<4x88x128xf32, #tpu.memory_space<vmem>> -> memref<1x88x128xf32, #tpu.memory_space<vmem>>
      %dma_wait3A_129 = tpu.memref_squeeze %dma_wait3A_128 : memref<1x88x128xf32, #tpu.memory_space<vmem>> -> memref<88x128xf32, #tpu.memory_space<vmem>>
      %dma_wait3A_130 = arith.constant 0 : i32
      %dma_wait3A_131 = tpu.memref_slice %arg15[%add3A_15, %dma_wait3A_130] : memref<10240x128xf32, #tpu.memory_space<vmem_shared>> -> memref<88x128xf32, #tpu.memory_space<vmem_shared>>
      %dma_wait3A_132 = arith.constant 0 : i32
      %dma_wait3A_133 = tpu.memref_slice %arg15[%add3A_15, %dma_wait3A_132] : memref<10240x128xf32, #tpu.memory_space<vmem_shared>> -> memref<88x128xf32, #tpu.memory_space<vmem_shared>>
      %dma_wait3A_134 = arith.constant 0 : i32
      %dma_wait3A_135 = arith.constant 0 : i32
      %dma_wait3A_136 = tpu.memref_slice %arg14[%run_scoped3A_16, %dma_wait3A_134, %dma_wait3A_135] : memref<4x88x128xf32, #tpu.memory_space<vmem>> -> memref<1x88x128xf32, #tpu.memory_space<vmem>>
      %dma_wait3A_137 = tpu.memref_squeeze %dma_wait3A_136 : memref<1x88x128xf32, #tpu.memory_space<vmem>> -> memref<88x128xf32, #tpu.memory_space<vmem>>
      tpu.wait_dma2 semaphore(%run_scoped3A_113 : memref<!tpu.dma_semaphore, #tpu.memory_space<semaphore_mem>>) src(%dma_wait3A_137 : memref<88x128xf32, #tpu.memory_space<vmem>>) dst(%dma_wait3A_133 : memref<88x128xf32, #tpu.memory_space<vmem_shared>>)
      tpu.yield
    }) : () -> ()
    %mul3A_17 = arith.constant 640 : i32
    %mul3A_18 = arith.muli %arg1, %mul3A_17 : i32
    %add3A_19 = arith.constant 176 : i32
    %add3A_20 = arith.addi %mul3A_18, %add3A_19 : i32
    %run_scoped3A_21 = arith.constant 0 : i32
    "tpu.region"() ({
      %run_scoped3A_113 = tpu.sem_alloc : memref<!tpu.dma_semaphore, #tpu.memory_space<semaphore_mem>>
      %dma_start3A_114 = arith.constant 0 : i32
      %dma_start3A_115 = arith.constant 0 : i32
      %dma_start3A_116 = tpu.memref_slice %arg14[%run_scoped3A_21, %dma_start3A_114, %dma_start3A_115] : memref<4x88x128xf32, #tpu.memory_space<vmem>> -> memref<1x88x128xf32, #tpu.memory_space<vmem>>
      %dma_start3A_117 = tpu.memref_squeeze %dma_start3A_116 : memref<1x88x128xf32, #tpu.memory_space<vmem>> -> memref<88x128xf32, #tpu.memory_space<vmem>>
      %dma_start3A_118 = arith.constant 0 : i32
      %dma_start3A_119 = tpu.memref_slice %arg15[%add3A_20, %dma_start3A_118] : memref<10240x128xf32, #tpu.memory_space<vmem_shared>> -> memref<88x128xf32, #tpu.memory_space<vmem_shared>>
      %dma_start3A_120 = arith.constant 0 : i32
      %dma_start3A_121 = tpu.memref_slice %arg15[%add3A_20, %dma_start3A_120] : memref<10240x128xf32, #tpu.memory_space<vmem_shared>> -> memref<88x128xf32, #tpu.memory_space<vmem_shared>>
      %dma_start3A_122 = arith.constant 0 : i32
      %dma_start3A_123 = arith.constant 0 : i32
      %dma_start3A_124 = tpu.memref_slice %arg14[%run_scoped3A_21, %dma_start3A_122, %dma_start3A_123] : memref<4x88x128xf32, #tpu.memory_space<vmem>> -> memref<1x88x128xf32, #tpu.memory_space<vmem>>
      %dma_start3A_125 = tpu.memref_squeeze %dma_start3A_124 : memref<1x88x128xf32, #tpu.memory_space<vmem>> -> memref<88x128xf32, #tpu.memory_space<vmem>>
      tpu.enqueue_dma source(%dma_start3A_125 : memref<88x128xf32, #tpu.memory_space<vmem>>) target(%dma_start3A_121 : memref<88x128xf32, #tpu.memory_space<vmem_shared>>) target_semaphore(%run_scoped3A_113 : memref<!tpu.dma_semaphore, #tpu.memory_space<semaphore_mem>>)
      %dma_wait3A_126 = arith.constant 0 : i32
      %dma_wait3A_127 = arith.constant 0 : i32
      %dma_wait3A_128 = tpu.memref_slice %arg14[%run_scoped3A_21, %dma_wait3A_126, %dma_wait3A_127] : memref<4x88x128xf32, #tpu.memory_space<vmem>> -> memref<1x88x128xf32, #tpu.memory_space<vmem>>
      %dma_wait3A_129 = tpu.memref_squeeze %dma_wait3A_128 : memref<1x88x128xf32, #tpu.memory_space<vmem>> -> memref<88x128xf32, #tpu.memory_space<vmem>>
      %dma_wait3A_130 = arith.constant 0 : i32
      %dma_wait3A_131 = tpu.memref_slice %arg15[%add3A_20, %dma_wait3A_130] : memref<10240x128xf32, #tpu.memory_space<vmem_shared>> -> memref<88x128xf32, #tpu.memory_space<vmem_shared>>
      %dma_wait3A_132 = arith.constant 0 : i32
      %dma_wait3A_133 = tpu.memref_slice %arg15[%add3A_20, %dma_wait3A_132] : memref<10240x128xf32, #tpu.memory_space<vmem_shared>> -> memref<88x128xf32, #tpu.memory_space<vmem_shared>>
      %dma_wait3A_134 = arith.constant 0 : i32
      %dma_wait3A_135 = arith.constant 0 : i32
      %dma_wait3A_136 = tpu.memref_slice %arg14[%run_scoped3A_21, %dma_wait3A_134, %dma_wait3A_135] : memref<4x88x128xf32, #tpu.memory_space<vmem>> -> memref<1x88x128xf32, #tpu.memory_space<vmem>>
      %dma_wait3A_137 = tpu.memref_squeeze %dma_wait3A_136 : memref<1x88x128xf32, #tpu.memory_space<vmem>> -> memref<88x128xf32, #tpu.memory_space<vmem>>
      tpu.wait_dma2 semaphore(%run_scoped3A_113 : memref<!tpu.dma_semaphore, #tpu.memory_space<semaphore_mem>>) src(%dma_wait3A_137 : memref<88x128xf32, #tpu.memory_space<vmem>>) dst(%dma_wait3A_133 : memref<88x128xf32, #tpu.memory_space<vmem_shared>>)
      tpu.yield
    }) : () -> ()
    %mul3A_22 = arith.constant 640 : i32
    %mul3A_23 = arith.muli %arg1, %mul3A_22 : i32
    %add3A_24 = arith.constant 264 : i32
    %add3A_25 = arith.addi %mul3A_23, %add3A_24 : i32
    %run_scoped3A_26 = arith.constant 0 : i32
    "tpu.region"() ({
      %run_scoped3A_113 = tpu.sem_alloc : memref<!tpu.dma_semaphore, #tpu.memory_space<semaphore_mem>>
      %dma_start3A_114 = arith.constant 0 : i32
      %dma_start3A_115 = arith.constant 0 : i32
      %dma_start3A_116 = tpu.memref_slice %arg14[%run_scoped3A_26, %dma_start3A_114, %dma_start3A_115] : memref<4x88x128xf32, #tpu.memory_space<vmem>> -> memref<1x88x128xf32, #tpu.memory_space<vmem>>
      %dma_start3A_117 = tpu.memref_squeeze %dma_start3A_116 : memref<1x88x128xf32, #tpu.memory_space<vmem>> -> memref<88x128xf32, #tpu.memory_space<vmem>>
      %dma_start3A_118 = arith.constant 0 : i32
      %dma_start3A_119 = tpu.memref_slice %arg15[%add3A_25, %dma_start3A_118] : memref<10240x128xf32, #tpu.memory_space<vmem_shared>> -> memref<88x128xf32, #tpu.memory_space<vmem_shared>>
      %dma_start3A_120 = arith.constant 0 : i32
      %dma_start3A_121 = tpu.memref_slice %arg15[%add3A_25, %dma_start3A_120] : memref<10240x128xf32, #tpu.memory_space<vmem_shared>> -> memref<88x128xf32, #tpu.memory_space<vmem_shared>>
      %dma_start3A_122 = arith.constant 0 : i32
      %dma_start3A_123 = arith.constant 0 : i32
      %dma_start3A_124 = tpu.memref_slice %arg14[%run_scoped3A_26, %dma_start3A_122, %dma_start3A_123] : memref<4x88x128xf32, #tpu.memory_space<vmem>> -> memref<1x88x128xf32, #tpu.memory_space<vmem>>
      %dma_start3A_125 = tpu.memref_squeeze %dma_start3A_124 : memref<1x88x128xf32, #tpu.memory_space<vmem>> -> memref<88x128xf32, #tpu.memory_space<vmem>>
      tpu.enqueue_dma source(%dma_start3A_125 : memref<88x128xf32, #tpu.memory_space<vmem>>) target(%dma_start3A_121 : memref<88x128xf32, #tpu.memory_space<vmem_shared>>) target_semaphore(%run_scoped3A_113 : memref<!tpu.dma_semaphore, #tpu.memory_space<semaphore_mem>>)
      %dma_wait3A_126 = arith.constant 0 : i32
      %dma_wait3A_127 = arith.constant 0 : i32
      %dma_wait3A_128 = tpu.memref_slice %arg14[%run_scoped3A_26, %dma_wait3A_126, %dma_wait3A_127] : memref<4x88x128xf32, #tpu.memory_space<vmem>> -> memref<1x88x128xf32, #tpu.memory_space<vmem>>
      %dma_wait3A_129 = tpu.memref_squeeze %dma_wait3A_128 : memref<1x88x128xf32, #tpu.memory_space<vmem>> -> memref<88x128xf32, #tpu.memory_space<vmem>>
      %dma_wait3A_130 = arith.constant 0 : i32
      %dma_wait3A_131 = tpu.memref_slice %arg15[%add3A_25, %dma_wait3A_130] : memref<10240x128xf32, #tpu.memory_space<vmem_shared>> -> memref<88x128xf32, #tpu.memory_space<vmem_shared>>
      %dma_wait3A_132 = arith.constant 0 : i32
      %dma_wait3A_133 = tpu.memref_slice %arg15[%add3A_25, %dma_wait3A_132] : memref<10240x128xf32, #tpu.memory_space<vmem_shared>> -> memref<88x128xf32, #tpu.memory_space<vmem_shared>>
      %dma_wait3A_134 = arith.constant 0 : i32
      %dma_wait3A_135 = arith.constant 0 : i32
      %dma_wait3A_136 = tpu.memref_slice %arg14[%run_scoped3A_26, %dma_wait3A_134, %dma_wait3A_135] : memref<4x88x128xf32, #tpu.memory_space<vmem>> -> memref<1x88x128xf32, #tpu.memory_space<vmem>>
      %dma_wait3A_137 = tpu.memref_squeeze %dma_wait3A_136 : memref<1x88x128xf32, #tpu.memory_space<vmem>> -> memref<88x128xf32, #tpu.memory_space<vmem>>
      tpu.wait_dma2 semaphore(%run_scoped3A_113 : memref<!tpu.dma_semaphore, #tpu.memory_space<semaphore_mem>>) src(%dma_wait3A_137 : memref<88x128xf32, #tpu.memory_space<vmem>>) dst(%dma_wait3A_133 : memref<88x128xf32, #tpu.memory_space<vmem_shared>>)
      tpu.yield
    }) : () -> ()
    %mul3A_27 = arith.constant 640 : i32
    %mul3A_28 = arith.muli %arg1, %mul3A_27 : i32
    %add3A_29 = arith.constant 352 : i32
    %add3A_30 = arith.addi %mul3A_28, %add3A_29 : i32
    %run_scoped3A_31 = arith.constant 0 : i32
    "tpu.region"() ({
      %run_scoped3A_113 = tpu.sem_alloc : memref<!tpu.dma_semaphore, #tpu.memory_space<semaphore_mem>>
      %dma_start3A_114 = arith.constant 0 : i32
      %dma_start3A_115 = arith.constant 0 : i32
      %dma_start3A_116 = tpu.memref_slice %arg14[%run_scoped3A_31, %dma_start3A_114, %dma_start3A_115] : memref<4x88x128xf32, #tpu.memory_space<vmem>> -> memref<1x88x128xf32, #tpu.memory_space<vmem>>
      %dma_start3A_117 = tpu.memref_squeeze %dma_start3A_116 : memref<1x88x128xf32, #tpu.memory_space<vmem>> -> memref<88x128xf32, #tpu.memory_space<vmem>>
      %dma_start3A_118 = arith.constant 0 : i32
      %dma_start3A_119 = tpu.memref_slice %arg15[%add3A_30, %dma_start3A_118] : memref<10240x128xf32, #tpu.memory_space<vmem_shared>> -> memref<88x128xf32, #tpu.memory_space<vmem_shared>>
      %dma_start3A_120 = arith.constant 0 : i32
      %dma_start3A_121 = tpu.memref_slice %arg15[%add3A_30, %dma_start3A_120] : memref<10240x128xf32, #tpu.memory_space<vmem_shared>> -> memref<88x128xf32, #tpu.memory_space<vmem_shared>>
      %dma_start3A_122 = arith.constant 0 : i32
      %dma_start3A_123 = arith.constant 0 : i32
      %dma_start3A_124 = tpu.memref_slice %arg14[%run_scoped3A_31, %dma_start3A_122, %dma_start3A_123] : memref<4x88x128xf32, #tpu.memory_space<vmem>> -> memref<1x88x128xf32, #tpu.memory_space<vmem>>
      %dma_start3A_125 = tpu.memref_squeeze %dma_start3A_124 : memref<1x88x128xf32, #tpu.memory_space<vmem>> -> memref<88x128xf32, #tpu.memory_space<vmem>>
      tpu.enqueue_dma source(%dma_start3A_125 : memref<88x128xf32, #tpu.memory_space<vmem>>) target(%dma_start3A_121 : memref<88x128xf32, #tpu.memory_space<vmem_shared>>) target_semaphore(%run_scoped3A_113 : memref<!tpu.dma_semaphore, #tpu.memory_space<semaphore_mem>>)
      %dma_wait3A_126 = arith.constant 0 : i32
      %dma_wait3A_127 = arith.constant 0 : i32
      %dma_wait3A_128 = tpu.memref_slice %arg14[%run_scoped3A_31, %dma_wait3A_126, %dma_wait3A_127] : memref<4x88x128xf32, #tpu.memory_space<vmem>> -> memref<1x88x128xf32, #tpu.memory_space<vmem>>
      %dma_wait3A_129 = tpu.memref_squeeze %dma_wait3A_128 : memref<1x88x128xf32, #tpu.memory_space<vmem>> -> memref<88x128xf32, #tpu.memory_space<vmem>>
      %dma_wait3A_130 = arith.constant 0 : i32
      %dma_wait3A_131 = tpu.memref_slice %arg15[%add3A_30, %dma_wait3A_130] : memref<10240x128xf32, #tpu.memory_space<vmem_shared>> -> memref<88x128xf32, #tpu.memory_space<vmem_shared>>
      %dma_wait3A_132 = arith.constant 0 : i32
      %dma_wait3A_133 = tpu.memref_slice %arg15[%add3A_30, %dma_wait3A_132] : memref<10240x128xf32, #tpu.memory_space<vmem_shared>> -> memref<88x128xf32, #tpu.memory_space<vmem_shared>>
      %dma_wait3A_134 = arith.constant 0 : i32
      %dma_wait3A_135 = arith.constant 0 : i32
      %dma_wait3A_136 = tpu.memref_slice %arg14[%run_scoped3A_31, %dma_wait3A_134, %dma_wait3A_135] : memref<4x88x128xf32, #tpu.memory_space<vmem>> -> memref<1x88x128xf32, #tpu.memory_space<vmem>>
      %dma_wait3A_137 = tpu.memref_squeeze %dma_wait3A_136 : memref<1x88x128xf32, #tpu.memory_space<vmem>> -> memref<88x128xf32, #tpu.memory_space<vmem>>
      tpu.wait_dma2 semaphore(%run_scoped3A_113 : memref<!tpu.dma_semaphore, #tpu.memory_space<semaphore_mem>>) src(%dma_wait3A_137 : memref<88x128xf32, #tpu.memory_space<vmem>>) dst(%dma_wait3A_133 : memref<88x128xf32, #tpu.memory_space<vmem_shared>>)
      tpu.yield
    }) : () -> ()
    %mul3A_32 = arith.constant 640 : i32
    %mul3A_33 = arith.muli %arg1, %mul3A_32 : i32
    %add3A_34 = arith.constant 440 : i32
    %add3A_35 = arith.addi %mul3A_33, %add3A_34 : i32
    %run_scoped3A_36 = arith.constant 0 : i32
    "tpu.region"() ({
      %run_scoped3A_113 = tpu.sem_alloc : memref<!tpu.dma_semaphore, #tpu.memory_space<semaphore_mem>>
      %dma_start3A_114 = arith.constant 0 : i32
      %dma_start3A_115 = arith.constant 0 : i32
      %dma_start3A_116 = tpu.memref_slice %arg14[%run_scoped3A_36, %dma_start3A_114, %dma_start3A_115] : memref<4x88x128xf32, #tpu.memory_space<vmem>> -> memref<1x88x128xf32, #tpu.memory_space<vmem>>
      %dma_start3A_117 = tpu.memref_squeeze %dma_start3A_116 : memref<1x88x128xf32, #tpu.memory_space<vmem>> -> memref<88x128xf32, #tpu.memory_space<vmem>>
      %dma_start3A_118 = arith.constant 0 : i32
      %dma_start3A_119 = tpu.memref_slice %arg15[%add3A_35, %dma_start3A_118] : memref<10240x128xf32, #tpu.memory_space<vmem_shared>> -> memref<88x128xf32, #tpu.memory_space<vmem_shared>>
      %dma_start3A_120 = arith.constant 0 : i32
      %dma_start3A_121 = tpu.memref_slice %arg15[%add3A_35, %dma_start3A_120] : memref<10240x128xf32, #tpu.memory_space<vmem_shared>> -> memref<88x128xf32, #tpu.memory_space<vmem_shared>>
      %dma_start3A_122 = arith.constant 0 : i32
      %dma_start3A_123 = arith.constant 0 : i32
      %dma_start3A_124 = tpu.memref_slice %arg14[%run_scoped3A_36, %dma_start3A_122, %dma_start3A_123] : memref<4x88x128xf32, #tpu.memory_space<vmem>> -> memref<1x88x128xf32, #tpu.memory_space<vmem>>
      %dma_start3A_125 = tpu.memref_squeeze %dma_start3A_124 : memref<1x88x128xf32, #tpu.memory_space<vmem>> -> memref<88x128xf32, #tpu.memory_space<vmem>>
      tpu.enqueue_dma source(%dma_start3A_125 : memref<88x128xf32, #tpu.memory_space<vmem>>) target(%dma_start3A_121 : memref<88x128xf32, #tpu.memory_space<vmem_shared>>) target_semaphore(%run_scoped3A_113 : memref<!tpu.dma_semaphore, #tpu.memory_space<semaphore_mem>>)
      %dma_wait3A_126 = arith.constant 0 : i32
      %dma_wait3A_127 = arith.constant 0 : i32
      %dma_wait3A_128 = tpu.memref_slice %arg14[%run_scoped3A_36, %dma_wait3A_126, %dma_wait3A_127] : memref<4x88x128xf32, #tpu.memory_space<vmem>> -> memref<1x88x128xf32, #tpu.memory_space<vmem>>
      %dma_wait3A_129 = tpu.memref_squeeze %dma_wait3A_128 : memref<1x88x128xf32, #tpu.memory_space<vmem>> -> memref<88x128xf32, #tpu.memory_space<vmem>>
      %dma_wait3A_130 = arith.constant 0 : i32
      %dma_wait3A_131 = tpu.memref_slice %arg15[%add3A_35, %dma_wait3A_130] : memref<10240x128xf32, #tpu.memory_space<vmem_shared>> -> memref<88x128xf32, #tpu.memory_space<vmem_shared>>
      %dma_wait3A_132 = arith.constant 0 : i32
      %dma_wait3A_133 = tpu.memref_slice %arg15[%add3A_35, %dma_wait3A_132] : memref<10240x128xf32, #tpu.memory_space<vmem_shared>> -> memref<88x128xf32, #tpu.memory_space<vmem_shared>>
      %dma_wait3A_134 = arith.constant 0 : i32
      %dma_wait3A_135 = arith.constant 0 : i32
      %dma_wait3A_136 = tpu.memref_slice %arg14[%run_scoped3A_36, %dma_wait3A_134, %dma_wait3A_135] : memref<4x88x128xf32, #tpu.memory_space<vmem>> -> memref<1x88x128xf32, #tpu.memory_space<vmem>>
      %dma_wait3A_137 = tpu.memref_squeeze %dma_wait3A_136 : memref<1x88x128xf32, #tpu.memory_space<vmem>> -> memref<88x128xf32, #tpu.memory_space<vmem>>
      tpu.wait_dma2 semaphore(%run_scoped3A_113 : memref<!tpu.dma_semaphore, #tpu.memory_space<semaphore_mem>>) src(%dma_wait3A_137 : memref<88x128xf32, #tpu.memory_space<vmem>>) dst(%dma_wait3A_133 : memref<88x128xf32, #tpu.memory_space<vmem_shared>>)
      tpu.yield
    }) : () -> ()
    %mul3A_37 = arith.constant 640 : i32
    %mul3A_38 = arith.muli %arg1, %mul3A_37 : i32
    %add3A_39 = arith.constant 528 : i32
    %add3A_40 = arith.addi %mul3A_38, %add3A_39 : i32
    %run_scoped3A_41 = arith.constant 0 : i32
    "tpu.region"() ({
      %run_scoped3A_113 = tpu.sem_alloc : memref<!tpu.dma_semaphore, #tpu.memory_space<semaphore_mem>>
      %dma_start3A_114 = arith.constant 0 : i32
      %dma_start3A_115 = arith.constant 0 : i32
      %dma_start3A_116 = tpu.memref_slice %arg14[%run_scoped3A_41, %dma_start3A_114, %dma_start3A_115] : memref<4x88x128xf32, #tpu.memory_space<vmem>> -> memref<1x88x128xf32, #tpu.memory_space<vmem>>
      %dma_start3A_117 = tpu.memref_squeeze %dma_start3A_116 : memref<1x88x128xf32, #tpu.memory_space<vmem>> -> memref<88x128xf32, #tpu.memory_space<vmem>>
      %dma_start3A_118 = arith.constant 0 : i32
      %dma_start3A_119 = tpu.memref_slice %arg15[%add3A_40, %dma_start3A_118] : memref<10240x128xf32, #tpu.memory_space<vmem_shared>> -> memref<88x128xf32, #tpu.memory_space<vmem_shared>>
      %dma_start3A_120 = arith.constant 0 : i32
      %dma_start3A_121 = tpu.memref_slice %arg15[%add3A_40, %dma_start3A_120] : memref<10240x128xf32, #tpu.memory_space<vmem_shared>> -> memref<88x128xf32, #tpu.memory_space<vmem_shared>>
      %dma_start3A_122 = arith.constant 0 : i32
      %dma_start3A_123 = arith.constant 0 : i32
      %dma_start3A_124 = tpu.memref_slice %arg14[%run_scoped3A_41, %dma_start3A_122, %dma_start3A_123] : memref<4x88x128xf32, #tpu.memory_space<vmem>> -> memref<1x88x128xf32, #tpu.memory_space<vmem>>
      %dma_start3A_125 = tpu.memref_squeeze %dma_start3A_124 : memref<1x88x128xf32, #tpu.memory_space<vmem>> -> memref<88x128xf32, #tpu.memory_space<vmem>>
      tpu.enqueue_dma source(%dma_start3A_125 : memref<88x128xf32, #tpu.memory_space<vmem>>) target(%dma_start3A_121 : memref<88x128xf32, #tpu.memory_space<vmem_shared>>) target_semaphore(%run_scoped3A_113 : memref<!tpu.dma_semaphore, #tpu.memory_space<semaphore_mem>>)
      %dma_wait3A_126 = arith.constant 0 : i32
      %dma_wait3A_127 = arith.constant 0 : i32
      %dma_wait3A_128 = tpu.memref_slice %arg14[%run_scoped3A_41, %dma_wait3A_126, %dma_wait3A_127] : memref<4x88x128xf32, #tpu.memory_space<vmem>> -> memref<1x88x128xf32, #tpu.memory_space<vmem>>
      %dma_wait3A_129 = tpu.memref_squeeze %dma_wait3A_128 : memref<1x88x128xf32, #tpu.memory_space<vmem>> -> memref<88x128xf32, #tpu.memory_space<vmem>>
      %dma_wait3A_130 = arith.constant 0 : i32
      %dma_wait3A_131 = tpu.memref_slice %arg15[%add3A_40, %dma_wait3A_130] : memref<10240x128xf32, #tpu.memory_space<vmem_shared>> -> memref<88x128xf32, #tpu.memory_space<vmem_shared>>
      %dma_wait3A_132 = arith.constant 0 : i32
      %dma_wait3A_133 = tpu.memref_slice %arg15[%add3A_40, %dma_wait3A_132] : memref<10240x128xf32, #tpu.memory_space<vmem_shared>> -> memref<88x128xf32, #tpu.memory_space<vmem_shared>>
      %dma_wait3A_134 = arith.constant 0 : i32
      %dma_wait3A_135 = arith.constant 0 : i32
      %dma_wait3A_136 = tpu.memref_slice %arg14[%run_scoped3A_41, %dma_wait3A_134, %dma_wait3A_135] : memref<4x88x128xf32, #tpu.memory_space<vmem>> -> memref<1x88x128xf32, #tpu.memory_space<vmem>>
      %dma_wait3A_137 = tpu.memref_squeeze %dma_wait3A_136 : memref<1x88x128xf32, #tpu.memory_space<vmem>> -> memref<88x128xf32, #tpu.memory_space<vmem>>
      tpu.wait_dma2 semaphore(%run_scoped3A_113 : memref<!tpu.dma_semaphore, #tpu.memory_space<semaphore_mem>>) src(%dma_wait3A_137 : memref<88x128xf32, #tpu.memory_space<vmem>>) dst(%dma_wait3A_133 : memref<88x128xf32, #tpu.memory_space<vmem_shared>>)
      tpu.yield
    }) : () -> ()
    %mul3A_42 = arith.constant 640 : i32
    %mul3A_43 = arith.muli %arg1, %mul3A_42 : i32
    %add3A_44 = arith.constant 616 : i32
    %add3A_45 = arith.addi %mul3A_43, %add3A_44 : i32
    %run_scoped3A_46 = arith.constant 0 : i32
    "tpu.region"() ({
      %run_scoped3A_113 = tpu.sem_alloc : memref<!tpu.dma_semaphore, #tpu.memory_space<semaphore_mem>>
      %dma_start3A_114 = arith.constant 0 : i32
      %dma_start3A_115 = arith.constant 0 : i32
      %dma_start3A_116 = tpu.memref_slice %arg14[%run_scoped3A_46, %dma_start3A_114, %dma_start3A_115] : memref<4x88x128xf32, #tpu.memory_space<vmem>> -> memref<1x24x128xf32, #tpu.memory_space<vmem>>
      %dma_start3A_117 = tpu.memref_squeeze %dma_start3A_116 : memref<1x24x128xf32, #tpu.memory_space<vmem>> -> memref<24x128xf32, #tpu.memory_space<vmem>>
      %dma_start3A_118 = arith.constant 0 : i32
      %dma_start3A_119 = tpu.memref_slice %arg15[%add3A_45, %dma_start3A_118] : memref<10240x128xf32, #tpu.memory_space<vmem_shared>> -> memref<24x128xf32, #tpu.memory_space<vmem_shared>>
      %dma_start3A_120 = arith.constant 0 : i32
      %dma_start3A_121 = tpu.memref_slice %arg15[%add3A_45, %dma_start3A_120] : memref<10240x128xf32, #tpu.memory_space<vmem_shared>> -> memref<24x128xf32, #tpu.memory_space<vmem_shared>>
      %dma_start3A_122 = arith.constant 0 : i32
      %dma_start3A_123 = arith.constant 0 : i32
      %dma_start3A_124 = tpu.memref_slice %arg14[%run_scoped3A_46, %dma_start3A_122, %dma_start3A_123] : memref<4x88x128xf32, #tpu.memory_space<vmem>> -> memref<1x24x128xf32, #tpu.memory_space<vmem>>
      %dma_start3A_125 = tpu.memref_squeeze %dma_start3A_124 : memref<1x24x128xf32, #tpu.memory_space<vmem>> -> memref<24x128xf32, #tpu.memory_space<vmem>>
      tpu.enqueue_dma source(%dma_start3A_125 : memref<24x128xf32, #tpu.memory_space<vmem>>) target(%dma_start3A_121 : memref<24x128xf32, #tpu.memory_space<vmem_shared>>) target_semaphore(%run_scoped3A_113 : memref<!tpu.dma_semaphore, #tpu.memory_space<semaphore_mem>>)
      %dma_wait3A_126 = arith.constant 0 : i32
      %dma_wait3A_127 = arith.constant 0 : i32
      %dma_wait3A_128 = tpu.memref_slice %arg14[%run_scoped3A_46, %dma_wait3A_126, %dma_wait3A_127] : memref<4x88x128xf32, #tpu.memory_space<vmem>> -> memref<1x24x128xf32, #tpu.memory_space<vmem>>
      %dma_wait3A_129 = tpu.memref_squeeze %dma_wait3A_128 : memref<1x24x128xf32, #tpu.memory_space<vmem>> -> memref<24x128xf32, #tpu.memory_space<vmem>>
      %dma_wait3A_130 = arith.constant 0 : i32
      %dma_wait3A_131 = tpu.memref_slice %arg15[%add3A_45, %dma_wait3A_130] : memref<10240x128xf32, #tpu.memory_space<vmem_shared>> -> memref<24x128xf32, #tpu.memory_space<vmem_shared>>
      %dma_wait3A_132 = arith.constant 0 : i32
      %dma_wait3A_133 = tpu.memref_slice %arg15[%add3A_45, %dma_wait3A_132] : memref<10240x128xf32, #tpu.memory_space<vmem_shared>> -> memref<24x128xf32, #tpu.memory_space<vmem_shared>>
      %dma_wait3A_134 = arith.constant 0 : i32
      %dma_wait3A_135 = arith.constant 0 : i32
      %dma_wait3A_136 = tpu.memref_slice %arg14[%run_scoped3A_46, %dma_wait3A_134, %dma_wait3A_135] : memref<4x88x128xf32, #tpu.memory_space<vmem>> -> memref<1x24x128xf32, #tpu.memory_space<vmem>>
      %dma_wait3A_137 = tpu.memref_squeeze %dma_wait3A_136 : memref<1x24x128xf32, #tpu.memory_space<vmem>> -> memref<24x128xf32, #tpu.memory_space<vmem>>
      tpu.wait_dma2 semaphore(%run_scoped3A_113 : memref<!tpu.dma_semaphore, #tpu.memory_space<semaphore_mem>>) src(%dma_wait3A_137 : memref<24x128xf32, #tpu.memory_space<vmem>>) dst(%dma_wait3A_133 : memref<24x128xf32, #tpu.memory_space<vmem_shared>>)
      tpu.yield
    }) : () -> ()
    %add3A_47 = arith.constant 0 : i32
    %add3A_48 = arith.addi %mul3A_2, %add3A_47 : i32
    "tpu.region"() ({
      %run_scoped3A_113 = tpu.sem_alloc : memref<!tpu.dma_semaphore, #tpu.memory_space<semaphore_mem>>
      %dma_start3A_114 = tpu.memref_slice %arg3[%add3A_48] : memref<326656xi32, #tpu.memory_space<hbm>> -> memref<88xi32, #tpu.memory_space<hbm>>
      %dma_start3A_115 = tpu.memref_slice %arg3[%add3A_48] : memref<326656xi32, #tpu.memory_space<hbm>> -> memref<88xi32, #tpu.memory_space<hbm>>
      tpu.enqueue_dma source(%dma_start3A_115 : memref<88xi32, #tpu.memory_space<hbm>>) target(%arg6 : memref<88xi32, #tpu.memory_space<vmem>>) target_semaphore(%run_scoped3A_113 : memref<!tpu.dma_semaphore, #tpu.memory_space<semaphore_mem>>)
      %dma_wait3A_116 = tpu.memref_slice %arg3[%add3A_48] : memref<326656xi32, #tpu.memory_space<hbm>> -> memref<88xi32, #tpu.memory_space<hbm>>
      %dma_wait3A_117 = tpu.memref_slice %arg3[%add3A_48] : memref<326656xi32, #tpu.memory_space<hbm>> -> memref<88xi32, #tpu.memory_space<hbm>>
      tpu.wait_dma2 semaphore(%run_scoped3A_113 : memref<!tpu.dma_semaphore, #tpu.memory_space<semaphore_mem>>) src(%dma_wait3A_117 : memref<88xi32, #tpu.memory_space<hbm>>) dst(%arg6 : memref<88xi32, #tpu.memory_space<vmem>>)
      tpu.yield
    }) : () -> ()
    %dma_start3A = arith.constant 0 : i32
    %dma_start3A_49 = arith.constant 0 : i32
    %dma_start3A_50 = arith.constant 0 : i32
    %dma_start3A_51 = tpu.memref_slice %arg14[%dma_start3A, %dma_start3A_49, %dma_start3A_50] : memref<4x88x128xf32, #tpu.memory_space<vmem>> -> memref<1x88x128xf32, #tpu.memory_space<vmem>>
    %dma_start3A_52 = tpu.memref_squeeze %dma_start3A_51 : memref<1x88x128xf32, #tpu.memory_space<vmem>> -> memref<88x128xf32, #tpu.memory_space<vmem>>
    %dma_start3A_53 = arith.constant 0 : i32
    %dma_start3A_54 = arith.constant 0 : i32
    %dma_start3A_55 = tpu.memref_slice %arg2[%dma_start3A_53, %dma_start3A_54] : memref<10240x128xf32, #tpu.memory_space<hbm>> -> memref<10240x128xf32, #tpu.memory_space<hbm>>
    tpu.enqueue_indirect_dma source(%dma_start3A_55 : memref<10240x128xf32, #tpu.memory_space<hbm>>) target(%dma_start3A_52 : memref<88x128xf32, #tpu.memory_space<vmem>>) offsets(%arg6 : memref<88xi32, #tpu.memory_space<vmem>>) semaphore(%arg24 : memref<!tpu.dma_semaphore, #tpu.memory_space<semaphore_mem>>)
    %add3A_56 = arith.constant 88 : i32
    %add3A_57 = arith.addi %mul3A_2, %add3A_56 : i32
    "tpu.region"() ({
      %run_scoped3A_113 = tpu.sem_alloc : memref<!tpu.dma_semaphore, #tpu.memory_space<semaphore_mem>>
      %dma_start3A_114 = tpu.memref_slice %arg3[%add3A_57] : memref<326656xi32, #tpu.memory_space<hbm>> -> memref<88xi32, #tpu.memory_space<hbm>>
      %dma_start3A_115 = tpu.memref_slice %arg3[%add3A_57] : memref<326656xi32, #tpu.memory_space<hbm>> -> memref<88xi32, #tpu.memory_space<hbm>>
      tpu.enqueue_dma source(%dma_start3A_115 : memref<88xi32, #tpu.memory_space<hbm>>) target(%arg7 : memref<88xi32, #tpu.memory_space<vmem>>) target_semaphore(%run_scoped3A_113 : memref<!tpu.dma_semaphore, #tpu.memory_space<semaphore_mem>>)
      %dma_wait3A_116 = tpu.memref_slice %arg3[%add3A_57] : memref<326656xi32, #tpu.memory_space<hbm>> -> memref<88xi32, #tpu.memory_space<hbm>>
      %dma_wait3A_117 = tpu.memref_slice %arg3[%add3A_57] : memref<326656xi32, #tpu.memory_space<hbm>> -> memref<88xi32, #tpu.memory_space<hbm>>
      tpu.wait_dma2 semaphore(%run_scoped3A_113 : memref<!tpu.dma_semaphore, #tpu.memory_space<semaphore_mem>>) src(%dma_wait3A_117 : memref<88xi32, #tpu.memory_space<hbm>>) dst(%arg7 : memref<88xi32, #tpu.memory_space<vmem>>)
      tpu.yield
    }) : () -> ()
    %dma_start3A_58 = arith.constant 1 : i32
    %dma_start3A_59 = arith.constant 0 : i32
    %dma_start3A_60 = arith.constant 0 : i32
    %dma_start3A_61 = tpu.memref_slice %arg14[%dma_start3A_58, %dma_start3A_59, %dma_start3A_60] : memref<4x88x128xf32, #tpu.memory_space<vmem>> -> memref<1x88x128xf32, #tpu.memory_space<vmem>>
    %dma_start3A_62 = tpu.memref_squeeze %dma_start3A_61 : memref<1x88x128xf32, #tpu.memory_space<vmem>> -> memref<88x128xf32, #tpu.memory_space<vmem>>
    %dma_start3A_63 = arith.constant 0 : i32
    %dma_start3A_64 = arith.constant 0 : i32
    %dma_start3A_65 = tpu.memref_slice %arg2[%dma_start3A_63, %dma_start3A_64] : memref<10240x128xf32, #tpu.memory_space<hbm>> -> memref<10240x128xf32, #tpu.memory_space<hbm>>
    tpu.enqueue_indirect_dma source(%dma_start3A_65 : memref<10240x128xf32, #tpu.memory_space<hbm>>) target(%dma_start3A_62 : memref<88x128xf32, #tpu.memory_space<vmem>>) offsets(%arg7 : memref<88xi32, #tpu.memory_space<vmem>>) semaphore(%arg25 : memref<!tpu.dma_semaphore, #tpu.memory_space<semaphore_mem>>)
    %add3A_66 = arith.constant 176 : i32
    %add3A_67 = arith.addi %mul3A_2, %add3A_66 : i32
    "tpu.region"() ({
      %run_scoped3A_113 = tpu.sem_alloc : memref<!tpu.dma_semaphore, #tpu.memory_space<semaphore_mem>>
      %dma_start3A_114 = tpu.memref_slice %arg3[%add3A_67] : memref<326656xi32, #tpu.memory_space<hbm>> -> memref<88xi32, #tpu.memory_space<hbm>>
      %dma_start3A_115 = tpu.memref_slice %arg3[%add3A_67] : memref<326656xi32, #tpu.memory_space<hbm>> -> memref<88xi32, #tpu.memory_space<hbm>>
      tpu.enqueue_dma source(%dma_start3A_115 : memref<88xi32, #tpu.memory_space<hbm>>) target(%arg8 : memref<88xi32, #tpu.memory_space<vmem>>) target_semaphore(%run_scoped3A_113 : memref<!tpu.dma_semaphore, #tpu.memory_space<semaphore_mem>>)
      %dma_wait3A_116 = tpu.memref_slice %arg3[%add3A_67] : memref<326656xi32, #tpu.memory_space<hbm>> -> memref<88xi32, #tpu.memory_space<hbm>>
      %dma_wait3A_117 = tpu.memref_slice %arg3[%add3A_67] : memref<326656xi32, #tpu.memory_space<hbm>> -> memref<88xi32, #tpu.memory_space<hbm>>
      tpu.wait_dma2 semaphore(%run_scoped3A_113 : memref<!tpu.dma_semaphore, #tpu.memory_space<semaphore_mem>>) src(%dma_wait3A_117 : memref<88xi32, #tpu.memory_space<hbm>>) dst(%arg8 : memref<88xi32, #tpu.memory_space<vmem>>)
      tpu.yield
    }) : () -> ()
    %dma_start3A_68 = arith.constant 2 : i32
    %dma_start3A_69 = arith.constant 0 : i32
    %dma_start3A_70 = arith.constant 0 : i32
    %dma_start3A_71 = tpu.memref_slice %arg14[%dma_start3A_68, %dma_start3A_69, %dma_start3A_70] : memref<4x88x128xf32, #tpu.memory_space<vmem>> -> memref<1x88x128xf32, #tpu.memory_space<vmem>>
    %dma_start3A_72 = tpu.memref_squeeze %dma_start3A_71 : memref<1x88x128xf32, #tpu.memory_space<vmem>> -> memref<88x128xf32, #tpu.memory_space<vmem>>
    %dma_start3A_73 = arith.constant 0 : i32
    %dma_start3A_74 = arith.constant 0 : i32
    %dma_start3A_75 = tpu.memref_slice %arg2[%dma_start3A_73, %dma_start3A_74] : memref<10240x128xf32, #tpu.memory_space<hbm>> -> memref<10240x128xf32, #tpu.memory_space<hbm>>
    tpu.enqueue_indirect_dma source(%dma_start3A_75 : memref<10240x128xf32, #tpu.memory_space<hbm>>) target(%dma_start3A_72 : memref<88x128xf32, #tpu.memory_space<vmem>>) offsets(%arg8 : memref<88xi32, #tpu.memory_space<vmem>>) semaphore(%arg26 : memref<!tpu.dma_semaphore, #tpu.memory_space<semaphore_mem>>)
    %add3A_76 = arith.constant 264 : i32
    %add3A_77 = arith.addi %mul3A_2, %add3A_76 : i32
    %dma_start3A_78 = tpu.memref_slice %arg3[%add3A_77] : memref<326656xi32, #tpu.memory_space<hbm>> -> memref<88xi32, #tpu.memory_space<hbm>>
    %dma_start3A_79 = tpu.memref_slice %arg3[%add3A_77] : memref<326656xi32, #tpu.memory_space<hbm>> -> memref<88xi32, #tpu.memory_space<hbm>>
    tpu.enqueue_dma source(%dma_start3A_79 : memref<88xi32, #tpu.memory_space<hbm>>) target(%arg9 : memref<88xi32, #tpu.memory_space<vmem>>) target_semaphore(%arg19 : memref<!tpu.dma_semaphore, #tpu.memory_space<semaphore_mem>>)
    %add3A_80 = arith.constant 0 : i32
    %add3A_81 = arith.addi %mul3A_2, %add3A_80 : i32
    %dma_start3A_82 = tpu.memref_slice %arg4[%add3A_81] : memref<326656xi32, #tpu.memory_space<hbm>> -> memref<88xi32, #tpu.memory_space<hbm>>
    %dma_start3A_83 = tpu.memref_slice %arg4[%add3A_81] : memref<326656xi32, #tpu.memory_space<hbm>> -> memref<88xi32, #tpu.memory_space<hbm>>
    tpu.enqueue_dma source(%dma_start3A_83 : memref<88xi32, #tpu.memory_space<hbm>>) target(%arg10 : memref<88xi32, #tpu.memory_space<vmem>>) target_semaphore(%arg20 : memref<!tpu.dma_semaphore, #tpu.memory_space<semaphore_mem>>)
    %add3A_84 = arith.constant 88 : i32
    %add3A_85 = arith.addi %mul3A_2, %add3A_84 : i32
    %dma_start3A_86 = tpu.memref_slice %arg4[%add3A_85] : memref<326656xi32, #tpu.memory_space<hbm>> -> memref<88xi32, #tpu.memory_space<hbm>>
    %dma_start3A_87 = tpu.memref_slice %arg4[%add3A_85] : memref<326656xi32, #tpu.memory_space<hbm>> -> memref<88xi32, #tpu.memory_space<hbm>>
    tpu.enqueue_dma source(%dma_start3A_87 : memref<88xi32, #tpu.memory_space<hbm>>) target(%arg11 : memref<88xi32, #tpu.memory_space<vmem>>) target_semaphore(%arg21 : memref<!tpu.dma_semaphore, #tpu.memory_space<semaphore_mem>>)
    %add3A_88 = arith.constant 176 : i32
    %add3A_89 = arith.addi %mul3A_2, %add3A_88 : i32
    %dma_start3A_90 = tpu.memref_slice %arg4[%add3A_89] : memref<326656xi32, #tpu.memory_space<hbm>> -> memref<88xi32, #tpu.memory_space<hbm>>
    %dma_start3A_91 = tpu.memref_slice %arg4[%add3A_89] : memref<326656xi32, #tpu.memory_space<hbm>> -> memref<88xi32, #tpu.memory_space<hbm>>
    tpu.enqueue_dma source(%dma_start3A_91 : memref<88xi32, #tpu.memory_space<hbm>>) target(%arg12 : memref<88xi32, #tpu.memory_space<vmem>>) target_semaphore(%arg22 : memref<!tpu.dma_semaphore, #tpu.memory_space<semaphore_mem>>)
    %barrier3A = arith.constant 0 : index
    tpu.barrier barrier_id(%barrier3A)
    %scan3A_92 = arith.constant 0 : i32
    %scan3A_93 = arith.constant 0 : i32
    %scan3A_94 = arith.constant 29 : i32
    %scan3A_95 = arith.addi %scan3A_93, %scan3A_94 : i32
    %scan3A_96 = arith.constant 1 : i32
    scf.for %scan3A_113 = %scan3A_93 to %scan3A_95 step %scan3A_96  : i32 {
      %mul3A_114 = arith.constant 4 : i32
      %mul3A_115 = arith.muli %scan3A_113, %mul3A_114 : i32
      %add3A_116 = arith.constant 0 : i32
      %add3A_117 = arith.addi %mul3A_115, %add3A_116 : i32
      %dma_wait3A_118 = arith.constant 0 : i32
      %dma_wait3A_119 = arith.constant 0 : i32
      %dma_wait3A_120 = arith.constant 0 : i32
      %dma_wait3A_121 = tpu.memref_slice %arg14[%dma_wait3A_118, %dma_wait3A_119, %dma_wait3A_120] : memref<4x88x128xf32, #tpu.memory_space<vmem>> -> memref<1x88x128xf32, #tpu.memory_space<vmem>>
      %dma_wait3A_122 = tpu.memref_squeeze %dma_wait3A_121 : memref<1x88x128xf32, #tpu.memory_space<vmem>> -> memref<88x128xf32, #tpu.memory_space<vmem>>
      %dma_wait3A_123 = arith.constant 0 : i32
      %dma_wait3A_124 = arith.constant 0 : i32
      %dma_wait3A_125 = tpu.memref_slice %arg2[%dma_wait3A_123, %dma_wait3A_124] : memref<10240x128xf32, #tpu.memory_space<hbm>> -> memref<10240x128xf32, #tpu.memory_space<hbm>>
      tpu.wait_indirect_dma semaphore(%arg24 : memref<!tpu.dma_semaphore, #tpu.memory_space<semaphore_mem>>) src(%dma_wait3A_125 : memref<10240x128xf32, #tpu.memory_space<hbm>>) dst(%dma_wait3A_122 : memref<88x128xf32, #tpu.memory_space<vmem>>)
      %add3A_126 = arith.constant 4 : i32
      %add3A_127 = arith.addi %add3A_117, %add3A_126 : i32
      %lt3A = arith.constant 116 : i32
      %lt3A_128 = arith.cmpi slt, %add3A_127, %lt3A : i32
      %convert_element_type3A = arith.extui %lt3A_128 : i1 to i32
      %cond3A = arith.constant 0 : i32
      %cond3A_129 = arith.cmpi ne, %convert_element_type3A, %cond3A : i32
      scf.if %cond3A_129 {
        %add3A_293 = arith.constant 4 : i32
        %add3A_294 = arith.addi %add3A_117, %add3A_293 : i32
        %mul3A_295 = arith.constant 88 : i32
        %mul3A_296 = arith.muli %add3A_294, %mul3A_295 : i32
        %add3A_297 = arith.addi %mul3A_2, %mul3A_296 : i32
        %dma_start3A_298 = tpu.memref_slice %arg3[%add3A_297] : memref<326656xi32, #tpu.memory_space<hbm>> -> memref<88xi32, #tpu.memory_space<hbm>>
        %dma_start3A_299 = tpu.memref_slice %arg3[%add3A_297] : memref<326656xi32, #tpu.memory_space<hbm>> -> memref<88xi32, #tpu.memory_space<hbm>>
        tpu.enqueue_dma source(%dma_start3A_299 : memref<88xi32, #tpu.memory_space<hbm>>) target(%arg6 : memref<88xi32, #tpu.memory_space<vmem>>) target_semaphore(%arg16 : memref<!tpu.dma_semaphore, #tpu.memory_space<semaphore_mem>>)
      } else {
      }
      %mul3A_130 = arith.constant 88 : i32
      %mul3A_131 = arith.muli %add3A_117, %mul3A_130 : i32
      %add3A_132 = arith.addi %mul3A_2, %mul3A_131 : i32
      %dma_wait3A_133 = tpu.memref_slice %arg4[%add3A_132] : memref<326656xi32, #tpu.memory_space<hbm>> -> memref<88xi32, #tpu.memory_space<hbm>>
      %dma_wait3A_134 = tpu.memref_slice %arg4[%add3A_132] : memref<326656xi32, #tpu.memory_space<hbm>> -> memref<88xi32, #tpu.memory_space<hbm>>
      tpu.wait_dma2 semaphore(%arg20 : memref<!tpu.dma_semaphore, #tpu.memory_space<semaphore_mem>>) src(%dma_wait3A_134 : memref<88xi32, #tpu.memory_space<hbm>>) dst(%arg10 : memref<88xi32, #tpu.memory_space<vmem>>)
      %dma_start3A_135 = arith.constant 0 : i32
      %dma_start3A_136 = arith.constant 0 : i32
      %dma_start3A_137 = arith.constant 0 : i32
      %dma_start3A_138 = tpu.memref_slice %arg14[%dma_start3A_135, %dma_start3A_136, %dma_start3A_137] : memref<4x88x128xf32, #tpu.memory_space<vmem>> -> memref<1x88x128xf32, #tpu.memory_space<vmem>>
      %dma_start3A_139 = tpu.memref_squeeze %dma_start3A_138 : memref<1x88x128xf32, #tpu.memory_space<vmem>> -> memref<88x128xf32, #tpu.memory_space<vmem>>
      %dma_start3A_140 = arith.constant 0 : i32
      %dma_start3A_141 = arith.constant 0 : i32
      %dma_start3A_142 = tpu.memref_slice %arg15[%dma_start3A_140, %dma_start3A_141] : memref<10240x128xf32, #tpu.memory_space<vmem_shared>> -> memref<10240x128xf32, #tpu.memory_space<vmem_shared>>
      tpu.enqueue_indirect_dma source(%dma_start3A_139 : memref<88x128xf32, #tpu.memory_space<vmem>>) target(%dma_start3A_142 : memref<10240x128xf32, #tpu.memory_space<vmem_shared>>) offsets(%arg10 : memref<88xi32, #tpu.memory_space<vmem>>) semaphore(%arg28 : memref<!tpu.dma_semaphore, #tpu.memory_space<semaphore_mem>>) {add = true}
      %ge3A = arith.constant 1 : i32
      %ge3A_143 = arith.cmpi sge, %add3A_117, %ge3A : i32
      %convert_element_type3A_144 = arith.extui %ge3A_143 : i1 to i32
      %cond3A_145 = arith.constant 0 : i32
      %cond3A_146 = arith.cmpi ne, %convert_element_type3A_144, %cond3A_145 : i32
      scf.if %cond3A_146 {
        %dma_wait3A_293 = arith.constant 3 : i32
        %dma_wait3A_294 = arith.constant 0 : i32
        %dma_wait3A_295 = arith.constant 0 : i32
        %dma_wait3A_296 = tpu.memref_slice %arg14[%dma_wait3A_293, %dma_wait3A_294, %dma_wait3A_295] : memref<4x88x128xf32, #tpu.memory_space<vmem>> -> memref<1x88x128xf32, #tpu.memory_space<vmem>>
        %dma_wait3A_297 = tpu.memref_squeeze %dma_wait3A_296 : memref<1x88x128xf32, #tpu.memory_space<vmem>> -> memref<88x128xf32, #tpu.memory_space<vmem>>
        %dma_wait3A_298 = arith.constant 0 : i32
        %dma_wait3A_299 = arith.constant 0 : i32
        %dma_wait3A_300 = tpu.memref_slice %arg15[%dma_wait3A_298, %dma_wait3A_299] : memref<10240x128xf32, #tpu.memory_space<vmem_shared>> -> memref<10240x128xf32, #tpu.memory_space<vmem_shared>>
        tpu.wait_indirect_dma semaphore(%arg31 : memref<!tpu.dma_semaphore, #tpu.memory_space<semaphore_mem>>) src(%dma_wait3A_297 : memref<88x128xf32, #tpu.memory_space<vmem>>) dst(%dma_wait3A_300 : memref<10240x128xf32, #tpu.memory_space<vmem_shared>>)
      } else {
      }
      %add3A_147 = arith.constant 4 : i32
      %add3A_148 = arith.addi %add3A_117, %add3A_147 : i32
      %sub3A = arith.constant 1 : i32
      %sub3A_149 = arith.subi %add3A_148, %sub3A : i32
      %lt3A_150 = arith.constant 116 : i32
      %lt3A_151 = arith.cmpi slt, %sub3A_149, %lt3A_150 : i32
      %convert_element_type3A_152 = arith.extui %lt3A_151 : i1 to i32
      %cond3A_153 = arith.constant 0 : i32
      %cond3A_154 = arith.cmpi ne, %convert_element_type3A_152, %cond3A_153 : i32
      scf.if %cond3A_154 {
        %add3A_293 = arith.constant 4 : i32
        %add3A_294 = arith.addi %add3A_117, %add3A_293 : i32
        %sub3A_295 = arith.constant 1 : i32
        %sub3A_296 = arith.subi %add3A_294, %sub3A_295 : i32
        %mul3A_297 = arith.constant 88 : i32
        %mul3A_298 = arith.muli %sub3A_296, %mul3A_297 : i32
        %add3A_299 = arith.addi %mul3A_2, %mul3A_298 : i32
        %dma_start3A_300 = tpu.memref_slice %arg4[%add3A_299] : memref<326656xi32, #tpu.memory_space<hbm>> -> memref<88xi32, #tpu.memory_space<hbm>>
        %dma_start3A_301 = tpu.memref_slice %arg4[%add3A_299] : memref<326656xi32, #tpu.memory_space<hbm>> -> memref<88xi32, #tpu.memory_space<hbm>>
        tpu.enqueue_dma source(%dma_start3A_301 : memref<88xi32, #tpu.memory_space<hbm>>) target(%arg13 : memref<88xi32, #tpu.memory_space<vmem>>) target_semaphore(%arg23 : memref<!tpu.dma_semaphore, #tpu.memory_space<semaphore_mem>>)
        %add3A_302 = arith.constant 4 : i32
        %add3A_303 = arith.addi %add3A_117, %add3A_302 : i32
        %sub3A_304 = arith.constant 1 : i32
        %sub3A_305 = arith.subi %add3A_303, %sub3A_304 : i32
        %mul3A_306 = arith.constant 88 : i32
        %mul3A_307 = arith.muli %sub3A_305, %mul3A_306 : i32
        %add3A_308 = arith.addi %mul3A_2, %mul3A_307 : i32
        %dma_wait3A_309 = tpu.memref_slice %arg3[%add3A_308] : memref<326656xi32, #tpu.memory_space<hbm>> -> memref<88xi32, #tpu.memory_space<hbm>>
        %dma_wait3A_310 = tpu.memref_slice %arg3[%add3A_308] : memref<326656xi32, #tpu.memory_space<hbm>> -> memref<88xi32, #tpu.memory_space<hbm>>
        tpu.wait_dma2 semaphore(%arg19 : memref<!tpu.dma_semaphore, #tpu.memory_space<semaphore_mem>>) src(%dma_wait3A_310 : memref<88xi32, #tpu.memory_space<hbm>>) dst(%arg9 : memref<88xi32, #tpu.memory_space<vmem>>)
        %dma_start3A_311 = arith.constant 3 : i32
        %dma_start3A_312 = arith.constant 0 : i32
        %dma_start3A_313 = arith.constant 0 : i32
        %dma_start3A_314 = tpu.memref_slice %arg14[%dma_start3A_311, %dma_start3A_312, %dma_start3A_313] : memref<4x88x128xf32, #tpu.memory_space<vmem>> -> memref<1x88x128xf32, #tpu.memory_space<vmem>>
        %dma_start3A_315 = tpu.memref_squeeze %dma_start3A_314 : memref<1x88x128xf32, #tpu.memory_space<vmem>> -> memref<88x128xf32, #tpu.memory_space<vmem>>
        %dma_start3A_316 = arith.constant 0 : i32
        %dma_start3A_317 = arith.constant 0 : i32
        %dma_start3A_318 = tpu.memref_slice %arg2[%dma_start3A_316, %dma_start3A_317] : memref<10240x128xf32, #tpu.memory_space<hbm>> -> memref<10240x128xf32, #tpu.memory_space<hbm>>
        tpu.enqueue_indirect_dma source(%dma_start3A_318 : memref<10240x128xf32, #tpu.memory_space<hbm>>) target(%dma_start3A_315 : memref<88x128xf32, #tpu.memory_space<vmem>>) offsets(%arg9 : memref<88xi32, #tpu.memory_space<vmem>>) semaphore(%arg27 : memref<!tpu.dma_semaphore, #tpu.memory_space<semaphore_mem>>)
      } else {
      }
      %mul3A_155 = arith.constant 4 : i32
      %mul3A_156 = arith.muli %scan3A_113, %mul3A_155 : i32
      %add3A_157 = arith.constant 1 : i32
      %add3A_158 = arith.addi %mul3A_156, %add3A_157 : i32
      %dma_wait3A_159 = arith.constant 1 : i32
      %dma_wait3A_160 = arith.constant 0 : i32
      %dma_wait3A_161 = arith.constant 0 : i32
      %dma_wait3A_162 = tpu.memref_slice %arg14[%dma_wait3A_159, %dma_wait3A_160, %dma_wait3A_161] : memref<4x88x128xf32, #tpu.memory_space<vmem>> -> memref<1x88x128xf32, #tpu.memory_space<vmem>>
      %dma_wait3A_163 = tpu.memref_squeeze %dma_wait3A_162 : memref<1x88x128xf32, #tpu.memory_space<vmem>> -> memref<88x128xf32, #tpu.memory_space<vmem>>
      %dma_wait3A_164 = arith.constant 0 : i32
      %dma_wait3A_165 = arith.constant 0 : i32
      %dma_wait3A_166 = tpu.memref_slice %arg2[%dma_wait3A_164, %dma_wait3A_165] : memref<10240x128xf32, #tpu.memory_space<hbm>> -> memref<10240x128xf32, #tpu.memory_space<hbm>>
      tpu.wait_indirect_dma semaphore(%arg25 : memref<!tpu.dma_semaphore, #tpu.memory_space<semaphore_mem>>) src(%dma_wait3A_166 : memref<10240x128xf32, #tpu.memory_space<hbm>>) dst(%dma_wait3A_163 : memref<88x128xf32, #tpu.memory_space<vmem>>)
      %add3A_167 = arith.constant 4 : i32
      %add3A_168 = arith.addi %add3A_158, %add3A_167 : i32
      %lt3A_169 = arith.constant 116 : i32
      %lt3A_170 = arith.cmpi slt, %add3A_168, %lt3A_169 : i32
      %convert_element_type3A_171 = arith.extui %lt3A_170 : i1 to i32
      %cond3A_172 = arith.constant 0 : i32
      %cond3A_173 = arith.cmpi ne, %convert_element_type3A_171, %cond3A_172 : i32
      scf.if %cond3A_173 {
        %add3A_293 = arith.constant 4 : i32
        %add3A_294 = arith.addi %add3A_158, %add3A_293 : i32
        %mul3A_295 = arith.constant 88 : i32
        %mul3A_296 = arith.muli %add3A_294, %mul3A_295 : i32
        %add3A_297 = arith.addi %mul3A_2, %mul3A_296 : i32
        %dma_start3A_298 = tpu.memref_slice %arg3[%add3A_297] : memref<326656xi32, #tpu.memory_space<hbm>> -> memref<88xi32, #tpu.memory_space<hbm>>
        %dma_start3A_299 = tpu.memref_slice %arg3[%add3A_297] : memref<326656xi32, #tpu.memory_space<hbm>> -> memref<88xi32, #tpu.memory_space<hbm>>
        tpu.enqueue_dma source(%dma_start3A_299 : memref<88xi32, #tpu.memory_space<hbm>>) target(%arg7 : memref<88xi32, #tpu.memory_space<vmem>>) target_semaphore(%arg17 : memref<!tpu.dma_semaphore, #tpu.memory_space<semaphore_mem>>)
      } else {
      }
      %mul3A_174 = arith.constant 88 : i32
      %mul3A_175 = arith.muli %add3A_158, %mul3A_174 : i32
      %add3A_176 = arith.addi %mul3A_2, %mul3A_175 : i32
      %dma_wait3A_177 = tpu.memref_slice %arg4[%add3A_176] : memref<326656xi32, #tpu.memory_space<hbm>> -> memref<88xi32, #tpu.memory_space<hbm>>
      %dma_wait3A_178 = tpu.memref_slice %arg4[%add3A_176] : memref<326656xi32, #tpu.memory_space<hbm>> -> memref<88xi32, #tpu.memory_space<hbm>>
      tpu.wait_dma2 semaphore(%arg21 : memref<!tpu.dma_semaphore, #tpu.memory_space<semaphore_mem>>) src(%dma_wait3A_178 : memref<88xi32, #tpu.memory_space<hbm>>) dst(%arg11 : memref<88xi32, #tpu.memory_space<vmem>>)
      %dma_start3A_179 = arith.constant 1 : i32
      %dma_start3A_180 = arith.constant 0 : i32
      %dma_start3A_181 = arith.constant 0 : i32
      %dma_start3A_182 = tpu.memref_slice %arg14[%dma_start3A_179, %dma_start3A_180, %dma_start3A_181] : memref<4x88x128xf32, #tpu.memory_space<vmem>> -> memref<1x88x128xf32, #tpu.memory_space<vmem>>
      %dma_start3A_183 = tpu.memref_squeeze %dma_start3A_182 : memref<1x88x128xf32, #tpu.memory_space<vmem>> -> memref<88x128xf32, #tpu.memory_space<vmem>>
      %dma_start3A_184 = arith.constant 0 : i32
      %dma_start3A_185 = arith.constant 0 : i32
      %dma_start3A_186 = tpu.memref_slice %arg15[%dma_start3A_184, %dma_start3A_185] : memref<10240x128xf32, #tpu.memory_space<vmem_shared>> -> memref<10240x128xf32, #tpu.memory_space<vmem_shared>>
      tpu.enqueue_indirect_dma source(%dma_start3A_183 : memref<88x128xf32, #tpu.memory_space<vmem>>) target(%dma_start3A_186 : memref<10240x128xf32, #tpu.memory_space<vmem_shared>>) offsets(%arg11 : memref<88xi32, #tpu.memory_space<vmem>>) semaphore(%arg29 : memref<!tpu.dma_semaphore, #tpu.memory_space<semaphore_mem>>) {add = true}
      %ge3A_187 = arith.constant 1 : i32
      %ge3A_188 = arith.cmpi sge, %add3A_158, %ge3A_187 : i32
      %convert_element_type3A_189 = arith.extui %ge3A_188 : i1 to i32
      %cond3A_190 = arith.constant 0 : i32
      %cond3A_191 = arith.cmpi ne, %convert_element_type3A_189, %cond3A_190 : i32
      scf.if %cond3A_191 {
        %dma_wait3A_293 = arith.constant 0 : i32
        %dma_wait3A_294 = arith.constant 0 : i32
        %dma_wait3A_295 = arith.constant 0 : i32
        %dma_wait3A_296 = tpu.memref_slice %arg14[%dma_wait3A_293, %dma_wait3A_294, %dma_wait3A_295] : memref<4x88x128xf32, #tpu.memory_space<vmem>> -> memref<1x88x128xf32, #tpu.memory_space<vmem>>
        %dma_wait3A_297 = tpu.memref_squeeze %dma_wait3A_296 : memref<1x88x128xf32, #tpu.memory_space<vmem>> -> memref<88x128xf32, #tpu.memory_space<vmem>>
        %dma_wait3A_298 = arith.constant 0 : i32
        %dma_wait3A_299 = arith.constant 0 : i32
        %dma_wait3A_300 = tpu.memref_slice %arg15[%dma_wait3A_298, %dma_wait3A_299] : memref<10240x128xf32, #tpu.memory_space<vmem_shared>> -> memref<10240x128xf32, #tpu.memory_space<vmem_shared>>
        tpu.wait_indirect_dma semaphore(%arg28 : memref<!tpu.dma_semaphore, #tpu.memory_space<semaphore_mem>>) src(%dma_wait3A_297 : memref<88x128xf32, #tpu.memory_space<vmem>>) dst(%dma_wait3A_300 : memref<10240x128xf32, #tpu.memory_space<vmem_shared>>)
      } else {
      }
      %add3A_192 = arith.constant 4 : i32
      %add3A_193 = arith.addi %add3A_158, %add3A_192 : i32
      %sub3A_194 = arith.constant 1 : i32
      %sub3A_195 = arith.subi %add3A_193, %sub3A_194 : i32
      %lt3A_196 = arith.constant 116 : i32
      %lt3A_197 = arith.cmpi slt, %sub3A_195, %lt3A_196 : i32
      %convert_element_type3A_198 = arith.extui %lt3A_197 : i1 to i32
      %cond3A_199 = arith.constant 0 : i32
      %cond3A_200 = arith.cmpi ne, %convert_element_type3A_198, %cond3A_199 : i32
      scf.if %cond3A_200 {
        %add3A_293 = arith.constant 4 : i32
        %add3A_294 = arith.addi %add3A_158, %add3A_293 : i32
        %sub3A_295 = arith.constant 1 : i32
        %sub3A_296 = arith.subi %add3A_294, %sub3A_295 : i32
        %mul3A_297 = arith.constant 88 : i32
        %mul3A_298 = arith.muli %sub3A_296, %mul3A_297 : i32
        %add3A_299 = arith.addi %mul3A_2, %mul3A_298 : i32
        %dma_start3A_300 = tpu.memref_slice %arg4[%add3A_299] : memref<326656xi32, #tpu.memory_space<hbm>> -> memref<88xi32, #tpu.memory_space<hbm>>
        %dma_start3A_301 = tpu.memref_slice %arg4[%add3A_299] : memref<326656xi32, #tpu.memory_space<hbm>> -> memref<88xi32, #tpu.memory_space<hbm>>
        tpu.enqueue_dma source(%dma_start3A_301 : memref<88xi32, #tpu.memory_space<hbm>>) target(%arg10 : memref<88xi32, #tpu.memory_space<vmem>>) target_semaphore(%arg20 : memref<!tpu.dma_semaphore, #tpu.memory_space<semaphore_mem>>)
        %add3A_302 = arith.constant 4 : i32
        %add3A_303 = arith.addi %add3A_158, %add3A_302 : i32
        %sub3A_304 = arith.constant 1 : i32
        %sub3A_305 = arith.subi %add3A_303, %sub3A_304 : i32
        %mul3A_306 = arith.constant 88 : i32
        %mul3A_307 = arith.muli %sub3A_305, %mul3A_306 : i32
        %add3A_308 = arith.addi %mul3A_2, %mul3A_307 : i32
        %dma_wait3A_309 = tpu.memref_slice %arg3[%add3A_308] : memref<326656xi32, #tpu.memory_space<hbm>> -> memref<88xi32, #tpu.memory_space<hbm>>
        %dma_wait3A_310 = tpu.memref_slice %arg3[%add3A_308] : memref<326656xi32, #tpu.memory_space<hbm>> -> memref<88xi32, #tpu.memory_space<hbm>>
        tpu.wait_dma2 semaphore(%arg16 : memref<!tpu.dma_semaphore, #tpu.memory_space<semaphore_mem>>) src(%dma_wait3A_310 : memref<88xi32, #tpu.memory_space<hbm>>) dst(%arg6 : memref<88xi32, #tpu.memory_space<vmem>>)
        %dma_start3A_311 = arith.constant 0 : i32
        %dma_start3A_312 = arith.constant 0 : i32
        %dma_start3A_313 = arith.constant 0 : i32
        %dma_start3A_314 = tpu.memref_slice %arg14[%dma_start3A_311, %dma_start3A_312, %dma_start3A_313] : memref<4x88x128xf32, #tpu.memory_space<vmem>> -> memref<1x88x128xf32, #tpu.memory_space<vmem>>
        %dma_start3A_315 = tpu.memref_squeeze %dma_start3A_314 : memref<1x88x128xf32, #tpu.memory_space<vmem>> -> memref<88x128xf32, #tpu.memory_space<vmem>>
        %dma_start3A_316 = arith.constant 0 : i32
        %dma_start3A_317 = arith.constant 0 : i32
        %dma_start3A_318 = tpu.memref_slice %arg2[%dma_start3A_316, %dma_start3A_317] : memref<10240x128xf32, #tpu.memory_space<hbm>> -> memref<10240x128xf32, #tpu.memory_space<hbm>>
        tpu.enqueue_indirect_dma source(%dma_start3A_318 : memref<10240x128xf32, #tpu.memory_space<hbm>>) target(%dma_start3A_315 : memref<88x128xf32, #tpu.memory_space<vmem>>) offsets(%arg6 : memref<88xi32, #tpu.memory_space<vmem>>) semaphore(%arg24 : memref<!tpu.dma_semaphore, #tpu.memory_space<semaphore_mem>>)
      } else {
      }
      %mul3A_201 = arith.constant 4 : i32
      %mul3A_202 = arith.muli %scan3A_113, %mul3A_201 : i32
      %add3A_203 = arith.constant 2 : i32
      %add3A_204 = arith.addi %mul3A_202, %add3A_203 : i32
      %dma_wait3A_205 = arith.constant 2 : i32
      %dma_wait3A_206 = arith.constant 0 : i32
      %dma_wait3A_207 = arith.constant 0 : i32
      %dma_wait3A_208 = tpu.memref_slice %arg14[%dma_wait3A_205, %dma_wait3A_206, %dma_wait3A_207] : memref<4x88x128xf32, #tpu.memory_space<vmem>> -> memref<1x88x128xf32, #tpu.memory_space<vmem>>
      %dma_wait3A_209 = tpu.memref_squeeze %dma_wait3A_208 : memref<1x88x128xf32, #tpu.memory_space<vmem>> -> memref<88x128xf32, #tpu.memory_space<vmem>>
      %dma_wait3A_210 = arith.constant 0 : i32
      %dma_wait3A_211 = arith.constant 0 : i32
      %dma_wait3A_212 = tpu.memref_slice %arg2[%dma_wait3A_210, %dma_wait3A_211] : memref<10240x128xf32, #tpu.memory_space<hbm>> -> memref<10240x128xf32, #tpu.memory_space<hbm>>
      tpu.wait_indirect_dma semaphore(%arg26 : memref<!tpu.dma_semaphore, #tpu.memory_space<semaphore_mem>>) src(%dma_wait3A_212 : memref<10240x128xf32, #tpu.memory_space<hbm>>) dst(%dma_wait3A_209 : memref<88x128xf32, #tpu.memory_space<vmem>>)
      %add3A_213 = arith.constant 4 : i32
      %add3A_214 = arith.addi %add3A_204, %add3A_213 : i32
      %lt3A_215 = arith.constant 116 : i32
      %lt3A_216 = arith.cmpi slt, %add3A_214, %lt3A_215 : i32
      %convert_element_type3A_217 = arith.extui %lt3A_216 : i1 to i32
      %cond3A_218 = arith.constant 0 : i32
      %cond3A_219 = arith.cmpi ne, %convert_element_type3A_217, %cond3A_218 : i32
      scf.if %cond3A_219 {
        %add3A_293 = arith.constant 4 : i32
        %add3A_294 = arith.addi %add3A_204, %add3A_293 : i32
        %mul3A_295 = arith.constant 88 : i32
        %mul3A_296 = arith.muli %add3A_294, %mul3A_295 : i32
        %add3A_297 = arith.addi %mul3A_2, %mul3A_296 : i32
        %dma_start3A_298 = tpu.memref_slice %arg3[%add3A_297] : memref<326656xi32, #tpu.memory_space<hbm>> -> memref<88xi32, #tpu.memory_space<hbm>>
        %dma_start3A_299 = tpu.memref_slice %arg3[%add3A_297] : memref<326656xi32, #tpu.memory_space<hbm>> -> memref<88xi32, #tpu.memory_space<hbm>>
        tpu.enqueue_dma source(%dma_start3A_299 : memref<88xi32, #tpu.memory_space<hbm>>) target(%arg8 : memref<88xi32, #tpu.memory_space<vmem>>) target_semaphore(%arg18 : memref<!tpu.dma_semaphore, #tpu.memory_space<semaphore_mem>>)
      } else {
      }
      %mul3A_220 = arith.constant 88 : i32
      %mul3A_221 = arith.muli %add3A_204, %mul3A_220 : i32
      %add3A_222 = arith.addi %mul3A_2, %mul3A_221 : i32
      %dma_wait3A_223 = tpu.memref_slice %arg4[%add3A_222] : memref<326656xi32, #tpu.memory_space<hbm>> -> memref<88xi32, #tpu.memory_space<hbm>>
      %dma_wait3A_224 = tpu.memref_slice %arg4[%add3A_222] : memref<326656xi32, #tpu.memory_space<hbm>> -> memref<88xi32, #tpu.memory_space<hbm>>
      tpu.wait_dma2 semaphore(%arg22 : memref<!tpu.dma_semaphore, #tpu.memory_space<semaphore_mem>>) src(%dma_wait3A_224 : memref<88xi32, #tpu.memory_space<hbm>>) dst(%arg12 : memref<88xi32, #tpu.memory_space<vmem>>)
      %dma_start3A_225 = arith.constant 2 : i32
      %dma_start3A_226 = arith.constant 0 : i32
      %dma_start3A_227 = arith.constant 0 : i32
      %dma_start3A_228 = tpu.memref_slice %arg14[%dma_start3A_225, %dma_start3A_226, %dma_start3A_227] : memref<4x88x128xf32, #tpu.memory_space<vmem>> -> memref<1x88x128xf32, #tpu.memory_space<vmem>>
      %dma_start3A_229 = tpu.memref_squeeze %dma_start3A_228 : memref<1x88x128xf32, #tpu.memory_space<vmem>> -> memref<88x128xf32, #tpu.memory_space<vmem>>
      %dma_start3A_230 = arith.constant 0 : i32
      %dma_start3A_231 = arith.constant 0 : i32
      %dma_start3A_232 = tpu.memref_slice %arg15[%dma_start3A_230, %dma_start3A_231] : memref<10240x128xf32, #tpu.memory_space<vmem_shared>> -> memref<10240x128xf32, #tpu.memory_space<vmem_shared>>
      tpu.enqueue_indirect_dma source(%dma_start3A_229 : memref<88x128xf32, #tpu.memory_space<vmem>>) target(%dma_start3A_232 : memref<10240x128xf32, #tpu.memory_space<vmem_shared>>) offsets(%arg12 : memref<88xi32, #tpu.memory_space<vmem>>) semaphore(%arg30 : memref<!tpu.dma_semaphore, #tpu.memory_space<semaphore_mem>>) {add = true}
      %ge3A_233 = arith.constant 1 : i32
      %ge3A_234 = arith.cmpi sge, %add3A_204, %ge3A_233 : i32
      %convert_element_type3A_235 = arith.extui %ge3A_234 : i1 to i32
      %cond3A_236 = arith.constant 0 : i32
      %cond3A_237 = arith.cmpi ne, %convert_element_type3A_235, %cond3A_236 : i32
      scf.if %cond3A_237 {
        %dma_wait3A_293 = arith.constant 1 : i32
        %dma_wait3A_294 = arith.constant 0 : i32
        %dma_wait3A_295 = arith.constant 0 : i32
        %dma_wait3A_296 = tpu.memref_slice %arg14[%dma_wait3A_293, %dma_wait3A_294, %dma_wait3A_295] : memref<4x88x128xf32, #tpu.memory_space<vmem>> -> memref<1x88x128xf32, #tpu.memory_space<vmem>>
        %dma_wait3A_297 = tpu.memref_squeeze %dma_wait3A_296 : memref<1x88x128xf32, #tpu.memory_space<vmem>> -> memref<88x128xf32, #tpu.memory_space<vmem>>
        %dma_wait3A_298 = arith.constant 0 : i32
        %dma_wait3A_299 = arith.constant 0 : i32
        %dma_wait3A_300 = tpu.memref_slice %arg15[%dma_wait3A_298, %dma_wait3A_299] : memref<10240x128xf32, #tpu.memory_space<vmem_shared>> -> memref<10240x128xf32, #tpu.memory_space<vmem_shared>>
        tpu.wait_indirect_dma semaphore(%arg29 : memref<!tpu.dma_semaphore, #tpu.memory_space<semaphore_mem>>) src(%dma_wait3A_297 : memref<88x128xf32, #tpu.memory_space<vmem>>) dst(%dma_wait3A_300 : memref<10240x128xf32, #tpu.memory_space<vmem_shared>>)
      } else {
      }
      %add3A_238 = arith.constant 4 : i32
      %add3A_239 = arith.addi %add3A_204, %add3A_238 : i32
      %sub3A_240 = arith.constant 1 : i32
      %sub3A_241 = arith.subi %add3A_239, %sub3A_240 : i32
      %lt3A_242 = arith.constant 116 : i32
      %lt3A_243 = arith.cmpi slt, %sub3A_241, %lt3A_242 : i32
      %convert_element_type3A_244 = arith.extui %lt3A_243 : i1 to i32
      %cond3A_245 = arith.constant 0 : i32
      %cond3A_246 = arith.cmpi ne, %convert_element_type3A_244, %cond3A_245 : i32
      scf.if %cond3A_246 {
        %add3A_293 = arith.constant 4 : i32
        %add3A_294 = arith.addi %add3A_204, %add3A_293 : i32
        %sub3A_295 = arith.constant 1 : i32
        %sub3A_296 = arith.subi %add3A_294, %sub3A_295 : i32
        %mul3A_297 = arith.constant 88 : i32
        %mul3A_298 = arith.muli %sub3A_296, %mul3A_297 : i32
        %add3A_299 = arith.addi %mul3A_2, %mul3A_298 : i32
        %dma_start3A_300 = tpu.memref_slice %arg4[%add3A_299] : memref<326656xi32, #tpu.memory_space<hbm>> -> memref<88xi32, #tpu.memory_space<hbm>>
        %dma_start3A_301 = tpu.memref_slice %arg4[%add3A_299] : memref<326656xi32, #tpu.memory_space<hbm>> -> memref<88xi32, #tpu.memory_space<hbm>>
        tpu.enqueue_dma source(%dma_start3A_301 : memref<88xi32, #tpu.memory_space<hbm>>) target(%arg11 : memref<88xi32, #tpu.memory_space<vmem>>) target_semaphore(%arg21 : memref<!tpu.dma_semaphore, #tpu.memory_space<semaphore_mem>>)
        %add3A_302 = arith.constant 4 : i32
        %add3A_303 = arith.addi %add3A_204, %add3A_302 : i32
        %sub3A_304 = arith.constant 1 : i32
        %sub3A_305 = arith.subi %add3A_303, %sub3A_304 : i32
        %mul3A_306 = arith.constant 88 : i32
        %mul3A_307 = arith.muli %sub3A_305, %mul3A_306 : i32
        %add3A_308 = arith.addi %mul3A_2, %mul3A_307 : i32
        %dma_wait3A_309 = tpu.memref_slice %arg3[%add3A_308] : memref<326656xi32, #tpu.memory_space<hbm>> -> memref<88xi32, #tpu.memory_space<hbm>>
        %dma_wait3A_310 = tpu.memref_slice %arg3[%add3A_308] : memref<326656xi32, #tpu.memory_space<hbm>> -> memref<88xi32, #tpu.memory_space<hbm>>
        tpu.wait_dma2 semaphore(%arg17 : memref<!tpu.dma_semaphore, #tpu.memory_space<semaphore_mem>>) src(%dma_wait3A_310 : memref<88xi32, #tpu.memory_space<hbm>>) dst(%arg7 : memref<88xi32, #tpu.memory_space<vmem>>)
        %dma_start3A_311 = arith.constant 1 : i32
        %dma_start3A_312 = arith.constant 0 : i32
        %dma_start3A_313 = arith.constant 0 : i32
        %dma_start3A_314 = tpu.memref_slice %arg14[%dma_start3A_311, %dma_start3A_312, %dma_start3A_313] : memref<4x88x128xf32, #tpu.memory_space<vmem>> -> memref<1x88x128xf32, #tpu.memory_space<vmem>>
        %dma_start3A_315 = tpu.memref_squeeze %dma_start3A_314 : memref<1x88x128xf32, #tpu.memory_space<vmem>> -> memref<88x128xf32, #tpu.memory_space<vmem>>
        %dma_start3A_316 = arith.constant 0 : i32
        %dma_start3A_317 = arith.constant 0 : i32
        %dma_start3A_318 = tpu.memref_slice %arg2[%dma_start3A_316, %dma_start3A_317] : memref<10240x128xf32, #tpu.memory_space<hbm>> -> memref<10240x128xf32, #tpu.memory_space<hbm>>
        tpu.enqueue_indirect_dma source(%dma_start3A_318 : memref<10240x128xf32, #tpu.memory_space<hbm>>) target(%dma_start3A_315 : memref<88x128xf32, #tpu.memory_space<vmem>>) offsets(%arg7 : memref<88xi32, #tpu.memory_space<vmem>>) semaphore(%arg25 : memref<!tpu.dma_semaphore, #tpu.memory_space<semaphore_mem>>)
      } else {
      }
      %mul3A_247 = arith.constant 4 : i32
      %mul3A_248 = arith.muli %scan3A_113, %mul3A_247 : i32
      %add3A_249 = arith.constant 3 : i32
      %add3A_250 = arith.addi %mul3A_248, %add3A_249 : i32
      %dma_wait3A_251 = arith.constant 3 : i32
      %dma_wait3A_252 = arith.constant 0 : i32
      %dma_wait3A_253 = arith.constant 0 : i32
      %dma_wait3A_254 = tpu.memref_slice %arg14[%dma_wait3A_251, %dma_wait3A_252, %dma_wait3A_253] : memref<4x88x128xf32, #tpu.memory_space<vmem>> -> memref<1x88x128xf32, #tpu.memory_space<vmem>>
      %dma_wait3A_255 = tpu.memref_squeeze %dma_wait3A_254 : memref<1x88x128xf32, #tpu.memory_space<vmem>> -> memref<88x128xf32, #tpu.memory_space<vmem>>
      %dma_wait3A_256 = arith.constant 0 : i32
      %dma_wait3A_257 = arith.constant 0 : i32
      %dma_wait3A_258 = tpu.memref_slice %arg2[%dma_wait3A_256, %dma_wait3A_257] : memref<10240x128xf32, #tpu.memory_space<hbm>> -> memref<10240x128xf32, #tpu.memory_space<hbm>>
      tpu.wait_indirect_dma semaphore(%arg27 : memref<!tpu.dma_semaphore, #tpu.memory_space<semaphore_mem>>) src(%dma_wait3A_258 : memref<10240x128xf32, #tpu.memory_space<hbm>>) dst(%dma_wait3A_255 : memref<88x128xf32, #tpu.memory_space<vmem>>)
      %add3A_259 = arith.constant 4 : i32
      %add3A_260 = arith.addi %add3A_250, %add3A_259 : i32
      %lt3A_261 = arith.constant 116 : i32
      %lt3A_262 = arith.cmpi slt, %add3A_260, %lt3A_261 : i32
      %convert_element_type3A_263 = arith.extui %lt3A_262 : i1 to i32
      %cond3A_264 = arith.constant 0 : i32
      %cond3A_265 = arith.cmpi ne, %convert_element_type3A_263, %cond3A_264 : i32
      scf.if %cond3A_265 {
        %add3A_293 = arith.constant 4 : i32
        %add3A_294 = arith.addi %add3A_250, %add3A_293 : i32
        %mul3A_295 = arith.constant 88 : i32
        %mul3A_296 = arith.muli %add3A_294, %mul3A_295 : i32
        %add3A_297 = arith.addi %mul3A_2, %mul3A_296 : i32
        %dma_start3A_298 = tpu.memref_slice %arg3[%add3A_297] : memref<326656xi32, #tpu.memory_space<hbm>> -> memref<88xi32, #tpu.memory_space<hbm>>
        %dma_start3A_299 = tpu.memref_slice %arg3[%add3A_297] : memref<326656xi32, #tpu.memory_space<hbm>> -> memref<88xi32, #tpu.memory_space<hbm>>
        tpu.enqueue_dma source(%dma_start3A_299 : memref<88xi32, #tpu.memory_space<hbm>>) target(%arg9 : memref<88xi32, #tpu.memory_space<vmem>>) target_semaphore(%arg19 : memref<!tpu.dma_semaphore, #tpu.memory_space<semaphore_mem>>)
      } else {
      }
      %mul3A_266 = arith.constant 88 : i32
      %mul3A_267 = arith.muli %add3A_250, %mul3A_266 : i32
      %add3A_268 = arith.addi %mul3A_2, %mul3A_267 : i32
      %dma_wait3A_269 = tpu.memref_slice %arg4[%add3A_268] : memref<326656xi32, #tpu.memory_space<hbm>> -> memref<88xi32, #tpu.memory_space<hbm>>
      %dma_wait3A_270 = tpu.memref_slice %arg4[%add3A_268] : memref<326656xi32, #tpu.memory_space<hbm>> -> memref<88xi32, #tpu.memory_space<hbm>>
      tpu.wait_dma2 semaphore(%arg23 : memref<!tpu.dma_semaphore, #tpu.memory_space<semaphore_mem>>) src(%dma_wait3A_270 : memref<88xi32, #tpu.memory_space<hbm>>) dst(%arg13 : memref<88xi32, #tpu.memory_space<vmem>>)
      %dma_start3A_271 = arith.constant 3 : i32
      %dma_start3A_272 = arith.constant 0 : i32
      %dma_start3A_273 = arith.constant 0 : i32
      %dma_start3A_274 = tpu.memref_slice %arg14[%dma_start3A_271, %dma_start3A_272, %dma_start3A_273] : memref<4x88x128xf32, #tpu.memory_space<vmem>> -> memref<1x88x128xf32, #tpu.memory_space<vmem>>
      %dma_start3A_275 = tpu.memref_squeeze %dma_start3A_274 : memref<1x88x128xf32, #tpu.memory_space<vmem>> -> memref<88x128xf32, #tpu.memory_space<vmem>>
      %dma_start3A_276 = arith.constant 0 : i32
      %dma_start3A_277 = arith.constant 0 : i32
      %dma_start3A_278 = tpu.memref_slice %arg15[%dma_start3A_276, %dma_start3A_277] : memref<10240x128xf32, #tpu.memory_space<vmem_shared>> -> memref<10240x128xf32, #tpu.memory_space<vmem_shared>>
      tpu.enqueue_indirect_dma source(%dma_start3A_275 : memref<88x128xf32, #tpu.memory_space<vmem>>) target(%dma_start3A_278 : memref<10240x128xf32, #tpu.memory_space<vmem_shared>>) offsets(%arg13 : memref<88xi32, #tpu.memory_space<vmem>>) semaphore(%arg31 : memref<!tpu.dma_semaphore, #tpu.memory_space<semaphore_mem>>) {add = true}
      %ge3A_279 = arith.constant 1 : i32
      %ge3A_280 = arith.cmpi sge, %add3A_250, %ge3A_279 : i32
      %convert_element_type3A_281 = arith.extui %ge3A_280 : i1 to i32
      %cond3A_282 = arith.constant 0 : i32
      %cond3A_283 = arith.cmpi ne, %convert_element_type3A_281, %cond3A_282 : i32
      scf.if %cond3A_283 {
        %dma_wait3A_293 = arith.constant 2 : i32
        %dma_wait3A_294 = arith.constant 0 : i32
        %dma_wait3A_295 = arith.constant 0 : i32
        %dma_wait3A_296 = tpu.memref_slice %arg14[%dma_wait3A_293, %dma_wait3A_294, %dma_wait3A_295] : memref<4x88x128xf32, #tpu.memory_space<vmem>> -> memref<1x88x128xf32, #tpu.memory_space<vmem>>
        %dma_wait3A_297 = tpu.memref_squeeze %dma_wait3A_296 : memref<1x88x128xf32, #tpu.memory_space<vmem>> -> memref<88x128xf32, #tpu.memory_space<vmem>>
        %dma_wait3A_298 = arith.constant 0 : i32
        %dma_wait3A_299 = arith.constant 0 : i32
        %dma_wait3A_300 = tpu.memref_slice %arg15[%dma_wait3A_298, %dma_wait3A_299] : memref<10240x128xf32, #tpu.memory_space<vmem_shared>> -> memref<10240x128xf32, #tpu.memory_space<vmem_shared>>
        tpu.wait_indirect_dma semaphore(%arg30 : memref<!tpu.dma_semaphore, #tpu.memory_space<semaphore_mem>>) src(%dma_wait3A_297 : memref<88x128xf32, #tpu.memory_space<vmem>>) dst(%dma_wait3A_300 : memref<10240x128xf32, #tpu.memory_space<vmem_shared>>)
      } else {
      }
      %add3A_284 = arith.constant 4 : i32
      %add3A_285 = arith.addi %add3A_250, %add3A_284 : i32
      %sub3A_286 = arith.constant 1 : i32
      %sub3A_287 = arith.subi %add3A_285, %sub3A_286 : i32
      %lt3A_288 = arith.constant 116 : i32
      %lt3A_289 = arith.cmpi slt, %sub3A_287, %lt3A_288 : i32
      %convert_element_type3A_290 = arith.extui %lt3A_289 : i1 to i32
      %cond3A_291 = arith.constant 0 : i32
      %cond3A_292 = arith.cmpi ne, %convert_element_type3A_290, %cond3A_291 : i32
      scf.if %cond3A_292 {
        %add3A_293 = arith.constant 4 : i32
        %add3A_294 = arith.addi %add3A_250, %add3A_293 : i32
        %sub3A_295 = arith.constant 1 : i32
        %sub3A_296 = arith.subi %add3A_294, %sub3A_295 : i32
        %mul3A_297 = arith.constant 88 : i32
        %mul3A_298 = arith.muli %sub3A_296, %mul3A_297 : i32
        %add3A_299 = arith.addi %mul3A_2, %mul3A_298 : i32
        %dma_start3A_300 = tpu.memref_slice %arg4[%add3A_299] : memref<326656xi32, #tpu.memory_space<hbm>> -> memref<88xi32, #tpu.memory_space<hbm>>
        %dma_start3A_301 = tpu.memref_slice %arg4[%add3A_299] : memref<326656xi32, #tpu.memory_space<hbm>> -> memref<88xi32, #tpu.memory_space<hbm>>
        tpu.enqueue_dma source(%dma_start3A_301 : memref<88xi32, #tpu.memory_space<hbm>>) target(%arg12 : memref<88xi32, #tpu.memory_space<vmem>>) target_semaphore(%arg22 : memref<!tpu.dma_semaphore, #tpu.memory_space<semaphore_mem>>)
        %add3A_302 = arith.constant 4 : i32
        %add3A_303 = arith.addi %add3A_250, %add3A_302 : i32
        %sub3A_304 = arith.constant 1 : i32
        %sub3A_305 = arith.subi %add3A_303, %sub3A_304 : i32
        %mul3A_306 = arith.constant 88 : i32
        %mul3A_307 = arith.muli %sub3A_305, %mul3A_306 : i32
        %add3A_308 = arith.addi %mul3A_2, %mul3A_307 : i32
        %dma_wait3A_309 = tpu.memref_slice %arg3[%add3A_308] : memref<326656xi32, #tpu.memory_space<hbm>> -> memref<88xi32, #tpu.memory_space<hbm>>
        %dma_wait3A_310 = tpu.memref_slice %arg3[%add3A_308] : memref<326656xi32, #tpu.memory_space<hbm>> -> memref<88xi32, #tpu.memory_space<hbm>>
        tpu.wait_dma2 semaphore(%arg18 : memref<!tpu.dma_semaphore, #tpu.memory_space<semaphore_mem>>) src(%dma_wait3A_310 : memref<88xi32, #tpu.memory_space<hbm>>) dst(%arg8 : memref<88xi32, #tpu.memory_space<vmem>>)
        %dma_start3A_311 = arith.constant 2 : i32
        %dma_start3A_312 = arith.constant 0 : i32
        %dma_start3A_313 = arith.constant 0 : i32
        %dma_start3A_314 = tpu.memref_slice %arg14[%dma_start3A_311, %dma_start3A_312, %dma_start3A_313] : memref<4x88x128xf32, #tpu.memory_space<vmem>> -> memref<1x88x128xf32, #tpu.memory_space<vmem>>
        %dma_start3A_315 = tpu.memref_squeeze %dma_start3A_314 : memref<1x88x128xf32, #tpu.memory_space<vmem>> -> memref<88x128xf32, #tpu.memory_space<vmem>>
        %dma_start3A_316 = arith.constant 0 : i32
        %dma_start3A_317 = arith.constant 0 : i32
        %dma_start3A_318 = tpu.memref_slice %arg2[%dma_start3A_316, %dma_start3A_317] : memref<10240x128xf32, #tpu.memory_space<hbm>> -> memref<10240x128xf32, #tpu.memory_space<hbm>>
        tpu.enqueue_indirect_dma source(%dma_start3A_318 : memref<10240x128xf32, #tpu.memory_space<hbm>>) target(%dma_start3A_315 : memref<88x128xf32, #tpu.memory_space<vmem>>) offsets(%arg8 : memref<88xi32, #tpu.memory_space<vmem>>) semaphore(%arg26 : memref<!tpu.dma_semaphore, #tpu.memory_space<semaphore_mem>>)
      } else {
      }
    }
    %scan3A_97 = arith.constant 29 : i32
    %dma_wait3A = arith.constant 3 : i32
    %dma_wait3A_98 = arith.constant 0 : i32
    %dma_wait3A_99 = arith.constant 0 : i32
    %dma_wait3A_100 = tpu.memref_slice %arg14[%dma_wait3A, %dma_wait3A_98, %dma_wait3A_99] : memref<4x88x128xf32, #tpu.memory_space<vmem>> -> memref<1x88x128xf32, #tpu.memory_space<vmem>>
    %dma_wait3A_101 = tpu.memref_squeeze %dma_wait3A_100 : memref<1x88x128xf32, #tpu.memory_space<vmem>> -> memref<88x128xf32, #tpu.memory_space<vmem>>
    %dma_wait3A_102 = arith.constant 0 : i32
    %dma_wait3A_103 = arith.constant 0 : i32
    %dma_wait3A_104 = tpu.memref_slice %arg15[%dma_wait3A_102, %dma_wait3A_103] : memref<10240x128xf32, #tpu.memory_space<vmem_shared>> -> memref<10240x128xf32, #tpu.memory_space<vmem_shared>>
    tpu.wait_indirect_dma semaphore(%arg31 : memref<!tpu.dma_semaphore, #tpu.memory_space<semaphore_mem>>) src(%dma_wait3A_101 : memref<88x128xf32, #tpu.memory_space<vmem>>) dst(%dma_wait3A_104 : memref<10240x128xf32, #tpu.memory_space<vmem_shared>>)
    %barrier3A_105 = arith.constant 0 : index
    tpu.barrier barrier_id(%barrier3A_105)
    %mul3A_106 = arith.constant 640 : i32
    %mul3A_107 = arith.muli %arg1, %mul3A_106 : i32
    %mul3A_108 = arith.constant 10240 : i32
    %mul3A_109 = arith.muli %arg0, %mul3A_108 : i32
    %mul3A_110 = arith.constant 640 : i32
    %mul3A_111 = arith.muli %arg1, %mul3A_110 : i32
    %add3A_112 = arith.addi %mul3A_109, %mul3A_111 : i32
    "tpu.region"() ({
      %run_scoped3A_113 = tpu.sem_alloc : memref<!tpu.dma_semaphore, #tpu.memory_space<semaphore_mem>>
      %dma_start3A_114 = arith.constant 0 : i32
      %dma_start3A_115 = tpu.memref_slice %arg5[%add3A_112, %dma_start3A_114] : memref<20480x128xf32, #tpu.memory_space<hbm>> -> memref<640x128xf32, #tpu.memory_space<hbm>>
      %dma_start3A_116 = arith.constant 0 : i32
      %dma_start3A_117 = tpu.memref_slice %arg15[%mul3A_107, %dma_start3A_116] : memref<10240x128xf32, #tpu.memory_space<vmem_shared>> -> memref<640x128xf32, #tpu.memory_space<vmem_shared>>
      tpu.enqueue_dma source(%dma_start3A_117 : memref<640x128xf32, #tpu.memory_space<vmem_shared>>) target(%dma_start3A_115 : memref<640x128xf32, #tpu.memory_space<hbm>>) target_semaphore(%run_scoped3A_113 : memref<!tpu.dma_semaphore, #tpu.memory_space<semaphore_mem>>)
      %dma_wait3A_118 = arith.constant 0 : i32
      %dma_wait3A_119 = tpu.memref_slice %arg5[%add3A_112, %dma_wait3A_118] : memref<20480x128xf32, #tpu.memory_space<hbm>> -> memref<640x128xf32, #tpu.memory_space<hbm>>
      %dma_wait3A_120 = arith.constant 0 : i32
      %dma_wait3A_121 = tpu.memref_slice %arg15[%mul3A_107, %dma_wait3A_120] : memref<10240x128xf32, #tpu.memory_space<vmem_shared>> -> memref<640x128xf32, #tpu.memory_space<vmem_shared>>
      tpu.wait_dma2 semaphore(%run_scoped3A_113 : memref<!tpu.dma_semaphore, #tpu.memory_space<semaphore_mem>>) src(%dma_wait3A_121 : memref<640x128xf32, #tpu.memory_space<vmem_shared>>) dst(%dma_wait3A_119 : memref<640x128xf32, #tpu.memory_space<hbm>>)
      tpu.yield
    }) : () -> ()
    return
  }
}

#map = affine_map<(d0, d1) -> (0, 0)>
#map1 = affine_map<(d0, d1) -> (0)>
module attributes {stable_mosaic.version = 14 : i64} {
  func.func @_agg(%arg0: i32, %arg1: i32, %arg2: memref<10240x128xf32, #tpu.memory_space<hbm>>, %arg3: memref<326656xi32, #tpu.memory_space<hbm>>, %arg4: memref<326656xi32, #tpu.memory_space<hbm>>, %arg5: memref<20480x128xf32, #tpu.memory_space<hbm>>, %arg6: memref<88xi32, #tpu.memory_space<vmem>>, %arg7: memref<88xi32, #tpu.memory_space<vmem>>, %arg8: memref<88xi32, #tpu.memory_space<vmem>>, %arg9: memref<88xi32, #tpu.memory_space<vmem>>, %arg10: memref<88xi32, #tpu.memory_space<vmem>>, %arg11: memref<88xi32, #tpu.memory_space<vmem>>, %arg12: memref<88xi32, #tpu.memory_space<vmem>>, %arg13: memref<88xi32, #tpu.memory_space<vmem>>, %arg14: memref<4x88x128xf32, #tpu.memory_space<vmem>>, %arg15: memref<10240x128xf32, #tpu.memory_space<vmem_shared>>, %arg16: memref<!tpu.dma_semaphore, #tpu.memory_space<semaphore_mem>>, %arg17: memref<!tpu.dma_semaphore, #tpu.memory_space<semaphore_mem>>, %arg18: memref<!tpu.dma_semaphore, #tpu.memory_space<semaphore_mem>>, %arg19: memref<!tpu.dma_semaphore, #tpu.memory_space<semaphore_mem>>, %arg20: memref<!tpu.dma_semaphore, #tpu.memory_space<semaphore_mem>>, %arg21: memref<!tpu.dma_semaphore, #tpu.memory_space<semaphore_mem>>, %arg22: memref<!tpu.dma_semaphore, #tpu.memory_space<semaphore_mem>>, %arg23: memref<!tpu.dma_semaphore, #tpu.memory_space<semaphore_mem>>, %arg24: memref<!tpu.dma_semaphore, #tpu.memory_space<semaphore_mem>>, %arg25: memref<!tpu.dma_semaphore, #tpu.memory_space<semaphore_mem>>, %arg26: memref<!tpu.dma_semaphore, #tpu.memory_space<semaphore_mem>>, %arg27: memref<!tpu.dma_semaphore, #tpu.memory_space<semaphore_mem>>, %arg28: memref<!tpu.dma_semaphore, #tpu.memory_space<semaphore_mem>>, %arg29: memref<!tpu.dma_semaphore, #tpu.memory_space<semaphore_mem>>, %arg30: memref<!tpu.dma_semaphore, #tpu.memory_space<semaphore_mem>>, %arg31: memref<!tpu.dma_semaphore, #tpu.memory_space<semaphore_mem>>) attributes {dimension_semantics = [#tpu.dimension_semantics<core_parallel>, #tpu.dimension_semantics<subcore_parallel>], iteration_bounds = array<i64: 2, 16>, scalar_prefetch = 0 : i64, scratch_operands = 26 : i64, tpu.core_type = #tpu.core_type<sc_vector_subcore>, window_params = [{transform_indices = #map}, {transform_indices = #map1}, {transform_indices = #map1}, {transform_indices = #map}]} {
    %mul3A = arith.constant 2 : i32
    %mul3A_0 = arith.muli %arg1, %mul3A : i32
    %add3A = arith.addi %mul3A_0, %arg0 : i32
    %mul3A_1 = arith.constant 10208 : i32
    %mul3A_2 = arith.muli %add3A, %mul3A_1 : i32
    %scan3A = arith.constant 0 : i32
    %scan3A_3 = arith.constant 0 : i32
    %scan3A_4 = arith.constant 88 : i32
    %scan3A_5 = arith.addi %scan3A_3, %scan3A_4 : i32
    %scan3A_6 = arith.constant 1 : i32
    scf.for %scan3A_113 = %scan3A_3 to %scan3A_5 step %scan3A_6  : i32 {
      %broadcast_in_dim3A = arith.constant 0.000000e+00 : f32
      %broadcast_in_dim3A_114 = vector.broadcast %broadcast_in_dim3A : f32 to vector<16xf32>
      %swap3A = arith.constant 0 : i32
      %swap3A_115 = arith.index_cast %swap3A : i32 to index
      %swap3A_116 = arith.index_cast %scan3A_113 : i32 to index
      %swap3A_117 = arith.constant 0 : index
      %swap3A_118 = tpu.vector_load %arg14[%swap3A_115, %swap3A_116, %swap3A_117] {strides = array<i32>} : memref<4x88x128xf32, #tpu.memory_space<vmem>>, vector<1x1x16xf32>,
      %swap3A_119 = vector.shape_cast %swap3A_118 : vector<1x1x16xf32> to vector<16xf32>
      %swap3A_120 = vector.shape_cast %broadcast_in_dim3A_114 : vector<16xf32> to vector<1x1x16xf32>
      tpu.vector_store %arg14[%swap3A_115, %swap3A_116, %swap3A_117], %swap3A_120 {strides = array<i32>} : memref<4x88x128xf32, #tpu.memory_space<vmem>>, vector<1x1x16xf32>,
      %broadcast_in_dim3A_121 = arith.constant 0.000000e+00 : f32
      %broadcast_in_dim3A_122 = vector.broadcast %broadcast_in_dim3A_121 : f32 to vector<16xf32>
      %swap3A_123 = arith.constant 0 : i32
      %swap3A_124 = arith.index_cast %swap3A_123 : i32 to index
      %swap3A_125 = arith.index_cast %scan3A_113 : i32 to index
      %swap3A_126 = arith.constant 16 : index
      %swap3A_127 = tpu.vector_load %arg14[%swap3A_124, %swap3A_125, %swap3A_126] {strides = array<i32>} : memref<4x88x128xf32, #tpu.memory_space<vmem>>, vector<1x1x16xf32>,
      %swap3A_128 = vector.shape_cast %swap3A_127 : vector<1x1x16xf32> to vector<16xf32>
      %swap3A_129 = vector.shape_cast %broadcast_in_dim3A_122 : vector<16xf32> to vector<1x1x16xf32>
      tpu.vector_store %arg14[%swap3A_124, %swap3A_125, %swap3A_126], %swap3A_129 {strides = array<i32>} : memref<4x88x128xf32, #tpu.memory_space<vmem>>, vector<1x1x16xf32>,
      %broadcast_in_dim3A_130 = arith.constant 0.000000e+00 : f32
      %broadcast_in_dim3A_131 = vector.broadcast %broadcast_in_dim3A_130 : f32 to vector<16xf32>
      %swap3A_132 = arith.constant 0 : i32
      %swap3A_133 = arith.index_cast %swap3A_132 : i32 to index
      %swap3A_134 = arith.index_cast %scan3A_113 : i32 to index
      %swap3A_135 = arith.constant 32 : index
      %swap3A_136 = tpu.vector_load %arg14[%swap3A_133, %swap3A_134, %swap3A_135] {strides = array<i32>} : memref<4x88x128xf32, #tpu.memory_space<vmem>>, vector<1x1x16xf32>,
      %swap3A_137 = vector.shape_cast %swap3A_136 : vector<1x1x16xf32> to vector<16xf32>
      %swap3A_138 = vector.shape_cast %broadcast_in_dim3A_131 : vector<16xf32> to vector<1x1x16xf32>
      tpu.vector_store %arg14[%swap3A_133, %swap3A_134, %swap3A_135], %swap3A_138 {strides = array<i32>} : memref<4x88x128xf32, #tpu.memory_space<vmem>>, vector<1x1x16xf32>,
      %broadcast_in_dim3A_139 = arith.constant 0.000000e+00 : f32
      %broadcast_in_dim3A_140 = vector.broadcast %broadcast_in_dim3A_139 : f32 to vector<16xf32>
      %swap3A_141 = arith.constant 0 : i32
      %swap3A_142 = arith.index_cast %swap3A_141 : i32 to index
      %swap3A_143 = arith.index_cast %scan3A_113 : i32 to index
      %swap3A_144 = arith.constant 48 : index
      %swap3A_145 = tpu.vector_load %arg14[%swap3A_142, %swap3A_143, %swap3A_144] {strides = array<i32>} : memref<4x88x128xf32, #tpu.memory_space<vmem>>, vector<1x1x16xf32>,
      %swap3A_146 = vector.shape_cast %swap3A_145 : vector<1x1x16xf32> to vector<16xf32>
      %swap3A_147 = vector.shape_cast %broadcast_in_dim3A_140 : vector<16xf32> to vector<1x1x16xf32>
      tpu.vector_store %arg14[%swap3A_142, %swap3A_143, %swap3A_144], %swap3A_147 {strides = array<i32>} : memref<4x88x128xf32, #tpu.memory_space<vmem>>, vector<1x1x16xf32>,
      %broadcast_in_dim3A_148 = arith.constant 0.000000e+00 : f32
      %broadcast_in_dim3A_149 = vector.broadcast %broadcast_in_dim3A_148 : f32 to vector<16xf32>
      %swap3A_150 = arith.constant 0 : i32
      %swap3A_151 = arith.index_cast %swap3A_150 : i32 to index
      %swap3A_152 = arith.index_cast %scan3A_113 : i32 to index
      %swap3A_153 = arith.constant 64 : index
      %swap3A_154 = tpu.vector_load %arg14[%swap3A_151, %swap3A_152, %swap3A_153] {strides = array<i32>} : memref<4x88x128xf32, #tpu.memory_space<vmem>>, vector<1x1x16xf32>,
      %swap3A_155 = vector.shape_cast %swap3A_154 : vector<1x1x16xf32> to vector<16xf32>
      %swap3A_156 = vector.shape_cast %broadcast_in_dim3A_149 : vector<16xf32> to vector<1x1x16xf32>
      tpu.vector_store %arg14[%swap3A_151, %swap3A_152, %swap3A_153], %swap3A_156 {strides = array<i32>} : memref<4x88x128xf32, #tpu.memory_space<vmem>>, vector<1x1x16xf32>,
      %broadcast_in_dim3A_157 = arith.constant 0.000000e+00 : f32
      %broadcast_in_dim3A_158 = vector.broadcast %broadcast_in_dim3A_157 : f32 to vector<16xf32>
      %swap3A_159 = arith.constant 0 : i32
      %swap3A_160 = arith.index_cast %swap3A_159 : i32 to index
      %swap3A_161 = arith.index_cast %scan3A_113 : i32 to index
      %swap3A_162 = arith.constant 80 : index
      %swap3A_163 = tpu.vector_load %arg14[%swap3A_160, %swap3A_161, %swap3A_162] {strides = array<i32>} : memref<4x88x128xf32, #tpu.memory_space<vmem>>, vector<1x1x16xf32>,
      %swap3A_164 = vector.shape_cast %swap3A_163 : vector<1x1x16xf32> to vector<16xf32>
      %swap3A_165 = vector.shape_cast %broadcast_in_dim3A_158 : vector<16xf32> to vector<1x1x16xf32>
      tpu.vector_store %arg14[%swap3A_160, %swap3A_161, %swap3A_162], %swap3A_165 {strides = array<i32>} : memref<4x88x128xf32, #tpu.memory_space<vmem>>, vector<1x1x16xf32>,
      %broadcast_in_dim3A_166 = arith.constant 0.000000e+00 : f32
      %broadcast_in_dim3A_167 = vector.broadcast %broadcast_in_dim3A_166 : f32 to vector<16xf32>
      %swap3A_168 = arith.constant 0 : i32
      %swap3A_169 = arith.index_cast %swap3A_168 : i32 to index
      %swap3A_170 = arith.index_cast %scan3A_113 : i32 to index
      %swap3A_171 = arith.constant 96 : index
      %swap3A_172 = tpu.vector_load %arg14[%swap3A_169, %swap3A_170, %swap3A_171] {strides = array<i32>} : memref<4x88x128xf32, #tpu.memory_space<vmem>>, vector<1x1x16xf32>,
      %swap3A_173 = vector.shape_cast %swap3A_172 : vector<1x1x16xf32> to vector<16xf32>
      %swap3A_174 = vector.shape_cast %broadcast_in_dim3A_167 : vector<16xf32> to vector<1x1x16xf32>
      tpu.vector_store %arg14[%swap3A_169, %swap3A_170, %swap3A_171], %swap3A_174 {strides = array<i32>} : memref<4x88x128xf32, #tpu.memory_space<vmem>>, vector<1x1x16xf32>,
      %broadcast_in_dim3A_175 = arith.constant 0.000000e+00 : f32
      %broadcast_in_dim3A_176 = vector.broadcast %broadcast_in_dim3A_175 : f32 to vector<16xf32>
      %swap3A_177 = arith.constant 0 : i32
      %swap3A_178 = arith.index_cast %swap3A_177 : i32 to index
      %swap3A_179 = arith.index_cast %scan3A_113 : i32 to index
      %swap3A_180 = arith.constant 112 : index
      %swap3A_181 = tpu.vector_load %arg14[%swap3A_178, %swap3A_179, %swap3A_180] {strides = array<i32>} : memref<4x88x128xf32, #tpu.memory_space<vmem>>, vector<1x1x16xf32>,
      %swap3A_182 = vector.shape_cast %swap3A_181 : vector<1x1x16xf32> to vector<16xf32>
      %swap3A_183 = vector.shape_cast %broadcast_in_dim3A_176 : vector<16xf32> to vector<1x1x16xf32>
      tpu.vector_store %arg14[%swap3A_178, %swap3A_179, %swap3A_180], %swap3A_183 {strides = array<i32>} : memref<4x88x128xf32, #tpu.memory_space<vmem>>, vector<1x1x16xf32>,
    }
    %scan3A_7 = arith.constant 88 : i32
    %mul3A_8 = arith.constant 640 : i32
    %mul3A_9 = arith.muli %arg1, %mul3A_8 : i32
    %add3A_10 = arith.constant 0 : i32
    %add3A_11 = arith.addi %mul3A_9, %add3A_10 : i32
    %run_scoped3A = arith.constant 0 : i32
    "tpu.region"() ({
      %run_scoped3A_113 = tpu.sem_alloc : memref<!tpu.dma_semaphore, #tpu.memory_space<semaphore_mem>>
      %dma_start3A_114 = arith.constant 0 : i32
      %dma_start3A_115 = arith.constant 0 : i32
      %dma_start3A_116 = tpu.memref_slice %arg14[%run_scoped3A, %dma_start3A_114, %dma_start3A_115] : memref<4x88x128xf32, #tpu.memory_space<vmem>> -> memref<1x88x128xf32, #tpu.memory_space<vmem>>
      %dma_start3A_117 = tpu.memref_squeeze %dma_start3A_116 : memref<1x88x128xf32, #tpu.memory_space<vmem>> -> memref<88x128xf32, #tpu.memory_space<vmem>>
      %dma_start3A_118 = arith.constant 0 : i32
      %dma_start3A_119 = tpu.memref_slice %arg15[%add3A_11, %dma_start3A_118] : memref<10240x128xf32, #tpu.memory_space<vmem_shared>> -> memref<88x128xf32, #tpu.memory_space<vmem_shared>>
      %dma_start3A_120 = arith.constant 0 : i32
      %dma_start3A_121 = tpu.memref_slice %arg15[%add3A_11, %dma_start3A_120] : memref<10240x128xf32, #tpu.memory_space<vmem_shared>> -> memref<88x128xf32, #tpu.memory_space<vmem_shared>>
      %dma_start3A_122 = arith.constant 0 : i32
      %dma_start3A_123 = arith.constant 0 : i32
      %dma_start3A_124 = tpu.memref_slice %arg14[%run_scoped3A, %dma_start3A_122, %dma_start3A_123] : memref<4x88x128xf32, #tpu.memory_space<vmem>> -> memref<1x88x128xf32, #tpu.memory_space<vmem>>
      %dma_start3A_125 = tpu.memref_squeeze %dma_start3A_124 : memref<1x88x128xf32, #tpu.memory_space<vmem>> -> memref<88x128xf32, #tpu.memory_space<vmem>>
      tpu.enqueue_dma source(%dma_start3A_125 : memref<88x128xf32, #tpu.memory_space<vmem>>) target(%dma_start3A_121 : memref<88x128xf32, #tpu.memory_space<vmem_shared>>) target_semaphore(%run_scoped3A_113 : memref<!tpu.dma_semaphore, #tpu.memory_space<semaphore_mem>>)
      %dma_wait3A_126 = arith.constant 0 : i32
      %dma_wait3A_127 = arith.constant 0 : i32
      %dma_wait3A_128 = tpu.memref_slice %arg14[%run_scoped3A, %dma_wait3A_126, %dma_wait3A_127] : memref<4x88x128xf32, #tpu.memory_space<vmem>> -> memref<1x88x128xf32, #tpu.memory_space<vmem>>
      %dma_wait3A_129 = tpu.memref_squeeze %dma_wait3A_128 : memref<1x88x128xf32, #tpu.memory_space<vmem>> -> memref<88x128xf32, #tpu.memory_space<vmem>>
      %dma_wait3A_130 = arith.constant 0 : i32
      %dma_wait3A_131 = tpu.memref_slice %arg15[%add3A_11, %dma_wait3A_130] : memref<10240x128xf32, #tpu.memory_space<vmem_shared>> -> memref<88x128xf32, #tpu.memory_space<vmem_shared>>
      %dma_wait3A_132 = arith.constant 0 : i32
      %dma_wait3A_133 = tpu.memref_slice %arg15[%add3A_11, %dma_wait3A_132] : memref<10240x128xf32, #tpu.memory_space<vmem_shared>> -> memref<88x128xf32, #tpu.memory_space<vmem_shared>>
      %dma_wait3A_134 = arith.constant 0 : i32
      %dma_wait3A_135 = arith.constant 0 : i32
      %dma_wait3A_136 = tpu.memref_slice %arg14[%run_scoped3A, %dma_wait3A_134, %dma_wait3A_135] : memref<4x88x128xf32, #tpu.memory_space<vmem>> -> memref<1x88x128xf32, #tpu.memory_space<vmem>>
      %dma_wait3A_137 = tpu.memref_squeeze %dma_wait3A_136 : memref<1x88x128xf32, #tpu.memory_space<vmem>> -> memref<88x128xf32, #tpu.memory_space<vmem>>
      tpu.wait_dma2 semaphore(%run_scoped3A_113 : memref<!tpu.dma_semaphore, #tpu.memory_space<semaphore_mem>>) src(%dma_wait3A_137 : memref<88x128xf32, #tpu.memory_space<vmem>>) dst(%dma_wait3A_133 : memref<88x128xf32, #tpu.memory_space<vmem_shared>>)
      tpu.yield
    }) : () -> ()
    %mul3A_12 = arith.constant 640 : i32
    %mul3A_13 = arith.muli %arg1, %mul3A_12 : i32
    %add3A_14 = arith.constant 88 : i32
    %add3A_15 = arith.addi %mul3A_13, %add3A_14 : i32
    %run_scoped3A_16 = arith.constant 0 : i32
    "tpu.region"() ({
      %run_scoped3A_113 = tpu.sem_alloc : memref<!tpu.dma_semaphore, #tpu.memory_space<semaphore_mem>>
      %dma_start3A_114 = arith.constant 0 : i32
      %dma_start3A_115 = arith.constant 0 : i32
      %dma_start3A_116 = tpu.memref_slice %arg14[%run_scoped3A_16, %dma_start3A_114, %dma_start3A_115] : memref<4x88x128xf32, #tpu.memory_space<vmem>> -> memref<1x88x128xf32, #tpu.memory_space<vmem>>
      %dma_start3A_117 = tpu.memref_squeeze %dma_start3A_116 : memref<1x88x128xf32, #tpu.memory_space<vmem>> -> memref<88x128xf32, #tpu.memory_space<vmem>>
      %dma_start3A_118 = arith.constant 0 : i32
      %dma_start3A_119 = tpu.memref_slice %arg15[%add3A_15, %dma_start3A_118] : memref<10240x128xf32, #tpu.memory_space<vmem_shared>> -> memref<88x128xf32, #tpu.memory_space<vmem_shared>>
      %dma_start3A_120 = arith.constant 0 : i32
      %dma_start3A_121 = tpu.memref_slice %arg15[%add3A_15, %dma_start3A_120] : memref<10240x128xf32, #tpu.memory_space<vmem_shared>> -> memref<88x128xf32, #tpu.memory_space<vmem_shared>>
      %dma_start3A_122 = arith.constant 0 : i32
      %dma_start3A_123 = arith.constant 0 : i32
      %dma_start3A_124 = tpu.memref_slice %arg14[%run_scoped3A_16, %dma_start3A_122, %dma_start3A_123] : memref<4x88x128xf32, #tpu.memory_space<vmem>> -> memref<1x88x128xf32, #tpu.memory_space<vmem>>
      %dma_start3A_125 = tpu.memref_squeeze %dma_start3A_124 : memref<1x88x128xf32, #tpu.memory_space<vmem>> -> memref<88x128xf32, #tpu.memory_space<vmem>>
      tpu.enqueue_dma source(%dma_start3A_125 : memref<88x128xf32, #tpu.memory_space<vmem>>) target(%dma_start3A_121 : memref<88x128xf32, #tpu.memory_space<vmem_shared>>) target_semaphore(%run_scoped3A_113 : memref<!tpu.dma_semaphore, #tpu.memory_space<semaphore_mem>>)
      %dma_wait3A_126 = arith.constant 0 : i32
      %dma_wait3A_127 = arith.constant 0 : i32
      %dma_wait3A_128 = tpu.memref_slice %arg14[%run_scoped3A_16, %dma_wait3A_126, %dma_wait3A_127] : memref<4x88x128xf32, #tpu.memory_space<vmem>> -> memref<1x88x128xf32, #tpu.memory_space<vmem>>
      %dma_wait3A_129 = tpu.memref_squeeze %dma_wait3A_128 : memref<1x88x128xf32, #tpu.memory_space<vmem>> -> memref<88x128xf32, #tpu.memory_space<vmem>>
      %dma_wait3A_130 = arith.constant 0 : i32
      %dma_wait3A_131 = tpu.memref_slice %arg15[%add3A_15, %dma_wait3A_130] : memref<10240x128xf32, #tpu.memory_space<vmem_shared>> -> memref<88x128xf32, #tpu.memory_space<vmem_shared>>
      %dma_wait3A_132 = arith.constant 0 : i32
      %dma_wait3A_133 = tpu.memref_slice %arg15[%add3A_15, %dma_wait3A_132] : memref<10240x128xf32, #tpu.memory_space<vmem_shared>> -> memref<88x128xf32, #tpu.memory_space<vmem_shared>>
      %dma_wait3A_134 = arith.constant 0 : i32
      %dma_wait3A_135 = arith.constant 0 : i32
      %dma_wait3A_136 = tpu.memref_slice %arg14[%run_scoped3A_16, %dma_wait3A_134, %dma_wait3A_135] : memref<4x88x128xf32, #tpu.memory_space<vmem>> -> memref<1x88x128xf32, #tpu.memory_space<vmem>>
      %dma_wait3A_137 = tpu.memref_squeeze %dma_wait3A_136 : memref<1x88x128xf32, #tpu.memory_space<vmem>> -> memref<88x128xf32, #tpu.memory_space<vmem>>
      tpu.wait_dma2 semaphore(%run_scoped3A_113 : memref<!tpu.dma_semaphore, #tpu.memory_space<semaphore_mem>>) src(%dma_wait3A_137 : memref<88x128xf32, #tpu.memory_space<vmem>>) dst(%dma_wait3A_133 : memref<88x128xf32, #tpu.memory_space<vmem_shared>>)
      tpu.yield
    }) : () -> ()
    %mul3A_17 = arith.constant 640 : i32
    %mul3A_18 = arith.muli %arg1, %mul3A_17 : i32
    %add3A_19 = arith.constant 176 : i32
    %add3A_20 = arith.addi %mul3A_18, %add3A_19 : i32
    %run_scoped3A_21 = arith.constant 0 : i32
    "tpu.region"() ({
      %run_scoped3A_113 = tpu.sem_alloc : memref<!tpu.dma_semaphore, #tpu.memory_space<semaphore_mem>>
      %dma_start3A_114 = arith.constant 0 : i32
      %dma_start3A_115 = arith.constant 0 : i32
      %dma_start3A_116 = tpu.memref_slice %arg14[%run_scoped3A_21, %dma_start3A_114, %dma_start3A_115] : memref<4x88x128xf32, #tpu.memory_space<vmem>> -> memref<1x88x128xf32, #tpu.memory_space<vmem>>
      %dma_start3A_117 = tpu.memref_squeeze %dma_start3A_116 : memref<1x88x128xf32, #tpu.memory_space<vmem>> -> memref<88x128xf32, #tpu.memory_space<vmem>>
      %dma_start3A_118 = arith.constant 0 : i32
      %dma_start3A_119 = tpu.memref_slice %arg15[%add3A_20, %dma_start3A_118] : memref<10240x128xf32, #tpu.memory_space<vmem_shared>> -> memref<88x128xf32, #tpu.memory_space<vmem_shared>>
      %dma_start3A_120 = arith.constant 0 : i32
      %dma_start3A_121 = tpu.memref_slice %arg15[%add3A_20, %dma_start3A_120] : memref<10240x128xf32, #tpu.memory_space<vmem_shared>> -> memref<88x128xf32, #tpu.memory_space<vmem_shared>>
      %dma_start3A_122 = arith.constant 0 : i32
      %dma_start3A_123 = arith.constant 0 : i32
      %dma_start3A_124 = tpu.memref_slice %arg14[%run_scoped3A_21, %dma_start3A_122, %dma_start3A_123] : memref<4x88x128xf32, #tpu.memory_space<vmem>> -> memref<1x88x128xf32, #tpu.memory_space<vmem>>
      %dma_start3A_125 = tpu.memref_squeeze %dma_start3A_124 : memref<1x88x128xf32, #tpu.memory_space<vmem>> -> memref<88x128xf32, #tpu.memory_space<vmem>>
      tpu.enqueue_dma source(%dma_start3A_125 : memref<88x128xf32, #tpu.memory_space<vmem>>) target(%dma_start3A_121 : memref<88x128xf32, #tpu.memory_space<vmem_shared>>) target_semaphore(%run_scoped3A_113 : memref<!tpu.dma_semaphore, #tpu.memory_space<semaphore_mem>>)
      %dma_wait3A_126 = arith.constant 0 : i32
      %dma_wait3A_127 = arith.constant 0 : i32
      %dma_wait3A_128 = tpu.memref_slice %arg14[%run_scoped3A_21, %dma_wait3A_126, %dma_wait3A_127] : memref<4x88x128xf32, #tpu.memory_space<vmem>> -> memref<1x88x128xf32, #tpu.memory_space<vmem>>
      %dma_wait3A_129 = tpu.memref_squeeze %dma_wait3A_128 : memref<1x88x128xf32, #tpu.memory_space<vmem>> -> memref<88x128xf32, #tpu.memory_space<vmem>>
      %dma_wait3A_130 = arith.constant 0 : i32
      %dma_wait3A_131 = tpu.memref_slice %arg15[%add3A_20, %dma_wait3A_130] : memref<10240x128xf32, #tpu.memory_space<vmem_shared>> -> memref<88x128xf32, #tpu.memory_space<vmem_shared>>
      %dma_wait3A_132 = arith.constant 0 : i32
      %dma_wait3A_133 = tpu.memref_slice %arg15[%add3A_20, %dma_wait3A_132] : memref<10240x128xf32, #tpu.memory_space<vmem_shared>> -> memref<88x128xf32, #tpu.memory_space<vmem_shared>>
      %dma_wait3A_134 = arith.constant 0 : i32
      %dma_wait3A_135 = arith.constant 0 : i32
      %dma_wait3A_136 = tpu.memref_slice %arg14[%run_scoped3A_21, %dma_wait3A_134, %dma_wait3A_135] : memref<4x88x128xf32, #tpu.memory_space<vmem>> -> memref<1x88x128xf32, #tpu.memory_space<vmem>>
      %dma_wait3A_137 = tpu.memref_squeeze %dma_wait3A_136 : memref<1x88x128xf32, #tpu.memory_space<vmem>> -> memref<88x128xf32, #tpu.memory_space<vmem>>
      tpu.wait_dma2 semaphore(%run_scoped3A_113 : memref<!tpu.dma_semaphore, #tpu.memory_space<semaphore_mem>>) src(%dma_wait3A_137 : memref<88x128xf32, #tpu.memory_space<vmem>>) dst(%dma_wait3A_133 : memref<88x128xf32, #tpu.memory_space<vmem_shared>>)
      tpu.yield
    }) : () -> ()
    %mul3A_22 = arith.constant 640 : i32
    %mul3A_23 = arith.muli %arg1, %mul3A_22 : i32
    %add3A_24 = arith.constant 264 : i32
    %add3A_25 = arith.addi %mul3A_23, %add3A_24 : i32
    %run_scoped3A_26 = arith.constant 0 : i32
    "tpu.region"() ({
      %run_scoped3A_113 = tpu.sem_alloc : memref<!tpu.dma_semaphore, #tpu.memory_space<semaphore_mem>>
      %dma_start3A_114 = arith.constant 0 : i32
      %dma_start3A_115 = arith.constant 0 : i32
      %dma_start3A_116 = tpu.memref_slice %arg14[%run_scoped3A_26, %dma_start3A_114, %dma_start3A_115] : memref<4x88x128xf32, #tpu.memory_space<vmem>> -> memref<1x88x128xf32, #tpu.memory_space<vmem>>
      %dma_start3A_117 = tpu.memref_squeeze %dma_start3A_116 : memref<1x88x128xf32, #tpu.memory_space<vmem>> -> memref<88x128xf32, #tpu.memory_space<vmem>>
      %dma_start3A_118 = arith.constant 0 : i32
      %dma_start3A_119 = tpu.memref_slice %arg15[%add3A_25, %dma_start3A_118] : memref<10240x128xf32, #tpu.memory_space<vmem_shared>> -> memref<88x128xf32, #tpu.memory_space<vmem_shared>>
      %dma_start3A_120 = arith.constant 0 : i32
      %dma_start3A_121 = tpu.memref_slice %arg15[%add3A_25, %dma_start3A_120] : memref<10240x128xf32, #tpu.memory_space<vmem_shared>> -> memref<88x128xf32, #tpu.memory_space<vmem_shared>>
      %dma_start3A_122 = arith.constant 0 : i32
      %dma_start3A_123 = arith.constant 0 : i32
      %dma_start3A_124 = tpu.memref_slice %arg14[%run_scoped3A_26, %dma_start3A_122, %dma_start3A_123] : memref<4x88x128xf32, #tpu.memory_space<vmem>> -> memref<1x88x128xf32, #tpu.memory_space<vmem>>
      %dma_start3A_125 = tpu.memref_squeeze %dma_start3A_124 : memref<1x88x128xf32, #tpu.memory_space<vmem>> -> memref<88x128xf32, #tpu.memory_space<vmem>>
      tpu.enqueue_dma source(%dma_start3A_125 : memref<88x128xf32, #tpu.memory_space<vmem>>) target(%dma_start3A_121 : memref<88x128xf32, #tpu.memory_space<vmem_shared>>) target_semaphore(%run_scoped3A_113 : memref<!tpu.dma_semaphore, #tpu.memory_space<semaphore_mem>>)
      %dma_wait3A_126 = arith.constant 0 : i32
      %dma_wait3A_127 = arith.constant 0 : i32
      %dma_wait3A_128 = tpu.memref_slice %arg14[%run_scoped3A_26, %dma_wait3A_126, %dma_wait3A_127] : memref<4x88x128xf32, #tpu.memory_space<vmem>> -> memref<1x88x128xf32, #tpu.memory_space<vmem>>
      %dma_wait3A_129 = tpu.memref_squeeze %dma_wait3A_128 : memref<1x88x128xf32, #tpu.memory_space<vmem>> -> memref<88x128xf32, #tpu.memory_space<vmem>>
      %dma_wait3A_130 = arith.constant 0 : i32
      %dma_wait3A_131 = tpu.memref_slice %arg15[%add3A_25, %dma_wait3A_130] : memref<10240x128xf32, #tpu.memory_space<vmem_shared>> -> memref<88x128xf32, #tpu.memory_space<vmem_shared>>
      %dma_wait3A_132 = arith.constant 0 : i32
      %dma_wait3A_133 = tpu.memref_slice %arg15[%add3A_25, %dma_wait3A_132] : memref<10240x128xf32, #tpu.memory_space<vmem_shared>> -> memref<88x128xf32, #tpu.memory_space<vmem_shared>>
      %dma_wait3A_134 = arith.constant 0 : i32
      %dma_wait3A_135 = arith.constant 0 : i32
      %dma_wait3A_136 = tpu.memref_slice %arg14[%run_scoped3A_26, %dma_wait3A_134, %dma_wait3A_135] : memref<4x88x128xf32, #tpu.memory_space<vmem>> -> memref<1x88x128xf32, #tpu.memory_space<vmem>>
      %dma_wait3A_137 = tpu.memref_squeeze %dma_wait3A_136 : memref<1x88x128xf32, #tpu.memory_space<vmem>> -> memref<88x128xf32, #tpu.memory_space<vmem>>
      tpu.wait_dma2 semaphore(%run_scoped3A_113 : memref<!tpu.dma_semaphore, #tpu.memory_space<semaphore_mem>>) src(%dma_wait3A_137 : memref<88x128xf32, #tpu.memory_space<vmem>>) dst(%dma_wait3A_133 : memref<88x128xf32, #tpu.memory_space<vmem_shared>>)
      tpu.yield
    }) : () -> ()
    %mul3A_27 = arith.constant 640 : i32
    %mul3A_28 = arith.muli %arg1, %mul3A_27 : i32
    %add3A_29 = arith.constant 352 : i32
    %add3A_30 = arith.addi %mul3A_28, %add3A_29 : i32
    %run_scoped3A_31 = arith.constant 0 : i32
    "tpu.region"() ({
      %run_scoped3A_113 = tpu.sem_alloc : memref<!tpu.dma_semaphore, #tpu.memory_space<semaphore_mem>>
      %dma_start3A_114 = arith.constant 0 : i32
      %dma_start3A_115 = arith.constant 0 : i32
      %dma_start3A_116 = tpu.memref_slice %arg14[%run_scoped3A_31, %dma_start3A_114, %dma_start3A_115] : memref<4x88x128xf32, #tpu.memory_space<vmem>> -> memref<1x88x128xf32, #tpu.memory_space<vmem>>
      %dma_start3A_117 = tpu.memref_squeeze %dma_start3A_116 : memref<1x88x128xf32, #tpu.memory_space<vmem>> -> memref<88x128xf32, #tpu.memory_space<vmem>>
      %dma_start3A_118 = arith.constant 0 : i32
      %dma_start3A_119 = tpu.memref_slice %arg15[%add3A_30, %dma_start3A_118] : memref<10240x128xf32, #tpu.memory_space<vmem_shared>> -> memref<88x128xf32, #tpu.memory_space<vmem_shared>>
      %dma_start3A_120 = arith.constant 0 : i32
      %dma_start3A_121 = tpu.memref_slice %arg15[%add3A_30, %dma_start3A_120] : memref<10240x128xf32, #tpu.memory_space<vmem_shared>> -> memref<88x128xf32, #tpu.memory_space<vmem_shared>>
      %dma_start3A_122 = arith.constant 0 : i32
      %dma_start3A_123 = arith.constant 0 : i32
      %dma_start3A_124 = tpu.memref_slice %arg14[%run_scoped3A_31, %dma_start3A_122, %dma_start3A_123] : memref<4x88x128xf32, #tpu.memory_space<vmem>> -> memref<1x88x128xf32, #tpu.memory_space<vmem>>
      %dma_start3A_125 = tpu.memref_squeeze %dma_start3A_124 : memref<1x88x128xf32, #tpu.memory_space<vmem>> -> memref<88x128xf32, #tpu.memory_space<vmem>>
      tpu.enqueue_dma source(%dma_start3A_125 : memref<88x128xf32, #tpu.memory_space<vmem>>) target(%dma_start3A_121 : memref<88x128xf32, #tpu.memory_space<vmem_shared>>) target_semaphore(%run_scoped3A_113 : memref<!tpu.dma_semaphore, #tpu.memory_space<semaphore_mem>>)
      %dma_wait3A_126 = arith.constant 0 : i32
      %dma_wait3A_127 = arith.constant 0 : i32
      %dma_wait3A_128 = tpu.memref_slice %arg14[%run_scoped3A_31, %dma_wait3A_126, %dma_wait3A_127] : memref<4x88x128xf32, #tpu.memory_space<vmem>> -> memref<1x88x128xf32, #tpu.memory_space<vmem>>
      %dma_wait3A_129 = tpu.memref_squeeze %dma_wait3A_128 : memref<1x88x128xf32, #tpu.memory_space<vmem>> -> memref<88x128xf32, #tpu.memory_space<vmem>>
      %dma_wait3A_130 = arith.constant 0 : i32
      %dma_wait3A_131 = tpu.memref_slice %arg15[%add3A_30, %dma_wait3A_130] : memref<10240x128xf32, #tpu.memory_space<vmem_shared>> -> memref<88x128xf32, #tpu.memory_space<vmem_shared>>
      %dma_wait3A_132 = arith.constant 0 : i32
      %dma_wait3A_133 = tpu.memref_slice %arg15[%add3A_30, %dma_wait3A_132] : memref<10240x128xf32, #tpu.memory_space<vmem_shared>> -> memref<88x128xf32, #tpu.memory_space<vmem_shared>>
      %dma_wait3A_134 = arith.constant 0 : i32
      %dma_wait3A_135 = arith.constant 0 : i32
      %dma_wait3A_136 = tpu.memref_slice %arg14[%run_scoped3A_31, %dma_wait3A_134, %dma_wait3A_135] : memref<4x88x128xf32, #tpu.memory_space<vmem>> -> memref<1x88x128xf32, #tpu.memory_space<vmem>>
      %dma_wait3A_137 = tpu.memref_squeeze %dma_wait3A_136 : memref<1x88x128xf32, #tpu.memory_space<vmem>> -> memref<88x128xf32, #tpu.memory_space<vmem>>
      tpu.wait_dma2 semaphore(%run_scoped3A_113 : memref<!tpu.dma_semaphore, #tpu.memory_space<semaphore_mem>>) src(%dma_wait3A_137 : memref<88x128xf32, #tpu.memory_space<vmem>>) dst(%dma_wait3A_133 : memref<88x128xf32, #tpu.memory_space<vmem_shared>>)
      tpu.yield
    }) : () -> ()
    %mul3A_32 = arith.constant 640 : i32
    %mul3A_33 = arith.muli %arg1, %mul3A_32 : i32
    %add3A_34 = arith.constant 440 : i32
    %add3A_35 = arith.addi %mul3A_33, %add3A_34 : i32
    %run_scoped3A_36 = arith.constant 0 : i32
    "tpu.region"() ({
      %run_scoped3A_113 = tpu.sem_alloc : memref<!tpu.dma_semaphore, #tpu.memory_space<semaphore_mem>>
      %dma_start3A_114 = arith.constant 0 : i32
      %dma_start3A_115 = arith.constant 0 : i32
      %dma_start3A_116 = tpu.memref_slice %arg14[%run_scoped3A_36, %dma_start3A_114, %dma_start3A_115] : memref<4x88x128xf32, #tpu.memory_space<vmem>> -> memref<1x88x128xf32, #tpu.memory_space<vmem>>
      %dma_start3A_117 = tpu.memref_squeeze %dma_start3A_116 : memref<1x88x128xf32, #tpu.memory_space<vmem>> -> memref<88x128xf32, #tpu.memory_space<vmem>>
      %dma_start3A_118 = arith.constant 0 : i32
      %dma_start3A_119 = tpu.memref_slice %arg15[%add3A_35, %dma_start3A_118] : memref<10240x128xf32, #tpu.memory_space<vmem_shared>> -> memref<88x128xf32, #tpu.memory_space<vmem_shared>>
      %dma_start3A_120 = arith.constant 0 : i32
      %dma_start3A_121 = tpu.memref_slice %arg15[%add3A_35, %dma_start3A_120] : memref<10240x128xf32, #tpu.memory_space<vmem_shared>> -> memref<88x128xf32, #tpu.memory_space<vmem_shared>>
      %dma_start3A_122 = arith.constant 0 : i32
      %dma_start3A_123 = arith.constant 0 : i32
      %dma_start3A_124 = tpu.memref_slice %arg14[%run_scoped3A_36, %dma_start3A_122, %dma_start3A_123] : memref<4x88x128xf32, #tpu.memory_space<vmem>> -> memref<1x88x128xf32, #tpu.memory_space<vmem>>
      %dma_start3A_125 = tpu.memref_squeeze %dma_start3A_124 : memref<1x88x128xf32, #tpu.memory_space<vmem>> -> memref<88x128xf32, #tpu.memory_space<vmem>>
      tpu.enqueue_dma source(%dma_start3A_125 : memref<88x128xf32, #tpu.memory_space<vmem>>) target(%dma_start3A_121 : memref<88x128xf32, #tpu.memory_space<vmem_shared>>) target_semaphore(%run_scoped3A_113 : memref<!tpu.dma_semaphore, #tpu.memory_space<semaphore_mem>>)
      %dma_wait3A_126 = arith.constant 0 : i32
      %dma_wait3A_127 = arith.constant 0 : i32
      %dma_wait3A_128 = tpu.memref_slice %arg14[%run_scoped3A_36, %dma_wait3A_126, %dma_wait3A_127] : memref<4x88x128xf32, #tpu.memory_space<vmem>> -> memref<1x88x128xf32, #tpu.memory_space<vmem>>
      %dma_wait3A_129 = tpu.memref_squeeze %dma_wait3A_128 : memref<1x88x128xf32, #tpu.memory_space<vmem>> -> memref<88x128xf32, #tpu.memory_space<vmem>>
      %dma_wait3A_130 = arith.constant 0 : i32
      %dma_wait3A_131 = tpu.memref_slice %arg15[%add3A_35, %dma_wait3A_130] : memref<10240x128xf32, #tpu.memory_space<vmem_shared>> -> memref<88x128xf32, #tpu.memory_space<vmem_shared>>
      %dma_wait3A_132 = arith.constant 0 : i32
      %dma_wait3A_133 = tpu.memref_slice %arg15[%add3A_35, %dma_wait3A_132] : memref<10240x128xf32, #tpu.memory_space<vmem_shared>> -> memref<88x128xf32, #tpu.memory_space<vmem_shared>>
      %dma_wait3A_134 = arith.constant 0 : i32
      %dma_wait3A_135 = arith.constant 0 : i32
      %dma_wait3A_136 = tpu.memref_slice %arg14[%run_scoped3A_36, %dma_wait3A_134, %dma_wait3A_135] : memref<4x88x128xf32, #tpu.memory_space<vmem>> -> memref<1x88x128xf32, #tpu.memory_space<vmem>>
      %dma_wait3A_137 = tpu.memref_squeeze %dma_wait3A_136 : memref<1x88x128xf32, #tpu.memory_space<vmem>> -> memref<88x128xf32, #tpu.memory_space<vmem>>
      tpu.wait_dma2 semaphore(%run_scoped3A_113 : memref<!tpu.dma_semaphore, #tpu.memory_space<semaphore_mem>>) src(%dma_wait3A_137 : memref<88x128xf32, #tpu.memory_space<vmem>>) dst(%dma_wait3A_133 : memref<88x128xf32, #tpu.memory_space<vmem_shared>>)
      tpu.yield
    }) : () -> ()
    %mul3A_37 = arith.constant 640 : i32
    %mul3A_38 = arith.muli %arg1, %mul3A_37 : i32
    %add3A_39 = arith.constant 528 : i32
    %add3A_40 = arith.addi %mul3A_38, %add3A_39 : i32
    %run_scoped3A_41 = arith.constant 0 : i32
    "tpu.region"() ({
      %run_scoped3A_113 = tpu.sem_alloc : memref<!tpu.dma_semaphore, #tpu.memory_space<semaphore_mem>>
      %dma_start3A_114 = arith.constant 0 : i32
      %dma_start3A_115 = arith.constant 0 : i32
      %dma_start3A_116 = tpu.memref_slice %arg14[%run_scoped3A_41, %dma_start3A_114, %dma_start3A_115] : memref<4x88x128xf32, #tpu.memory_space<vmem>> -> memref<1x88x128xf32, #tpu.memory_space<vmem>>
      %dma_start3A_117 = tpu.memref_squeeze %dma_start3A_116 : memref<1x88x128xf32, #tpu.memory_space<vmem>> -> memref<88x128xf32, #tpu.memory_space<vmem>>
      %dma_start3A_118 = arith.constant 0 : i32
      %dma_start3A_119 = tpu.memref_slice %arg15[%add3A_40, %dma_start3A_118] : memref<10240x128xf32, #tpu.memory_space<vmem_shared>> -> memref<88x128xf32, #tpu.memory_space<vmem_shared>>
      %dma_start3A_120 = arith.constant 0 : i32
      %dma_start3A_121 = tpu.memref_slice %arg15[%add3A_40, %dma_start3A_120] : memref<10240x128xf32, #tpu.memory_space<vmem_shared>> -> memref<88x128xf32, #tpu.memory_space<vmem_shared>>
      %dma_start3A_122 = arith.constant 0 : i32
      %dma_start3A_123 = arith.constant 0 : i32
      %dma_start3A_124 = tpu.memref_slice %arg14[%run_scoped3A_41, %dma_start3A_122, %dma_start3A_123] : memref<4x88x128xf32, #tpu.memory_space<vmem>> -> memref<1x88x128xf32, #tpu.memory_space<vmem>>
      %dma_start3A_125 = tpu.memref_squeeze %dma_start3A_124 : memref<1x88x128xf32, #tpu.memory_space<vmem>> -> memref<88x128xf32, #tpu.memory_space<vmem>>
      tpu.enqueue_dma source(%dma_start3A_125 : memref<88x128xf32, #tpu.memory_space<vmem>>) target(%dma_start3A_121 : memref<88x128xf32, #tpu.memory_space<vmem_shared>>) target_semaphore(%run_scoped3A_113 : memref<!tpu.dma_semaphore, #tpu.memory_space<semaphore_mem>>)
      %dma_wait3A_126 = arith.constant 0 : i32
      %dma_wait3A_127 = arith.constant 0 : i32
      %dma_wait3A_128 = tpu.memref_slice %arg14[%run_scoped3A_41, %dma_wait3A_126, %dma_wait3A_127] : memref<4x88x128xf32, #tpu.memory_space<vmem>> -> memref<1x88x128xf32, #tpu.memory_space<vmem>>
      %dma_wait3A_129 = tpu.memref_squeeze %dma_wait3A_128 : memref<1x88x128xf32, #tpu.memory_space<vmem>> -> memref<88x128xf32, #tpu.memory_space<vmem>>
      %dma_wait3A_130 = arith.constant 0 : i32
      %dma_wait3A_131 = tpu.memref_slice %arg15[%add3A_40, %dma_wait3A_130] : memref<10240x128xf32, #tpu.memory_space<vmem_shared>> -> memref<88x128xf32, #tpu.memory_space<vmem_shared>>
      %dma_wait3A_132 = arith.constant 0 : i32
      %dma_wait3A_133 = tpu.memref_slice %arg15[%add3A_40, %dma_wait3A_132] : memref<10240x128xf32, #tpu.memory_space<vmem_shared>> -> memref<88x128xf32, #tpu.memory_space<vmem_shared>>
      %dma_wait3A_134 = arith.constant 0 : i32
      %dma_wait3A_135 = arith.constant 0 : i32
      %dma_wait3A_136 = tpu.memref_slice %arg14[%run_scoped3A_41, %dma_wait3A_134, %dma_wait3A_135] : memref<4x88x128xf32, #tpu.memory_space<vmem>> -> memref<1x88x128xf32, #tpu.memory_space<vmem>>
      %dma_wait3A_137 = tpu.memref_squeeze %dma_wait3A_136 : memref<1x88x128xf32, #tpu.memory_space<vmem>> -> memref<88x128xf32, #tpu.memory_space<vmem>>
      tpu.wait_dma2 semaphore(%run_scoped3A_113 : memref<!tpu.dma_semaphore, #tpu.memory_space<semaphore_mem>>) src(%dma_wait3A_137 : memref<88x128xf32, #tpu.memory_space<vmem>>) dst(%dma_wait3A_133 : memref<88x128xf32, #tpu.memory_space<vmem_shared>>)
      tpu.yield
    }) : () -> ()
    %mul3A_42 = arith.constant 640 : i32
    %mul3A_43 = arith.muli %arg1, %mul3A_42 : i32
    %add3A_44 = arith.constant 616 : i32
    %add3A_45 = arith.addi %mul3A_43, %add3A_44 : i32
    %run_scoped3A_46 = arith.constant 0 : i32
    "tpu.region"() ({
      %run_scoped3A_113 = tpu.sem_alloc : memref<!tpu.dma_semaphore, #tpu.memory_space<semaphore_mem>>
      %dma_start3A_114 = arith.constant 0 : i32
      %dma_start3A_115 = arith.constant 0 : i32
      %dma_start3A_116 = tpu.memref_slice %arg14[%run_scoped3A_46, %dma_start3A_114, %dma_start3A_115] : memref<4x88x128xf32, #tpu.memory_space<vmem>> -> memref<1x24x128xf32, #tpu.memory_space<vmem>>
      %dma_start3A_117 = tpu.memref_squeeze %dma_start3A_116 : memref<1x24x128xf32, #tpu.memory_space<vmem>> -> memref<24x128xf32, #tpu.memory_space<vmem>>
      %dma_start3A_118 = arith.constant 0 : i32
      %dma_start3A_119 = tpu.memref_slice %arg15[%add3A_45, %dma_start3A_118] : memref<10240x128xf32, #tpu.memory_space<vmem_shared>> -> memref<24x128xf32, #tpu.memory_space<vmem_shared>>
      %dma_start3A_120 = arith.constant 0 : i32
      %dma_start3A_121 = tpu.memref_slice %arg15[%add3A_45, %dma_start3A_120] : memref<10240x128xf32, #tpu.memory_space<vmem_shared>> -> memref<24x128xf32, #tpu.memory_space<vmem_shared>>
      %dma_start3A_122 = arith.constant 0 : i32
      %dma_start3A_123 = arith.constant 0 : i32
      %dma_start3A_124 = tpu.memref_slice %arg14[%run_scoped3A_46, %dma_start3A_122, %dma_start3A_123] : memref<4x88x128xf32, #tpu.memory_space<vmem>> -> memref<1x24x128xf32, #tpu.memory_space<vmem>>
      %dma_start3A_125 = tpu.memref_squeeze %dma_start3A_124 : memref<1x24x128xf32, #tpu.memory_space<vmem>> -> memref<24x128xf32, #tpu.memory_space<vmem>>
      tpu.enqueue_dma source(%dma_start3A_125 : memref<24x128xf32, #tpu.memory_space<vmem>>) target(%dma_start3A_121 : memref<24x128xf32, #tpu.memory_space<vmem_shared>>) target_semaphore(%run_scoped3A_113 : memref<!tpu.dma_semaphore, #tpu.memory_space<semaphore_mem>>)
      %dma_wait3A_126 = arith.constant 0 : i32
      %dma_wait3A_127 = arith.constant 0 : i32
      %dma_wait3A_128 = tpu.memref_slice %arg14[%run_scoped3A_46, %dma_wait3A_126, %dma_wait3A_127] : memref<4x88x128xf32, #tpu.memory_space<vmem>> -> memref<1x24x128xf32, #tpu.memory_space<vmem>>
      %dma_wait3A_129 = tpu.memref_squeeze %dma_wait3A_128 : memref<1x24x128xf32, #tpu.memory_space<vmem>> -> memref<24x128xf32, #tpu.memory_space<vmem>>
      %dma_wait3A_130 = arith.constant 0 : i32
      %dma_wait3A_131 = tpu.memref_slice %arg15[%add3A_45, %dma_wait3A_130] : memref<10240x128xf32, #tpu.memory_space<vmem_shared>> -> memref<24x128xf32, #tpu.memory_space<vmem_shared>>
      %dma_wait3A_132 = arith.constant 0 : i32
      %dma_wait3A_133 = tpu.memref_slice %arg15[%add3A_45, %dma_wait3A_132] : memref<10240x128xf32, #tpu.memory_space<vmem_shared>> -> memref<24x128xf32, #tpu.memory_space<vmem_shared>>
      %dma_wait3A_134 = arith.constant 0 : i32
      %dma_wait3A_135 = arith.constant 0 : i32
      %dma_wait3A_136 = tpu.memref_slice %arg14[%run_scoped3A_46, %dma_wait3A_134, %dma_wait3A_135] : memref<4x88x128xf32, #tpu.memory_space<vmem>> -> memref<1x24x128xf32, #tpu.memory_space<vmem>>
      %dma_wait3A_137 = tpu.memref_squeeze %dma_wait3A_136 : memref<1x24x128xf32, #tpu.memory_space<vmem>> -> memref<24x128xf32, #tpu.memory_space<vmem>>
      tpu.wait_dma2 semaphore(%run_scoped3A_113 : memref<!tpu.dma_semaphore, #tpu.memory_space<semaphore_mem>>) src(%dma_wait3A_137 : memref<24x128xf32, #tpu.memory_space<vmem>>) dst(%dma_wait3A_133 : memref<24x128xf32, #tpu.memory_space<vmem_shared>>)
      tpu.yield
    }) : () -> ()
    %add3A_47 = arith.constant 0 : i32
    %add3A_48 = arith.addi %mul3A_2, %add3A_47 : i32
    "tpu.region"() ({
      %run_scoped3A_113 = tpu.sem_alloc : memref<!tpu.dma_semaphore, #tpu.memory_space<semaphore_mem>>
      %dma_start3A_114 = tpu.memref_slice %arg3[%add3A_48] : memref<326656xi32, #tpu.memory_space<hbm>> -> memref<88xi32, #tpu.memory_space<hbm>>
      %dma_start3A_115 = tpu.memref_slice %arg3[%add3A_48] : memref<326656xi32, #tpu.memory_space<hbm>> -> memref<88xi32, #tpu.memory_space<hbm>>
      tpu.enqueue_dma source(%dma_start3A_115 : memref<88xi32, #tpu.memory_space<hbm>>) target(%arg6 : memref<88xi32, #tpu.memory_space<vmem>>) target_semaphore(%run_scoped3A_113 : memref<!tpu.dma_semaphore, #tpu.memory_space<semaphore_mem>>)
      %dma_wait3A_116 = tpu.memref_slice %arg3[%add3A_48] : memref<326656xi32, #tpu.memory_space<hbm>> -> memref<88xi32, #tpu.memory_space<hbm>>
      %dma_wait3A_117 = tpu.memref_slice %arg3[%add3A_48] : memref<326656xi32, #tpu.memory_space<hbm>> -> memref<88xi32, #tpu.memory_space<hbm>>
      tpu.wait_dma2 semaphore(%run_scoped3A_113 : memref<!tpu.dma_semaphore, #tpu.memory_space<semaphore_mem>>) src(%dma_wait3A_117 : memref<88xi32, #tpu.memory_space<hbm>>) dst(%arg6 : memref<88xi32, #tpu.memory_space<vmem>>)
      tpu.yield
    }) : () -> ()
    %dma_start3A = arith.constant 0 : i32
    %dma_start3A_49 = arith.constant 0 : i32
    %dma_start3A_50 = arith.constant 0 : i32
    %dma_start3A_51 = tpu.memref_slice %arg14[%dma_start3A, %dma_start3A_49, %dma_start3A_50] : memref<4x88x128xf32, #tpu.memory_space<vmem>> -> memref<1x88x128xf32, #tpu.memory_space<vmem>>
    %dma_start3A_52 = tpu.memref_squeeze %dma_start3A_51 : memref<1x88x128xf32, #tpu.memory_space<vmem>> -> memref<88x128xf32, #tpu.memory_space<vmem>>
    %dma_start3A_53 = arith.constant 0 : i32
    %dma_start3A_54 = arith.constant 0 : i32
    %dma_start3A_55 = tpu.memref_slice %arg2[%dma_start3A_53, %dma_start3A_54] : memref<10240x128xf32, #tpu.memory_space<hbm>> -> memref<10240x128xf32, #tpu.memory_space<hbm>>
    tpu.enqueue_indirect_dma source(%dma_start3A_55 : memref<10240x128xf32, #tpu.memory_space<hbm>>) target(%dma_start3A_52 : memref<88x128xf32, #tpu.memory_space<vmem>>) offsets(%arg6 : memref<88xi32, #tpu.memory_space<vmem>>) semaphore(%arg24 : memref<!tpu.dma_semaphore, #tpu.memory_space<semaphore_mem>>)
    %add3A_56 = arith.constant 88 : i32
    %add3A_57 = arith.addi %mul3A_2, %add3A_56 : i32
    "tpu.region"() ({
      %run_scoped3A_113 = tpu.sem_alloc : memref<!tpu.dma_semaphore, #tpu.memory_space<semaphore_mem>>
      %dma_start3A_114 = tpu.memref_slice %arg3[%add3A_57] : memref<326656xi32, #tpu.memory_space<hbm>> -> memref<88xi32, #tpu.memory_space<hbm>>
      %dma_start3A_115 = tpu.memref_slice %arg3[%add3A_57] : memref<326656xi32, #tpu.memory_space<hbm>> -> memref<88xi32, #tpu.memory_space<hbm>>
      tpu.enqueue_dma source(%dma_start3A_115 : memref<88xi32, #tpu.memory_space<hbm>>) target(%arg7 : memref<88xi32, #tpu.memory_space<vmem>>) target_semaphore(%run_scoped3A_113 : memref<!tpu.dma_semaphore, #tpu.memory_space<semaphore_mem>>)
      %dma_wait3A_116 = tpu.memref_slice %arg3[%add3A_57] : memref<326656xi32, #tpu.memory_space<hbm>> -> memref<88xi32, #tpu.memory_space<hbm>>
      %dma_wait3A_117 = tpu.memref_slice %arg3[%add3A_57] : memref<326656xi32, #tpu.memory_space<hbm>> -> memref<88xi32, #tpu.memory_space<hbm>>
      tpu.wait_dma2 semaphore(%run_scoped3A_113 : memref<!tpu.dma_semaphore, #tpu.memory_space<semaphore_mem>>) src(%dma_wait3A_117 : memref<88xi32, #tpu.memory_space<hbm>>) dst(%arg7 : memref<88xi32, #tpu.memory_space<vmem>>)
      tpu.yield
    }) : () -> ()
    %dma_start3A_58 = arith.constant 1 : i32
    %dma_start3A_59 = arith.constant 0 : i32
    %dma_start3A_60 = arith.constant 0 : i32
    %dma_start3A_61 = tpu.memref_slice %arg14[%dma_start3A_58, %dma_start3A_59, %dma_start3A_60] : memref<4x88x128xf32, #tpu.memory_space<vmem>> -> memref<1x88x128xf32, #tpu.memory_space<vmem>>
    %dma_start3A_62 = tpu.memref_squeeze %dma_start3A_61 : memref<1x88x128xf32, #tpu.memory_space<vmem>> -> memref<88x128xf32, #tpu.memory_space<vmem>>
    %dma_start3A_63 = arith.constant 0 : i32
    %dma_start3A_64 = arith.constant 0 : i32
    %dma_start3A_65 = tpu.memref_slice %arg2[%dma_start3A_63, %dma_start3A_64] : memref<10240x128xf32, #tpu.memory_space<hbm>> -> memref<10240x128xf32, #tpu.memory_space<hbm>>
    tpu.enqueue_indirect_dma source(%dma_start3A_65 : memref<10240x128xf32, #tpu.memory_space<hbm>>) target(%dma_start3A_62 : memref<88x128xf32, #tpu.memory_space<vmem>>) offsets(%arg7 : memref<88xi32, #tpu.memory_space<vmem>>) semaphore(%arg25 : memref<!tpu.dma_semaphore, #tpu.memory_space<semaphore_mem>>)
    %add3A_66 = arith.constant 176 : i32
    %add3A_67 = arith.addi %mul3A_2, %add3A_66 : i32
    "tpu.region"() ({
      %run_scoped3A_113 = tpu.sem_alloc : memref<!tpu.dma_semaphore, #tpu.memory_space<semaphore_mem>>
      %dma_start3A_114 = tpu.memref_slice %arg3[%add3A_67] : memref<326656xi32, #tpu.memory_space<hbm>> -> memref<88xi32, #tpu.memory_space<hbm>>
      %dma_start3A_115 = tpu.memref_slice %arg3[%add3A_67] : memref<326656xi32, #tpu.memory_space<hbm>> -> memref<88xi32, #tpu.memory_space<hbm>>
      tpu.enqueue_dma source(%dma_start3A_115 : memref<88xi32, #tpu.memory_space<hbm>>) target(%arg8 : memref<88xi32, #tpu.memory_space<vmem>>) target_semaphore(%run_scoped3A_113 : memref<!tpu.dma_semaphore, #tpu.memory_space<semaphore_mem>>)
      %dma_wait3A_116 = tpu.memref_slice %arg3[%add3A_67] : memref<326656xi32, #tpu.memory_space<hbm>> -> memref<88xi32, #tpu.memory_space<hbm>>
      %dma_wait3A_117 = tpu.memref_slice %arg3[%add3A_67] : memref<326656xi32, #tpu.memory_space<hbm>> -> memref<88xi32, #tpu.memory_space<hbm>>
      tpu.wait_dma2 semaphore(%run_scoped3A_113 : memref<!tpu.dma_semaphore, #tpu.memory_space<semaphore_mem>>) src(%dma_wait3A_117 : memref<88xi32, #tpu.memory_space<hbm>>) dst(%arg8 : memref<88xi32, #tpu.memory_space<vmem>>)
      tpu.yield
    }) : () -> ()
    %dma_start3A_68 = arith.constant 2 : i32
    %dma_start3A_69 = arith.constant 0 : i32
    %dma_start3A_70 = arith.constant 0 : i32
    %dma_start3A_71 = tpu.memref_slice %arg14[%dma_start3A_68, %dma_start3A_69, %dma_start3A_70] : memref<4x88x128xf32, #tpu.memory_space<vmem>> -> memref<1x88x128xf32, #tpu.memory_space<vmem>>
    %dma_start3A_72 = tpu.memref_squeeze %dma_start3A_71 : memref<1x88x128xf32, #tpu.memory_space<vmem>> -> memref<88x128xf32, #tpu.memory_space<vmem>>
    %dma_start3A_73 = arith.constant 0 : i32
    %dma_start3A_74 = arith.constant 0 : i32
    %dma_start3A_75 = tpu.memref_slice %arg2[%dma_start3A_73, %dma_start3A_74] : memref<10240x128xf32, #tpu.memory_space<hbm>> -> memref<10240x128xf32, #tpu.memory_space<hbm>>
    tpu.enqueue_indirect_dma source(%dma_start3A_75 : memref<10240x128xf32, #tpu.memory_space<hbm>>) target(%dma_start3A_72 : memref<88x128xf32, #tpu.memory_space<vmem>>) offsets(%arg8 : memref<88xi32, #tpu.memory_space<vmem>>) semaphore(%arg26 : memref<!tpu.dma_semaphore, #tpu.memory_space<semaphore_mem>>)
    %add3A_76 = arith.constant 264 : i32
    %add3A_77 = arith.addi %mul3A_2, %add3A_76 : i32
    %dma_start3A_78 = tpu.memref_slice %arg3[%add3A_77] : memref<326656xi32, #tpu.memory_space<hbm>> -> memref<88xi32, #tpu.memory_space<hbm>>
    %dma_start3A_79 = tpu.memref_slice %arg3[%add3A_77] : memref<326656xi32, #tpu.memory_space<hbm>> -> memref<88xi32, #tpu.memory_space<hbm>>
    tpu.enqueue_dma source(%dma_start3A_79 : memref<88xi32, #tpu.memory_space<hbm>>) target(%arg9 : memref<88xi32, #tpu.memory_space<vmem>>) target_semaphore(%arg19 : memref<!tpu.dma_semaphore, #tpu.memory_space<semaphore_mem>>)
    %add3A_80 = arith.constant 0 : i32
    %add3A_81 = arith.addi %mul3A_2, %add3A_80 : i32
    %dma_start3A_82 = tpu.memref_slice %arg4[%add3A_81] : memref<326656xi32, #tpu.memory_space<hbm>> -> memref<88xi32, #tpu.memory_space<hbm>>
    %dma_start3A_83 = tpu.memref_slice %arg4[%add3A_81] : memref<326656xi32, #tpu.memory_space<hbm>> -> memref<88xi32, #tpu.memory_space<hbm>>
    tpu.enqueue_dma source(%dma_start3A_83 : memref<88xi32, #tpu.memory_space<hbm>>) target(%arg10 : memref<88xi32, #tpu.memory_space<vmem>>) target_semaphore(%arg20 : memref<!tpu.dma_semaphore, #tpu.memory_space<semaphore_mem>>)
    %add3A_84 = arith.constant 88 : i32
    %add3A_85 = arith.addi %mul3A_2, %add3A_84 : i32
    %dma_start3A_86 = tpu.memref_slice %arg4[%add3A_85] : memref<326656xi32, #tpu.memory_space<hbm>> -> memref<88xi32, #tpu.memory_space<hbm>>
    %dma_start3A_87 = tpu.memref_slice %arg4[%add3A_85] : memref<326656xi32, #tpu.memory_space<hbm>> -> memref<88xi32, #tpu.memory_space<hbm>>
    tpu.enqueue_dma source(%dma_start3A_87 : memref<88xi32, #tpu.memory_space<hbm>>) target(%arg11 : memref<88xi32, #tpu.memory_space<vmem>>) target_semaphore(%arg21 : memref<!tpu.dma_semaphore, #tpu.memory_space<semaphore_mem>>)
    %add3A_88 = arith.constant 176 : i32
    %add3A_89 = arith.addi %mul3A_2, %add3A_88 : i32
    %dma_start3A_90 = tpu.memref_slice %arg4[%add3A_89] : memref<326656xi32, #tpu.memory_space<hbm>> -> memref<88xi32, #tpu.memory_space<hbm>>
    %dma_start3A_91 = tpu.memref_slice %arg4[%add3A_89] : memref<326656xi32, #tpu.memory_space<hbm>> -> memref<88xi32, #tpu.memory_space<hbm>>
    tpu.enqueue_dma source(%dma_start3A_91 : memref<88xi32, #tpu.memory_space<hbm>>) target(%arg12 : memref<88xi32, #tpu.memory_space<vmem>>) target_semaphore(%arg22 : memref<!tpu.dma_semaphore, #tpu.memory_space<semaphore_mem>>)
    %barrier3A = arith.constant 0 : index
    tpu.barrier barrier_id(%barrier3A)
    %scan3A_92 = arith.constant 0 : i32
    %scan3A_93 = arith.constant 0 : i32
    %scan3A_94 = arith.constant 29 : i32
    %scan3A_95 = arith.addi %scan3A_93, %scan3A_94 : i32
    %scan3A_96 = arith.constant 1 : i32
    scf.for %scan3A_113 = %scan3A_93 to %scan3A_95 step %scan3A_96  : i32 {
      %mul3A_114 = arith.constant 4 : i32
      %mul3A_115 = arith.muli %scan3A_113, %mul3A_114 : i32
      %add3A_116 = arith.constant 0 : i32
      %add3A_117 = arith.addi %mul3A_115, %add3A_116 : i32
      %dma_wait3A_118 = arith.constant 0 : i32
      %dma_wait3A_119 = arith.constant 0 : i32
      %dma_wait3A_120 = arith.constant 0 : i32
      %dma_wait3A_121 = tpu.memref_slice %arg14[%dma_wait3A_118, %dma_wait3A_119, %dma_wait3A_120] : memref<4x88x128xf32, #tpu.memory_space<vmem>> -> memref<1x88x128xf32, #tpu.memory_space<vmem>>
      %dma_wait3A_122 = tpu.memref_squeeze %dma_wait3A_121 : memref<1x88x128xf32, #tpu.memory_space<vmem>> -> memref<88x128xf32, #tpu.memory_space<vmem>>
      %dma_wait3A_123 = arith.constant 0 : i32
      %dma_wait3A_124 = arith.constant 0 : i32
      %dma_wait3A_125 = tpu.memref_slice %arg2[%dma_wait3A_123, %dma_wait3A_124] : memref<10240x128xf32, #tpu.memory_space<hbm>> -> memref<10240x128xf32, #tpu.memory_space<hbm>>
      tpu.wait_indirect_dma semaphore(%arg24 : memref<!tpu.dma_semaphore, #tpu.memory_space<semaphore_mem>>) src(%dma_wait3A_125 : memref<10240x128xf32, #tpu.memory_space<hbm>>) dst(%dma_wait3A_122 : memref<88x128xf32, #tpu.memory_space<vmem>>)
      %add3A_126 = arith.constant 4 : i32
      %add3A_127 = arith.addi %add3A_117, %add3A_126 : i32
      %lt3A = arith.constant 116 : i32
      %lt3A_128 = arith.cmpi slt, %add3A_127, %lt3A : i32
      %convert_element_type3A = arith.extui %lt3A_128 : i1 to i32
      %cond3A = arith.constant 0 : i32
      %cond3A_129 = arith.cmpi ne, %convert_element_type3A, %cond3A : i32
      scf.if %cond3A_129 {
        %add3A_293 = arith.constant 4 : i32
        %add3A_294 = arith.addi %add3A_117, %add3A_293 : i32
        %mul3A_295 = arith.constant 88 : i32
        %mul3A_296 = arith.muli %add3A_294, %mul3A_295 : i32
        %add3A_297 = arith.addi %mul3A_2, %mul3A_296 : i32
        %dma_start3A_298 = tpu.memref_slice %arg3[%add3A_297] : memref<326656xi32, #tpu.memory_space<hbm>> -> memref<88xi32, #tpu.memory_space<hbm>>
        %dma_start3A_299 = tpu.memref_slice %arg3[%add3A_297] : memref<326656xi32, #tpu.memory_space<hbm>> -> memref<88xi32, #tpu.memory_space<hbm>>
        tpu.enqueue_dma source(%dma_start3A_299 : memref<88xi32, #tpu.memory_space<hbm>>) target(%arg6 : memref<88xi32, #tpu.memory_space<vmem>>) target_semaphore(%arg16 : memref<!tpu.dma_semaphore, #tpu.memory_space<semaphore_mem>>)
      } else {
      }
      %mul3A_130 = arith.constant 88 : i32
      %mul3A_131 = arith.muli %add3A_117, %mul3A_130 : i32
      %add3A_132 = arith.addi %mul3A_2, %mul3A_131 : i32
      %dma_wait3A_133 = tpu.memref_slice %arg4[%add3A_132] : memref<326656xi32, #tpu.memory_space<hbm>> -> memref<88xi32, #tpu.memory_space<hbm>>
      %dma_wait3A_134 = tpu.memref_slice %arg4[%add3A_132] : memref<326656xi32, #tpu.memory_space<hbm>> -> memref<88xi32, #tpu.memory_space<hbm>>
      tpu.wait_dma2 semaphore(%arg20 : memref<!tpu.dma_semaphore, #tpu.memory_space<semaphore_mem>>) src(%dma_wait3A_134 : memref<88xi32, #tpu.memory_space<hbm>>) dst(%arg10 : memref<88xi32, #tpu.memory_space<vmem>>)
      %dma_start3A_135 = arith.constant 0 : i32
      %dma_start3A_136 = arith.constant 0 : i32
      %dma_start3A_137 = arith.constant 0 : i32
      %dma_start3A_138 = tpu.memref_slice %arg14[%dma_start3A_135, %dma_start3A_136, %dma_start3A_137] : memref<4x88x128xf32, #tpu.memory_space<vmem>> -> memref<1x88x128xf32, #tpu.memory_space<vmem>>
      %dma_start3A_139 = tpu.memref_squeeze %dma_start3A_138 : memref<1x88x128xf32, #tpu.memory_space<vmem>> -> memref<88x128xf32, #tpu.memory_space<vmem>>
      %dma_start3A_140 = arith.constant 0 : i32
      %dma_start3A_141 = arith.constant 0 : i32
      %dma_start3A_142 = tpu.memref_slice %arg15[%dma_start3A_140, %dma_start3A_141] : memref<10240x128xf32, #tpu.memory_space<vmem_shared>> -> memref<10240x128xf32, #tpu.memory_space<vmem_shared>>
      tpu.enqueue_indirect_dma source(%dma_start3A_139 : memref<88x128xf32, #tpu.memory_space<vmem>>) target(%dma_start3A_142 : memref<10240x128xf32, #tpu.memory_space<vmem_shared>>) offsets(%arg10 : memref<88xi32, #tpu.memory_space<vmem>>) semaphore(%arg28 : memref<!tpu.dma_semaphore, #tpu.memory_space<semaphore_mem>>) {add = true}
      %ge3A = arith.constant 1 : i32
      %ge3A_143 = arith.cmpi sge, %add3A_117, %ge3A : i32
      %convert_element_type3A_144 = arith.extui %ge3A_143 : i1 to i32
      %cond3A_145 = arith.constant 0 : i32
      %cond3A_146 = arith.cmpi ne, %convert_element_type3A_144, %cond3A_145 : i32
      scf.if %cond3A_146 {
        %dma_wait3A_293 = arith.constant 3 : i32
        %dma_wait3A_294 = arith.constant 0 : i32
        %dma_wait3A_295 = arith.constant 0 : i32
        %dma_wait3A_296 = tpu.memref_slice %arg14[%dma_wait3A_293, %dma_wait3A_294, %dma_wait3A_295] : memref<4x88x128xf32, #tpu.memory_space<vmem>> -> memref<1x88x128xf32, #tpu.memory_space<vmem>>
        %dma_wait3A_297 = tpu.memref_squeeze %dma_wait3A_296 : memref<1x88x128xf32, #tpu.memory_space<vmem>> -> memref<88x128xf32, #tpu.memory_space<vmem>>
        %dma_wait3A_298 = arith.constant 0 : i32
        %dma_wait3A_299 = arith.constant 0 : i32
        %dma_wait3A_300 = tpu.memref_slice %arg15[%dma_wait3A_298, %dma_wait3A_299] : memref<10240x128xf32, #tpu.memory_space<vmem_shared>> -> memref<10240x128xf32, #tpu.memory_space<vmem_shared>>
        tpu.wait_indirect_dma semaphore(%arg31 : memref<!tpu.dma_semaphore, #tpu.memory_space<semaphore_mem>>) src(%dma_wait3A_297 : memref<88x128xf32, #tpu.memory_space<vmem>>) dst(%dma_wait3A_300 : memref<10240x128xf32, #tpu.memory_space<vmem_shared>>)
      } else {
      }
      %add3A_147 = arith.constant 4 : i32
      %add3A_148 = arith.addi %add3A_117, %add3A_147 : i32
      %sub3A = arith.constant 1 : i32
      %sub3A_149 = arith.subi %add3A_148, %sub3A : i32
      %lt3A_150 = arith.constant 116 : i32
      %lt3A_151 = arith.cmpi slt, %sub3A_149, %lt3A_150 : i32
      %convert_element_type3A_152 = arith.extui %lt3A_151 : i1 to i32
      %cond3A_153 = arith.constant 0 : i32
      %cond3A_154 = arith.cmpi ne, %convert_element_type3A_152, %cond3A_153 : i32
      scf.if %cond3A_154 {
        %add3A_293 = arith.constant 4 : i32
        %add3A_294 = arith.addi %add3A_117, %add3A_293 : i32
        %sub3A_295 = arith.constant 1 : i32
        %sub3A_296 = arith.subi %add3A_294, %sub3A_295 : i32
        %mul3A_297 = arith.constant 88 : i32
        %mul3A_298 = arith.muli %sub3A_296, %mul3A_297 : i32
        %add3A_299 = arith.addi %mul3A_2, %mul3A_298 : i32
        %dma_start3A_300 = tpu.memref_slice %arg4[%add3A_299] : memref<326656xi32, #tpu.memory_space<hbm>> -> memref<88xi32, #tpu.memory_space<hbm>>
        %dma_start3A_301 = tpu.memref_slice %arg4[%add3A_299] : memref<326656xi32, #tpu.memory_space<hbm>> -> memref<88xi32, #tpu.memory_space<hbm>>
        tpu.enqueue_dma source(%dma_start3A_301 : memref<88xi32, #tpu.memory_space<hbm>>) target(%arg13 : memref<88xi32, #tpu.memory_space<vmem>>) target_semaphore(%arg23 : memref<!tpu.dma_semaphore, #tpu.memory_space<semaphore_mem>>)
        %add3A_302 = arith.constant 4 : i32
        %add3A_303 = arith.addi %add3A_117, %add3A_302 : i32
        %sub3A_304 = arith.constant 1 : i32
        %sub3A_305 = arith.subi %add3A_303, %sub3A_304 : i32
        %mul3A_306 = arith.constant 88 : i32
        %mul3A_307 = arith.muli %sub3A_305, %mul3A_306 : i32
        %add3A_308 = arith.addi %mul3A_2, %mul3A_307 : i32
        %dma_wait3A_309 = tpu.memref_slice %arg3[%add3A_308] : memref<326656xi32, #tpu.memory_space<hbm>> -> memref<88xi32, #tpu.memory_space<hbm>>
        %dma_wait3A_310 = tpu.memref_slice %arg3[%add3A_308] : memref<326656xi32, #tpu.memory_space<hbm>> -> memref<88xi32, #tpu.memory_space<hbm>>
        tpu.wait_dma2 semaphore(%arg19 : memref<!tpu.dma_semaphore, #tpu.memory_space<semaphore_mem>>) src(%dma_wait3A_310 : memref<88xi32, #tpu.memory_space<hbm>>) dst(%arg9 : memref<88xi32, #tpu.memory_space<vmem>>)
        %dma_start3A_311 = arith.constant 3 : i32
        %dma_start3A_312 = arith.constant 0 : i32
        %dma_start3A_313 = arith.constant 0 : i32
        %dma_start3A_314 = tpu.memref_slice %arg14[%dma_start3A_311, %dma_start3A_312, %dma_start3A_313] : memref<4x88x128xf32, #tpu.memory_space<vmem>> -> memref<1x88x128xf32, #tpu.memory_space<vmem>>
        %dma_start3A_315 = tpu.memref_squeeze %dma_start3A_314 : memref<1x88x128xf32, #tpu.memory_space<vmem>> -> memref<88x128xf32, #tpu.memory_space<vmem>>
        %dma_start3A_316 = arith.constant 0 : i32
        %dma_start3A_317 = arith.constant 0 : i32
        %dma_start3A_318 = tpu.memref_slice %arg2[%dma_start3A_316, %dma_start3A_317] : memref<10240x128xf32, #tpu.memory_space<hbm>> -> memref<10240x128xf32, #tpu.memory_space<hbm>>
        tpu.enqueue_indirect_dma source(%dma_start3A_318 : memref<10240x128xf32, #tpu.memory_space<hbm>>) target(%dma_start3A_315 : memref<88x128xf32, #tpu.memory_space<vmem>>) offsets(%arg9 : memref<88xi32, #tpu.memory_space<vmem>>) semaphore(%arg27 : memref<!tpu.dma_semaphore, #tpu.memory_space<semaphore_mem>>)
      } else {
      }
      %mul3A_155 = arith.constant 4 : i32
      %mul3A_156 = arith.muli %scan3A_113, %mul3A_155 : i32
      %add3A_157 = arith.constant 1 : i32
      %add3A_158 = arith.addi %mul3A_156, %add3A_157 : i32
      %dma_wait3A_159 = arith.constant 1 : i32
      %dma_wait3A_160 = arith.constant 0 : i32
      %dma_wait3A_161 = arith.constant 0 : i32
      %dma_wait3A_162 = tpu.memref_slice %arg14[%dma_wait3A_159, %dma_wait3A_160, %dma_wait3A_161] : memref<4x88x128xf32, #tpu.memory_space<vmem>> -> memref<1x88x128xf32, #tpu.memory_space<vmem>>
      %dma_wait3A_163 = tpu.memref_squeeze %dma_wait3A_162 : memref<1x88x128xf32, #tpu.memory_space<vmem>> -> memref<88x128xf32, #tpu.memory_space<vmem>>
      %dma_wait3A_164 = arith.constant 0 : i32
      %dma_wait3A_165 = arith.constant 0 : i32
      %dma_wait3A_166 = tpu.memref_slice %arg2[%dma_wait3A_164, %dma_wait3A_165] : memref<10240x128xf32, #tpu.memory_space<hbm>> -> memref<10240x128xf32, #tpu.memory_space<hbm>>
      tpu.wait_indirect_dma semaphore(%arg25 : memref<!tpu.dma_semaphore, #tpu.memory_space<semaphore_mem>>) src(%dma_wait3A_166 : memref<10240x128xf32, #tpu.memory_space<hbm>>) dst(%dma_wait3A_163 : memref<88x128xf32, #tpu.memory_space<vmem>>)
      %add3A_167 = arith.constant 4 : i32
      %add3A_168 = arith.addi %add3A_158, %add3A_167 : i32
      %lt3A_169 = arith.constant 116 : i32
      %lt3A_170 = arith.cmpi slt, %add3A_168, %lt3A_169 : i32
      %convert_element_type3A_171 = arith.extui %lt3A_170 : i1 to i32
      %cond3A_172 = arith.constant 0 : i32
      %cond3A_173 = arith.cmpi ne, %convert_element_type3A_171, %cond3A_172 : i32
      scf.if %cond3A_173 {
        %add3A_293 = arith.constant 4 : i32
        %add3A_294 = arith.addi %add3A_158, %add3A_293 : i32
        %mul3A_295 = arith.constant 88 : i32
        %mul3A_296 = arith.muli %add3A_294, %mul3A_295 : i32
        %add3A_297 = arith.addi %mul3A_2, %mul3A_296 : i32
        %dma_start3A_298 = tpu.memref_slice %arg3[%add3A_297] : memref<326656xi32, #tpu.memory_space<hbm>> -> memref<88xi32, #tpu.memory_space<hbm>>
        %dma_start3A_299 = tpu.memref_slice %arg3[%add3A_297] : memref<326656xi32, #tpu.memory_space<hbm>> -> memref<88xi32, #tpu.memory_space<hbm>>
        tpu.enqueue_dma source(%dma_start3A_299 : memref<88xi32, #tpu.memory_space<hbm>>) target(%arg7 : memref<88xi32, #tpu.memory_space<vmem>>) target_semaphore(%arg17 : memref<!tpu.dma_semaphore, #tpu.memory_space<semaphore_mem>>)
      } else {
      }
      %mul3A_174 = arith.constant 88 : i32
      %mul3A_175 = arith.muli %add3A_158, %mul3A_174 : i32
      %add3A_176 = arith.addi %mul3A_2, %mul3A_175 : i32
      %dma_wait3A_177 = tpu.memref_slice %arg4[%add3A_176] : memref<326656xi32, #tpu.memory_space<hbm>> -> memref<88xi32, #tpu.memory_space<hbm>>
      %dma_wait3A_178 = tpu.memref_slice %arg4[%add3A_176] : memref<326656xi32, #tpu.memory_space<hbm>> -> memref<88xi32, #tpu.memory_space<hbm>>
      tpu.wait_dma2 semaphore(%arg21 : memref<!tpu.dma_semaphore, #tpu.memory_space<semaphore_mem>>) src(%dma_wait3A_178 : memref<88xi32, #tpu.memory_space<hbm>>) dst(%arg11 : memref<88xi32, #tpu.memory_space<vmem>>)
      %dma_start3A_179 = arith.constant 1 : i32
      %dma_start3A_180 = arith.constant 0 : i32
      %dma_start3A_181 = arith.constant 0 : i32
      %dma_start3A_182 = tpu.memref_slice %arg14[%dma_start3A_179, %dma_start3A_180, %dma_start3A_181] : memref<4x88x128xf32, #tpu.memory_space<vmem>> -> memref<1x88x128xf32, #tpu.memory_space<vmem>>
      %dma_start3A_183 = tpu.memref_squeeze %dma_start3A_182 : memref<1x88x128xf32, #tpu.memory_space<vmem>> -> memref<88x128xf32, #tpu.memory_space<vmem>>
      %dma_start3A_184 = arith.constant 0 : i32
      %dma_start3A_185 = arith.constant 0 : i32
      %dma_start3A_186 = tpu.memref_slice %arg15[%dma_start3A_184, %dma_start3A_185] : memref<10240x128xf32, #tpu.memory_space<vmem_shared>> -> memref<10240x128xf32, #tpu.memory_space<vmem_shared>>
      tpu.enqueue_indirect_dma source(%dma_start3A_183 : memref<88x128xf32, #tpu.memory_space<vmem>>) target(%dma_start3A_186 : memref<10240x128xf32, #tpu.memory_space<vmem_shared>>) offsets(%arg11 : memref<88xi32, #tpu.memory_space<vmem>>) semaphore(%arg29 : memref<!tpu.dma_semaphore, #tpu.memory_space<semaphore_mem>>) {add = true}
      %ge3A_187 = arith.constant 1 : i32
      %ge3A_188 = arith.cmpi sge, %add3A_158, %ge3A_187 : i32
      %convert_element_type3A_189 = arith.extui %ge3A_188 : i1 to i32
      %cond3A_190 = arith.constant 0 : i32
      %cond3A_191 = arith.cmpi ne, %convert_element_type3A_189, %cond3A_190 : i32
      scf.if %cond3A_191 {
        %dma_wait3A_293 = arith.constant 0 : i32
        %dma_wait3A_294 = arith.constant 0 : i32
        %dma_wait3A_295 = arith.constant 0 : i32
        %dma_wait3A_296 = tpu.memref_slice %arg14[%dma_wait3A_293, %dma_wait3A_294, %dma_wait3A_295] : memref<4x88x128xf32, #tpu.memory_space<vmem>> -> memref<1x88x128xf32, #tpu.memory_space<vmem>>
        %dma_wait3A_297 = tpu.memref_squeeze %dma_wait3A_296 : memref<1x88x128xf32, #tpu.memory_space<vmem>> -> memref<88x128xf32, #tpu.memory_space<vmem>>
        %dma_wait3A_298 = arith.constant 0 : i32
        %dma_wait3A_299 = arith.constant 0 : i32
        %dma_wait3A_300 = tpu.memref_slice %arg15[%dma_wait3A_298, %dma_wait3A_299] : memref<10240x128xf32, #tpu.memory_space<vmem_shared>> -> memref<10240x128xf32, #tpu.memory_space<vmem_shared>>
        tpu.wait_indirect_dma semaphore(%arg28 : memref<!tpu.dma_semaphore, #tpu.memory_space<semaphore_mem>>) src(%dma_wait3A_297 : memref<88x128xf32, #tpu.memory_space<vmem>>) dst(%dma_wait3A_300 : memref<10240x128xf32, #tpu.memory_space<vmem_shared>>)
      } else {
      }
      %add3A_192 = arith.constant 4 : i32
      %add3A_193 = arith.addi %add3A_158, %add3A_192 : i32
      %sub3A_194 = arith.constant 1 : i32
      %sub3A_195 = arith.subi %add3A_193, %sub3A_194 : i32
      %lt3A_196 = arith.constant 116 : i32
      %lt3A_197 = arith.cmpi slt, %sub3A_195, %lt3A_196 : i32
      %convert_element_type3A_198 = arith.extui %lt3A_197 : i1 to i32
      %cond3A_199 = arith.constant 0 : i32
      %cond3A_200 = arith.cmpi ne, %convert_element_type3A_198, %cond3A_199 : i32
      scf.if %cond3A_200 {
        %add3A_293 = arith.constant 4 : i32
        %add3A_294 = arith.addi %add3A_158, %add3A_293 : i32
        %sub3A_295 = arith.constant 1 : i32
        %sub3A_296 = arith.subi %add3A_294, %sub3A_295 : i32
        %mul3A_297 = arith.constant 88 : i32
        %mul3A_298 = arith.muli %sub3A_296, %mul3A_297 : i32
        %add3A_299 = arith.addi %mul3A_2, %mul3A_298 : i32
        %dma_start3A_300 = tpu.memref_slice %arg4[%add3A_299] : memref<326656xi32, #tpu.memory_space<hbm>> -> memref<88xi32, #tpu.memory_space<hbm>>
        %dma_start3A_301 = tpu.memref_slice %arg4[%add3A_299] : memref<326656xi32, #tpu.memory_space<hbm>> -> memref<88xi32, #tpu.memory_space<hbm>>
        tpu.enqueue_dma source(%dma_start3A_301 : memref<88xi32, #tpu.memory_space<hbm>>) target(%arg10 : memref<88xi32, #tpu.memory_space<vmem>>) target_semaphore(%arg20 : memref<!tpu.dma_semaphore, #tpu.memory_space<semaphore_mem>>)
        %add3A_302 = arith.constant 4 : i32
        %add3A_303 = arith.addi %add3A_158, %add3A_302 : i32
        %sub3A_304 = arith.constant 1 : i32
        %sub3A_305 = arith.subi %add3A_303, %sub3A_304 : i32
        %mul3A_306 = arith.constant 88 : i32
        %mul3A_307 = arith.muli %sub3A_305, %mul3A_306 : i32
        %add3A_308 = arith.addi %mul3A_2, %mul3A_307 : i32
        %dma_wait3A_309 = tpu.memref_slice %arg3[%add3A_308] : memref<326656xi32, #tpu.memory_space<hbm>> -> memref<88xi32, #tpu.memory_space<hbm>>
        %dma_wait3A_310 = tpu.memref_slice %arg3[%add3A_308] : memref<326656xi32, #tpu.memory_space<hbm>> -> memref<88xi32, #tpu.memory_space<hbm>>
        tpu.wait_dma2 semaphore(%arg16 : memref<!tpu.dma_semaphore, #tpu.memory_space<semaphore_mem>>) src(%dma_wait3A_310 : memref<88xi32, #tpu.memory_space<hbm>>) dst(%arg6 : memref<88xi32, #tpu.memory_space<vmem>>)
        %dma_start3A_311 = arith.constant 0 : i32
        %dma_start3A_312 = arith.constant 0 : i32
        %dma_start3A_313 = arith.constant 0 : i32
        %dma_start3A_314 = tpu.memref_slice %arg14[%dma_start3A_311, %dma_start3A_312, %dma_start3A_313] : memref<4x88x128xf32, #tpu.memory_space<vmem>> -> memref<1x88x128xf32, #tpu.memory_space<vmem>>
        %dma_start3A_315 = tpu.memref_squeeze %dma_start3A_314 : memref<1x88x128xf32, #tpu.memory_space<vmem>> -> memref<88x128xf32, #tpu.memory_space<vmem>>
        %dma_start3A_316 = arith.constant 0 : i32
        %dma_start3A_317 = arith.constant 0 : i32
        %dma_start3A_318 = tpu.memref_slice %arg2[%dma_start3A_316, %dma_start3A_317] : memref<10240x128xf32, #tpu.memory_space<hbm>> -> memref<10240x128xf32, #tpu.memory_space<hbm>>
        tpu.enqueue_indirect_dma source(%dma_start3A_318 : memref<10240x128xf32, #tpu.memory_space<hbm>>) target(%dma_start3A_315 : memref<88x128xf32, #tpu.memory_space<vmem>>) offsets(%arg6 : memref<88xi32, #tpu.memory_space<vmem>>) semaphore(%arg24 : memref<!tpu.dma_semaphore, #tpu.memory_space<semaphore_mem>>)
      } else {
      }
      %mul3A_201 = arith.constant 4 : i32
      %mul3A_202 = arith.muli %scan3A_113, %mul3A_201 : i32
      %add3A_203 = arith.constant 2 : i32
      %add3A_204 = arith.addi %mul3A_202, %add3A_203 : i32
      %dma_wait3A_205 = arith.constant 2 : i32
      %dma_wait3A_206 = arith.constant 0 : i32
      %dma_wait3A_207 = arith.constant 0 : i32
      %dma_wait3A_208 = tpu.memref_slice %arg14[%dma_wait3A_205, %dma_wait3A_206, %dma_wait3A_207] : memref<4x88x128xf32, #tpu.memory_space<vmem>> -> memref<1x88x128xf32, #tpu.memory_space<vmem>>
      %dma_wait3A_209 = tpu.memref_squeeze %dma_wait3A_208 : memref<1x88x128xf32, #tpu.memory_space<vmem>> -> memref<88x128xf32, #tpu.memory_space<vmem>>
      %dma_wait3A_210 = arith.constant 0 : i32
      %dma_wait3A_211 = arith.constant 0 : i32
      %dma_wait3A_212 = tpu.memref_slice %arg2[%dma_wait3A_210, %dma_wait3A_211] : memref<10240x128xf32, #tpu.memory_space<hbm>> -> memref<10240x128xf32, #tpu.memory_space<hbm>>
      tpu.wait_indirect_dma semaphore(%arg26 : memref<!tpu.dma_semaphore, #tpu.memory_space<semaphore_mem>>) src(%dma_wait3A_212 : memref<10240x128xf32, #tpu.memory_space<hbm>>) dst(%dma_wait3A_209 : memref<88x128xf32, #tpu.memory_space<vmem>>)
      %add3A_213 = arith.constant 4 : i32
      %add3A_214 = arith.addi %add3A_204, %add3A_213 : i32
      %lt3A_215 = arith.constant 116 : i32
      %lt3A_216 = arith.cmpi slt, %add3A_214, %lt3A_215 : i32
      %convert_element_type3A_217 = arith.extui %lt3A_216 : i1 to i32
      %cond3A_218 = arith.constant 0 : i32
      %cond3A_219 = arith.cmpi ne, %convert_element_type3A_217, %cond3A_218 : i32
      scf.if %cond3A_219 {
        %add3A_293 = arith.constant 4 : i32
        %add3A_294 = arith.addi %add3A_204, %add3A_293 : i32
        %mul3A_295 = arith.constant 88 : i32
        %mul3A_296 = arith.muli %add3A_294, %mul3A_295 : i32
        %add3A_297 = arith.addi %mul3A_2, %mul3A_296 : i32
        %dma_start3A_298 = tpu.memref_slice %arg3[%add3A_297] : memref<326656xi32, #tpu.memory_space<hbm>> -> memref<88xi32, #tpu.memory_space<hbm>>
        %dma_start3A_299 = tpu.memref_slice %arg3[%add3A_297] : memref<326656xi32, #tpu.memory_space<hbm>> -> memref<88xi32, #tpu.memory_space<hbm>>
        tpu.enqueue_dma source(%dma_start3A_299 : memref<88xi32, #tpu.memory_space<hbm>>) target(%arg8 : memref<88xi32, #tpu.memory_space<vmem>>) target_semaphore(%arg18 : memref<!tpu.dma_semaphore, #tpu.memory_space<semaphore_mem>>)
      } else {
      }
      %mul3A_220 = arith.constant 88 : i32
      %mul3A_221 = arith.muli %add3A_204, %mul3A_220 : i32
      %add3A_222 = arith.addi %mul3A_2, %mul3A_221 : i32
      %dma_wait3A_223 = tpu.memref_slice %arg4[%add3A_222] : memref<326656xi32, #tpu.memory_space<hbm>> -> memref<88xi32, #tpu.memory_space<hbm>>
      %dma_wait3A_224 = tpu.memref_slice %arg4[%add3A_222] : memref<326656xi32, #tpu.memory_space<hbm>> -> memref<88xi32, #tpu.memory_space<hbm>>
      tpu.wait_dma2 semaphore(%arg22 : memref<!tpu.dma_semaphore, #tpu.memory_space<semaphore_mem>>) src(%dma_wait3A_224 : memref<88xi32, #tpu.memory_space<hbm>>) dst(%arg12 : memref<88xi32, #tpu.memory_space<vmem>>)
      %dma_start3A_225 = arith.constant 2 : i32
      %dma_start3A_226 = arith.constant 0 : i32
      %dma_start3A_227 = arith.constant 0 : i32
      %dma_start3A_228 = tpu.memref_slice %arg14[%dma_start3A_225, %dma_start3A_226, %dma_start3A_227] : memref<4x88x128xf32, #tpu.memory_space<vmem>> -> memref<1x88x128xf32, #tpu.memory_space<vmem>>
      %dma_start3A_229 = tpu.memref_squeeze %dma_start3A_228 : memref<1x88x128xf32, #tpu.memory_space<vmem>> -> memref<88x128xf32, #tpu.memory_space<vmem>>
      %dma_start3A_230 = arith.constant 0 : i32
      %dma_start3A_231 = arith.constant 0 : i32
      %dma_start3A_232 = tpu.memref_slice %arg15[%dma_start3A_230, %dma_start3A_231] : memref<10240x128xf32, #tpu.memory_space<vmem_shared>> -> memref<10240x128xf32, #tpu.memory_space<vmem_shared>>
      tpu.enqueue_indirect_dma source(%dma_start3A_229 : memref<88x128xf32, #tpu.memory_space<vmem>>) target(%dma_start3A_232 : memref<10240x128xf32, #tpu.memory_space<vmem_shared>>) offsets(%arg12 : memref<88xi32, #tpu.memory_space<vmem>>) semaphore(%arg30 : memref<!tpu.dma_semaphore, #tpu.memory_space<semaphore_mem>>) {add = true}
      %ge3A_233 = arith.constant 1 : i32
      %ge3A_234 = arith.cmpi sge, %add3A_204, %ge3A_233 : i32
      %convert_element_type3A_235 = arith.extui %ge3A_234 : i1 to i32
      %cond3A_236 = arith.constant 0 : i32
      %cond3A_237 = arith.cmpi ne, %convert_element_type3A_235, %cond3A_236 : i32
      scf.if %cond3A_237 {
        %dma_wait3A_293 = arith.constant 1 : i32
        %dma_wait3A_294 = arith.constant 0 : i32
        %dma_wait3A_295 = arith.constant 0 : i32
        %dma_wait3A_296 = tpu.memref_slice %arg14[%dma_wait3A_293, %dma_wait3A_294, %dma_wait3A_295] : memref<4x88x128xf32, #tpu.memory_space<vmem>> -> memref<1x88x128xf32, #tpu.memory_space<vmem>>
        %dma_wait3A_297 = tpu.memref_squeeze %dma_wait3A_296 : memref<1x88x128xf32, #tpu.memory_space<vmem>> -> memref<88x128xf32, #tpu.memory_space<vmem>>
        %dma_wait3A_298 = arith.constant 0 : i32
        %dma_wait3A_299 = arith.constant 0 : i32
        %dma_wait3A_300 = tpu.memref_slice %arg15[%dma_wait3A_298, %dma_wait3A_299] : memref<10240x128xf32, #tpu.memory_space<vmem_shared>> -> memref<10240x128xf32, #tpu.memory_space<vmem_shared>>
        tpu.wait_indirect_dma semaphore(%arg29 : memref<!tpu.dma_semaphore, #tpu.memory_space<semaphore_mem>>) src(%dma_wait3A_297 : memref<88x128xf32, #tpu.memory_space<vmem>>) dst(%dma_wait3A_300 : memref<10240x128xf32, #tpu.memory_space<vmem_shared>>)
      } else {
      }
      %add3A_238 = arith.constant 4 : i32
      %add3A_239 = arith.addi %add3A_204, %add3A_238 : i32
      %sub3A_240 = arith.constant 1 : i32
      %sub3A_241 = arith.subi %add3A_239, %sub3A_240 : i32
      %lt3A_242 = arith.constant 116 : i32
      %lt3A_243 = arith.cmpi slt, %sub3A_241, %lt3A_242 : i32
      %convert_element_type3A_244 = arith.extui %lt3A_243 : i1 to i32
      %cond3A_245 = arith.constant 0 : i32
      %cond3A_246 = arith.cmpi ne, %convert_element_type3A_244, %cond3A_245 : i32
      scf.if %cond3A_246 {
        %add3A_293 = arith.constant 4 : i32
        %add3A_294 = arith.addi %add3A_204, %add3A_293 : i32
        %sub3A_295 = arith.constant 1 : i32
        %sub3A_296 = arith.subi %add3A_294, %sub3A_295 : i32
        %mul3A_297 = arith.constant 88 : i32
        %mul3A_298 = arith.muli %sub3A_296, %mul3A_297 : i32
        %add3A_299 = arith.addi %mul3A_2, %mul3A_298 : i32
        %dma_start3A_300 = tpu.memref_slice %arg4[%add3A_299] : memref<326656xi32, #tpu.memory_space<hbm>> -> memref<88xi32, #tpu.memory_space<hbm>>
        %dma_start3A_301 = tpu.memref_slice %arg4[%add3A_299] : memref<326656xi32, #tpu.memory_space<hbm>> -> memref<88xi32, #tpu.memory_space<hbm>>
        tpu.enqueue_dma source(%dma_start3A_301 : memref<88xi32, #tpu.memory_space<hbm>>) target(%arg11 : memref<88xi32, #tpu.memory_space<vmem>>) target_semaphore(%arg21 : memref<!tpu.dma_semaphore, #tpu.memory_space<semaphore_mem>>)
        %add3A_302 = arith.constant 4 : i32
        %add3A_303 = arith.addi %add3A_204, %add3A_302 : i32
        %sub3A_304 = arith.constant 1 : i32
        %sub3A_305 = arith.subi %add3A_303, %sub3A_304 : i32
        %mul3A_306 = arith.constant 88 : i32
        %mul3A_307 = arith.muli %sub3A_305, %mul3A_306 : i32
        %add3A_308 = arith.addi %mul3A_2, %mul3A_307 : i32
        %dma_wait3A_309 = tpu.memref_slice %arg3[%add3A_308] : memref<326656xi32, #tpu.memory_space<hbm>> -> memref<88xi32, #tpu.memory_space<hbm>>
        %dma_wait3A_310 = tpu.memref_slice %arg3[%add3A_308] : memref<326656xi32, #tpu.memory_space<hbm>> -> memref<88xi32, #tpu.memory_space<hbm>>
        tpu.wait_dma2 semaphore(%arg17 : memref<!tpu.dma_semaphore, #tpu.memory_space<semaphore_mem>>) src(%dma_wait3A_310 : memref<88xi32, #tpu.memory_space<hbm>>) dst(%arg7 : memref<88xi32, #tpu.memory_space<vmem>>)
        %dma_start3A_311 = arith.constant 1 : i32
        %dma_start3A_312 = arith.constant 0 : i32
        %dma_start3A_313 = arith.constant 0 : i32
        %dma_start3A_314 = tpu.memref_slice %arg14[%dma_start3A_311, %dma_start3A_312, %dma_start3A_313] : memref<4x88x128xf32, #tpu.memory_space<vmem>> -> memref<1x88x128xf32, #tpu.memory_space<vmem>>
        %dma_start3A_315 = tpu.memref_squeeze %dma_start3A_314 : memref<1x88x128xf32, #tpu.memory_space<vmem>> -> memref<88x128xf32, #tpu.memory_space<vmem>>
        %dma_start3A_316 = arith.constant 0 : i32
        %dma_start3A_317 = arith.constant 0 : i32
        %dma_start3A_318 = tpu.memref_slice %arg2[%dma_start3A_316, %dma_start3A_317] : memref<10240x128xf32, #tpu.memory_space<hbm>> -> memref<10240x128xf32, #tpu.memory_space<hbm>>
        tpu.enqueue_indirect_dma source(%dma_start3A_318 : memref<10240x128xf32, #tpu.memory_space<hbm>>) target(%dma_start3A_315 : memref<88x128xf32, #tpu.memory_space<vmem>>) offsets(%arg7 : memref<88xi32, #tpu.memory_space<vmem>>) semaphore(%arg25 : memref<!tpu.dma_semaphore, #tpu.memory_space<semaphore_mem>>)
      } else {
      }
      %mul3A_247 = arith.constant 4 : i32
      %mul3A_248 = arith.muli %scan3A_113, %mul3A_247 : i32
      %add3A_249 = arith.constant 3 : i32
      %add3A_250 = arith.addi %mul3A_248, %add3A_249 : i32
      %dma_wait3A_251 = arith.constant 3 : i32
      %dma_wait3A_252 = arith.constant 0 : i32
      %dma_wait3A_253 = arith.constant 0 : i32
      %dma_wait3A_254 = tpu.memref_slice %arg14[%dma_wait3A_251, %dma_wait3A_252, %dma_wait3A_253] : memref<4x88x128xf32, #tpu.memory_space<vmem>> -> memref<1x88x128xf32, #tpu.memory_space<vmem>>
      %dma_wait3A_255 = tpu.memref_squeeze %dma_wait3A_254 : memref<1x88x128xf32, #tpu.memory_space<vmem>> -> memref<88x128xf32, #tpu.memory_space<vmem>>
      %dma_wait3A_256 = arith.constant 0 : i32
      %dma_wait3A_257 = arith.constant 0 : i32
      %dma_wait3A_258 = tpu.memref_slice %arg2[%dma_wait3A_256, %dma_wait3A_257] : memref<10240x128xf32, #tpu.memory_space<hbm>> -> memref<10240x128xf32, #tpu.memory_space<hbm>>
      tpu.wait_indirect_dma semaphore(%arg27 : memref<!tpu.dma_semaphore, #tpu.memory_space<semaphore_mem>>) src(%dma_wait3A_258 : memref<10240x128xf32, #tpu.memory_space<hbm>>) dst(%dma_wait3A_255 : memref<88x128xf32, #tpu.memory_space<vmem>>)
      %add3A_259 = arith.constant 4 : i32
      %add3A_260 = arith.addi %add3A_250, %add3A_259 : i32
      %lt3A_261 = arith.constant 116 : i32
      %lt3A_262 = arith.cmpi slt, %add3A_260, %lt3A_261 : i32
      %convert_element_type3A_263 = arith.extui %lt3A_262 : i1 to i32
      %cond3A_264 = arith.constant 0 : i32
      %cond3A_265 = arith.cmpi ne, %convert_element_type3A_263, %cond3A_264 : i32
      scf.if %cond3A_265 {
        %add3A_293 = arith.constant 4 : i32
        %add3A_294 = arith.addi %add3A_250, %add3A_293 : i32
        %mul3A_295 = arith.constant 88 : i32
        %mul3A_296 = arith.muli %add3A_294, %mul3A_295 : i32
        %add3A_297 = arith.addi %mul3A_2, %mul3A_296 : i32
        %dma_start3A_298 = tpu.memref_slice %arg3[%add3A_297] : memref<326656xi32, #tpu.memory_space<hbm>> -> memref<88xi32, #tpu.memory_space<hbm>>
        %dma_start3A_299 = tpu.memref_slice %arg3[%add3A_297] : memref<326656xi32, #tpu.memory_space<hbm>> -> memref<88xi32, #tpu.memory_space<hbm>>
        tpu.enqueue_dma source(%dma_start3A_299 : memref<88xi32, #tpu.memory_space<hbm>>) target(%arg9 : memref<88xi32, #tpu.memory_space<vmem>>) target_semaphore(%arg19 : memref<!tpu.dma_semaphore, #tpu.memory_space<semaphore_mem>>)
      } else {
      }
      %mul3A_266 = arith.constant 88 : i32
      %mul3A_267 = arith.muli %add3A_250, %mul3A_266 : i32
      %add3A_268 = arith.addi %mul3A_2, %mul3A_267 : i32
      %dma_wait3A_269 = tpu.memref_slice %arg4[%add3A_268] : memref<326656xi32, #tpu.memory_space<hbm>> -> memref<88xi32, #tpu.memory_space<hbm>>
      %dma_wait3A_270 = tpu.memref_slice %arg4[%add3A_268] : memref<326656xi32, #tpu.memory_space<hbm>> -> memref<88xi32, #tpu.memory_space<hbm>>
      tpu.wait_dma2 semaphore(%arg23 : memref<!tpu.dma_semaphore, #tpu.memory_space<semaphore_mem>>) src(%dma_wait3A_270 : memref<88xi32, #tpu.memory_space<hbm>>) dst(%arg13 : memref<88xi32, #tpu.memory_space<vmem>>)
      %dma_start3A_271 = arith.constant 3 : i32
      %dma_start3A_272 = arith.constant 0 : i32
      %dma_start3A_273 = arith.constant 0 : i32
      %dma_start3A_274 = tpu.memref_slice %arg14[%dma_start3A_271, %dma_start3A_272, %dma_start3A_273] : memref<4x88x128xf32, #tpu.memory_space<vmem>> -> memref<1x88x128xf32, #tpu.memory_space<vmem>>
      %dma_start3A_275 = tpu.memref_squeeze %dma_start3A_274 : memref<1x88x128xf32, #tpu.memory_space<vmem>> -> memref<88x128xf32, #tpu.memory_space<vmem>>
      %dma_start3A_276 = arith.constant 0 : i32
      %dma_start3A_277 = arith.constant 0 : i32
      %dma_start3A_278 = tpu.memref_slice %arg15[%dma_start3A_276, %dma_start3A_277] : memref<10240x128xf32, #tpu.memory_space<vmem_shared>> -> memref<10240x128xf32, #tpu.memory_space<vmem_shared>>
      tpu.enqueue_indirect_dma source(%dma_start3A_275 : memref<88x128xf32, #tpu.memory_space<vmem>>) target(%dma_start3A_278 : memref<10240x128xf32, #tpu.memory_space<vmem_shared>>) offsets(%arg13 : memref<88xi32, #tpu.memory_space<vmem>>) semaphore(%arg31 : memref<!tpu.dma_semaphore, #tpu.memory_space<semaphore_mem>>) {add = true}
      %ge3A_279 = arith.constant 1 : i32
      %ge3A_280 = arith.cmpi sge, %add3A_250, %ge3A_279 : i32
      %convert_element_type3A_281 = arith.extui %ge3A_280 : i1 to i32
      %cond3A_282 = arith.constant 0 : i32
      %cond3A_283 = arith.cmpi ne, %convert_element_type3A_281, %cond3A_282 : i32
      scf.if %cond3A_283 {
        %dma_wait3A_293 = arith.constant 2 : i32
        %dma_wait3A_294 = arith.constant 0 : i32
        %dma_wait3A_295 = arith.constant 0 : i32
        %dma_wait3A_296 = tpu.memref_slice %arg14[%dma_wait3A_293, %dma_wait3A_294, %dma_wait3A_295] : memref<4x88x128xf32, #tpu.memory_space<vmem>> -> memref<1x88x128xf32, #tpu.memory_space<vmem>>
        %dma_wait3A_297 = tpu.memref_squeeze %dma_wait3A_296 : memref<1x88x128xf32, #tpu.memory_space<vmem>> -> memref<88x128xf32, #tpu.memory_space<vmem>>
        %dma_wait3A_298 = arith.constant 0 : i32
        %dma_wait3A_299 = arith.constant 0 : i32
        %dma_wait3A_300 = tpu.memref_slice %arg15[%dma_wait3A_298, %dma_wait3A_299] : memref<10240x128xf32, #tpu.memory_space<vmem_shared>> -> memref<10240x128xf32, #tpu.memory_space<vmem_shared>>
        tpu.wait_indirect_dma semaphore(%arg30 : memref<!tpu.dma_semaphore, #tpu.memory_space<semaphore_mem>>) src(%dma_wait3A_297 : memref<88x128xf32, #tpu.memory_space<vmem>>) dst(%dma_wait3A_300 : memref<10240x128xf32, #tpu.memory_space<vmem_shared>>)
      } else {
      }
      %add3A_284 = arith.constant 4 : i32
      %add3A_285 = arith.addi %add3A_250, %add3A_284 : i32
      %sub3A_286 = arith.constant 1 : i32
      %sub3A_287 = arith.subi %add3A_285, %sub3A_286 : i32
      %lt3A_288 = arith.constant 116 : i32
      %lt3A_289 = arith.cmpi slt, %sub3A_287, %lt3A_288 : i32
      %convert_element_type3A_290 = arith.extui %lt3A_289 : i1 to i32
      %cond3A_291 = arith.constant 0 : i32
      %cond3A_292 = arith.cmpi ne, %convert_element_type3A_290, %cond3A_291 : i32
      scf.if %cond3A_292 {
        %add3A_293 = arith.constant 4 : i32
        %add3A_294 = arith.addi %add3A_250, %add3A_293 : i32
        %sub3A_295 = arith.constant 1 : i32
        %sub3A_296 = arith.subi %add3A_294, %sub3A_295 : i32
        %mul3A_297 = arith.constant 88 : i32
        %mul3A_298 = arith.muli %sub3A_296, %mul3A_297 : i32
        %add3A_299 = arith.addi %mul3A_2, %mul3A_298 : i32
        %dma_start3A_300 = tpu.memref_slice %arg4[%add3A_299] : memref<326656xi32, #tpu.memory_space<hbm>> -> memref<88xi32, #tpu.memory_space<hbm>>
        %dma_start3A_301 = tpu.memref_slice %arg4[%add3A_299] : memref<326656xi32, #tpu.memory_space<hbm>> -> memref<88xi32, #tpu.memory_space<hbm>>
        tpu.enqueue_dma source(%dma_start3A_301 : memref<88xi32, #tpu.memory_space<hbm>>) target(%arg12 : memref<88xi32, #tpu.memory_space<vmem>>) target_semaphore(%arg22 : memref<!tpu.dma_semaphore, #tpu.memory_space<semaphore_mem>>)
        %add3A_302 = arith.constant 4 : i32
        %add3A_303 = arith.addi %add3A_250, %add3A_302 : i32
        %sub3A_304 = arith.constant 1 : i32
        %sub3A_305 = arith.subi %add3A_303, %sub3A_304 : i32
        %mul3A_306 = arith.constant 88 : i32
        %mul3A_307 = arith.muli %sub3A_305, %mul3A_306 : i32
        %add3A_308 = arith.addi %mul3A_2, %mul3A_307 : i32
        %dma_wait3A_309 = tpu.memref_slice %arg3[%add3A_308] : memref<326656xi32, #tpu.memory_space<hbm>> -> memref<88xi32, #tpu.memory_space<hbm>>
        %dma_wait3A_310 = tpu.memref_slice %arg3[%add3A_308] : memref<326656xi32, #tpu.memory_space<hbm>> -> memref<88xi32, #tpu.memory_space<hbm>>
        tpu.wait_dma2 semaphore(%arg18 : memref<!tpu.dma_semaphore, #tpu.memory_space<semaphore_mem>>) src(%dma_wait3A_310 : memref<88xi32, #tpu.memory_space<hbm>>) dst(%arg8 : memref<88xi32, #tpu.memory_space<vmem>>)
        %dma_start3A_311 = arith.constant 2 : i32
        %dma_start3A_312 = arith.constant 0 : i32
        %dma_start3A_313 = arith.constant 0 : i32
        %dma_start3A_314 = tpu.memref_slice %arg14[%dma_start3A_311, %dma_start3A_312, %dma_start3A_313] : memref<4x88x128xf32, #tpu.memory_space<vmem>> -> memref<1x88x128xf32, #tpu.memory_space<vmem>>
        %dma_start3A_315 = tpu.memref_squeeze %dma_start3A_314 : memref<1x88x128xf32, #tpu.memory_space<vmem>> -> memref<88x128xf32, #tpu.memory_space<vmem>>
        %dma_start3A_316 = arith.constant 0 : i32
        %dma_start3A_317 = arith.constant 0 : i32
        %dma_start3A_318 = tpu.memref_slice %arg2[%dma_start3A_316, %dma_start3A_317] : memref<10240x128xf32, #tpu.memory_space<hbm>> -> memref<10240x128xf32, #tpu.memory_space<hbm>>
        tpu.enqueue_indirect_dma source(%dma_start3A_318 : memref<10240x128xf32, #tpu.memory_space<hbm>>) target(%dma_start3A_315 : memref<88x128xf32, #tpu.memory_space<vmem>>) offsets(%arg8 : memref<88xi32, #tpu.memory_space<vmem>>) semaphore(%arg26 : memref<!tpu.dma_semaphore, #tpu.memory_space<semaphore_mem>>)
      } else {
      }
    }
    %scan3A_97 = arith.constant 29 : i32
    %dma_wait3A = arith.constant 3 : i32
    %dma_wait3A_98 = arith.constant 0 : i32
    %dma_wait3A_99 = arith.constant 0 : i32
    %dma_wait3A_100 = tpu.memref_slice %arg14[%dma_wait3A, %dma_wait3A_98, %dma_wait3A_99] : memref<4x88x128xf32, #tpu.memory_space<vmem>> -> memref<1x88x128xf32, #tpu.memory_space<vmem>>
    %dma_wait3A_101 = tpu.memref_squeeze %dma_wait3A_100 : memref<1x88x128xf32, #tpu.memory_space<vmem>> -> memref<88x128xf32, #tpu.memory_space<vmem>>
    %dma_wait3A_102 = arith.constant 0 : i32
    %dma_wait3A_103 = arith.constant 0 : i32
    %dma_wait3A_104 = tpu.memref_slice %arg15[%dma_wait3A_102, %dma_wait3A_103] : memref<10240x128xf32, #tpu.memory_space<vmem_shared>> -> memref<10240x128xf32, #tpu.memory_space<vmem_shared>>
    tpu.wait_indirect_dma semaphore(%arg31 : memref<!tpu.dma_semaphore, #tpu.memory_space<semaphore_mem>>) src(%dma_wait3A_101 : memref<88x128xf32, #tpu.memory_space<vmem>>) dst(%dma_wait3A_104 : memref<10240x128xf32, #tpu.memory_space<vmem_shared>>)
    %barrier3A_105 = arith.constant 0 : index
    tpu.barrier barrier_id(%barrier3A_105)
    %mul3A_106 = arith.constant 640 : i32
    %mul3A_107 = arith.muli %arg1, %mul3A_106 : i32
    %mul3A_108 = arith.constant 10240 : i32
    %mul3A_109 = arith.muli %arg0, %mul3A_108 : i32
    %mul3A_110 = arith.constant 640 : i32
    %mul3A_111 = arith.muli %arg1, %mul3A_110 : i32
    %add3A_112 = arith.addi %mul3A_109, %mul3A_111 : i32
    "tpu.region"() ({
      %run_scoped3A_113 = tpu.sem_alloc : memref<!tpu.dma_semaphore, #tpu.memory_space<semaphore_mem>>
      %dma_start3A_114 = arith.constant 0 : i32
      %dma_start3A_115 = tpu.memref_slice %arg5[%add3A_112, %dma_start3A_114] : memref<20480x128xf32, #tpu.memory_space<hbm>> -> memref<640x128xf32, #tpu.memory_space<hbm>>
      %dma_start3A_116 = arith.constant 0 : i32
      %dma_start3A_117 = tpu.memref_slice %arg15[%mul3A_107, %dma_start3A_116] : memref<10240x128xf32, #tpu.memory_space<vmem_shared>> -> memref<640x128xf32, #tpu.memory_space<vmem_shared>>
      tpu.enqueue_dma source(%dma_start3A_117 : memref<640x128xf32, #tpu.memory_space<vmem_shared>>) target(%dma_start3A_115 : memref<640x128xf32, #tpu.memory_space<hbm>>) target_semaphore(%run_scoped3A_113 : memref<!tpu.dma_semaphore, #tpu.memory_space<semaphore_mem>>)
      %dma_wait3A_118 = arith.constant 0 : i32
      %dma_wait3A_119 = tpu.memref_slice %arg5[%add3A_112, %dma_wait3A_118] : memref<20480x128xf32, #tpu.memory_space<hbm>> -> memref<640x128xf32, #tpu.memory_space<hbm>>
      %dma_wait3A_120 = arith.constant 0 : i32
      %dma_wait3A_121 = tpu.memref_slice %arg15[%mul3A_107, %dma_wait3A_120] : memref<10240x128xf32, #tpu.memory_space<vmem_shared>> -> memref<640x128xf32, #tpu.memory_space<vmem_shared>>
      tpu.wait_dma2 semaphore(%run_scoped3A_113 : memref<!tpu.dma_semaphore, #tpu.memory_space<semaphore_mem>>) src(%dma_wait3A_121 : memref<640x128xf32, #tpu.memory_space<vmem_shared>>) dst(%dma_wait3A_119 : memref<640x128xf32, #tpu.memory_space<hbm>>)
      tpu.yield
    }) : () -> ()
    return
  }
}

module attributes {stable_mosaic.version = 14 : i64} {
  func.func @_tc1_body(%arg0: i32, %arg1: memref<1024x128xf32, #tpu.memory_space<vmem>>, %arg2: memref<128x128xf32, #tpu.memory_space<vmem>>, %arg3: memref<1024x1xf32, #tpu.memory_space<vmem>>, %arg4: memref<1024x1xf32, #tpu.memory_space<vmem>>, %arg5: memref<1024x128xf32, #tpu.memory_space<vmem>>, %arg6: memref<1024x1xf32, #tpu.memory_space<vmem>>) attributes {dimension_semantics = [#tpu.dimension_semantics<arbitrary>], iteration_bounds = array<i64: 10>, scalar_prefetch = 0 : i64, scratch_operands = 0 : i64, tpu.core_type = #tpu.core_type<tc>, window_params = [{transform_indices = @transform_0, window_bounds = array<i64: 1024, 128>}, {pipeline_mode = #tpu.pipeline_mode<synchronous>, transform_indices = @transform_1, window_bounds = array<i64: 128, 128>}, {transform_indices = @transform_2, window_bounds = array<i64: 1024, 1>}, {transform_indices = @transform_3, window_bounds = array<i64: 1024, 1>}, {transform_indices = @transform_4, window_bounds = array<i64: 1024, 128>}, {transform_indices = @transform_5, window_bounds = array<i64: 1024, 1>}]} {
    %get3A = arith.constant 0 : index
    %get3A_0 = arith.constant 0 : index
    %get3A_1 = vector.load %arg1[%get3A, %get3A_0] : memref<1024x128xf32, #tpu.memory_space<vmem>>, vector<1024x128xf32>
    %get3A_2 = arith.constant 0 : index
    %get3A_3 = arith.constant 0 : index
    %get3A_4 = vector.load %arg2[%get3A_2, %get3A_3] : memref<128x128xf32, #tpu.memory_space<vmem>>, vector<128x128xf32>
    %dot_general3A = arith.constant dense<0.000000e+00> : vector<1024x128xf32>
    %dot_general3A_5 = tpu.matmul %get3A_1, %get3A_4, %dot_general3A {dimension_numbers = #tpu.dot_dimension_numbers<[1], [0], [0], [1], [0, 0, 1, 1], [], []>, transpose_lhs_hint = false} : vector<1024x128xf32>, vector<128x128xf32>, vector<1024x128xf32> -> vector<1024x128xf32>
    %get3A_6 = arith.constant 0 : index
    %get3A_7 = arith.constant 0 : index
    %get3A_8 = vector.load %arg3[%get3A_6, %get3A_7] : memref<1024x1xf32, #tpu.memory_space<vmem>>, vector<1024x1xf32>
    %get3A_9 = arith.constant 0 : index
    %get3A_10 = arith.constant 0 : index
    %get3A_11 = vector.load %arg4[%get3A_9, %get3A_10] : memref<1024x1xf32, #tpu.memory_space<vmem>>, vector<1024x1xf32>
    %add3A = arith.addf %get3A_8, %get3A_11 : vector<1024x1xf32>
    %add3A_12 = arith.constant 1.000000e+00 : f32
    %add3A_13 = vector.broadcast %add3A_12 : f32 to vector<1024x1xf32>
    %add3A_14 = arith.addf %add3A, %add3A_13 : vector<1024x1xf32>
    %rsqrt3A = math.rsqrt %add3A_14 : vector<1024x1xf32>
    %mul3A = vector.broadcast %rsqrt3A : vector<1024x1xf32> to vector<1024x128xf32>
    %mul3A_15 = arith.mulf %dot_general3A_5, %mul3A : vector<1024x128xf32>
    %swap3A = arith.constant 0 : index
    %swap3A_16 = arith.constant 0 : index
    %swap3A_17 = vector.load %arg5[%swap3A, %swap3A_16] : memref<1024x128xf32, #tpu.memory_space<vmem>>, vector<1024x128xf32>
    tpu.vector_store %arg5[%swap3A, %swap3A_16], %mul3A_15 {strides = array<i32>} : memref<1024x128xf32, #tpu.memory_space<vmem>>, vector<1024x128xf32>,
    %swap3A_18 = arith.constant 0 : index
    %swap3A_19 = arith.constant 0 : index
    %swap3A_20 = vector.load %arg6[%swap3A_18, %swap3A_19] : memref<1024x1xf32, #tpu.memory_space<vmem>>, vector<1024x1xf32>
    tpu.vector_store %arg6[%swap3A_18, %swap3A_19], %rsqrt3A {strides = array<i32>} : memref<1024x1xf32, #tpu.memory_space<vmem>>, vector<1024x1xf32>,
    return
  }
  func.func @transform_0(%arg0: i32) -> (i32, i32) {
    %c0_i32 = arith.constant 0 : i32
    %c0_i32_0 = arith.constant 0 : i32
    return %arg0, %c0_i32 : i32, i32
  }
  func.func @transform_1(%arg0: i32) -> (i32, i32) {
    %c0_i32 = arith.constant 0 : i32
    %c0_i32_0 = arith.constant 0 : i32
    %c0_i32_1 = arith.constant 0 : i32
    return %c0_i32, %c0_i32_0 : i32, i32
  }
  func.func @transform_2(%arg0: i32) -> (i32, i32) {
    %c0_i32 = arith.constant 0 : i32
    %c0_i32_0 = arith.constant 0 : i32
    return %arg0, %c0_i32 : i32, i32
  }
  func.func @transform_3(%arg0: i32) -> (i32, i32) {
    %c0_i32 = arith.constant 0 : i32
    %c0_i32_0 = arith.constant 0 : i32
    return %arg0, %c0_i32 : i32, i32
  }
  func.func @transform_4(%arg0: i32) -> (i32, i32) {
    %c0_i32 = arith.constant 0 : i32
    %c0_i32_0 = arith.constant 0 : i32
    return %arg0, %c0_i32 : i32, i32
  }
  func.func @transform_5(%arg0: i32) -> (i32, i32) {
    %c0_i32 = arith.constant 0 : i32
    %c0_i32_0 = arith.constant 0 : i32
    return %arg0, %c0_i32 : i32, i32
  }
}

module attributes {stable_mosaic.version = 14 : i64} {
  func.func @_tc3_body(%arg0: i32, %arg1: memref<1024x128xf32, #tpu.memory_space<vmem>>, %arg2: memref<1024x128xf32, #tpu.memory_space<vmem>>, %arg3: memref<1024x128xf32, #tpu.memory_space<vmem>>, %arg4: memref<1024x1xf32, #tpu.memory_space<vmem>>, %arg5: memref<1x40xf32, #tpu.memory_space<vmem>>, %arg6: memref<1024x40xf32, #tpu.memory_space<vmem>>) attributes {dimension_semantics = [#tpu.dimension_semantics<arbitrary>], iteration_bounds = array<i64: 10>, scalar_prefetch = 0 : i64, scratch_operands = 0 : i64, tpu.core_type = #tpu.core_type<tc>, window_params = [{transform_indices = @transform_0, window_bounds = array<i64: 1024, 128>}, {transform_indices = @transform_1, window_bounds = array<i64: 1024, 128>}, {transform_indices = @transform_2, window_bounds = array<i64: 1024, 128>}, {transform_indices = @transform_3, window_bounds = array<i64: 1024, 1>}, {pipeline_mode = #tpu.pipeline_mode<synchronous>, transform_indices = @transform_4, window_bounds = array<i64: 1, 40>}, {transform_indices = @transform_5, window_bounds = array<i64: 1024, 40>}]} {
    %get3A = arith.constant 0 : index
    %get3A_0 = arith.constant 0 : index
    %get3A_1 = vector.load %arg4[%get3A, %get3A_0] : memref<1024x1xf32, #tpu.memory_space<vmem>>, vector<1024x1xf32>
    %get3A_2 = arith.constant 0 : index
    %get3A_3 = arith.constant 0 : index
    %get3A_4 = vector.load %arg1[%get3A_2, %get3A_3] : memref<1024x128xf32, #tpu.memory_space<vmem>>, vector<1024x128xf32>
    %get3A_5 = arith.constant 0 : index
    %get3A_6 = arith.constant 0 : index
    %get3A_7 = vector.load %arg2[%get3A_5, %get3A_6] : memref<1024x128xf32, #tpu.memory_space<vmem>>, vector<1024x128xf32>
    %add3A = arith.addf %get3A_4, %get3A_7 : vector<1024x128xf32>
    %get3A_8 = arith.constant 0 : index
    %get3A_9 = arith.constant 0 : index
    %get3A_10 = vector.load %arg3[%get3A_8, %get3A_9] : memref<1024x128xf32, #tpu.memory_space<vmem>>, vector<1024x128xf32>
    %add3A_11 = arith.addf %add3A, %get3A_10 : vector<1024x128xf32>
    %mul3A = vector.broadcast %get3A_1 : vector<1024x1xf32> to vector<1024x128xf32>
    %mul3A_12 = arith.mulf %add3A_11, %mul3A : vector<1024x128xf32>
    %slice3A = vector.extract_strided_slice %mul3A_12 {offsets = [0, 0], sizes = [1024, 40], strides = [1, 1]} : vector<1024x128xf32> to vector<1024x40xf32>
    %get3A_13 = arith.constant 0 : index
    %get3A_14 = arith.constant 0 : index
    %get3A_15 = vector.load %arg5[%get3A_13, %get3A_14] : memref<1x40xf32, #tpu.memory_space<vmem>>, vector<1x40xf32>
    %add3A_16 = vector.broadcast %get3A_15 : vector<1x40xf32> to vector<1024x40xf32>
    %add3A_17 = arith.addf %slice3A, %add3A_16 : vector<1024x40xf32>
    %swap3A = arith.constant 0 : index
    %swap3A_18 = arith.constant 0 : index
    %swap3A_19 = vector.load %arg6[%swap3A, %swap3A_18] : memref<1024x40xf32, #tpu.memory_space<vmem>>, vector<1024x40xf32>
    tpu.vector_store %arg6[%swap3A, %swap3A_18], %add3A_17 {strides = array<i32>} : memref<1024x40xf32, #tpu.memory_space<vmem>>, vector<1024x40xf32>,
    return
  }
  func.func @transform_0(%arg0: i32) -> (i32, i32) {
    %c0_i32 = arith.constant 0 : i32
    %c0_i32_0 = arith.constant 0 : i32
    return %arg0, %c0_i32 : i32, i32
  }
  func.func @transform_1(%arg0: i32) -> (i32, i32) {
    %add3A = arith.constant 10 : i32
    %add3A_0 = arith.addi %arg0, %add3A : i32
    %c0_i32 = arith.constant 0 : i32
    %c0_i32_1 = arith.constant 0 : i32
    return %add3A_0, %c0_i32 : i32, i32
  }
  func.func @transform_2(%arg0: i32) -> (i32, i32) {
    %c0_i32 = arith.constant 0 : i32
    %c0_i32_0 = arith.constant 0 : i32
    return %arg0, %c0_i32 : i32, i32
  }
  func.func @transform_3(%arg0: i32) -> (i32, i32) {
    %c0_i32 = arith.constant 0 : i32
    %c0_i32_0 = arith.constant 0 : i32
    return %arg0, %c0_i32 : i32, i32
  }
  func.func @transform_4(%arg0: i32) -> (i32, i32) {
    %c0_i32 = arith.constant 0 : i32
    %c0_i32_0 = arith.constant 0 : i32
    %c0_i32_1 = arith.constant 0 : i32
    return %c0_i32, %c0_i32_0 : i32, i32
  }
  func.func @transform_5(%arg0: i32) -> (i32, i32) {
    %c0_i32 = arith.constant 0 : i32
    %c0_i32_0 = arith.constant 0 : i32
    return %arg0, %c0_i32 : i32, i32
  }
}

module attributes {stable_mosaic.version = 14 : i64} {
  func.func @_tc2_body(%arg0: i32, %arg1: memref<1024x128xf32, #tpu.memory_space<vmem>>, %arg2: memref<1024x128xf32, #tpu.memory_space<vmem>>, %arg3: memref<1024x128xf32, #tpu.memory_space<vmem>>, %arg4: memref<1024x1xf32, #tpu.memory_space<vmem>>, %arg5: memref<1x128xf32, #tpu.memory_space<vmem>>, %arg6: memref<128x128xf32, #tpu.memory_space<vmem>>, %arg7: memref<1024x128xf32, #tpu.memory_space<vmem>>) attributes {dimension_semantics = [#tpu.dimension_semantics<arbitrary>], iteration_bounds = array<i64: 10>, scalar_prefetch = 0 : i64, scratch_operands = 0 : i64, tpu.core_type = #tpu.core_type<tc>, window_params = [{transform_indices = @transform_0, window_bounds = array<i64: 1024, 128>}, {transform_indices = @transform_1, window_bounds = array<i64: 1024, 128>}, {transform_indices = @transform_2, window_bounds = array<i64: 1024, 128>}, {transform_indices = @transform_3, window_bounds = array<i64: 1024, 1>}, {pipeline_mode = #tpu.pipeline_mode<synchronous>, transform_indices = @transform_4, window_bounds = array<i64: 1, 128>}, {pipeline_mode = #tpu.pipeline_mode<synchronous>, transform_indices = @transform_5, window_bounds = array<i64: 128, 128>}, {transform_indices = @transform_6, window_bounds = array<i64: 1024, 128>}]} {
    %get3A = arith.constant 0 : index
    %get3A_0 = arith.constant 0 : index
    %get3A_1 = vector.load %arg4[%get3A, %get3A_0] : memref<1024x1xf32, #tpu.memory_space<vmem>>, vector<1024x1xf32>
    %get3A_2 = arith.constant 0 : index
    %get3A_3 = arith.constant 0 : index
    %get3A_4 = vector.load %arg1[%get3A_2, %get3A_3] : memref<1024x128xf32, #tpu.memory_space<vmem>>, vector<1024x128xf32>
    %get3A_5 = arith.constant 0 : index
    %get3A_6 = arith.constant 0 : index
    %get3A_7 = vector.load %arg2[%get3A_5, %get3A_6] : memref<1024x128xf32, #tpu.memory_space<vmem>>, vector<1024x128xf32>
    %add3A = arith.addf %get3A_4, %get3A_7 : vector<1024x128xf32>
    %get3A_8 = arith.constant 0 : index
    %get3A_9 = arith.constant 0 : index
    %get3A_10 = vector.load %arg3[%get3A_8, %get3A_9] : memref<1024x128xf32, #tpu.memory_space<vmem>>, vector<1024x128xf32>
    %add3A_11 = arith.addf %add3A, %get3A_10 : vector<1024x128xf32>
    %mul3A = vector.broadcast %get3A_1 : vector<1024x1xf32> to vector<1024x128xf32>
    %mul3A_12 = arith.mulf %add3A_11, %mul3A : vector<1024x128xf32>
    %get3A_13 = arith.constant 0 : index
    %get3A_14 = arith.constant 0 : index
    %get3A_15 = vector.load %arg5[%get3A_13, %get3A_14] : memref<1x128xf32, #tpu.memory_space<vmem>>, vector<1x128xf32>
    %add3A_16 = vector.broadcast %get3A_15 : vector<1x128xf32> to vector<1024x128xf32>
    %add3A_17 = arith.addf %mul3A_12, %add3A_16 : vector<1024x128xf32>
    %max3A = arith.constant 0.000000e+00 : f32
    %max3A_18 = vector.broadcast %max3A : f32 to vector<1024x128xf32>
    %max3A_19 = arith.maximumf %add3A_17, %max3A_18 : vector<1024x128xf32>
    %get3A_20 = arith.constant 0 : index
    %get3A_21 = arith.constant 0 : index
    %get3A_22 = vector.load %arg6[%get3A_20, %get3A_21] : memref<128x128xf32, #tpu.memory_space<vmem>>, vector<128x128xf32>
    %dot_general3A = arith.constant dense<0.000000e+00> : vector<1024x128xf32>
    %dot_general3A_23 = tpu.matmul %max3A_19, %get3A_22, %dot_general3A {dimension_numbers = #tpu.dot_dimension_numbers<[1], [0], [0], [1], [0, 0, 1, 1], [], []>, transpose_lhs_hint = false} : vector<1024x128xf32>, vector<128x128xf32>, vector<1024x128xf32> -> vector<1024x128xf32>
    %mul3A_24 = vector.broadcast %get3A_1 : vector<1024x1xf32> to vector<1024x128xf32>
    %mul3A_25 = arith.mulf %dot_general3A_23, %mul3A_24 : vector<1024x128xf32>
    %swap3A = arith.constant 0 : index
    %swap3A_26 = arith.constant 0 : index
    %swap3A_27 = vector.load %arg7[%swap3A, %swap3A_26] : memref<1024x128xf32, #tpu.memory_space<vmem>>, vector<1024x128xf32>
    tpu.vector_store %arg7[%swap3A, %swap3A_26], %mul3A_25 {strides = array<i32>} : memref<1024x128xf32, #tpu.memory_space<vmem>>, vector<1024x128xf32>,
    return
  }
  func.func @transform_0(%arg0: i32) -> (i32, i32) {
    %c0_i32 = arith.constant 0 : i32
    %c0_i32_0 = arith.constant 0 : i32
    return %arg0, %c0_i32 : i32, i32
  }
  func.func @transform_1(%arg0: i32) -> (i32, i32) {
    %add3A = arith.constant 10 : i32
    %add3A_0 = arith.addi %arg0, %add3A : i32
    %c0_i32 = arith.constant 0 : i32
    %c0_i32_1 = arith.constant 0 : i32
    return %add3A_0, %c0_i32 : i32, i32
  }
  func.func @transform_2(%arg0: i32) -> (i32, i32) {
    %c0_i32 = arith.constant 0 : i32
    %c0_i32_0 = arith.constant 0 : i32
    return %arg0, %c0_i32 : i32, i32
  }
  func.func @transform_3(%arg0: i32) -> (i32, i32) {
    %c0_i32 = arith.constant 0 : i32
    %c0_i32_0 = arith.constant 0 : i32
    return %arg0, %c0_i32 : i32, i32
  }
  func.func @transform_4(%arg0: i32) -> (i32, i32) {
    %c0_i32 = arith.constant 0 : i32
    %c0_i32_0 = arith.constant 0 : i32
    %c0_i32_1 = arith.constant 0 : i32
    return %c0_i32, %c0_i32_0 : i32, i32
  }
  func.func @transform_5(%arg0: i32) -> (i32, i32) {
    %c0_i32 = arith.constant 0 : i32
    %c0_i32_0 = arith.constant 0 : i32
    %c0_i32_1 = arith.constant 0 : i32
    return %c0_i32, %c0_i32_0 : i32, i32
  }
  func.func @transform_6(%arg0: i32) -> (i32, i32) {
    %c0_i32 = arith.constant 0 : i32
    %c0_i32_0 = arith.constant 0 : i32
    return %arg0, %c0_i32 : i32, i32
  }
}

</mosaic_0001>

<sc_bundles>
// kernel: kernel.11.cloned.1.call-start
scs
__scs_entry_jumppad:
0x0: {  	(pc) =	sbr.rel $0x88, $3  }
0x1: {  	(tag) =	ssettag $0x0;
	lr =	simm.s32 $0x1  }
0x2: {  	[smem:$0x3F9B] =	sst lr;
	_ =	strace $0xD0000000  }
0x3: {  	_ = 	snop  }
0x4: {  	_ = 	snop  }
0x5: {  	_ = 	snop  }
0x6: {  	_ = 	snop  }
0x7: {  	_ = 	snop  }
__scs_overlays_trampoline_lowered:
0x8: {  	[smem:$0x3FAA] =	sst s0  }
0x9: {  	[smem:$0x3FAB] =	sst s1  }
0xa: {  	[smem:$0x3FAC] =	sst s2  }
0xb: {  	[smem:$0x3FAD] =	sst s3  }
0xc: {  	[smem:$0x3FAE] =	sst s4  }
0xd: {  	[smem:$0x3FAF] =	sst s5  }
0xe: {  	[smem:$0x3FB0] =	sst s6  }
0xf: {  	[smem:$0x3FB1] =	sst s7  }
0x10: {  	[smem:$0x3FB2] =	sst s8  }
0x11: {  	[smem:$0x3FB3] =	sst s9;
	s0 =	simm.s32 @!p0 $0x0  }
0x12: {  	s1 =	sld [smem:$0x3F99];
	s0 =	simm.s32 @p0 $0x1  }
0x13: {  	[smem:$0x3FB4] =	sst s0;
	s0 =	simm.s32 @!p1 $0x0  }
0x14: {  	s2 =	sld [smem:$0x3F98];
	s0 =	simm.s32 @p1 $0x1  }
0x15: {  	[smem:$0x3FB5] =	sst s0;
	s0 =	simm.s32 @!p2 $0x0  }
0x16: {  	s3 =	sld [smem:$0x3FDB];
	s0 =	simm.s32 @p2 $0x1  }
0x17: {  	s4 =	simm.s32 $0x1BF5;
	[smem:$0x3FB7] =	sst s0  }
0x18: {  	s0 =	sld [smem:$0x3F9A];
	_ =	swait.ge [sflag:s4], $0x0  }
0x19: {  	s7 =	sld [smem:$0x3F9B]  }
0x1a: {  	s8 =	sadd.s32 $0xFFFFE003, lr  }
0x1b: {  	s9 =	sadd.s32 $0xFFFFFEF7, lr;
	s5 =	simm.s32 $0xFFFFFFFF;
	p2 =	slt.u32 s8, $0xFFFFF086  }
0x1c: {  	p1 =	slt.u32 s9, $0xF7A;
	s5 =	simm.s32 @!p2 $0x0  }
0x1d: {  	s5 =	simm.s32 @p1 $0x1;
	p0 =	seq.s32 s7, s2  }
0x1e: {  	s7 =	smul.u32 @!p0 $0xF7A, s2;
	p2 =	seq.s32 @!p0 s5, $0x0  }
0x1f: {  	s9 =	smul.u32 $0xF7A, s1;
	s8 =	simm.s32 @!p0 $0x1BF5;
	p2 =	por !p2, p0  }
0x20: {  	[sflag:s8] =	ssyncset.s32 @!p0 $0xFFFFF086;
	s6 =	sadd.s32 @!p0 s3, s7;
	s7 =	simm.s32 @!p0 $0x108  }
0x21: {  	s3 =	sadd.s32 s3, s9;
	s6 =	sadd.s32 @!p0 $0x88, s6;
	s7 =	simm.s32 @p2 $0x1082  }
0x22: {  	[simem:s7], [sflag:s8] =	dma.local @!p0 [hbm:s6], $0xF7A  }
0x23: {  	s9 =	sor.u32 $0xD0000000, s2;
	s6 =	simm.s32 $0x108;
	_ =	swait.ge @!p0 [sflag:s8], $0x0  }
0x24: {  	s3 =	sadd.s32 $0x88, s3;
	s6 =	simm.s32 @!p1 $0x1082;
	[sflag:s4] =	ssyncset.s32 $0xFFFFF086  }
0x25: {  	[simem:s6], [sflag:s4] =	dma.local [hbm:s3], $0xF7A  }
0x26: {  	[smem:$0x3F9B] =	sst s1;
	(tag) =	ssettag s2;
	_ =	strace s9  }
0x27: {  	s1 =	sld [smem:$0x3FAB]  }
0x28: {  	s2 =	sld [smem:$0x3FAC]  }
0x29: {  	s4 =	sld [smem:$0x3FAE]  }
0x2a: {  	p0 =	seq.s32 s5, $0x0;
	s5 =	sld [smem:$0x3FAF]  }
0x2b: {  	s6 =	sld [smem:$0x3FB0]  }
0x2c: {  	s7 =	sld [smem:$0x3FB1]  }
0x2d: {  	s3 =	simm.s32 $0x108;
	s8 =	sld [smem:$0x3FB2]  }
0x2e: {  	s3 =	simm.s32 @!p0 $0x1082;
	s9 =	sld [smem:$0x3FB3]  }
0x2f: {  	lr =	sadd.s32 s0, s3;
	s0 =	sld [smem:$0x3FAA]  }
0x30: {  	s3 =	sld [smem:$0x3FAD]  }
0x31: {  	[smem:$0x3FB6] =	sst s10  }
0x32: {  	s10 =	sld [smem:$0x3FB4];
	_ =	sdelay $0x3  }
0x33: {  	p0 =	seq.s32 s10, $0x1;
	s10 =	sld [smem:$0x3FB6];
	_ =	sdelay $0x3  }
0x34: {  	[smem:$0x3FB6] =	sst s10  }
0x35: {  	s10 =	sld [smem:$0x3FB5];
	_ =	sdelay $0x3  }
0x36: {  	p1 =	seq.s32 s10, $0x1;
	s10 =	sld [smem:$0x3FB6];
	_ =	sdelay $0x3  }
0x37: {  	[smem:$0x3FB6] =	sst s10  }
0x38: {  	s10 =	sld [smem:$0x3FB7]  }
0x39: {  	_ = 	snop;
	(pc) =	sbr.ind lr, $3  }
0x3a: {  	_ = 	snop  }
0x3b: {  	_ = 	snop  }
0x3c: {  	p2 =	seq.s32 s10, $0x1;
	s10 =	sld [smem:$0x3FB6]  }
0x3d: {  	_ =	shalt  }
0x3e: {  	_ =	shalt  }
0x3f: {  	_ =	shalt  }
0x40: {  	_ =	shalt  }
0x41: {  	_ =	shalt  }
0x42: {  	_ =	shalt  }
0x43: {  	_ =	shalt  }
0x44: {  	_ =	shalt  }
0x45: {  	_ =	shalt  }
0x46: {  	_ =	shalt  }
0x47: {  	_ =	shalt  }
0x48: {  	_ =	shalt  }
0x49: {  	_ =	shalt  }
0x4a: {  	_ =	shalt  }
0x4b: {  	_ =	shalt  }
0x4c: {  	_ =	shalt  }
0x4d: {  	_ =	shalt  }
0x4e: {  	_ =	shalt  }
0x4f: {  	_ =	shalt  }
0x50: {  	_ =	shalt  }
0x51: {  	_ =	shalt  }
0x52: {  	_ =	shalt  }
0x53: {  	_ =	shalt  }
0x54: {  	_ =	shalt  }
0x55: {  	_ =	shalt  }
0x56: {  	_ =	shalt  }
0x57: {  	_ =	shalt  }
0x58: {  	_ =	shalt  }
0x59: {  	_ =	shalt  }
0x5a: {  	_ =	shalt  }
0x5b: {  	_ =	shalt  }
0x5c: {  	_ =	shalt  }
0x5d: {  	_ =	shalt  }
0x5e: {  	_ =	shalt  }
0x5f: {  	_ =	shalt  }
0x60: {  	_ =	shalt  }
0x61: {  	_ =	shalt  }
0x62: {  	_ =	shalt  }
0x63: {  	_ =	shalt  }
0x64: {  	_ =	shalt  }
0x65: {  	_ =	shalt  }
0x66: {  	_ =	shalt  }
0x67: {  	_ =	shalt  }
0x68: {  	_ =	shalt  }
0x69: {  	_ =	shalt  }
0x6a: {  	_ =	shalt  }
0x6b: {  	_ =	shalt  }
0x6c: {  	_ =	shalt  }
0x6d: {  	_ =	shalt  }
0x6e: {  	_ =	shalt  }
0x6f: {  	_ =	shalt  }
0x70: {  	_ =	shalt  }
0x71: {  	_ =	shalt  }
0x72: {  	_ =	shalt  }
0x73: {  	_ =	shalt  }
0x74: {  	_ =	shalt  }
0x75: {  	_ =	shalt  }
0x76: {  	_ =	shalt  }
0x77: {  	_ =	shalt  }
0x78: {  	_ =	shalt  }
0x79: {  	_ =	shalt  }
0x7a: {  	_ =	shalt  }
0x7b: {  	_ =	shalt  }
0x7c: {  	_ =	shalt  }
0x7d: {  	_ =	shalt  }
0x7e: {  	_ =	shalt  }
0x7f: {  	_ =	shalt  }
0x80: {  	_ =	shalt  }
0x81: {  	_ =	shalt  }
0x82: {  	_ =	shalt  }
0x83: {  	_ =	shalt  }
0x84: {  	_ =	shalt  }
0x85: {  	_ =	shalt  }
0x86: {  	_ =	shalt  }
0x87: {  	_ =	shalt  }
.Lfunc_end0:
.L_simem_size_0:
called_computation.1_lowered:
.L_overlay_start_0:
0x88: {  	s2 =	sld [smem:$0x3FD9]  }
0x89: {  	s3 =	sld [smem:$0x3FFE];
	_ =	sdelay $0x1  }
0x8a: {  	s1 =	srdreg.scid  }
0x8b: {  	s0 =	sand.u32 $0x1, s1  }
0x8c: {  	s17 =	sshll.u32 s0, $0xA;
	s2 =	sadd.s32 s3, s2  }
0x8d: {  	s2 =	sadd.s32 s2, s17  }
0x8e: {  	[smem:$0x3FC2] =	sst s2  }
0x8f: {  	_ = 	snop  }
0x90: {  	s2 =	sld [smem:$0x3FD0];
	(tm) =	ssettm $0x1  }
0x91: {  	s18 =	sld [smem:$0x3FFB];
	_ =	sdelay $0x3  }
0x92: {  	_ =	strace s18  }
0x93: {  	s3 =	sld [smem:$0x3FFC];
	_ =	sdelay $0x3  }
0x94: {  	_ =	strace s3  }
0x95: {  	s3 =	sld [smem:$0x3FFD];
	_ =	sdelay $0x3  }
0x96: {  	_ =	strace s3  }
0x97: {  	_ =	strace $0x8FFFFFFF  }
0x98: {  	s19 =	sld [smem:$0x3FDB];
	_ =	sdelay $0x1  }
0x99: {  	s4 =	simm.s32 $_scs_section_size  }
0x9a: {  	s5 =	simm.s32 $_size__tile_overlayer_lowered;
	s6 =	simm.s32 $_tile_overlayer_lowered  }
0x9b: {  	s22 =	simm.s32 $0x1BFF;
	s21 =	sshll.u32 s6, $0x1;
	s3 =	sadd.s32 s4, s19  }
0x9c: {  	s7 =	simm.s32 $0x0;
	s20 =	sshll.u32 s5, $0x1;
	s5 =	sadd.s32 s21, s3  }
0x9d: {  	[timem:s7], [sflag:s22] =	dma.local [hbm:s5], s20  }
0x9e: {  	_ =	swait.ge [sflag:s22], s20  }
0x9f: {  	s4 =	ssub.s32 $0x0, s20;
	[sflag:s22] =	ssyncset.done $0x0  }
0xa0: {  	[sflag:s22] =	ssyncadd.s32 s4;
	_ =	sdelay $0x1  }
0xa1: {  	s23 =	simm.s32 $0x1B8B  }
0xa2: {  	_ =	swait.ge [sflag:s23], $0x1  }
0xa3: {  	[sflag:s23] =	ssyncset.done $0x0  }
0xa4: {  	s25 =	simm.s32 $0x1B8E;
	s24 =	sld [smem:$0x3FFE];
	[sflag:s23] =	ssyncadd.s32 $0xFFFFFFFF  }
0xa5: {  	s26 =	simm.s32 $execute0_lowered;
	[smem:$0x3FD2] =	sst s25  }
0xa6: {  	s5 =	sshll.u32 s26, $0x1;
	_ =	strace $0x80000049;
	[dreg:$0x1] =	wrdreg $0xFFFFFFFF  }
0xa7: {  	s28 =	simm.s32 $_size_execute0_lowered;
	s3 =	sadd.s32 s3, s5;
	[dreg:$0x0] =	wrdreg $0x0  }
0xa8: {  	s5 =	sshll.u32 s28, $0x1;
	[dreg:$0x2] =	wrdreg s3  }
0xa9: {  	[dreg:$0x3] =	wrdreg s5  }
0xaa: {  	[dreg:$0x4] =	wrdreg $0xC0  }
0xab: {  	_ =	task [dreg:s7], $0x5FFFF  }
0xac: {  	[dreg:$0x1] =	wrdreg $0xFFFFFFFF  }
0xad: {  	[dreg:$0x0] =	wrdreg $0x60  }
0xae: {  	[dreg:$0x2] =	wrdreg s24  }
0xaf: {  	[dreg:$0x3] =	wrdreg s2  }
0xb0: {  	[dreg:$0x4] =	wrdreg $0xB4000  }
0xb1: {  	[dreg:$0x5] =	wrdreg $0x9  }
0xb2: {  	_ =	task.clear_ibuf [dreg:s7], $0x6FFFF;
	_ =	strace $0x90000049  }
0xb3: {  	s29 =	simm.s32 $0x9;
	_ =	strace $0x8000004B  }
0xb4: {  	_ =	swait.ge [sflag:s29], $0x1  }
0xb5: {  	[sflag:s29] =	ssyncadd.s32 $0xFFFFFFFF  }
0xb6: {  	_ =	strace $0x9000004B  }
0xb7: {  	_ =	sfence  }
0xb8: {  	s30 =	sld [smem:$0x0];
	_ =	sdelay $0x2  }
0xb9: {  	s31 =	sshll.u32 s1, $0xD;
	s1 =	sshrl.u32 s1, $0x2  }
0xba: {  	s3 =	sand.u32 $0x4000, s31;
	s1 =	sadd.s32 s1, s30  }
0xbb: {  	s0 =	sor.u32 s3, s0;
	s1 =	sshll.u32 s1, $0x11  }
0xbc: {  	s0 =	sor.u32 s1, s0  }
0xbd: {  	s0 =	sadd.s32 $0x8F2B, s0  }
0xbe: {  	[sflag:s0] =	ssyncadd.remote.s32 $0x1  }
0xbf: {  	_ =	sfence.sel $0xFFFF  }
0xc0: {  	[dreg:$0x0] =	wrdreg $0xFFFFFFFF;
	(pc) =	sbr.abs _section_cstart, $3  }
0xc1: {  	[dreg:$0x1] =	wrdreg $0xFFFFFFFF  }
0xc2: {  	_ =	task.clear_ibuf [dreg:s7], $0x2FFFF;
	_ =	strace $0x9FFFFFFF  }
0xc3: {  	(tm) =	ssettm $0x7FFFFFFF  }
tec
execute0_lowered:
.L_overlay_start_1:
0x0: {  	(tag) =	ssettag $0x1  }
0x1: {  	s0 =	rddreg [dreg:$0x0]  }
0x2: {  	s12 =	rddreg [dreg:$0x1]  }
0x3: {  	s3 =	rddreg [dreg:$0x2];
	s2 =	simm.s32 $0x0  }
0x4: {  	s1 =	srdreg.scid;
	s11 =	stileid.u32;
	s28 =	simm.s32 $0xB  }
0x5: {  	s29 =	simm.s32 $0x8;
	s30 =	simm.s32 $0xF;
	s15 =	smul.u32 $0x2800, s11  }
0x6: {  	s31 =	simm.s32 $0x3;
	[smem:$0x7FF] =	sst s2;
	s9 =	smul.u32 $0x50000, s11  }
0x7: {  	s1 =	sand.u32 $0x1, s1;
	s5 =	sadd.s32 $0xCC00, s0;
	s24 =	smul.u32 $0x4FC0, s11  }
0x8: {  	s6 =	sadd.s32 $0x2C00, s0;
	s8 =	sshll.u32 s11, $0x1;
	s7 =	smul.u32 $0x28000, s1  }
0x9: {  	s16 =	ssub.s32 $0x2, s1;
	s8 =	sor.u32 s1, s8;
	s1 =	smul.u32 $0x27E0, s1  }
0xa: {  	_ =	strace $0x8000004A;
	s10 =	sshrl.u32 s16, $0x1;
	s8 =	smul.u32 $0x27E0, s8  }
0xb: {  	s9 =	sshrl.u32 s9, $0x2;
	s2 =	sadd.s32 s15, s7;
	s17 =	ssub.s32 s16, s10  }
0xc: {  	s13 =	sadd.s32 s9, s3;
	s1 =	sadd.s32 s1, s24;
	s0 =	sadd.s32 s2, s0  }
0xd: {  	s18 =	sadd.s32 $0x2C00, s13;
	s19 =	sshrl.u32 s8, $0x3;
	[dreg:$0x4] =	wrdreg s13  }
0xe: {  	s20 =	sadd.s32 $0x58, s8;
	s21 =	sadd.s32 $0x5800, s13;
	[dreg:$0x5] =	wrdreg s18  }
0xf: {  	s8 =	sadd.s32 $0x108, s8;
	s16 =	sadd.s32 $0x8400, s13;
	[dreg:$0x6] =	wrdreg s21  }
0x10: {  	s10 =	sadd.s32 $0x210, s1;
	s22 =	sadd.s32 s12, s19;
	[dreg:$0x11] =	wrdreg s16  }
0x11: {  	s2 =	simm.s32 $0x11;
	s7 =	sadd.s32 s6, s19;
	[dreg:$0x7] =	wrdreg s22  }
0x12: {  	s9 =	sshrl.u32 s20, $0x3;
	s0 =	sadd.s32 $0x34C00, s0;
	[dreg:$0xb] =	wrdreg s7  }
0x13: {  	s25 =	sadd.s32 $0x16, s19;
	s18 =	sadd.s32 $0xDC00, s13;
	[dreg:$0xe] =	wrdreg s0  }
0x14: {  	s8 =	sshrl.u32 s8, $0x3;
	s19 =	sadd.s32 $0x10800, s13;
	[dreg:$0x13] =	wrdreg s18  }
0x15: {  	s11 =	sshrl.u32 s10, $0x3;
	s23 =	sadd.s32 s12, s9;
	[dreg:$0x14] =	wrdreg s19  }
0x16: {  	s16 =	simm.s32 $0x5;
	s14 =	sadd.s32 s12, s25;
	[dreg:$0x8] =	wrdreg s23  }
0x17: {  	s8 =	sadd.s32 s12, s8;
	s26 =	sadd.s32 s6, s9;
	[dreg:$0x9] =	wrdreg s14  }
0x18: {  	s4 =	sadd.s32 s6, s25;
	s7 =	smax.u32 s17, $0x1;
	[dreg:$0xa] =	wrdreg s8  }
0x19: {  	s9 =	sadd.s32 $0x160, s1;
	s22 =	sadd.s32 s11, s6;
	[dreg:$0xc] =	wrdreg s26  }
0x1a: {  	s17 =	sadd.s32 $0xB000, s13;
	s18 =	simm.s32 $0x4;
	[dreg:$0xd] =	wrdreg s4  }
0x1b: {  	s19 =	simm.s32 $0x8800;
	[dreg:$0xf] =	wrdreg s7;
	s8 =	sadd.s32 $0x1B8, s1  }
0x1c: {  	[dreg:$0x10] =	wrdreg s9;
	s14 =	sadd.s32 $0x268, s1;
	s1 =	sadd.s32 $0x108, s1  }
0x1d: {  	s23 =	sadd.s32 s11, s12;
	s4 =	smov.u32 s6;
	[dreg:$0x12] =	wrdreg s17  }
.Ltmp0:
0x1e: {  	s26 =	sadd.s32 $0x13400, s13;
	s17 =	simm.s32 $0x380;
	(pc) =	sbr.rel .LBB2_1-.Ltmp0, $4  }
0x1f: {  	s0 =	sshrl.u32 s8, $0x3;
	s15 =	sshrl.u32 s14, $0x3;
	s1 =	sshrl.u32 s1, $0x3  }
0x20: {  	[dreg:$0x15] =	wrdreg s26;
	s8 =	simm.s32 $0x58;
	s26 =	simm.s32 $0xA  }
0x21: {  	s20 =	sadd.s32 s0, s6;
	s21 =	sadd.s32 s0, s12;
	s24 =	sadd.s32 s15, s12  }
0x22: {  	v0 =	vimm.f32 $0.0e+00;
	s25 =	sadd.s32 s1, s6;
	s15 =	simm.s32 $0x9;
	s1 =	simm.s32 $0x0  }
.LBB2_6:
0x23: {  	s0 =	simm.s32 $0x10  }
0x24: {  	_ =	swait.ge [sflag:s0], $0x2C00  }
0x25: {  	[sflag:s0] =	ssyncset.done $0x0  }
0x26: {  	[sflag:s0] =	ssyncadd.s32 $0xFFFFD400  }
0x27: {  	s11 =	stileid.u32;
	[bflag:$0x0] =	sbarrier.arrive $0xFFFF  }
0x28: {  	s0 =	sshll.u32 s11, $0x6;
	s13 =	rddreg [dreg:$0x4]  }
0x29: {  	s0 =	sor.u32 $0x1C11, s0;
	s2 =	rddreg [dreg:$0xe];
	s1 =	sshrl.u32 s13, $0x3  }
0x2a: {  	[hbm:s2], [sflag:s0] =	dma.local [spmem:s1], $0x2800  }
0x2b: {  	s2 =	simm.s32 $0x11  }
0x2c: {  	_ =	swait.ge [sflag:s2], $0x2800  }
0x2d: {  	s12 =	rddreg [dreg:$0x16]  }
0x2e: {  	s14 =	rddreg [dreg:$0xf];
	s1 =	sadd.s32 $0x1, s12  }
0x2f: {  	p0 =	sne.s32 s1, s14  }
.Ltmp1:
0x30: {  	_ = 	snop;
	(pc) =	sbr.rel @!p0 .LBB2_7-.Ltmp1, $3  }
0x31: {  	_ =	sdelay $0x1  }
0x32: {  	[sflag:s2] =	ssyncset.done $0x0  }
0x33: {  	[sflag:s2] =	ssyncadd.s32 $0xFFFFD800  }
.LBB2_1:
0x34: {  	[dreg:$0x16] =	wrdreg s1;
	s1 =	simm.s32 $0x0;
	s7 =	simm.s32 $0x200  }
.LBB2_2:
0x35: {  	p0 =	sne.s32 s7, $0xAE00;
	[tilespmem:s1+$0x470] =	vst v0  }
0x36: {  	[tilespmem:s1+$0x400] =	vst v0  }
0x37: {  	[tilespmem:s1+$0x410] =	vst v0  }
.Ltmp2:
0x38: {  	[tilespmem:s1+$0x420] =	vst v0;
	(pc) =	sbr.rel @p0 .LBB2_2-.Ltmp2, $4  }
0x39: {  	[tilespmem:s1+$0x430] =	vst v0  }
0x3a: {  	[tilespmem:s1+$0x440] =	vst v0  }
0x3b: {  	[tilespmem:s1+$0x450] =	vst v0  }
0x3c: {  	[tilespmem:s1+$0x460] =	vst v0;
	s1 =	sshra.s32 s7, $0x2;
	s7 =	sadd.s32 $0x200, s7  }
0x3d: {  	[tilespmem:s1+$0x470] =	vst v0  }
0x3e: {  	[tilespmem:s1+$0x400] =	vst v0  }
0x3f: {  	[tilespmem:s1+$0x410] =	vst v0  }
0x40: {  	[tilespmem:s1+$0x420] =	vst v0  }
0x41: {  	[tilespmem:s1+$0x430] =	vst v0  }
0x42: {  	[tilespmem:s1+$0x440] =	vst v0  }
0x43: {  	[tilespmem:s1+$0x450] =	vst v0  }
0x44: {  	[tilespmem:s1+$0x460] =	vst v0;
	s1 =	simm.s32 $0x400  }
0x45: {  	[spmem:s13] =	stream.linear.scatter [tilespmem:s1], [sflag:$0x11], $0x2C00, $0x38;
	[tilespmem:$0x1F400] =	vst v63  }
0x46: {  	_ =	swait.ge [sflag:s2], $0x2C00  }
0x47: {  	[sflag:s2] =	ssyncset.done $0x0  }
0x48: {  	s0 =	rddreg [dreg:$0x5];
	[sflag:s2] =	ssyncadd.s32 $0xFFFFD400  }
0x49: {  	[spmem:s0] =	stream.linear.scatter [tilespmem:s1], [sflag:$0x11], $0x2C00, $0x38;
	[tilespmem:$0x1F400] =	vst v63  }
0x4a: {  	_ =	swait.ge [sflag:s2], $0x2C00  }
0x4b: {  	[sflag:s2] =	ssyncset.done $0x0  }
0x4c: {  	s9 =	rddreg [dreg:$0x6];
	[sflag:s2] =	ssyncadd.s32 $0xFFFFD400  }
0x4d: {  	[spmem:s9] =	stream.linear.scatter [tilespmem:s1], [sflag:$0x11], $0x2C00, $0x38;
	[tilespmem:$0x1F400] =	vst v63  }
0x4e: {  	_ =	swait.ge [sflag:s2], $0x2C00  }
0x4f: {  	[sflag:s2] =	ssyncset.done $0x0  }
0x50: {  	s10 =	rddreg [dreg:$0x11];
	[sflag:s2] =	ssyncadd.s32 $0xFFFFD400  }
0x51: {  	[spmem:s10] =	stream.linear.scatter [tilespmem:s1], [sflag:$0x11], $0x2C00, $0x38;
	[tilespmem:$0x1F400] =	vst v63  }
0x52: {  	_ =	swait.ge [sflag:s2], $0x2C00  }
0x53: {  	[sflag:s2] =	ssyncset.done $0x0  }
0x54: {  	s11 =	rddreg [dreg:$0x12];
	[sflag:s2] =	ssyncadd.s32 $0xFFFFD400  }
0x55: {  	[spmem:s11] =	stream.linear.scatter [tilespmem:s1], [sflag:$0x11], $0x2C00, $0x38;
	[tilespmem:$0x1F400] =	vst v63  }
0x56: {  	_ =	swait.ge [sflag:s2], $0x2C00  }
0x57: {  	[sflag:s2] =	ssyncset.done $0x0  }
0x58: {  	s12 =	rddreg [dreg:$0x13];
	[sflag:s2] =	ssyncadd.s32 $0xFFFFD400  }
0x59: {  	[spmem:s12] =	stream.linear.scatter [tilespmem:s1], [sflag:$0x11], $0x2C00, $0x38;
	[tilespmem:$0x1F400] =	vst v63  }
0x5a: {  	_ =	swait.ge [sflag:s2], $0x2C00  }
0x5b: {  	[sflag:s2] =	ssyncset.done $0x0  }
0x5c: {  	s13 =	rddreg [dreg:$0x14];
	[sflag:s2] =	ssyncadd.s32 $0xFFFFD400  }
0x5d: {  	[spmem:s13] =	stream.linear.scatter [tilespmem:s1], [sflag:$0x11], $0x2C00, $0x38;
	[tilespmem:$0x1F400] =	vst v63  }
0x5e: {  	_ =	swait.ge [sflag:s2], $0x2C00  }
0x5f: {  	[sflag:s2] =	ssyncset.done $0x0  }
0x60: {  	s14 =	rddreg [dreg:$0x15];
	[sflag:s2] =	ssyncadd.s32 $0xFFFFD400  }
0x61: {  	[spmem:s14] =	stream.linear.scatter [tilespmem:s1], [sflag:$0x11], $0xC00, $0x38;
	[tilespmem:$0x1F400] =	vst v63  }
0x62: {  	_ =	swait.ge [sflag:s2], $0xC00  }
0x63: {  	[sflag:s2] =	ssyncset.done $0x0  }
0x64: {  	s7 =	simm.s32 $0x0;
	s6 =	rddreg [dreg:$0x7];
	[sflag:s2] =	ssyncadd.s32 $0xFFFFF400  }
0x65: {  	[tilespmem:s7], [sflag:$0x11] =	stream.linear.gather [hbm4b:s6+s7], $0x58, $0x38;
	[tilespmem:$0x1F400] =	vst v63  }
0x66: {  	_ =	swait.ge [sflag:s2], $0x58  }
0x67: {  	[sflag:s2] =	ssyncset.done $0x0  }
0x68: {  	[sflag:s2] =	ssyncadd.s32 $0xFFFFFFA8  }
0x69: {  	[tilespmem:s1], [sflag:$0x9] =	stream.indirect.gather [hbm4b:s5+s8], $0x80, s7, s8, $0xb8;
	[tilespmem:$0x1F400] =	vst v63  }
0x6a: {  	s10 =	simm.s32 $0x80;
	s9 =	rddreg [dreg:$0x8]  }
0x6b: {  	[tilespmem:s10], [sflag:$0x11] =	stream.linear.gather [hbm4b:s9+s7], $0x58, $0x38;
	[tilespmem:$0x1F400] =	vst v63  }
0x6c: {  	_ =	swait.ge [sflag:s2], $0x58  }
0x6d: {  	[sflag:s2] =	ssyncset.done $0x0  }
0x6e: {  	s11 =	simm.s32 $0x3000;
	[sflag:s2] =	ssyncadd.s32 $0xFFFFFFA8  }
0x6f: {  	[tilespmem:s11], [sflag:$0xA] =	stream.indirect.gather [hbm4b:s5+s8], $0x80, s10, s8, $0xb8;
	[tilespmem:$0x1F400] =	vst v63  }
0x70: {  	s13 =	simm.s32 $0x100;
	s12 =	rddreg [dreg:$0x9]  }
0x71: {  	[tilespmem:s13], [sflag:$0x11] =	stream.linear.gather [hbm4b:s12+s7], $0x58, $0x38;
	[tilespmem:$0x1F400] =	vst v63  }
0x72: {  	_ =	swait.ge [sflag:s2], $0x58  }
0x73: {  	[sflag:s2] =	ssyncset.done $0x0  }
0x74: {  	s14 =	simm.s32 $0x5C00;
	[sflag:s2] =	ssyncadd.s32 $0xFFFFFFA8  }
0x75: {  	[tilespmem:s14], [sflag:$0xB] =	stream.indirect.gather [hbm4b:s5+s8], $0x80, s13, s8, $0xb8;
	[tilespmem:$0x1F400] =	vst v63  }
0x76: {  	s6 =	simm.s32 $0x180;
	s2 =	rddreg [dreg:$0xa]  }
0x77: {  	[tilespmem:s6], [sflag:$0x4] =	stream.linear.gather [hbm4b:s2+s7], $0x58, $0x38;
	[tilespmem:$0x1F400] =	vst v63  }
0x78: {  	s10 =	simm.s32 $0x200;
	s9 =	rddreg [dreg:$0xb]  }
0x79: {  	[tilespmem:s10], [sflag:$0x5] =	stream.linear.gather [hbm4b:s9+s7], $0x58, $0x38;
	[tilespmem:$0x1F400] =	vst v63  }
0x7a: {  	s12 =	simm.s32 $0x280;
	s11 =	rddreg [dreg:$0xc]  }
0x7b: {  	[tilespmem:s12], [sflag:$0x6] =	stream.linear.gather [hbm4b:s11+s7], $0x58, $0x38;
	[tilespmem:$0x1F400] =	vst v63  }
0x7c: {  	s13 =	rddreg [dreg:$0xd];
	s14 =	simm.s32 $0x300  }
0x7d: {  	[tilespmem:s14], [sflag:$0x7] =	stream.linear.gather [hbm4b:s13+s7], $0x58, $0x38;
	[tilespmem:$0x1F400] =	vst v63  }
0x7e: {  	[bflag:$0x0] =	sbarrier.arrive $0xFFFF  }
0x7f: {  	s2 =	simm.s32 $0x0;
	s9 =	rddreg [dreg:$0x10]  }
.LBB2_4:
0x80: {  	_ =	swait.ge [sflag:s15], $0x2C00  }
0x81: {  	[sflag:s15] =	ssyncset.done $0x0  }
0x82: {  	p0 =	seq.s32 s7, $0x4D0;
	[sflag:s15] =	ssyncadd.s32 $0xFFFFD400  }
0x83: {  	s11 =	sshrl.u32 @!p0 s9, $0x3;
	s0 =	rddreg [dreg:$0x1]  }
0x84: {  	s1 =	simm.s32 @!p0 $0x0;
	s14 =	sadd.s32 @!p0 s0, s11  }
0x85: {  	[tilespmem:s1], [sflag:$0x1] =	stream.linear.gather @!p0 [hbm4b:s14+s1], $0x58, $0x38;
	[tilespmem:$0x1F400] =	vst v63  }
0x86: {  	_ =	swait.ge [sflag:s16], $0x58  }
0x87: {  	s12 =	simm.s32 $0x400;
	p1 =	seq.s32 s7, $0x0;
	[sflag:s16] =	ssyncset.done $0x0  }
0x88: {  	s6 =	simm.s32 $0x200;
	s14 =	simm.s32 @!p1 $0x10;
	[sflag:s16] =	ssyncadd.s32 $0xFFFFFFA8  }
0x89: {  	[spmem:s3] =	stream.indirect.scatter.add.f32 [tilespmem:s12], [sflag:$0xD], $0x80, s6, s8, $0xb8;
	[tilespmem:$0x1F400] =	vst v63  }
0x8a: {  	_ =	swait.ge @!p1 [sflag:s14], $0x2C00  }
0x8b: {  	[sflag:s14] =	ssyncset.done @!p1 $0x0  }
0x8c: {  	s13 =	sadd.s32 s7, s25;
	[sflag:s14] =	ssyncadd.s32 @!p1 $0xFFFFD400  }
0x8d: {  	[tilespmem:s17], [sflag:$0x8] =	stream.linear.gather [hbm4b:s13+s2], $0x58, $0x38;
	[tilespmem:$0x1F400] =	vst v63  }
0x8e: {  	_ =	swait.ge [sflag:s18], $0x58  }
0x8f: {  	[sflag:s18] =	ssyncset.done $0x0  }
0x90: {  	s14 =	simm.s32 $0x180;
	[sflag:s18] =	ssyncadd.s32 $0xFFFFFFA8  }
0x91: {  	[tilespmem:s19], [sflag:$0xC] =	stream.indirect.gather [hbm4b:s5+s8], $0x80, s14, s8, $0xb8;
	[tilespmem:$0x1F400] =	vst v63  }
0x92: {  	_ =	swait.ge [sflag:s26], $0x2C00  }
0x93: {  	[sflag:s26] =	ssyncset.done $0x0  }
0x94: {  	s14 =	simm.s32 @p0 $0x6;
	[sflag:s26] =	ssyncadd.s32 $0xFFFFD400  }
0x95: {  	_ =	swait.ge @p0 [sflag:s14], $0x58  }
0x96: {  	s10 =	simm.s32 @p0 $0x280;
	[sflag:s14] =	ssyncset.done @p0 $0x0  }
0x97: {  	s12 =	simm.s32 @p0 $0x3000;
	[sflag:s14] =	ssyncadd.s32 @p0 $0xFFFFFFA8;
	s14 =	simm.s32 @p0 $0x58  }
0x98: {  	[spmem:s3] =	stream.indirect.scatter.add.f32 @p0 [tilespmem:s12], [sflag:$0xE], $0x80, s10, s14, $0xb8;
	[tilespmem:$0x1F400] =	vst v63  }
0x99: {  	s10 =	simm.s32 @p0 $0xD  }
0x9a: {  	_ =	swait.ge @p0 [sflag:s10], $0x2C00  }
0x9b: {  	[sflag:s10] =	ssyncset.done @p0 $0x0  }
0x9c: {  	s12 =	simm.s32 @!p0 $0x80;
	[sflag:s10] =	ssyncadd.s32 @p0 $0xFFFFD400;
	s10 =	sadd.s32 @!p0 s7, s21  }
0x9d: {  	[tilespmem:s12], [sflag:$0x2] =	stream.linear.gather @!p0 [hbm4b:s10+s1], $0x58, $0x38;
	[tilespmem:$0x1F400] =	vst v63  }
0x9e: {  	s10 =	simm.s32 @!p0 $0x6  }
0x9f: {  	_ =	swait.ge @!p0 [sflag:s10], $0x58  }
0xa0: {  	s0 =	simm.s32 @!p0 $0xD;
	s13 =	simm.s32 @!p0 $0x280;
	[sflag:s10] =	ssyncset.done @!p0 $0x0  }
0xa1: {  	s2 =	simm.s32 @!p0 $0x3000;
	[sflag:s10] =	ssyncadd.s32 @!p0 $0xFFFFFFA8;
	s10 =	simm.s32 @!p0 $0x58  }
0xa2: {  	[spmem:s3] =	stream.indirect.scatter.add.f32 @!p0 [tilespmem:s2], [sflag:$0xE], $0x80, s13, s10, $0xb8;
	[tilespmem:$0x1F400] =	vst v63  }
0xa3: {  	_ =	swait.ge @!p0 [sflag:s0], $0x2C00  }
0xa4: {  	[sflag:s0] =	ssyncset.done @!p0 $0x0  }
0xa5: {  	[sflag:s0] =	ssyncadd.s32 @!p0 $0xFFFFD400;
	s0 =	sadd.s32 @!p0 s4, s11;
	s11 =	simm.s32 @!p0 $0x200  }
0xa6: {  	[tilespmem:s11], [sflag:$0x5] =	stream.linear.gather @!p0 [hbm4b:s0+s1], $0x58, $0x38;
	[tilespmem:$0x1F400] =	vst v63  }
0xa7: {  	s0 =	simm.s32 @!p0 $0x1  }
0xa8: {  	_ =	swait.ge @!p0 [sflag:s0], $0x58  }
0xa9: {  	[sflag:s0] =	ssyncset.done @!p0 $0x0  }
0xaa: {  	[sflag:s0] =	ssyncadd.s32 @!p0 $0xFFFFFFA8;
	s0 =	simm.s32 @!p0 $0x400  }
0xab: {  	[tilespmem:s0], [sflag:$0x9] =	stream.indirect.gather @!p0 [hbm4b:s5+s10], $0x80, s1, s10, $0xb8;
	[tilespmem:$0x1F400] =	vst v63  }
0xac: {  	_ =	swait.ge [sflag:s28], $0x2C00  }
0xad: {  	[sflag:s28] =	ssyncset.done $0x0  }
0xae: {  	s0 =	simm.s32 @p0 $0x7;
	[sflag:s28] =	ssyncadd.s32 $0xFFFFD400  }
0xaf: {  	_ =	swait.ge @p0 [sflag:s0], $0x58  }
0xb0: {  	[sflag:s0] =	ssyncset.done @p0 $0x0  }
0xb1: {  	s11 =	simm.s32 @p0 $0x5C00;
	[sflag:s0] =	ssyncadd.s32 @p0 $0xFFFFFFA8;
	s0 =	simm.s32 @p0 $0x300  }
0xb2: {  	[spmem:s3] =	stream.indirect.scatter.add.f32 @p0 [tilespmem:s11], [sflag:$0xF], $0x80, s0, s14, $0xb8;
	[tilespmem:$0x1F400] =	vst v63  }
0xb3: {  	s0 =	simm.s32 @p0 $0xE  }
0xb4: {  	_ =	swait.ge @p0 [sflag:s0], $0x2C00  }
0xb5: {  	[sflag:s0] =	ssyncset.done @p0 $0x0  }
0xb6: {  	[sflag:s0] =	ssyncadd.s32 @p0 $0xFFFFD400;
	s0 =	simm.s32 @p0 $0xC  }
0xb7: {  	_ =	swait.ge @p0 [sflag:s0], $0x2C00  }
0xb8: {  	[sflag:s0] =	ssyncset.done @p0 $0x0  }
0xb9: {  	s11 =	simm.s32 @!p0 $0x100;
	[sflag:s0] =	ssyncadd.s32 @p0 $0xFFFFD400;
	s0 =	sadd.s32 @!p0 s7, s23  }
0xba: {  	[tilespmem:s11], [sflag:$0x3] =	stream.linear.gather @!p0 [hbm4b:s0+s1], $0x58, $0x38;
	[tilespmem:$0x1F400] =	vst v63  }
0xbb: {  	s0 =	simm.s32 @!p0 $0x7  }
0xbc: {  	_ =	swait.ge @!p0 [sflag:s0], $0x58  }
0xbd: {  	[sflag:s0] =	ssyncset.done @!p0 $0x0  }
0xbe: {  	s11 =	simm.s32 @!p0 $0x5C00;
	[sflag:s0] =	ssyncadd.s32 @!p0 $0xFFFFFFA8;
	s0 =	simm.s32 @!p0 $0x300  }
0xbf: {  	[spmem:s3] =	stream.indirect.scatter.add.f32 @!p0 [tilespmem:s11], [sflag:$0xF], $0x80, s0, s10, $0xb8;
	[tilespmem:$0x1F400] =	vst v63  }
0xc0: {  	s0 =	simm.s32 @!p0 $0xE  }
0xc1: {  	_ =	swait.ge @!p0 [sflag:s0], $0x2C00  }
0xc2: {  	[sflag:s0] =	ssyncset.done @!p0 $0x0  }
0xc3: {  	[sflag:s0] =	ssyncadd.s32 @!p0 $0xFFFFD400;
	s0 =	sadd.s32 @!p0 s7, s20  }
0xc4: {  	[tilespmem:s13], [sflag:$0x6] =	stream.linear.gather @!p0 [hbm4b:s0+s1], $0x58, $0x38;
	[tilespmem:$0x1F400] =	vst v63  }
0xc5: {  	s0 =	simm.s32 @!p0 $0x2  }
0xc6: {  	_ =	swait.ge @!p0 [sflag:s0], $0x58  }
0xc7: {  	[sflag:s0] =	ssyncset.done @!p0 $0x0  }
0xc8: {  	[sflag:s0] =	ssyncadd.s32 @!p0 $0xFFFFFFA8;
	s0 =	simm.s32 @!p0 $0xC  }
0xc9: {  	[tilespmem:s2], [sflag:$0xA] =	stream.indirect.gather @!p0 [hbm4b:s5+s10], $0x80, s12, s10, $0xb8;
	[tilespmem:$0x1F400] =	vst v63  }
0xca: {  	_ =	swait.ge @!p0 [sflag:s0], $0x2C00  }
0xcb: {  	[sflag:s0] =	ssyncset.done @!p0 $0x0  }
0xcc: {  	s2 =	simm.s32 @!p0 $0x180;
	[sflag:s0] =	ssyncadd.s32 @!p0 $0xFFFFD400;
	s0 =	sadd.s32 @!p0 s7, s24  }
0xcd: {  	[tilespmem:s2], [sflag:$0x4] =	stream.linear.gather @!p0 [hbm4b:s0+s1], $0x58, $0x38;
	[tilespmem:$0x1F400] =	vst v63  }
0xce: {  	_ =	swait.ge [sflag:s29], $0x58  }
0xcf: {  	[sflag:s29] =	ssyncset.done $0x0  }
.Ltmp3:
0xd0: {  	[sflag:s29] =	ssyncadd.s32 $0xFFFFFFA8;
	(pc) =	sbr.rel @p0 .LBB2_6-.Ltmp3, $4  }
0xd1: {  	[spmem:s3] =	stream.indirect.scatter.add.f32 [tilespmem:s19], [sflag:$0x10], $0x80, s17, s8, $0xb8;
	[tilespmem:$0x1F400] =	vst v63  }
0xd2: {  	_ =	swait.ge [sflag:s30], $0x2C00  }
0xd3: {  	[sflag:s30] =	ssyncset.done $0x0  }
0xd4: {  	s6 =	simm.s32 $0x0;
	[sflag:s30] =	ssyncadd.s32 $0xFFFFD400  }
0xd5: {  	s0 =	sadd.s32 s7, s22;
	s1 =	simm.s32 $0x300  }
0xd6: {  	[tilespmem:s1], [sflag:$0x7] =	stream.linear.gather [hbm4b:s0+s6], $0x58, $0x38;
	[tilespmem:$0x1F400] =	vst v63  }
.Ltmp4:
0xd7: {  	_ = 	snop;
	(pc) =	sbr.rel .LBB2_4-.Ltmp4, $4  }
0xd8: {  	s13 =	simm.s32 $0x100;
	_ =	swait.ge [sflag:s31], $0x58  }
0xd9: {  	s14 =	simm.s32 $0x5C00;
	s9 =	sadd.s32 $0x160, s9;
	[sflag:s31] =	ssyncset.done $0x0  }
0xda: {  	s7 =	sadd.s32 $0x2C, s7;
	s2 =	simm.s32 $0x0;
	[sflag:s31] =	ssyncadd.s32 $0xFFFFFFA8  }
0xdb: {  	[tilespmem:s14], [sflag:$0xB] =	stream.indirect.gather [hbm4b:s5+s8], $0x80, s13, s8, $0xb8;
	[tilespmem:$0x1F400] =	vst v63  }
.LBB2_7:
0xdc: {  	_ =	sfence.sel $0x180000  }
0xdd: {  	[bflag:$0x0] =	sbarrier.arrive $0xFFFF  }
0xde: {  	_ =	strace $0x9000004A  }
0xdf: {  	s0 =	stileid.u32;
	[bflag:$0x2] =	sbarrier.arrive $0xFFFF  }
0xe0: {  	p0 =	sne.s32 s0, $0x0;
	s0 =	rddreg [dreg:$0x3]  }
0xe1: {  	s0 =	sadd.s32 @!p0 $0x100000, s0  }
0xe2: {  	[sflag:s0] =	ssyncadd.tile.s32 @!p0 $0x1;
	_ =	shalt  }
.Lfunc_end2:
_tile_overlayer_lowered:
.L_overlay_start_2:
0xe3: {  	(tag) =	ssettag $0x2  }
0xe4: {  	s0 =	rddreg [dreg:$0x0];
	s2 =	stileid.u32  }
0xe5: {  	s1 =	rddreg [dreg:$0x1];
	p0 =	sne.s32 s2, $0x0  }
0xe6: {  	s3 =	rddreg [dreg:$0x2];
	[bflag:$0x3] =	sbarrier.arrive $0xFFFF;
	s2 =	simm.s32 @!p0 $0x1C11  }
0xe7: {  	[timem:s3], [sflag:s2] =	dma.local @!p0 [hbm:s0], s1  }
0xe8: {  	s0 =	simm.s32 @!p0 $0x11  }
0xe9: {  	_ =	swait.ge @!p0 [sflag:s0], s1  }
0xea: {  	s1 =	ssub.s32 @!p0 $0x0, s1;
	[sflag:s0] =	ssyncset.done @!p0 $0x0  }
0xeb: {  	[sflag:s0] =	ssyncadd.s32 @!p0 s1  }
0xec: {  	[bflag:$0x3] =	sbarrier.arrive $0xFFFF  }
0xed: {  	_ =	shalt  }

// kernel: kernel.14.cloned.1.call-start
scs
__scs_entry_jumppad:
0x0: {  	(pc) =	sbr.rel $0x88, $3  }
0x1: {  	(tag) =	ssettag $0x0;
	lr =	simm.s32 $0x1  }
0x2: {  	[smem:$0x3F9B] =	sst lr;
	_ =	strace $0xD0000000  }
0x3: {  	_ = 	snop  }
0x4: {  	_ = 	snop  }
0x5: {  	_ = 	snop  }
0x6: {  	_ = 	snop  }
0x7: {  	_ = 	snop  }
__scs_overlays_trampoline_lowered:
0x8: {  	[smem:$0x3FAA] =	sst s0  }
0x9: {  	[smem:$0x3FAB] =	sst s1  }
0xa: {  	[smem:$0x3FAC] =	sst s2  }
0xb: {  	[smem:$0x3FAD] =	sst s3  }
0xc: {  	[smem:$0x3FAE] =	sst s4  }
0xd: {  	[smem:$0x3FAF] =	sst s5  }
0xe: {  	[smem:$0x3FB0] =	sst s6  }
0xf: {  	[smem:$0x3FB1] =	sst s7  }
0x10: {  	[smem:$0x3FB2] =	sst s8  }
0x11: {  	[smem:$0x3FB3] =	sst s9;
	s0 =	simm.s32 @!p0 $0x0  }
0x12: {  	s1 =	sld [smem:$0x3F99];
	s0 =	simm.s32 @p0 $0x1  }
0x13: {  	[smem:$0x3FB4] =	sst s0;
	s0 =	simm.s32 @!p1 $0x0  }
0x14: {  	s2 =	sld [smem:$0x3F98];
	s0 =	simm.s32 @p1 $0x1  }
0x15: {  	[smem:$0x3FB5] =	sst s0;
	s0 =	simm.s32 @!p2 $0x0  }
0x16: {  	s3 =	sld [smem:$0x3FDB];
	s0 =	simm.s32 @p2 $0x1  }
0x17: {  	s4 =	simm.s32 $0x1BF5;
	[smem:$0x3FB7] =	sst s0  }
0x18: {  	s0 =	sld [smem:$0x3F9A];
	_ =	swait.ge [sflag:s4], $0x0  }
0x19: {  	s7 =	sld [smem:$0x3F9B]  }
0x1a: {  	s8 =	sadd.s32 $0xFFFFE003, lr  }
0x1b: {  	s9 =	sadd.s32 $0xFFFFFEF7, lr;
	s5 =	simm.s32 $0xFFFFFFFF;
	p2 =	slt.u32 s8, $0xFFFFF086  }
0x1c: {  	p1 =	slt.u32 s9, $0xF7A;
	s5 =	simm.s32 @!p2 $0x0  }
0x1d: {  	s5 =	simm.s32 @p1 $0x1;
	p0 =	seq.s32 s7, s2  }
0x1e: {  	s7 =	smul.u32 @!p0 $0xF7A, s2;
	p2 =	seq.s32 @!p0 s5, $0x0  }
0x1f: {  	s9 =	smul.u32 $0xF7A, s1;
	s8 =	simm.s32 @!p0 $0x1BF5;
	p2 =	por !p2, p0  }
0x20: {  	[sflag:s8] =	ssyncset.s32 @!p0 $0xFFFFF086;
	s6 =	sadd.s32 @!p0 s3, s7;
	s7 =	simm.s32 @!p0 $0x108  }
0x21: {  	s3 =	sadd.s32 s3, s9;
	s6 =	sadd.s32 @!p0 $0x88, s6;
	s7 =	simm.s32 @p2 $0x1082  }
0x22: {  	[simem:s7], [sflag:s8] =	dma.local @!p0 [hbm:s6], $0xF7A  }
0x23: {  	s9 =	sor.u32 $0xD0000000, s2;
	s6 =	simm.s32 $0x108;
	_ =	swait.ge @!p0 [sflag:s8], $0x0  }
0x24: {  	s3 =	sadd.s32 $0x88, s3;
	s6 =	simm.s32 @!p1 $0x1082;
	[sflag:s4] =	ssyncset.s32 $0xFFFFF086  }
0x25: {  	[simem:s6], [sflag:s4] =	dma.local [hbm:s3], $0xF7A  }
0x26: {  	[smem:$0x3F9B] =	sst s1;
	(tag) =	ssettag s2;
	_ =	strace s9  }
0x27: {  	s1 =	sld [smem:$0x3FAB]  }
0x28: {  	s2 =	sld [smem:$0x3FAC]  }
0x29: {  	s4 =	sld [smem:$0x3FAE]  }
0x2a: {  	p0 =	seq.s32 s5, $0x0;
	s5 =	sld [smem:$0x3FAF]  }
0x2b: {  	s6 =	sld [smem:$0x3FB0]  }
0x2c: {  	s7 =	sld [smem:$0x3FB1]  }
0x2d: {  	s3 =	simm.s32 $0x108;
	s8 =	sld [smem:$0x3FB2]  }
0x2e: {  	s3 =	simm.s32 @!p0 $0x1082;
	s9 =	sld [smem:$0x3FB3]  }
0x2f: {  	lr =	sadd.s32 s0, s3;
	s0 =	sld [smem:$0x3FAA]  }
0x30: {  	s3 =	sld [smem:$0x3FAD]  }
0x31: {  	[smem:$0x3FB6] =	sst s10  }
0x32: {  	s10 =	sld [smem:$0x3FB4];
	_ =	sdelay $0x3  }
0x33: {  	p0 =	seq.s32 s10, $0x1;
	s10 =	sld [smem:$0x3FB6];
	_ =	sdelay $0x3  }
0x34: {  	[smem:$0x3FB6] =	sst s10  }
0x35: {  	s10 =	sld [smem:$0x3FB5];
	_ =	sdelay $0x3  }
0x36: {  	p1 =	seq.s32 s10, $0x1;
	s10 =	sld [smem:$0x3FB6];
	_ =	sdelay $0x3  }
0x37: {  	[smem:$0x3FB6] =	sst s10  }
0x38: {  	s10 =	sld [smem:$0x3FB7]  }
0x39: {  	_ = 	snop;
	(pc) =	sbr.ind lr, $3  }
0x3a: {  	_ = 	snop  }
0x3b: {  	_ = 	snop  }
0x3c: {  	p2 =	seq.s32 s10, $0x1;
	s10 =	sld [smem:$0x3FB6]  }
0x3d: {  	_ =	shalt  }
0x3e: {  	_ =	shalt  }
0x3f: {  	_ =	shalt  }
0x40: {  	_ =	shalt  }
0x41: {  	_ =	shalt  }
0x42: {  	_ =	shalt  }
0x43: {  	_ =	shalt  }
0x44: {  	_ =	shalt  }
0x45: {  	_ =	shalt  }
0x46: {  	_ =	shalt  }
0x47: {  	_ =	shalt  }
0x48: {  	_ =	shalt  }
0x49: {  	_ =	shalt  }
0x4a: {  	_ =	shalt  }
0x4b: {  	_ =	shalt  }
0x4c: {  	_ =	shalt  }
0x4d: {  	_ =	shalt  }
0x4e: {  	_ =	shalt  }
0x4f: {  	_ =	shalt  }
0x50: {  	_ =	shalt  }
0x51: {  	_ =	shalt  }
0x52: {  	_ =	shalt  }
0x53: {  	_ =	shalt  }
0x54: {  	_ =	shalt  }
0x55: {  	_ =	shalt  }
0x56: {  	_ =	shalt  }
0x57: {  	_ =	shalt  }
0x58: {  	_ =	shalt  }
0x59: {  	_ =	shalt  }
0x5a: {  	_ =	shalt  }
0x5b: {  	_ =	shalt  }
0x5c: {  	_ =	shalt  }
0x5d: {  	_ =	shalt  }
0x5e: {  	_ =	shalt  }
0x5f: {  	_ =	shalt  }
0x60: {  	_ =	shalt  }
0x61: {  	_ =	shalt  }
0x62: {  	_ =	shalt  }
0x63: {  	_ =	shalt  }
0x64: {  	_ =	shalt  }
0x65: {  	_ =	shalt  }
0x66: {  	_ =	shalt  }
0x67: {  	_ =	shalt  }
0x68: {  	_ =	shalt  }
0x69: {  	_ =	shalt  }
0x6a: {  	_ =	shalt  }
0x6b: {  	_ =	shalt  }
0x6c: {  	_ =	shalt  }
0x6d: {  	_ =	shalt  }
0x6e: {  	_ =	shalt  }
0x6f: {  	_ =	shalt  }
0x70: {  	_ =	shalt  }
0x71: {  	_ =	shalt  }
0x72: {  	_ =	shalt  }
0x73: {  	_ =	shalt  }
0x74: {  	_ =	shalt  }
0x75: {  	_ =	shalt  }
0x76: {  	_ =	shalt  }
0x77: {  	_ =	shalt  }
0x78: {  	_ =	shalt  }
0x79: {  	_ =	shalt  }
0x7a: {  	_ =	shalt  }
0x7b: {  	_ =	shalt  }
0x7c: {  	_ =	shalt  }
0x7d: {  	_ =	shalt  }
0x7e: {  	_ =	shalt  }
0x7f: {  	_ =	shalt  }
0x80: {  	_ =	shalt  }
0x81: {  	_ =	shalt  }
0x82: {  	_ =	shalt  }
0x83: {  	_ =	shalt  }
0x84: {  	_ =	shalt  }
0x85: {  	_ =	shalt  }
0x86: {  	_ =	shalt  }
0x87: {  	_ =	shalt  }
.Lfunc_end0:
.L_simem_size_0:
called_computation.2_lowered:
.L_overlay_start_0:
0x88: {  	s2 =	sld [smem:$0x3FD9]  }
0x89: {  	s3 =	sld [smem:$0x3FFE];
	_ =	sdelay $0x1  }
0x8a: {  	s1 =	srdreg.scid  }
0x8b: {  	s0 =	sand.u32 $0x1, s1  }
0x8c: {  	s17 =	sshll.u32 s0, $0xA;
	s2 =	sadd.s32 s3, s2  }
0x8d: {  	s2 =	sadd.s32 s2, s17  }
0x8e: {  	[smem:$0x3FC2] =	sst s2  }
0x8f: {  	_ = 	snop  }
0x90: {  	s2 =	sld [smem:$0x3FD0];
	(tm) =	ssettm $0x1  }
0x91: {  	s18 =	sld [smem:$0x3FFB];
	_ =	sdelay $0x3  }
0x92: {  	_ =	strace s18  }
0x93: {  	s3 =	sld [smem:$0x3FFC];
	_ =	sdelay $0x3  }
0x94: {  	_ =	strace s3  }
0x95: {  	s3 =	sld [smem:$0x3FFD];
	_ =	sdelay $0x3  }
0x96: {  	_ =	strace s3  }
0x97: {  	_ =	strace $0x8FFFFFFF  }
0x98: {  	s19 =	sld [smem:$0x3FDB];
	_ =	sdelay $0x1  }
0x99: {  	s4 =	simm.s32 $_scs_section_size  }
0x9a: {  	s5 =	simm.s32 $_size__tile_overlayer_lowered;
	s6 =	simm.s32 $_tile_overlayer_lowered  }
0x9b: {  	s22 =	simm.s32 $0x1BFF;
	s21 =	sshll.u32 s6, $0x1;
	s3 =	sadd.s32 s4, s19  }
0x9c: {  	s7 =	simm.s32 $0x0;
	s20 =	sshll.u32 s5, $0x1;
	s5 =	sadd.s32 s21, s3  }
0x9d: {  	[timem:s7], [sflag:s22] =	dma.local [hbm:s5], s20  }
0x9e: {  	_ =	swait.ge [sflag:s22], s20  }
0x9f: {  	s4 =	ssub.s32 $0x0, s20;
	[sflag:s22] =	ssyncset.done $0x0  }
0xa0: {  	[sflag:s22] =	ssyncadd.s32 s4;
	_ =	sdelay $0x1  }
0xa1: {  	s23 =	simm.s32 $0x1B8B  }
0xa2: {  	_ =	swait.ge [sflag:s23], $0x1  }
0xa3: {  	[sflag:s23] =	ssyncset.done $0x0  }
0xa4: {  	s25 =	simm.s32 $0x1B8E;
	s24 =	sld [smem:$0x3FFE];
	[sflag:s23] =	ssyncadd.s32 $0xFFFFFFFF  }
0xa5: {  	s26 =	simm.s32 $execute0_lowered;
	[smem:$0x3FD2] =	sst s25  }
0xa6: {  	s5 =	sshll.u32 s26, $0x1;
	_ =	strace $0x8000004C;
	[dreg:$0x1] =	wrdreg $0xFFFFFFFF  }
0xa7: {  	s28 =	simm.s32 $_size_execute0_lowered;
	s3 =	sadd.s32 s3, s5;
	[dreg:$0x0] =	wrdreg $0x0  }
0xa8: {  	s5 =	sshll.u32 s28, $0x1;
	[dreg:$0x2] =	wrdreg s3  }
0xa9: {  	[dreg:$0x3] =	wrdreg s5  }
0xaa: {  	[dreg:$0x4] =	wrdreg $0xC0  }
0xab: {  	_ =	task [dreg:s7], $0x5FFFF  }
0xac: {  	[dreg:$0x1] =	wrdreg $0xFFFFFFFF  }
0xad: {  	[dreg:$0x0] =	wrdreg $0x60  }
0xae: {  	[dreg:$0x2] =	wrdreg s24  }
0xaf: {  	[dreg:$0x3] =	wrdreg s2  }
0xb0: {  	[dreg:$0x4] =	wrdreg $0xB4000  }
0xb1: {  	[dreg:$0x5] =	wrdreg $0x9  }
0xb2: {  	_ =	task.clear_ibuf [dreg:s7], $0x6FFFF;
	_ =	strace $0x9000004C  }
0xb3: {  	s29 =	simm.s32 $0x9;
	_ =	strace $0x8000004E  }
0xb4: {  	_ =	swait.ge [sflag:s29], $0x1  }
0xb5: {  	[sflag:s29] =	ssyncadd.s32 $0xFFFFFFFF  }
0xb6: {  	_ =	strace $0x9000004E  }
0xb7: {  	_ =	sfence  }
0xb8: {  	s30 =	sld [smem:$0x0];
	_ =	sdelay $0x2  }
0xb9: {  	s31 =	sshll.u32 s1, $0xD;
	s1 =	sshrl.u32 s1, $0x2  }
0xba: {  	s3 =	sand.u32 $0x4000, s31;
	s1 =	sadd.s32 s1, s30  }
0xbb: {  	s0 =	sor.u32 s3, s0;
	s1 =	sshll.u32 s1, $0x11  }
0xbc: {  	s0 =	sor.u32 s1, s0  }
0xbd: {  	s0 =	sadd.s32 $0x8F2B, s0  }
0xbe: {  	[sflag:s0] =	ssyncadd.remote.s32 $0x1  }
0xbf: {  	_ =	sfence.sel $0xFFFF  }
0xc0: {  	[dreg:$0x0] =	wrdreg $0xFFFFFFFF;
	(pc) =	sbr.abs _section_cstart, $3  }
0xc1: {  	[dreg:$0x1] =	wrdreg $0xFFFFFFFF  }
0xc2: {  	_ =	task.clear_ibuf [dreg:s7], $0x2FFFF;
	_ =	strace $0x9FFFFFFF  }
0xc3: {  	(tm) =	ssettm $0x7FFFFFFF  }
tec
execute0_lowered:
.L_overlay_start_1:
0x0: {  	(tag) =	ssettag $0x1  }
0x1: {  	s0 =	rddreg [dreg:$0x0]  }
0x2: {  	s12 =	rddreg [dreg:$0x1]  }
0x3: {  	s3 =	rddreg [dreg:$0x2];
	s2 =	simm.s32 $0x0  }
0x4: {  	s1 =	srdreg.scid;
	s11 =	stileid.u32;
	s28 =	simm.s32 $0xB  }
0x5: {  	s29 =	simm.s32 $0x8;
	s30 =	simm.s32 $0xF;
	s15 =	smul.u32 $0x2800, s11  }
0x6: {  	s31 =	simm.s32 $0x3;
	[smem:$0x7FF] =	sst s2;
	s9 =	smul.u32 $0x50000, s11  }
0x7: {  	s1 =	sand.u32 $0x1, s1;
	s5 =	sadd.s32 $0xCC00, s0;
	s24 =	smul.u32 $0x4FC0, s11  }
0x8: {  	s6 =	sadd.s32 $0x2C00, s0;
	s8 =	sshll.u32 s11, $0x1;
	s7 =	smul.u32 $0x28000, s1  }
0x9: {  	s16 =	ssub.s32 $0x2, s1;
	s8 =	sor.u32 s1, s8;
	s1 =	smul.u32 $0x27E0, s1  }
0xa: {  	_ =	strace $0x8000004D;
	s10 =	sshrl.u32 s16, $0x1;
	s8 =	smul.u32 $0x27E0, s8  }
0xb: {  	s9 =	sshrl.u32 s9, $0x2;
	s2 =	sadd.s32 s15, s7;
	s17 =	ssub.s32 s16, s10  }
0xc: {  	s13 =	sadd.s32 s9, s3;
	s1 =	sadd.s32 s1, s24;
	s0 =	sadd.s32 s2, s0  }
0xd: {  	s18 =	sadd.s32 $0x2C00, s13;
	s19 =	sshrl.u32 s8, $0x3;
	[dreg:$0x4] =	wrdreg s13  }
0xe: {  	s20 =	sadd.s32 $0x58, s8;
	s21 =	sadd.s32 $0x5800, s13;
	[dreg:$0x5] =	wrdreg s18  }
0xf: {  	s8 =	sadd.s32 $0x108, s8;
	s16 =	sadd.s32 $0x8400, s13;
	[dreg:$0x6] =	wrdreg s21  }
0x10: {  	s10 =	sadd.s32 $0x210, s1;
	s22 =	sadd.s32 s12, s19;
	[dreg:$0x11] =	wrdreg s16  }
0x11: {  	s2 =	simm.s32 $0x11;
	s7 =	sadd.s32 s6, s19;
	[dreg:$0x7] =	wrdreg s22  }
0x12: {  	s9 =	sshrl.u32 s20, $0x3;
	s0 =	sadd.s32 $0x34C00, s0;
	[dreg:$0xb] =	wrdreg s7  }
0x13: {  	s25 =	sadd.s32 $0x16, s19;
	s18 =	sadd.s32 $0xDC00, s13;
	[dreg:$0xe] =	wrdreg s0  }
0x14: {  	s8 =	sshrl.u32 s8, $0x3;
	s19 =	sadd.s32 $0x10800, s13;
	[dreg:$0x13] =	wrdreg s18  }
0x15: {  	s11 =	sshrl.u32 s10, $0x3;
	s23 =	sadd.s32 s12, s9;
	[dreg:$0x14] =	wrdreg s19  }
0x16: {  	s16 =	simm.s32 $0x5;
	s14 =	sadd.s32 s12, s25;
	[dreg:$0x8] =	wrdreg s23  }
0x17: {  	s8 =	sadd.s32 s12, s8;
	s26 =	sadd.s32 s6, s9;
	[dreg:$0x9] =	wrdreg s14  }
0x18: {  	s4 =	sadd.s32 s6, s25;
	s7 =	smax.u32 s17, $0x1;
	[dreg:$0xa] =	wrdreg s8  }
0x19: {  	s9 =	sadd.s32 $0x160, s1;
	s22 =	sadd.s32 s11, s6;
	[dreg:$0xc] =	wrdreg s26  }
0x1a: {  	s17 =	sadd.s32 $0xB000, s13;
	s18 =	simm.s32 $0x4;
	[dreg:$0xd] =	wrdreg s4  }
0x1b: {  	s19 =	simm.s32 $0x8800;
	[dreg:$0xf] =	wrdreg s7;
	s8 =	sadd.s32 $0x1B8, s1  }
0x1c: {  	[dreg:$0x10] =	wrdreg s9;
	s14 =	sadd.s32 $0x268, s1;
	s1 =	sadd.s32 $0x108, s1  }
0x1d: {  	s23 =	sadd.s32 s11, s12;
	s4 =	smov.u32 s6;
	[dreg:$0x12] =	wrdreg s17  }
.Ltmp0:
0x1e: {  	s26 =	sadd.s32 $0x13400, s13;
	s17 =	simm.s32 $0x380;
	(pc) =	sbr.rel .LBB2_1-.Ltmp0, $4  }
0x1f: {  	s0 =	sshrl.u32 s8, $0x3;
	s15 =	sshrl.u32 s14, $0x3;
	s1 =	sshrl.u32 s1, $0x3  }
0x20: {  	[dreg:$0x15] =	wrdreg s26;
	s8 =	simm.s32 $0x58;
	s26 =	simm.s32 $0xA  }
0x21: {  	s20 =	sadd.s32 s0, s6;
	s21 =	sadd.s32 s0, s12;
	s24 =	sadd.s32 s15, s12  }
0x22: {  	v0 =	vimm.f32 $0.0e+00;
	s25 =	sadd.s32 s1, s6;
	s15 =	simm.s32 $0x9;
	s1 =	simm.s32 $0x0  }
.LBB2_6:
0x23: {  	s0 =	simm.s32 $0x10  }
0x24: {  	_ =	swait.ge [sflag:s0], $0x2C00  }
0x25: {  	[sflag:s0] =	ssyncset.done $0x0  }
0x26: {  	[sflag:s0] =	ssyncadd.s32 $0xFFFFD400  }
0x27: {  	s11 =	stileid.u32;
	[bflag:$0x0] =	sbarrier.arrive $0xFFFF  }
0x28: {  	s0 =	sshll.u32 s11, $0x6;
	s13 =	rddreg [dreg:$0x4]  }
0x29: {  	s0 =	sor.u32 $0x1C11, s0;
	s2 =	rddreg [dreg:$0xe];
	s1 =	sshrl.u32 s13, $0x3  }
0x2a: {  	[hbm:s2], [sflag:s0] =	dma.local [spmem:s1], $0x2800  }
0x2b: {  	s2 =	simm.s32 $0x11  }
0x2c: {  	_ =	swait.ge [sflag:s2], $0x2800  }
0x2d: {  	s12 =	rddreg [dreg:$0x16]  }
0x2e: {  	s14 =	rddreg [dreg:$0xf];
	s1 =	sadd.s32 $0x1, s12  }
0x2f: {  	p0 =	sne.s32 s1, s14  }
.Ltmp1:
0x30: {  	_ = 	snop;
	(pc) =	sbr.rel @!p0 .LBB2_7-.Ltmp1, $3  }
0x31: {  	_ =	sdelay $0x1  }
0x32: {  	[sflag:s2] =	ssyncset.done $0x0  }
0x33: {  	[sflag:s2] =	ssyncadd.s32 $0xFFFFD800  }
.LBB2_1:
0x34: {  	[dreg:$0x16] =	wrdreg s1;
	s1 =	simm.s32 $0x0;
	s7 =	simm.s32 $0x200  }
.LBB2_2:
0x35: {  	p0 =	sne.s32 s7, $0xAE00;
	[tilespmem:s1+$0x470] =	vst v0  }
0x36: {  	[tilespmem:s1+$0x400] =	vst v0  }
0x37: {  	[tilespmem:s1+$0x410] =	vst v0  }
.Ltmp2:
0x38: {  	[tilespmem:s1+$0x420] =	vst v0;
	(pc) =	sbr.rel @p0 .LBB2_2-.Ltmp2, $4  }
0x39: {  	[tilespmem:s1+$0x430] =	vst v0  }
0x3a: {  	[tilespmem:s1+$0x440] =	vst v0  }
0x3b: {  	[tilespmem:s1+$0x450] =	vst v0  }
0x3c: {  	[tilespmem:s1+$0x460] =	vst v0;
	s1 =	sshra.s32 s7, $0x2;
	s7 =	sadd.s32 $0x200, s7  }
0x3d: {  	[tilespmem:s1+$0x470] =	vst v0  }
0x3e: {  	[tilespmem:s1+$0x400] =	vst v0  }
0x3f: {  	[tilespmem:s1+$0x410] =	vst v0  }
0x40: {  	[tilespmem:s1+$0x420] =	vst v0  }
0x41: {  	[tilespmem:s1+$0x430] =	vst v0  }
0x42: {  	[tilespmem:s1+$0x440] =	vst v0  }
0x43: {  	[tilespmem:s1+$0x450] =	vst v0  }
0x44: {  	[tilespmem:s1+$0x460] =	vst v0;
	s1 =	simm.s32 $0x400  }
0x45: {  	[spmem:s13] =	stream.linear.scatter [tilespmem:s1], [sflag:$0x11], $0x2C00, $0x38;
	[tilespmem:$0x1F400] =	vst v63  }
0x46: {  	_ =	swait.ge [sflag:s2], $0x2C00  }
0x47: {  	[sflag:s2] =	ssyncset.done $0x0  }
0x48: {  	s0 =	rddreg [dreg:$0x5];
	[sflag:s2] =	ssyncadd.s32 $0xFFFFD400  }
0x49: {  	[spmem:s0] =	stream.linear.scatter [tilespmem:s1], [sflag:$0x11], $0x2C00, $0x38;
	[tilespmem:$0x1F400] =	vst v63  }
0x4a: {  	_ =	swait.ge [sflag:s2], $0x2C00  }
0x4b: {  	[sflag:s2] =	ssyncset.done $0x0  }
0x4c: {  	s9 =	rddreg [dreg:$0x6];
	[sflag:s2] =	ssyncadd.s32 $0xFFFFD400  }
0x4d: {  	[spmem:s9] =	stream.linear.scatter [tilespmem:s1], [sflag:$0x11], $0x2C00, $0x38;
	[tilespmem:$0x1F400] =	vst v63  }
0x4e: {  	_ =	swait.ge [sflag:s2], $0x2C00  }
0x4f: {  	[sflag:s2] =	ssyncset.done $0x0  }
0x50: {  	s10 =	rddreg [dreg:$0x11];
	[sflag:s2] =	ssyncadd.s32 $0xFFFFD400  }
0x51: {  	[spmem:s10] =	stream.linear.scatter [tilespmem:s1], [sflag:$0x11], $0x2C00, $0x38;
	[tilespmem:$0x1F400] =	vst v63  }
0x52: {  	_ =	swait.ge [sflag:s2], $0x2C00  }
0x53: {  	[sflag:s2] =	ssyncset.done $0x0  }
0x54: {  	s11 =	rddreg [dreg:$0x12];
	[sflag:s2] =	ssyncadd.s32 $0xFFFFD400  }
0x55: {  	[spmem:s11] =	stream.linear.scatter [tilespmem:s1], [sflag:$0x11], $0x2C00, $0x38;
	[tilespmem:$0x1F400] =	vst v63  }
0x56: {  	_ =	swait.ge [sflag:s2], $0x2C00  }
0x57: {  	[sflag:s2] =	ssyncset.done $0x0  }
0x58: {  	s12 =	rddreg [dreg:$0x13];
	[sflag:s2] =	ssyncadd.s32 $0xFFFFD400  }
0x59: {  	[spmem:s12] =	stream.linear.scatter [tilespmem:s1], [sflag:$0x11], $0x2C00, $0x38;
	[tilespmem:$0x1F400] =	vst v63  }
0x5a: {  	_ =	swait.ge [sflag:s2], $0x2C00  }
0x5b: {  	[sflag:s2] =	ssyncset.done $0x0  }
0x5c: {  	s13 =	rddreg [dreg:$0x14];
	[sflag:s2] =	ssyncadd.s32 $0xFFFFD400  }
0x5d: {  	[spmem:s13] =	stream.linear.scatter [tilespmem:s1], [sflag:$0x11], $0x2C00, $0x38;
	[tilespmem:$0x1F400] =	vst v63  }
0x5e: {  	_ =	swait.ge [sflag:s2], $0x2C00  }
0x5f: {  	[sflag:s2] =	ssyncset.done $0x0  }
0x60: {  	s14 =	rddreg [dreg:$0x15];
	[sflag:s2] =	ssyncadd.s32 $0xFFFFD400  }
0x61: {  	[spmem:s14] =	stream.linear.scatter [tilespmem:s1], [sflag:$0x11], $0xC00, $0x38;
	[tilespmem:$0x1F400] =	vst v63  }
0x62: {  	_ =	swait.ge [sflag:s2], $0xC00  }
0x63: {  	[sflag:s2] =	ssyncset.done $0x0  }
0x64: {  	s7 =	simm.s32 $0x0;
	s6 =	rddreg [dreg:$0x7];
	[sflag:s2] =	ssyncadd.s32 $0xFFFFF400  }
0x65: {  	[tilespmem:s7], [sflag:$0x11] =	stream.linear.gather [hbm4b:s6+s7], $0x58, $0x38;
	[tilespmem:$0x1F400] =	vst v63  }
0x66: {  	_ =	swait.ge [sflag:s2], $0x58  }
0x67: {  	[sflag:s2] =	ssyncset.done $0x0  }
0x68: {  	[sflag:s2] =	ssyncadd.s32 $0xFFFFFFA8  }
0x69: {  	[tilespmem:s1], [sflag:$0x9] =	stream.indirect.gather [hbm4b:s5+s8], $0x80, s7, s8, $0xb8;
	[tilespmem:$0x1F400] =	vst v63  }
0x6a: {  	s10 =	simm.s32 $0x80;
	s9 =	rddreg [dreg:$0x8]  }
0x6b: {  	[tilespmem:s10], [sflag:$0x11] =	stream.linear.gather [hbm4b:s9+s7], $0x58, $0x38;
	[tilespmem:$0x1F400] =	vst v63  }
0x6c: {  	_ =	swait.ge [sflag:s2], $0x58  }
0x6d: {  	[sflag:s2] =	ssyncset.done $0x0  }
0x6e: {  	s11 =	simm.s32 $0x3000;
	[sflag:s2] =	ssyncadd.s32 $0xFFFFFFA8  }
0x6f: {  	[tilespmem:s11], [sflag:$0xA] =	stream.indirect.gather [hbm4b:s5+s8], $0x80, s10, s8, $0xb8;
	[tilespmem:$0x1F400] =	vst v63  }
0x70: {  	s13 =	simm.s32 $0x100;
	s12 =	rddreg [dreg:$0x9]  }
0x71: {  	[tilespmem:s13], [sflag:$0x11] =	stream.linear.gather [hbm4b:s12+s7], $0x58, $0x38;
	[tilespmem:$0x1F400] =	vst v63  }
0x72: {  	_ =	swait.ge [sflag:s2], $0x58  }
0x73: {  	[sflag:s2] =	ssyncset.done $0x0  }
0x74: {  	s14 =	simm.s32 $0x5C00;
	[sflag:s2] =	ssyncadd.s32 $0xFFFFFFA8  }
0x75: {  	[tilespmem:s14], [sflag:$0xB] =	stream.indirect.gather [hbm4b:s5+s8], $0x80, s13, s8, $0xb8;
	[tilespmem:$0x1F400] =	vst v63  }
0x76: {  	s6 =	simm.s32 $0x180;
	s2 =	rddreg [dreg:$0xa]  }
0x77: {  	[tilespmem:s6], [sflag:$0x4] =	stream.linear.gather [hbm4b:s2+s7], $0x58, $0x38;
	[tilespmem:$0x1F400] =	vst v63  }
0x78: {  	s10 =	simm.s32 $0x200;
	s9 =	rddreg [dreg:$0xb]  }
0x79: {  	[tilespmem:s10], [sflag:$0x5] =	stream.linear.gather [hbm4b:s9+s7], $0x58, $0x38;
	[tilespmem:$0x1F400] =	vst v63  }
0x7a: {  	s12 =	simm.s32 $0x280;
	s11 =	rddreg [dreg:$0xc]  }
0x7b: {  	[tilespmem:s12], [sflag:$0x6] =	stream.linear.gather [hbm4b:s11+s7], $0x58, $0x38;
	[tilespmem:$0x1F400] =	vst v63  }
0x7c: {  	s13 =	rddreg [dreg:$0xd];
	s14 =	simm.s32 $0x300  }
0x7d: {  	[tilespmem:s14], [sflag:$0x7] =	stream.linear.gather [hbm4b:s13+s7], $0x58, $0x38;
	[tilespmem:$0x1F400] =	vst v63  }
0x7e: {  	[bflag:$0x0] =	sbarrier.arrive $0xFFFF  }
0x7f: {  	s2 =	simm.s32 $0x0;
	s9 =	rddreg [dreg:$0x10]  }
.LBB2_4:
0x80: {  	_ =	swait.ge [sflag:s15], $0x2C00  }
0x81: {  	[sflag:s15] =	ssyncset.done $0x0  }
0x82: {  	p0 =	seq.s32 s7, $0x4D0;
	[sflag:s15] =	ssyncadd.s32 $0xFFFFD400  }
0x83: {  	s11 =	sshrl.u32 @!p0 s9, $0x3;
	s0 =	rddreg [dreg:$0x1]  }
0x84: {  	s1 =	simm.s32 @!p0 $0x0;
	s14 =	sadd.s32 @!p0 s0, s11  }
0x85: {  	[tilespmem:s1], [sflag:$0x1] =	stream.linear.gather @!p0 [hbm4b:s14+s1], $0x58, $0x38;
	[tilespmem:$0x1F400] =	vst v63  }
0x86: {  	_ =	swait.ge [sflag:s16], $0x58  }
0x87: {  	s12 =	simm.s32 $0x400;
	p1 =	seq.s32 s7, $0x0;
	[sflag:s16] =	ssyncset.done $0x0  }
0x88: {  	s6 =	simm.s32 $0x200;
	s14 =	simm.s32 @!p1 $0x10;
	[sflag:s16] =	ssyncadd.s32 $0xFFFFFFA8  }
0x89: {  	[spmem:s3] =	stream.indirect.scatter.add.f32 [tilespmem:s12], [sflag:$0xD], $0x80, s6, s8, $0xb8;
	[tilespmem:$0x1F400] =	vst v63  }
0x8a: {  	_ =	swait.ge @!p1 [sflag:s14], $0x2C00  }
0x8b: {  	[sflag:s14] =	ssyncset.done @!p1 $0x0  }
0x8c: {  	s13 =	sadd.s32 s7, s25;
	[sflag:s14] =	ssyncadd.s32 @!p1 $0xFFFFD400  }
0x8d: {  	[tilespmem:s17], [sflag:$0x8] =	stream.linear.gather [hbm4b:s13+s2], $0x58, $0x38;
	[tilespmem:$0x1F400] =	vst v63  }
0x8e: {  	_ =	swait.ge [sflag:s18], $0x58  }
0x8f: {  	[sflag:s18] =	ssyncset.done $0x0  }
0x90: {  	s14 =	simm.s32 $0x180;
	[sflag:s18] =	ssyncadd.s32 $0xFFFFFFA8  }
0x91: {  	[tilespmem:s19], [sflag:$0xC] =	stream.indirect.gather [hbm4b:s5+s8], $0x80, s14, s8, $0xb8;
	[tilespmem:$0x1F400] =	vst v63  }
0x92: {  	_ =	swait.ge [sflag:s26], $0x2C00  }
0x93: {  	[sflag:s26] =	ssyncset.done $0x0  }
0x94: {  	s14 =	simm.s32 @p0 $0x6;
	[sflag:s26] =	ssyncadd.s32 $0xFFFFD400  }
0x95: {  	_ =	swait.ge @p0 [sflag:s14], $0x58  }
0x96: {  	s10 =	simm.s32 @p0 $0x280;
	[sflag:s14] =	ssyncset.done @p0 $0x0  }
0x97: {  	s12 =	simm.s32 @p0 $0x3000;
	[sflag:s14] =	ssyncadd.s32 @p0 $0xFFFFFFA8;
	s14 =	simm.s32 @p0 $0x58  }
0x98: {  	[spmem:s3] =	stream.indirect.scatter.add.f32 @p0 [tilespmem:s12], [sflag:$0xE], $0x80, s10, s14, $0xb8;
	[tilespmem:$0x1F400] =	vst v63  }
0x99: {  	s10 =	simm.s32 @p0 $0xD  }
0x9a: {  	_ =	swait.ge @p0 [sflag:s10], $0x2C00  }
0x9b: {  	[sflag:s10] =	ssyncset.done @p0 $0x0  }
0x9c: {  	s12 =	simm.s32 @!p0 $0x80;
	[sflag:s10] =	ssyncadd.s32 @p0 $0xFFFFD400;
	s10 =	sadd.s32 @!p0 s7, s21  }
0x9d: {  	[tilespmem:s12], [sflag:$0x2] =	stream.linear.gather @!p0 [hbm4b:s10+s1], $0x58, $0x38;
	[tilespmem:$0x1F400] =	vst v63  }
0x9e: {  	s10 =	simm.s32 @!p0 $0x6  }
0x9f: {  	_ =	swait.ge @!p0 [sflag:s10], $0x58  }
0xa0: {  	s0 =	simm.s32 @!p0 $0xD;
	s13 =	simm.s32 @!p0 $0x280;
	[sflag:s10] =	ssyncset.done @!p0 $0x0  }
0xa1: {  	s2 =	simm.s32 @!p0 $0x3000;
	[sflag:s10] =	ssyncadd.s32 @!p0 $0xFFFFFFA8;
	s10 =	simm.s32 @!p0 $0x58  }
0xa2: {  	[spmem:s3] =	stream.indirect.scatter.add.f32 @!p0 [tilespmem:s2], [sflag:$0xE], $0x80, s13, s10, $0xb8;
	[tilespmem:$0x1F400] =	vst v63  }
0xa3: {  	_ =	swait.ge @!p0 [sflag:s0], $0x2C00  }
0xa4: {  	[sflag:s0] =	ssyncset.done @!p0 $0x0  }
0xa5: {  	[sflag:s0] =	ssyncadd.s32 @!p0 $0xFFFFD400;
	s0 =	sadd.s32 @!p0 s4, s11;
	s11 =	simm.s32 @!p0 $0x200  }
0xa6: {  	[tilespmem:s11], [sflag:$0x5] =	stream.linear.gather @!p0 [hbm4b:s0+s1], $0x58, $0x38;
	[tilespmem:$0x1F400] =	vst v63  }
0xa7: {  	s0 =	simm.s32 @!p0 $0x1  }
0xa8: {  	_ =	swait.ge @!p0 [sflag:s0], $0x58  }
0xa9: {  	[sflag:s0] =	ssyncset.done @!p0 $0x0  }
0xaa: {  	[sflag:s0] =	ssyncadd.s32 @!p0 $0xFFFFFFA8;
	s0 =	simm.s32 @!p0 $0x400  }
0xab: {  	[tilespmem:s0], [sflag:$0x9] =	stream.indirect.gather @!p0 [hbm4b:s5+s10], $0x80, s1, s10, $0xb8;
	[tilespmem:$0x1F400] =	vst v63  }
0xac: {  	_ =	swait.ge [sflag:s28], $0x2C00  }
0xad: {  	[sflag:s28] =	ssyncset.done $0x0  }
0xae: {  	s0 =	simm.s32 @p0 $0x7;
	[sflag:s28] =	ssyncadd.s32 $0xFFFFD400  }
0xaf: {  	_ =	swait.ge @p0 [sflag:s0], $0x58  }
0xb0: {  	[sflag:s0] =	ssyncset.done @p0 $0x0  }
0xb1: {  	s11 =	simm.s32 @p0 $0x5C00;
	[sflag:s0] =	ssyncadd.s32 @p0 $0xFFFFFFA8;
	s0 =	simm.s32 @p0 $0x300  }
0xb2: {  	[spmem:s3] =	stream.indirect.scatter.add.f32 @p0 [tilespmem:s11], [sflag:$0xF], $0x80, s0, s14, $0xb8;
	[tilespmem:$0x1F400] =	vst v63  }
0xb3: {  	s0 =	simm.s32 @p0 $0xE  }
0xb4: {  	_ =	swait.ge @p0 [sflag:s0], $0x2C00  }
0xb5: {  	[sflag:s0] =	ssyncset.done @p0 $0x0  }
0xb6: {  	[sflag:s0] =	ssyncadd.s32 @p0 $0xFFFFD400;
	s0 =	simm.s32 @p0 $0xC  }
0xb7: {  	_ =	swait.ge @p0 [sflag:s0], $0x2C00  }
0xb8: {  	[sflag:s0] =	ssyncset.done @p0 $0x0  }
0xb9: {  	s11 =	simm.s32 @!p0 $0x100;
	[sflag:s0] =	ssyncadd.s32 @p0 $0xFFFFD400;
	s0 =	sadd.s32 @!p0 s7, s23  }
0xba: {  	[tilespmem:s11], [sflag:$0x3] =	stream.linear.gather @!p0 [hbm4b:s0+s1], $0x58, $0x38;
	[tilespmem:$0x1F400] =	vst v63  }
0xbb: {  	s0 =	simm.s32 @!p0 $0x7  }
0xbc: {  	_ =	swait.ge @!p0 [sflag:s0], $0x58  }
0xbd: {  	[sflag:s0] =	ssyncset.done @!p0 $0x0  }
0xbe: {  	s11 =	simm.s32 @!p0 $0x5C00;
	[sflag:s0] =	ssyncadd.s32 @!p0 $0xFFFFFFA8;
	s0 =	simm.s32 @!p0 $0x300  }
0xbf: {  	[spmem:s3] =	stream.indirect.scatter.add.f32 @!p0 [tilespmem:s11], [sflag:$0xF], $0x80, s0, s10, $0xb8;
	[tilespmem:$0x1F400] =	vst v63  }
0xc0: {  	s0 =	simm.s32 @!p0 $0xE  }
0xc1: {  	_ =	swait.ge @!p0 [sflag:s0], $0x2C00  }
0xc2: {  	[sflag:s0] =	ssyncset.done @!p0 $0x0  }
0xc3: {  	[sflag:s0] =	ssyncadd.s32 @!p0 $0xFFFFD400;
	s0 =	sadd.s32 @!p0 s7, s20  }
0xc4: {  	[tilespmem:s13], [sflag:$0x6] =	stream.linear.gather @!p0 [hbm4b:s0+s1], $0x58, $0x38;
	[tilespmem:$0x1F400] =	vst v63  }
0xc5: {  	s0 =	simm.s32 @!p0 $0x2  }
0xc6: {  	_ =	swait.ge @!p0 [sflag:s0], $0x58  }
0xc7: {  	[sflag:s0] =	ssyncset.done @!p0 $0x0  }
0xc8: {  	[sflag:s0] =	ssyncadd.s32 @!p0 $0xFFFFFFA8;
	s0 =	simm.s32 @!p0 $0xC  }
0xc9: {  	[tilespmem:s2], [sflag:$0xA] =	stream.indirect.gather @!p0 [hbm4b:s5+s10], $0x80, s12, s10, $0xb8;
	[tilespmem:$0x1F400] =	vst v63  }
0xca: {  	_ =	swait.ge @!p0 [sflag:s0], $0x2C00  }
0xcb: {  	[sflag:s0] =	ssyncset.done @!p0 $0x0  }
0xcc: {  	s2 =	simm.s32 @!p0 $0x180;
	[sflag:s0] =	ssyncadd.s32 @!p0 $0xFFFFD400;
	s0 =	sadd.s32 @!p0 s7, s24  }
0xcd: {  	[tilespmem:s2], [sflag:$0x4] =	stream.linear.gather @!p0 [hbm4b:s0+s1], $0x58, $0x38;
	[tilespmem:$0x1F400] =	vst v63  }
0xce: {  	_ =	swait.ge [sflag:s29], $0x58  }
0xcf: {  	[sflag:s29] =	ssyncset.done $0x0  }
.Ltmp3:
0xd0: {  	[sflag:s29] =	ssyncadd.s32 $0xFFFFFFA8;
	(pc) =	sbr.rel @p0 .LBB2_6-.Ltmp3, $4  }
0xd1: {  	[spmem:s3] =	stream.indirect.scatter.add.f32 [tilespmem:s19], [sflag:$0x10], $0x80, s17, s8, $0xb8;
	[tilespmem:$0x1F400] =	vst v63  }
0xd2: {  	_ =	swait.ge [sflag:s30], $0x2C00  }
0xd3: {  	[sflag:s30] =	ssyncset.done $0x0  }
0xd4: {  	s6 =	simm.s32 $0x0;
	[sflag:s30] =	ssyncadd.s32 $0xFFFFD400  }
0xd5: {  	s0 =	sadd.s32 s7, s22;
	s1 =	simm.s32 $0x300  }
0xd6: {  	[tilespmem:s1], [sflag:$0x7] =	stream.linear.gather [hbm4b:s0+s6], $0x58, $0x38;
	[tilespmem:$0x1F400] =	vst v63  }
.Ltmp4:
0xd7: {  	_ = 	snop;
	(pc) =	sbr.rel .LBB2_4-.Ltmp4, $4  }
0xd8: {  	s13 =	simm.s32 $0x100;
	_ =	swait.ge [sflag:s31], $0x58  }
0xd9: {  	s14 =	simm.s32 $0x5C00;
	s9 =	sadd.s32 $0x160, s9;
	[sflag:s31] =	ssyncset.done $0x0  }
0xda: {  	s7 =	sadd.s32 $0x2C, s7;
	s2 =	simm.s32 $0x0;
	[sflag:s31] =	ssyncadd.s32 $0xFFFFFFA8  }
0xdb: {  	[tilespmem:s14], [sflag:$0xB] =	stream.indirect.gather [hbm4b:s5+s8], $0x80, s13, s8, $0xb8;
	[tilespmem:$0x1F400] =	vst v63  }
.LBB2_7:
0xdc: {  	_ =	sfence.sel $0x180000  }
0xdd: {  	[bflag:$0x0] =	sbarrier.arrive $0xFFFF  }
0xde: {  	_ =	strace $0x9000004D  }
0xdf: {  	s0 =	stileid.u32;
	[bflag:$0x2] =	sbarrier.arrive $0xFFFF  }
0xe0: {  	p0 =	sne.s32 s0, $0x0;
	s0 =	rddreg [dreg:$0x3]  }
0xe1: {  	s0 =	sadd.s32 @!p0 $0x100000, s0  }
0xe2: {  	[sflag:s0] =	ssyncadd.tile.s32 @!p0 $0x1;
	_ =	shalt  }
.Lfunc_end2:
_tile_overlayer_lowered:
.L_overlay_start_2:
0xe3: {  	(tag) =	ssettag $0x2  }
0xe4: {  	s0 =	rddreg [dreg:$0x0];
	s2 =	stileid.u32  }
0xe5: {  	s1 =	rddreg [dreg:$0x1];
	p0 =	sne.s32 s2, $0x0  }
0xe6: {  	s3 =	rddreg [dreg:$0x2];
	[bflag:$0x3] =	sbarrier.arrive $0xFFFF;
	s2 =	simm.s32 @!p0 $0x1C11  }
0xe7: {  	[timem:s3], [sflag:s2] =	dma.local @!p0 [hbm:s0], s1  }
0xe8: {  	s0 =	simm.s32 @!p0 $0x11  }
0xe9: {  	_ =	swait.ge @!p0 [sflag:s0], s1  }
0xea: {  	s1 =	ssub.s32 @!p0 $0x0, s1;
	[sflag:s0] =	ssyncset.done @!p0 $0x0  }
0xeb: {  	[sflag:s0] =	ssyncadd.s32 @!p0 s1  }
0xec: {  	[bflag:$0x3] =	sbarrier.arrive $0xFFFF  }
0xed: {  	_ =	shalt  }

// kernel: kernel.8.cloned.1.call-start
scs
__scs_entry_jumppad:
0x0: {  	(pc) =	sbr.rel $0x88, $3  }
0x1: {  	(tag) =	ssettag $0x0;
	lr =	simm.s32 $0x1  }
0x2: {  	[smem:$0x3F9B] =	sst lr;
	_ =	strace $0xD0000000  }
0x3: {  	_ = 	snop  }
0x4: {  	_ = 	snop  }
0x5: {  	_ = 	snop  }
0x6: {  	_ = 	snop  }
0x7: {  	_ = 	snop  }
__scs_overlays_trampoline_lowered:
0x8: {  	[smem:$0x3FAA] =	sst s0  }
0x9: {  	[smem:$0x3FAB] =	sst s1  }
0xa: {  	[smem:$0x3FAC] =	sst s2  }
0xb: {  	[smem:$0x3FAD] =	sst s3  }
0xc: {  	[smem:$0x3FAE] =	sst s4  }
0xd: {  	[smem:$0x3FAF] =	sst s5  }
0xe: {  	[smem:$0x3FB0] =	sst s6  }
0xf: {  	[smem:$0x3FB1] =	sst s7  }
0x10: {  	[smem:$0x3FB2] =	sst s8  }
0x11: {  	[smem:$0x3FB3] =	sst s9;
	s0 =	simm.s32 @!p0 $0x0  }
0x12: {  	s1 =	sld [smem:$0x3F99];
	s0 =	simm.s32 @p0 $0x1  }
0x13: {  	[smem:$0x3FB4] =	sst s0;
	s0 =	simm.s32 @!p1 $0x0  }
0x14: {  	s2 =	sld [smem:$0x3F98];
	s0 =	simm.s32 @p1 $0x1  }
0x15: {  	[smem:$0x3FB5] =	sst s0;
	s0 =	simm.s32 @!p2 $0x0  }
0x16: {  	s3 =	sld [smem:$0x3FDB];
	s0 =	simm.s32 @p2 $0x1  }
0x17: {  	s4 =	simm.s32 $0x1BF5;
	[smem:$0x3FB7] =	sst s0  }
0x18: {  	s0 =	sld [smem:$0x3F9A];
	_ =	swait.ge [sflag:s4], $0x0  }
0x19: {  	s7 =	sld [smem:$0x3F9B]  }
0x1a: {  	s8 =	sadd.s32 $0xFFFFE003, lr  }
0x1b: {  	s9 =	sadd.s32 $0xFFFFFEF7, lr;
	s5 =	simm.s32 $0xFFFFFFFF;
	p2 =	slt.u32 s8, $0xFFFFF086  }
0x1c: {  	p1 =	slt.u32 s9, $0xF7A;
	s5 =	simm.s32 @!p2 $0x0  }
0x1d: {  	s5 =	simm.s32 @p1 $0x1;
	p0 =	seq.s32 s7, s2  }
0x1e: {  	s7 =	smul.u32 @!p0 $0xF7A, s2;
	p2 =	seq.s32 @!p0 s5, $0x0  }
0x1f: {  	s9 =	smul.u32 $0xF7A, s1;
	s8 =	simm.s32 @!p0 $0x1BF5;
	p2 =	por !p2, p0  }
0x20: {  	[sflag:s8] =	ssyncset.s32 @!p0 $0xFFFFF086;
	s6 =	sadd.s32 @!p0 s3, s7;
	s7 =	simm.s32 @!p0 $0x108  }
0x21: {  	s3 =	sadd.s32 s3, s9;
	s6 =	sadd.s32 @!p0 $0x88, s6;
	s7 =	simm.s32 @p2 $0x1082  }
0x22: {  	[simem:s7], [sflag:s8] =	dma.local @!p0 [hbm:s6], $0xF7A  }
0x23: {  	s9 =	sor.u32 $0xD0000000, s2;
	s6 =	simm.s32 $0x108;
	_ =	swait.ge @!p0 [sflag:s8], $0x0  }
0x24: {  	s3 =	sadd.s32 $0x88, s3;
	s6 =	simm.s32 @!p1 $0x1082;
	[sflag:s4] =	ssyncset.s32 $0xFFFFF086  }
0x25: {  	[simem:s6], [sflag:s4] =	dma.local [hbm:s3], $0xF7A  }
0x26: {  	[smem:$0x3F9B] =	sst s1;
	(tag) =	ssettag s2;
	_ =	strace s9  }
0x27: {  	s1 =	sld [smem:$0x3FAB]  }
0x28: {  	s2 =	sld [smem:$0x3FAC]  }
0x29: {  	s4 =	sld [smem:$0x3FAE]  }
0x2a: {  	p0 =	seq.s32 s5, $0x0;
	s5 =	sld [smem:$0x3FAF]  }
0x2b: {  	s6 =	sld [smem:$0x3FB0]  }
0x2c: {  	s7 =	sld [smem:$0x3FB1]  }
0x2d: {  	s3 =	simm.s32 $0x108;
	s8 =	sld [smem:$0x3FB2]  }
0x2e: {  	s3 =	simm.s32 @!p0 $0x1082;
	s9 =	sld [smem:$0x3FB3]  }
0x2f: {  	lr =	sadd.s32 s0, s3;
	s0 =	sld [smem:$0x3FAA]  }
0x30: {  	s3 =	sld [smem:$0x3FAD]  }
0x31: {  	[smem:$0x3FB6] =	sst s10  }
0x32: {  	s10 =	sld [smem:$0x3FB4];
	_ =	sdelay $0x3  }
0x33: {  	p0 =	seq.s32 s10, $0x1;
	s10 =	sld [smem:$0x3FB6];
	_ =	sdelay $0x3  }
0x34: {  	[smem:$0x3FB6] =	sst s10  }
0x35: {  	s10 =	sld [smem:$0x3FB5];
	_ =	sdelay $0x3  }
0x36: {  	p1 =	seq.s32 s10, $0x1;
	s10 =	sld [smem:$0x3FB6];
	_ =	sdelay $0x3  }
0x37: {  	[smem:$0x3FB6] =	sst s10  }
0x38: {  	s10 =	sld [smem:$0x3FB7]  }
0x39: {  	_ = 	snop;
	(pc) =	sbr.ind lr, $3  }
0x3a: {  	_ = 	snop  }
0x3b: {  	_ = 	snop  }
0x3c: {  	p2 =	seq.s32 s10, $0x1;
	s10 =	sld [smem:$0x3FB6]  }
0x3d: {  	_ =	shalt  }
0x3e: {  	_ =	shalt  }
0x3f: {  	_ =	shalt  }
0x40: {  	_ =	shalt  }
0x41: {  	_ =	shalt  }
0x42: {  	_ =	shalt  }
0x43: {  	_ =	shalt  }
0x44: {  	_ =	shalt  }
0x45: {  	_ =	shalt  }
0x46: {  	_ =	shalt  }
0x47: {  	_ =	shalt  }
0x48: {  	_ =	shalt  }
0x49: {  	_ =	shalt  }
0x4a: {  	_ =	shalt  }
0x4b: {  	_ =	shalt  }
0x4c: {  	_ =	shalt  }
0x4d: {  	_ =	shalt  }
0x4e: {  	_ =	shalt  }
0x4f: {  	_ =	shalt  }
0x50: {  	_ =	shalt  }
0x51: {  	_ =	shalt  }
0x52: {  	_ =	shalt  }
0x53: {  	_ =	shalt  }
0x54: {  	_ =	shalt  }
0x55: {  	_ =	shalt  }
0x56: {  	_ =	shalt  }
0x57: {  	_ =	shalt  }
0x58: {  	_ =	shalt  }
0x59: {  	_ =	shalt  }
0x5a: {  	_ =	shalt  }
0x5b: {  	_ =	shalt  }
0x5c: {  	_ =	shalt  }
0x5d: {  	_ =	shalt  }
0x5e: {  	_ =	shalt  }
0x5f: {  	_ =	shalt  }
0x60: {  	_ =	shalt  }
0x61: {  	_ =	shalt  }
0x62: {  	_ =	shalt  }
0x63: {  	_ =	shalt  }
0x64: {  	_ =	shalt  }
0x65: {  	_ =	shalt  }
0x66: {  	_ =	shalt  }
0x67: {  	_ =	shalt  }
0x68: {  	_ =	shalt  }
0x69: {  	_ =	shalt  }
0x6a: {  	_ =	shalt  }
0x6b: {  	_ =	shalt  }
0x6c: {  	_ =	shalt  }
0x6d: {  	_ =	shalt  }
0x6e: {  	_ =	shalt  }
0x6f: {  	_ =	shalt  }
0x70: {  	_ =	shalt  }
0x71: {  	_ =	shalt  }
0x72: {  	_ =	shalt  }
0x73: {  	_ =	shalt  }
0x74: {  	_ =	shalt  }
0x75: {  	_ =	shalt  }
0x76: {  	_ =	shalt  }
0x77: {  	_ =	shalt  }
0x78: {  	_ =	shalt  }
0x79: {  	_ =	shalt  }
0x7a: {  	_ =	shalt  }
0x7b: {  	_ =	shalt  }
0x7c: {  	_ =	shalt  }
0x7d: {  	_ =	shalt  }
0x7e: {  	_ =	shalt  }
0x7f: {  	_ =	shalt  }
0x80: {  	_ =	shalt  }
0x81: {  	_ =	shalt  }
0x82: {  	_ =	shalt  }
0x83: {  	_ =	shalt  }
0x84: {  	_ =	shalt  }
0x85: {  	_ =	shalt  }
0x86: {  	_ =	shalt  }
0x87: {  	_ =	shalt  }
.Lfunc_end0:
.L_simem_size_0:
called_computation_lowered:
.L_overlay_start_0:
0x88: {  	s2 =	sld [smem:$0x3FD9]  }
0x89: {  	s3 =	sld [smem:$0x3FFE];
	_ =	sdelay $0x1  }
0x8a: {  	s1 =	srdreg.scid  }
0x8b: {  	s0 =	sand.u32 $0x1, s1  }
0x8c: {  	s16 =	sshll.u32 s0, $0xA;
	s2 =	sadd.s32 s3, s2  }
0x8d: {  	s2 =	sadd.s32 s2, s16  }
0x8e: {  	[smem:$0x3FC2] =	sst s2  }
0x8f: {  	_ = 	snop  }
0x90: {  	(tm) =	ssettm $0x1  }
0x91: {  	s17 =	sld [smem:$0x3FFB];
	_ =	sdelay $0x3  }
0x92: {  	_ =	strace s17  }
0x93: {  	s2 =	sld [smem:$0x3FFC];
	_ =	sdelay $0x3  }
0x94: {  	_ =	strace s2  }
0x95: {  	s2 =	sld [smem:$0x3FFD];
	_ =	sdelay $0x3  }
0x96: {  	_ =	strace s2  }
0x97: {  	_ =	strace $0x8FFFFFFF  }
0x98: {  	s18 =	sld [smem:$0x3FDB];
	_ =	sdelay $0x1  }
0x99: {  	s19 =	simm.s32 $_scs_section_size  }
0x9a: {  	s4 =	simm.s32 $_size__tile_overlayer_lowered;
	s5 =	simm.s32 $_tile_overlayer_lowered  }
0x9b: {  	s22 =	simm.s32 $0x1BFF;
	s21 =	sshll.u32 s5, $0x1;
	s2 =	sadd.s32 s19, s18  }
0x9c: {  	s6 =	simm.s32 $0x0;
	s20 =	sshll.u32 s4, $0x1;
	s4 =	sadd.s32 s21, s2  }
0x9d: {  	[timem:s6], [sflag:s22] =	dma.local [hbm:s4], s20  }
0x9e: {  	_ =	swait.ge [sflag:s22], s20  }
0x9f: {  	s3 =	ssub.s32 $0x0, s20;
	[sflag:s22] =	ssyncset.done $0x0  }
0xa0: {  	[sflag:s22] =	ssyncadd.s32 s3;
	_ =	sdelay $0x1  }
0xa1: {  	s23 =	simm.s32 $0x1B8B  }
0xa2: {  	_ =	swait.ge [sflag:s23], $0x1  }
0xa3: {  	[sflag:s23] =	ssyncset.done $0x0  }
0xa4: {  	s25 =	simm.s32 $0x1B8E;
	s24 =	sld [smem:$0x3FFE];
	[sflag:s23] =	ssyncadd.s32 $0xFFFFFFFF  }
0xa5: {  	s26 =	simm.s32 $execute0_lowered;
	[smem:$0x3FD2] =	sst s25  }
0xa6: {  	s4 =	sshll.u32 s26, $0x1;
	_ =	strace $0x80000046;
	[dreg:$0x1] =	wrdreg $0xFFFFFFFF  }
0xa7: {  	s28 =	simm.s32 $_size_execute0_lowered;
	s2 =	sadd.s32 s2, s4;
	[dreg:$0x0] =	wrdreg $0x0  }
0xa8: {  	s4 =	sshll.u32 s28, $0x1;
	[dreg:$0x2] =	wrdreg s2  }
0xa9: {  	[dreg:$0x3] =	wrdreg s4  }
0xaa: {  	[dreg:$0x4] =	wrdreg $0xC0  }
0xab: {  	_ =	task [dreg:s6], $0x5FFFF  }
0xac: {  	[dreg:$0x1] =	wrdreg $0xFFFFFFFF  }
0xad: {  	[dreg:$0x0] =	wrdreg $0x60  }
0xae: {  	[dreg:$0x2] =	wrdreg s24  }
0xaf: {  	[dreg:$0x3] =	wrdreg $0x5000  }
0xb0: {  	[dreg:$0x4] =	wrdreg $0x9  }
0xb1: {  	_ =	task.clear_ibuf [dreg:s6], $0x5FFFF;
	_ =	strace $0x90000046  }
0xb2: {  	s29 =	simm.s32 $0x9;
	_ =	strace $0x80000048  }
0xb3: {  	_ =	swait.ge [sflag:s29], $0x1  }
0xb4: {  	[sflag:s29] =	ssyncadd.s32 $0xFFFFFFFF  }
0xb5: {  	_ =	strace $0x90000048  }
0xb6: {  	_ =	sfence  }
0xb7: {  	s30 =	sld [smem:$0x0];
	_ =	sdelay $0x2  }
0xb8: {  	s31 =	sshll.u32 s1, $0xD;
	s1 =	sshrl.u32 s1, $0x2  }
0xb9: {  	s3 =	sand.u32 $0x4000, s31;
	s1 =	sadd.s32 s1, s30  }
0xba: {  	s0 =	sor.u32 s3, s0;
	s1 =	sshll.u32 s1, $0x11  }
0xbb: {  	s0 =	sor.u32 s1, s0  }
0xbc: {  	s0 =	sadd.s32 $0x8F2B, s0  }
0xbd: {  	[sflag:s0] =	ssyncadd.remote.s32 $0x1  }
0xbe: {  	_ =	sfence.sel $0xFFFF  }
0xbf: {  	[dreg:$0x0] =	wrdreg $0xFFFFFFFF;
	(pc) =	sbr.abs _section_cstart, $3  }
0xc0: {  	[dreg:$0x1] =	wrdreg $0xFFFFFFFF  }
0xc1: {  	_ =	task.clear_ibuf [dreg:s6], $0x2FFFF;
	_ =	strace $0x9FFFFFFF  }
0xc2: {  	(tm) =	ssettm $0x7FFFFFFF  }
0xc3: {  	_ =	shalt  }
tec
execute0_lowered:
.L_overlay_start_1:
0x0: {  	(tag) =	ssettag $0x1  }
0x1: {  	s0 =	rddreg [dreg:$0x0]  }
0x2: {  	s2 =	rddreg [dreg:$0x1]  }
0x3: {  	s1 =	srdreg.scid;
	s10 =	stileid.u32  }
0x4: {  	s3 =	simm.s32 $0x0;
	s28 =	simm.s32 $0x5;
	s29 =	simm.s32 $0x3  }
0x5: {  	s30 =	simm.s32 $0x6;
	s31 =	simm.s32 $0x4;
	s5 =	smul.u32 $0x280, s10  }
0x6: {  	s1 =	sand.u32 $0x1, s1;
	s6 =	sshll.u32 s10, $0x1;
	s10 =	smul.u32 $0x4FC0, s10  }
0x7: {  	[smem:$0x7FF] =	sst s3;
	s17 =	sadd.s32 $0x2C00, s0;
	s4 =	smul.u32 $0x2800, s1  }
0x8: {  	s6 =	sor.u32 s1, s6;
	s12 =	ssub.s32 $0x2, s1;
	s1 =	smul.u32 $0x27E0, s1  }
0x9: {  	_ =	strace $0x80000047;
	s8 =	smul.u32 $0x27E0, s6;
	s13 =	sshrl.u32 s12, $0x1  }
0xa: {  	s4 =	sadd.s32 s5, s4;
	s9 =	ssub.s32 s12, s13;
	s1 =	sadd.s32 s1, s10  }
0xb: {  	s4 =	sshrl.u32 s4, $0x3;
	s7 =	sadd.s32 $0x58, s8;
	s14 =	sshrl.u32 s8, $0x3  }
0xc: {  	s18 =	sadd.s32 $0x108, s8;
	s11 =	sadd.s32 $0x1B8, s8;
	s19 =	smax.u32 s9, $0x1  }
0xd: {  	s22 =	sadd.s32 $0x370, s1;
	s24 =	sadd.s32 $0x318, s1;
	s25 =	sadd.s32 $0x2C0, s1  }
0xe: {  	s1 =	sadd.s32 $0x268, s1;
	s0 =	sadd.s32 s4, s0;
	s15 =	sshrl.u32 s7, $0x3  }
0xf: {  	s4 =	sadd.s32 s17, s14;
	s7 =	sadd.s32 s5, s2;
	[dreg:$0x6] =	wrdreg s19  }
0x10: {  	s20 =	sshrl.u32 s18, $0x3;
	s21 =	sshrl.u32 s11, $0x3;
	s23 =	sshrl.u32 s22, $0x3  }
0x11: {  	s26 =	sshrl.u32 s25, $0x3;
	s1 =	sshrl.u32 s1, $0x3;
	s18 =	simm.s32 $0x80  }
0x12: {  	s19 =	simm.s32 $0x100;
	s22 =	simm.s32 $0x1;
	s25 =	simm.s32 $0x180  }
0x13: {  	s6 =	sadd.s32 s17, s15;
	s16 =	sadd.s32 $0x16, s4;
	s0 =	sadd.s32 $0xCC00, s0  }
0x14: {  	s11 =	sadd.s32 $0x2C, s4;
	s12 =	sadd.s32 s17, s21;
	s13 =	sadd.s32 $0x42, s4  }
0x15: {  	s14 =	sadd.s32 s23, s17;
	s21 =	simm.s32 $0x9;
	[dreg:$0x3] =	wrdreg s6  }
.Ltmp0:
0x16: {  	s23 =	simm.s32 $0x58;
	[dreg:$0x4] =	wrdreg s16;
	(pc) =	sbr.rel .LBB2_1-.Ltmp0, $4  }
0x17: {  	[dreg:$0x5] =	wrdreg s0;
	s0 =	sadd.s32 s17, s20;
	s16 =	sadd.s32 s26, s17  }
0x18: {  	s26 =	simm.s32 $0x2;
	[dreg:$0x7] =	wrdreg s0;
	s0 =	sshrl.u32 s24, $0x3  }
0x19: {  	s20 =	simm.s32 $0x0;
	s24 =	simm.s32 $0x200;
	s15 =	sadd.s32 s0, s17  }
0x1a: {  	v0 =	vimm.f32 $0.0e+00;
	v1 =	vimm.f32 $1.000000000e+00;
	s17 =	sadd.s32 s1, s17;
	s0 =	simm.s32 $0x7;
	s1 =	simm.s32 $0x8  }
.LBB2_4:
0x1b: {  	_ =	swait.ge [sflag:s1], $0x58  }
0x1c: {  	[sflag:s1] =	ssyncset.done $0x0  }
0x1d: {  	s5 =	stileid.u32;
	[sflag:s1] =	ssyncadd.s32 $0xFFFFFFA8  }
0x1e: {  	s5 =	sshll.u32 s5, $0x6;
	[bflag:$0x0] =	sbarrier.arrive $0xFFFF  }
0x1f: {  	s6 =	sshrl.u32 s7, $0x3;
	s5 =	sor.u32 $0x1C09, s5;
	s8 =	rddreg [dreg:$0x5]  }
0x20: {  	[hbm:s8], [sflag:s5] =	dma.local [spmem:s6], $0x50  }
0x21: {  	_ =	swait.ge [sflag:s21], $0x50  }
0x22: {  	s20 =	sadd.s32 $0x1, s20;
	s10 =	rddreg [dreg:$0x6]  }
0x23: {  	p0 =	sne.s32 s20, s10  }
.Ltmp1:
0x24: {  	_ = 	snop;
	(pc) =	sbr.rel @!p0 .LBB2_5-.Ltmp1, $3  }
0x25: {  	_ =	sdelay $0x1  }
0x26: {  	[sflag:s21] =	ssyncset.done $0x0  }
0x27: {  	[sflag:s21] =	ssyncadd.s32 $0xFFFFFFB0  }
.LBB2_1:
0x28: {  	[tilespmem:$0x280] =	vst v0  }
0x29: {  	[tilespmem:$0x290] =	vst v0  }
0x2a: {  	[tilespmem:$0x2A0] =	vst v0  }
0x2b: {  	[tilespmem:$0x2B0] =	vst v0  }
0x2c: {  	[tilespmem:$0x2C0] =	vst v0  }
0x2d: {  	[tilespmem:$0x2D0] =	vst v0  }
0x2e: {  	[tilespmem:$0x2E0] =	vst v0  }
0x2f: {  	[tilespmem:$0x2F0] =	vst v0  }
0x30: {  	[tilespmem:$0x300] =	vst v0  }
0x31: {  	[tilespmem:$0x310] =	vst v0  }
0x32: {  	[tilespmem:$0x320] =	vst v0  }
0x33: {  	[tilespmem:$0x330] =	vst v0  }
0x34: {  	[tilespmem:$0x340] =	vst v0  }
0x35: {  	[tilespmem:$0x350] =	vst v0  }
0x36: {  	[tilespmem:$0x360] =	vst v0  }
0x37: {  	[tilespmem:$0x370] =	vst v0  }
0x38: {  	[tilespmem:$0x380] =	vst v0  }
0x39: {  	[tilespmem:$0x390] =	vst v0  }
0x3a: {  	[tilespmem:$0x3A0] =	vst v0  }
0x3b: {  	[tilespmem:$0x3B0] =	vst v0  }
0x3c: {  	[tilespmem:$0x3C0] =	vst v0  }
0x3d: {  	[tilespmem:$0x3D0] =	vst v0  }
0x3e: {  	[tilespmem:$0x3E0] =	vst v0  }
0x3f: {  	[tilespmem:$0x3F0] =	vst v0  }
0x40: {  	[tilespmem:$0x400] =	vst v0  }
0x41: {  	[tilespmem:$0x410] =	vst v0  }
0x42: {  	[tilespmem:$0x420] =	vst v0  }
0x43: {  	[tilespmem:$0x430] =	vst v0  }
0x44: {  	[tilespmem:$0x440] =	vst v0  }
0x45: {  	[tilespmem:$0x450] =	vst v0  }
0x46: {  	[tilespmem:$0x460] =	vst v0  }
0x47: {  	[tilespmem:$0x470] =	vst v0  }
0x48: {  	[tilespmem:$0x480] =	vst v0  }
0x49: {  	[tilespmem:$0x490] =	vst v0  }
0x4a: {  	[tilespmem:$0x4A0] =	vst v0  }
0x4b: {  	[tilespmem:$0x4B0] =	vst v0  }
0x4c: {  	[tilespmem:$0x4C0] =	vst v0  }
0x4d: {  	[tilespmem:$0x4D0] =	vst v0  }
0x4e: {  	[tilespmem:$0x4E0] =	vst v0  }
0x4f: {  	[tilespmem:$0x4F0] =	vst v0  }
0x50: {  	[tilespmem:$0x200] =	vst v1  }
0x51: {  	[tilespmem:$0x210] =	vst v1  }
0x52: {  	[tilespmem:$0x220] =	vst v1  }
0x53: {  	[tilespmem:$0x230] =	vst v1  }
0x54: {  	[tilespmem:$0x240] =	vst v1  }
0x55: {  	[tilespmem:$0x250] =	vst v1  }
0x56: {  	[tilespmem:s3], [sflag:$0x1] =	stream.linear.gather [hbm4b:s4+s3], $0x58, $0x38;
	[tilespmem:$0x780] =	vst v63  }
0x57: {  	s5 =	rddreg [dreg:$0x3]  }
0x58: {  	[tilespmem:s18], [sflag:$0x2] =	stream.linear.gather [hbm4b:s5+s3], $0x58, $0x38;
	[tilespmem:$0x780] =	vst v63  }
0x59: {  	s8 =	rddreg [dreg:$0x4]  }
0x5a: {  	[tilespmem:s19], [sflag:$0x3] =	stream.linear.gather [hbm4b:s8+s3], $0x58, $0x38;
	[tilespmem:$0x780] =	vst v63  }
0x5b: {  	s9 =	simm.s32 $0x280  }
0x5c: {  	[spmem:s7] =	stream.linear.scatter [tilespmem:s9], [sflag:$0x9], $0x280, $0x38;
	[tilespmem:$0x780] =	vst v63  }
0x5d: {  	_ =	swait.ge [sflag:s21], $0x280  }
0x5e: {  	[sflag:s21] =	ssyncset.done $0x0  }
0x5f: {  	[sflag:s21] =	ssyncadd.s32 $0xFFFFFD80  }
0x60: {  	[bflag:$0x0] =	sbarrier.arrive $0xFFFF  }
0x61: {  	_ =	swait.ge [sflag:s22], $0x58  }
0x62: {  	[sflag:s22] =	ssyncset.done $0x0  }
0x63: {  	[sflag:s22] =	ssyncadd.s32 $0xFFFFFFA8  }
0x64: {  	[spmem:s2] =	stream.indirect.scatter.add.f32 [tilespmem:s24], [sflag:$0x5], $0x1, s3, s23, $0xb8;
	[tilespmem:$0x780] =	vst v63  }
0x65: {  	s10 =	rddreg [dreg:$0x7]  }
0x66: {  	[tilespmem:s25], [sflag:$0x4] =	stream.linear.gather [hbm4b:s10+s3], $0x58, $0x38;
	[tilespmem:$0x780] =	vst v63  }
0x67: {  	_ =	swait.ge [sflag:s26], $0x58  }
0x68: {  	[sflag:s26] =	ssyncset.done $0x0  }
0x69: {  	[sflag:s26] =	ssyncadd.s32 $0xFFFFFFA8  }
0x6a: {  	[spmem:s2] =	stream.indirect.scatter.add.f32 [tilespmem:s24], [sflag:$0x6], $0x1, s18, s23, $0xb8;
	[tilespmem:$0x780] =	vst v63  }
0x6b: {  	_ =	swait.ge [sflag:s28], $0x58  }
0x6c: {  	[sflag:s28] =	ssyncset.done $0x0  }
0x6d: {  	[sflag:s28] =	ssyncadd.s32 $0xFFFFFFA8  }
0x6e: {  	[tilespmem:s3], [sflag:$0x1] =	stream.linear.gather [hbm4b:s11+s3], $0x58, $0x38;
	[tilespmem:$0x780] =	vst v63  }
0x6f: {  	_ =	swait.ge [sflag:s29], $0x58  }
0x70: {  	[sflag:s29] =	ssyncset.done $0x0  }
0x71: {  	[sflag:s29] =	ssyncadd.s32 $0xFFFFFFA8  }
0x72: {  	[spmem:s2] =	stream.indirect.scatter.add.f32 [tilespmem:s24], [sflag:$0x7], $0x1, s19, s23, $0xb8;
	[tilespmem:$0x780] =	vst v63  }
0x73: {  	_ =	swait.ge [sflag:s30], $0x58  }
0x74: {  	[sflag:s30] =	ssyncset.done $0x0  }
0x75: {  	[sflag:s30] =	ssyncadd.s32 $0xFFFFFFA8  }
0x76: {  	[tilespmem:s18], [sflag:$0x2] =	stream.linear.gather [hbm4b:s12+s3], $0x58, $0x38;
	[tilespmem:$0x780] =	vst v63  }
0x77: {  	_ =	swait.ge [sflag:s31], $0x58  }
0x78: {  	[sflag:s31] =	ssyncset.done $0x0  }
0x79: {  	[sflag:s31] =	ssyncadd.s32 $0xFFFFFFA8  }
0x7a: {  	[spmem:s2] =	stream.indirect.scatter.add.f32 [tilespmem:s24], [sflag:$0x8], $0x1, s25, s23, $0xb8;
	[tilespmem:$0x780] =	vst v63  }
0x7b: {  	_ =	swait.ge [sflag:s0], $0x58  }
0x7c: {  	[sflag:s0] =	ssyncset.done $0x0  }
0x7d: {  	s5 =	simm.s32 $0x0;
	[sflag:s0] =	ssyncadd.s32 $0xFFFFFFA8  }
0x7e: {  	[tilespmem:s19], [sflag:$0x3] =	stream.linear.gather [hbm4b:s13+s3], $0x58, $0x38;
	[tilespmem:$0x780] =	vst v63  }
.LBB2_2:
0x7f: {  	_ =	swait.ge [sflag:s22], $0x58  }
0x80: {  	[sflag:s22] =	ssyncset.done $0x0  }
0x81: {  	[sflag:s22] =	ssyncadd.s32 $0xFFFFFFA8  }
0x82: {  	[spmem:s2] =	stream.indirect.scatter.add.f32 [tilespmem:s24], [sflag:$0x5], $0x1, s3, s23, $0xb8;
	[tilespmem:$0x780] =	vst v63  }
0x83: {  	_ =	swait.ge [sflag:s1], $0x58  }
0x84: {  	[sflag:s1] =	ssyncset.done $0x0  }
0x85: {  	s6 =	sadd.s32 s5, s17;
	[sflag:s1] =	ssyncadd.s32 $0xFFFFFFA8  }
0x86: {  	[tilespmem:s25], [sflag:$0x4] =	stream.linear.gather [hbm4b:s6+s3], $0x58, $0x38;
	[tilespmem:$0x780] =	vst v63  }
0x87: {  	_ =	swait.ge [sflag:s26], $0x58  }
0x88: {  	[sflag:s26] =	ssyncset.done $0x0  }
0x89: {  	[sflag:s26] =	ssyncadd.s32 $0xFFFFFFA8  }
0x8a: {  	[spmem:s2] =	stream.indirect.scatter.add.f32 [tilespmem:s24], [sflag:$0x6], $0x1, s18, s23, $0xb8;
	[tilespmem:$0x780] =	vst v63  }
0x8b: {  	_ =	swait.ge [sflag:s28], $0x58  }
0x8c: {  	p0 =	seq.s32 s5, $0x4A4;
	[sflag:s28] =	ssyncset.done $0x0  }
0x8d: {  	s6 =	simm.s32 @p0 $0x3;
	[sflag:s28] =	ssyncadd.s32 $0xFFFFFFA8  }
0x8e: {  	_ =	swait.ge @p0 [sflag:s6], $0x58  }
0x8f: {  	s8 =	simm.s32 @p0 $0x100;
	[sflag:s6] =	ssyncset.done @p0 $0x0  }
0x90: {  	s9 =	simm.s32 @p0 $0x200;
	[sflag:s6] =	ssyncadd.s32 @p0 $0xFFFFFFA8;
	s6 =	simm.s32 @p0 $0x58  }
0x91: {  	[spmem:s2] =	stream.indirect.scatter.add.f32 @p0 [tilespmem:s9], [sflag:$0x7], $0x1, s8, s6, $0xb8;
	[tilespmem:$0x780] =	vst v63  }
0x92: {  	s6 =	simm.s32 @p0 $0x6  }
0x93: {  	_ =	swait.ge @p0 [sflag:s6], $0x58  }
0x94: {  	[sflag:s6] =	ssyncset.done @p0 $0x0  }
0x95: {  	s8 =	simm.s32 @!p0 $0x0;
	[sflag:s6] =	ssyncadd.s32 @p0 $0xFFFFFFA8;
	s6 =	sadd.s32 @!p0 s5, s16  }
0x96: {  	[tilespmem:s8], [sflag:$0x1] =	stream.linear.gather @!p0 [hbm4b:s6+s8], $0x58, $0x38;
	[tilespmem:$0x780] =	vst v63  }
0x97: {  	s6 =	simm.s32 @!p0 $0x3  }
0x98: {  	_ =	swait.ge @!p0 [sflag:s6], $0x58  }
0x99: {  	s10 =	simm.s32 @!p0 $0x200;
	[sflag:s6] =	ssyncset.done @!p0 $0x0  }
0x9a: {  	s9 =	simm.s32 @!p0 $0x100;
	[sflag:s6] =	ssyncadd.s32 @!p0 $0xFFFFFFA8;
	s6 =	simm.s32 @!p0 $0x58  }
0x9b: {  	[spmem:s2] =	stream.indirect.scatter.add.f32 @!p0 [tilespmem:s10], [sflag:$0x7], $0x1, s9, s6, $0xb8;
	[tilespmem:$0x780] =	vst v63  }
0x9c: {  	s6 =	simm.s32 @!p0 $0x6  }
0x9d: {  	_ =	swait.ge @!p0 [sflag:s6], $0x58  }
0x9e: {  	[sflag:s6] =	ssyncset.done @!p0 $0x0  }
0x9f: {  	s9 =	simm.s32 @!p0 $0x80;
	[sflag:s6] =	ssyncadd.s32 @!p0 $0xFFFFFFA8;
	s6 =	sadd.s32 @!p0 s5, s15  }
0xa0: {  	[tilespmem:s9], [sflag:$0x2] =	stream.linear.gather @!p0 [hbm4b:s6+s8], $0x58, $0x38;
	[tilespmem:$0x780] =	vst v63  }
0xa1: {  	_ =	swait.ge [sflag:s31], $0x58  }
0xa2: {  	[sflag:s31] =	ssyncset.done $0x0  }
.Ltmp2:
0xa3: {  	[sflag:s31] =	ssyncadd.s32 $0xFFFFFFA8;
	(pc) =	sbr.rel @p0 .LBB2_4-.Ltmp2, $4  }
0xa4: {  	[spmem:s2] =	stream.indirect.scatter.add.f32 [tilespmem:s24], [sflag:$0x8], $0x1, s25, s23, $0xb8;
	[tilespmem:$0x780] =	vst v63  }
0xa5: {  	_ =	swait.ge [sflag:s0], $0x58  }
0xa6: {  	[sflag:s0] =	ssyncset.done $0x0  }
0xa7: {  	[sflag:s0] =	ssyncadd.s32 $0xFFFFFFA8  }
.Ltmp3:
0xa8: {  	(pc) =	sbr.rel .LBB2_2-.Ltmp3, $3  }
0xa9: {  	_ =	sdelay $0x1  }
0xaa: {  	s6 =	sadd.s32 s5, s14;
	s5 =	sadd.s32 $0x2C, s5  }
0xab: {  	[tilespmem:s19], [sflag:$0x3] =	stream.linear.gather [hbm4b:s6+s3], $0x58, $0x38;
	[tilespmem:$0x780] =	vst v63  }
.LBB2_5:
0xac: {  	_ =	sfence.sel $0x180000  }
0xad: {  	[bflag:$0x0] =	sbarrier.arrive $0xFFFF  }
0xae: {  	_ =	strace $0x90000047  }
0xaf: {  	s0 =	stileid.u32;
	[bflag:$0x2] =	sbarrier.arrive $0xFFFF  }
0xb0: {  	p0 =	sne.s32 s0, $0x0;
	s0 =	rddreg [dreg:$0x2]  }
0xb1: {  	s0 =	sadd.s32 @!p0 $0x100000, s0  }
0xb2: {  	[sflag:s0] =	ssyncadd.tile.s32 @!p0 $0x1;
	_ =	shalt  }
.Lfunc_end2:
_tile_overlayer_lowered:
.L_overlay_start_2:
0xb3: {  	(tag) =	ssettag $0x2  }
0xb4: {  	s0 =	rddreg [dreg:$0x0];
	s2 =	stileid.u32  }
0xb5: {  	s1 =	rddreg [dreg:$0x1];
	p0 =	sne.s32 s2, $0x0  }
0xb6: {  	s3 =	rddreg [dreg:$0x2];
	[bflag:$0x3] =	sbarrier.arrive $0xFFFF;
	s2 =	simm.s32 @!p0 $0x1C09  }
0xb7: {  	[timem:s3], [sflag:s2] =	dma.local @!p0 [hbm:s0], s1  }
0xb8: {  	s0 =	simm.s32 @!p0 $0x9  }
0xb9: {  	_ =	swait.ge @!p0 [sflag:s0], s1  }
0xba: {  	s1 =	ssub.s32 @!p0 $0x0, s1;
	[sflag:s0] =	ssyncset.done @!p0 $0x0  }
0xbb: {  	[sflag:s0] =	ssyncadd.s32 @!p0 s1  }
0xbc: {  	[bflag:$0x3] =	sbarrier.arrive $0xFFFF  }
0xbd: {  	_ =	shalt  }

</sc_bundles>
